<compile_context>
chip_gen: v7x
topology: tpu7x:2x2x1
jax: 0.10.2.dev20260603
libtpu: 0.0.44.dev20260713+nightly
codegen_flags: <defaults>
</compile_context>

<pallas_src>
import functools
import jax
import jax.numpy as jnp
from jax import lax
from jax.experimental import pallas as pl
from jax.experimental.pallas import tpu as pltpu
from jax.experimental.pallas import tpu_sc as plsc

_EPS = 1e-5
_NB1 = 16384
_NB2 = 4096
_NEG = -1.0e9
_KAUG = 72


def _stage1_body(x_ref, ring_ref, aaug_ref, caug_ref, out_ref, acc_ref, *, nb, nj):
    j = pl.program_id(1)

    xb = x_ref[0].astype(jnp.bfloat16)
    r = ring_ref[0, 0]
    madd0 = jnp.where(r == 0, 0.0, _NEG)
    madd1 = jnp.where(r == 0, _NEG, 0.0)
    srow = jax.lax.broadcasted_iota(jnp.int32, (_KAUG - 64, nb), 0)
    mrows = jnp.where(srow == 0, madd0[None, :],
                      jnp.where(srow == 1, madd1[None, :], 0.0))
    xaug = jnp.concatenate([xb, mrows.astype(jnp.bfloat16)], axis=0)
    h = jnp.dot(aaug_ref[...], xaug, preferred_element_type=jnp.float32)
    parts = [h[:, k * 128:(k + 1) * 128] for k in range(nb // 128)]
    while len(parts) > 1:
        nxt = [jnp.maximum(parts[i], parts[i + 1]) for i in range(0, len(parts) - 1, 2)]
        if len(parts) % 2:
            nxt.append(parts[-1])
        parts = nxt
    p = parts[0]

    @pl.when(j == 0)
    def _():
        acc_ref[...] = p

    @pl.when(j > 0)
    def _():
        acc_ref[...] = jnp.maximum(acc_ref[...], p)

    @pl.when(j == nj - 1)
    def _():
        out_ref[0, 0] = jnp.max(acc_ref[...], axis=1) + caug_ref[0]


_SC_NC = 2
_SC_NS = 16
_SC_L = 16
_SC_CH = 512


def _sc_stage2_body(mtab_hbm, ring_hbm, out_hbm, rv, obuf0, obuf1, tab,
                    sem0, sem1, *, Bx, Dout, Nx):
    cid = lax.axis_index("c")
    sid = lax.axis_index("s")
    wid = sid * _SC_NC + cid
    hd = Dout // 2
    b = wid // 2
    ch0 = (wid % 2) * hd
    pltpu.sync_copy(mtab_hbm.at[b, pl.ds(2 * ch0, 2 * hd)], tab)
    pltpu.sync_copy(ring_hbm.at[b], rv)
    nch = Nx // _SC_CH

    def gather_chunk(g, obuf):
        @plsc.parallel_loop(0, _SC_CH // _SC_L, unroll=4)
        def _(v):
            rvec = rv[pl.ds(g * _SC_CH + v * _SC_L, _SC_L)]
            for o in range(hd):
                idx = rvec + jnp.full((_SC_L,), 2 * o, jnp.int32)
                vals = plsc.load_gather(tab, [idx])
                obuf[o, pl.ds(v * _SC_L, _SC_L)] = vals

    def out_slice(g):
        return out_hbm.at[b, pl.ds(ch0, hd), pl.ds(g * _SC_CH, _SC_CH)]

    def pair_body(gp):
        for half, obuf, sem in ((0, obuf0, sem0), (1, obuf1, sem1)):
            g = gp * 2 + half

            @pl.when(gp > 0)
            def _():
                pltpu.make_async_copy(obuf, out_slice(g), sem).wait()

            gather_chunk(g, obuf)
            pltpu.async_copy(obuf, out_slice(g), sem)

    lax.fori_loop(0, nch // 2, lambda gp, _: (pair_body(gp), 0)[1], 0)
    pltpu.make_async_copy(obuf0, out_slice(nch - 2), sem0).wait()
    pltpu.make_async_copy(obuf1, out_slice(nch - 1), sem1).wait()


def kernel(x, ring, W, b, gamma, beta, mean, var):
    Bx, Din, Nx = x.shape
    R = W.shape[0]
    Dout = W.shape[1]
    nb1 = min(_NB1, Nx)
    nb2 = min(_NB2, Nx)
    nj1 = Nx // nb1
    nj2 = Nx // nb2

    scale = gamma / jnp.sqrt(var + _EPS)
    A = scale[:, :, None] * W
    c = scale * (b - mean) + beta

    Acat = A.reshape(R * Dout, Din)
    ekatze = jnp.zeros((R * Dout, _KAUG - Din), jnp.float32)
    ekatze = ekatze.at[:Dout, 0].set(1.0).at[Dout:, 1].set(1.0)
    Aaug = jnp.concatenate([Acat, ekatze], axis=1).astype(jnp.bfloat16)
    perm = (jnp.arange(R * Dout) % R) * Dout + jnp.arange(R * Dout) // R
    Aaug = Aaug[perm]
    caug = jnp.transpose(c, (1, 0)).reshape(1, R * Dout)

    ring = ring.astype(jnp.int32)
    ring3a = ring.reshape(Bx * nj1, 1, nb1)

    m_raw = pl.pallas_call(
        functools.partial(_stage1_body, nb=nb1, nj=nj1),
        grid=(Bx, nj1),
        in_specs=[
            pl.BlockSpec((1, Din, nb1), lambda bi, j: (bi, 0, j)),
            pl.BlockSpec((1, 1, nb1), lambda bi, j, nj=nj1: (bi * nj + j, 0, 0)),
            pl.BlockSpec((R * Dout, _KAUG), lambda bi, j: (0, 0)),
            pl.BlockSpec((1, R * Dout), lambda bi, j: (0, 0)),
        ],
        out_specs=pl.BlockSpec((1, 1, R * Dout), lambda bi, j: (bi, 0, 0)),
        out_shape=jax.ShapeDtypeStruct((Bx, 1, R * Dout), jnp.float32),
        scratch_shapes=[pltpu.VMEM((R * Dout, 128), jnp.float32)],
        compiler_params=pltpu.CompilerParams(
            dimension_semantics=("arbitrary", "arbitrary"),
        ),
    )(x, ring3a, Aaug, caug)

    Mtab = m_raw.reshape(Bx, R * Dout)

    sc2 = functools.partial(
        pl.kernel,
        mesh=plsc.VectorSubcoreMesh(core_axis_name="c", subcore_axis_name="s"),
        out_type=jax.ShapeDtypeStruct((Bx, Dout, Nx), jnp.float32),
        scratch_types=[
            pltpu.VMEM((Nx,), jnp.int32),
            pltpu.VMEM((Dout // 2, _SC_CH), jnp.float32),
            pltpu.VMEM((Dout // 2, _SC_CH), jnp.float32),
            pltpu.VMEM((R * Dout // 2,), jnp.float32),
            pltpu.SemaphoreType.DMA,
            pltpu.SemaphoreType.DMA,
        ],
        compiler_params=pltpu.CompilerParams(needs_layout_passes=False),
    )(functools.partial(_sc_stage2_body, Bx=Bx, Dout=Dout, Nx=Nx))
    return sc2(Mtab, ring)

# --- scband reference (transcript-rebuilt; emitter-appended) ---
"""Pipeline reference for scband-maxpooler-ring-51393578664319 (READ-ONLY COPY).

The authoritative reference and input builder live on the scoring server;
editing this copy changes nothing except your own understanding.
"""

import jax, jax.numpy as jnp
import numpy as np

B, N, R = 16, 16384, 2
DIN, DOUT = 64, 128
EPS = 1e-5


def setup_inputs(seed: int = 0) -> dict:
    key = jax.random.key(seed)
    ks = jax.random.split(key, 8)
    x = jax.random.normal(ks[0], (B, DIN, N), dtype=jnp.float32)
    ring = jax.random.randint(ks[1], (B, N), 0, R)
    # per-ring Conv1d(64,128,1) weights (kernel size 1 -> linear) + bias
    W = jax.random.normal(ks[2], (R, DOUT, DIN), dtype=jnp.float32) * 0.05
    b = jax.random.normal(ks[3], (R, DOUT), dtype=jnp.float32) * 0.01
    # per-ring BatchNorm1d(128) params (eval-mode affine)
    gamma = 1.0 + 0.1 * jax.random.normal(ks[4], (R, DOUT), dtype=jnp.float32)
    beta = 0.1 * jax.random.normal(ks[5], (R, DOUT), dtype=jnp.float32)
    mean = 0.1 * jax.random.normal(ks[6], (R, DOUT), dtype=jnp.float32)
    var = jax.random.uniform(ks[7], (R, DOUT), dtype=jnp.float32, minval=0.5, maxval=1.5)
    return {"x": x, "ring": ring, "W": W, "b": b, "gamma": gamma, "beta": beta, "mean": mean, "var": var}


def reference(x, ring, W, b, gamma, beta, mean, var):
    # Semantics of maxpooler_ring (multiprocessing stripped):
    # each point (b, n) belongs to ring r = ring[b, n]; apply the ring's
    # Conv1d(64->128, k=1) + BatchNorm (eval-mode affine), then max-pool
    # over all points sharing the same (batch, ring) segment and broadcast
    # the pooled feature back to every point of that segment.
    Bx, Din, Nx = x.shape
    Rr = W.shape[0]
    xT = jnp.transpose(x, (0, 2, 1)).reshape(Bx * Nx, Din)  # [P, 64]
    # compute all-ring features then select per point (R is small)
    h = jnp.einsum('pd,rod->pro', xT, W) + b[None, :, :]      # [P, R, 128]
    h = gamma[None] * (h - mean[None]) / jnp.sqrt(var[None] + EPS) + beta[None]
    ringf = ring.reshape(-1).astype(jnp.int32)                 # [P]
    h_sel = jnp.take_along_axis(h, ringf[:, None, None], axis=1)[:, 0, :]  # [P, 128]
    batch_idx = jnp.repeat(jnp.arange(Bx, dtype=jnp.int32), Nx)
    seg = batch_idx * Rr + ringf                               # [P] in [0, B*R)
    segmax = jax.ops.segment_max(h_sel, seg, num_segments=Bx * Rr)  # [B*R, 128]
    out = segmax[seg]                                          # broadcast back [P, 128]
    out = out.reshape(Bx, Nx, DOUT)
    return jnp.transpose(out, (0, 2, 1))                       # [B, 128, N]

if __name__ == "__main__":
    import jax
    _d = setup_inputs()
    print(jax.jit(kernel)(*tuple(_d.values())))

</pallas_src>

<mosaic_0001>
#map = affine_map<(d0, d1) -> (0, 0)>
#map1 = affine_map<(d0, d1) -> (0, 0, 0)>
module attributes {stable_mosaic.version = 14 : i64} {
  func.func @_sc_stage2_body(%arg0: i32, %arg1: i32, %arg2: memref<16x256xf32, #tpu.memory_space<hbm>>, %arg3: memref<16x16384xi32, #tpu.memory_space<hbm>>, %arg4: memref<16x128x16384xf32, #tpu.memory_space<hbm>>, %arg5: memref<16384xi32, #tpu.memory_space<vmem>>, %arg6: memref<64x512xf32, #tpu.memory_space<vmem>>, %arg7: memref<64x512xf32, #tpu.memory_space<vmem>>, %arg8: memref<128xf32, #tpu.memory_space<vmem>>, %arg9: memref<!tpu.dma_semaphore, #tpu.memory_space<semaphore_mem>>, %arg10: memref<!tpu.dma_semaphore, #tpu.memory_space<semaphore_mem>>) attributes {dimension_semantics = [#tpu.dimension_semantics<core_parallel>, #tpu.dimension_semantics<subcore_parallel>], iteration_bounds = array<i64: 2, 16>, scalar_prefetch = 0 : i64, scratch_operands = 6 : i64, tpu.core_type = #tpu.core_type<sc_vector_subcore>, window_params = [{transform_indices = #map}, {transform_indices = #map}, {transform_indices = #map1}]} {
    %mul3A = arith.constant 2 : i32
    %mul3A_0 = arith.muli %arg1, %mul3A : i32
    %add3A = arith.addi %mul3A_0, %arg0 : i32
    %jit3A = arith.constant 2 : i32
    %div3A = arith.divsi %add3A, %jit3A : i32
    %sign3A = arith.constant 0 : i32
    %sign3A_1 = arith.cmpi sgt, %add3A, %sign3A : i32
    %sign3A_2 = arith.extui %sign3A_1 : i1 to i32
    %sign3A_3 = arith.constant 0 : i32
    %sign3A_4 = arith.cmpi slt, %add3A, %sign3A_3 : i32
    %sign3A_5 = arith.extui %sign3A_4 : i1 to i32
    %sign3A_6 = arith.subi %sign3A_2, %sign3A_5 : i32
    %sign3A_7 = arith.constant 0 : i32
    %sign3A_8 = arith.cmpi sgt, %jit3A, %sign3A_7 : i32
    %sign3A_9 = arith.extui %sign3A_8 : i1 to i32
    %sign3A_10 = arith.constant 0 : i32
    %sign3A_11 = arith.cmpi slt, %jit3A, %sign3A_10 : i32
    %sign3A_12 = arith.extui %sign3A_11 : i1 to i32
    %sign3A_13 = arith.subi %sign3A_9, %sign3A_12 : i32
    %ne3A = arith.cmpi ne, %sign3A_6, %sign3A_13 : i32
    %rem3A = arith.remsi %add3A, %jit3A : i32
    %ne3A_14 = arith.constant 0 : i32
    %ne3A_15 = arith.cmpi ne, %rem3A, %ne3A_14 : i32
    %and3A = arith.andi %ne3A, %ne3A_15 : i1
    %sub3A = arith.constant 1 : i32
    %sub3A_16 = arith.subi %div3A, %sub3A : i32
    %select_n3A = arith.select %and3A, %sub3A_16, %div3A : i32
    %jit3A_17 = arith.constant 2 : i32
    %eq3A = arith.constant 0 : i32
    %eq3A_18 = arith.cmpi eq, %jit3A_17, %eq3A : i32
    %jit3A_19 = arith.constant 1 : i32
    %select_n3A_20 = arith.select %eq3A_18, %jit3A_19, %jit3A_17 : i32
    %rem3A_21 = arith.remsi %add3A, %select_n3A_20 : i32
    %ne3A_22 = arith.constant 0 : i32
    %ne3A_23 = arith.cmpi ne, %rem3A_21, %ne3A_22 : i32
    %lt3A = arith.constant 0 : i32
    %lt3A_24 = arith.cmpi slt, %rem3A_21, %lt3A : i32
    %lt3A_25 = arith.constant 0 : i32
    %lt3A_26 = arith.cmpi slt, %select_n3A_20, %lt3A_25 : i32
    %ne3A_27 = arith.xori %lt3A_24, %lt3A_26 : i1
    %and3A_28 = arith.andi %ne3A_27, %ne3A_23 : i1
    %add3A_29 = arith.addi %rem3A_21, %select_n3A_20 : i32
    %select_n3A_30 = arith.select %and3A_28, %add3A_29, %rem3A_21 : i32
    %mul3A_31 = arith.constant 64 : i32
    %mul3A_32 = arith.muli %select_n3A_30, %mul3A_31 : i32
    %mul3A_33 = arith.constant 2 : i32
    %mul3A_34 = arith.muli %mul3A_33, %mul3A_32 : i32
    "tpu.region"() ({
      %run_scoped3A = tpu.sem_alloc : memref<!tpu.dma_semaphore, #tpu.memory_space<semaphore_mem>>
      %dma_start3A = tpu.memref_slice %arg2[%select_n3A, %mul3A_34] : memref<16x256xf32, #tpu.memory_space<hbm>> -> memref<1x128xf32, #tpu.memory_space<hbm>>
      %dma_start3A_52 = tpu.memref_squeeze %dma_start3A : memref<1x128xf32, #tpu.memory_space<hbm>> -> memref<128xf32, #tpu.memory_space<hbm>>
      %dma_start3A_53 = tpu.memref_slice %arg2[%select_n3A, %mul3A_34] : memref<16x256xf32, #tpu.memory_space<hbm>> -> memref<1x128xf32, #tpu.memory_space<hbm>>
      %dma_start3A_54 = tpu.memref_squeeze %dma_start3A_53 : memref<1x128xf32, #tpu.memory_space<hbm>> -> memref<128xf32, #tpu.memory_space<hbm>>
      tpu.enqueue_dma source(%dma_start3A_54 : memref<128xf32, #tpu.memory_space<hbm>>) target(%arg8 : memref<128xf32, #tpu.memory_space<vmem>>) target_semaphore(%run_scoped3A : memref<!tpu.dma_semaphore, #tpu.memory_space<semaphore_mem>>)
      %dma_wait3A_55 = tpu.memref_slice %arg2[%select_n3A, %mul3A_34] : memref<16x256xf32, #tpu.memory_space<hbm>> -> memref<1x128xf32, #tpu.memory_space<hbm>>
      %dma_wait3A_56 = tpu.memref_squeeze %dma_wait3A_55 : memref<1x128xf32, #tpu.memory_space<hbm>> -> memref<128xf32, #tpu.memory_space<hbm>>
      %dma_wait3A_57 = tpu.memref_slice %arg2[%select_n3A, %mul3A_34] : memref<16x256xf32, #tpu.memory_space<hbm>> -> memref<1x128xf32, #tpu.memory_space<hbm>>
      %dma_wait3A_58 = tpu.memref_squeeze %dma_wait3A_57 : memref<1x128xf32, #tpu.memory_space<hbm>> -> memref<128xf32, #tpu.memory_space<hbm>>
      tpu.wait_dma2 semaphore(%run_scoped3A : memref<!tpu.dma_semaphore, #tpu.memory_space<semaphore_mem>>) src(%dma_wait3A_58 : memref<128xf32, #tpu.memory_space<hbm>>) dst(%arg8 : memref<128xf32, #tpu.memory_space<vmem>>)
      tpu.yield
    }) : () -> ()
    "tpu.region"() ({
      %run_scoped3A = tpu.sem_alloc : memref<!tpu.dma_semaphore, #tpu.memory_space<semaphore_mem>>
      %dma_start3A = arith.constant 0 : i32
      %dma_start3A_52 = tpu.memref_slice %arg3[%select_n3A, %dma_start3A] : memref<16x16384xi32, #tpu.memory_space<hbm>> -> memref<1x16384xi32, #tpu.memory_space<hbm>>
      %dma_start3A_53 = tpu.memref_squeeze %dma_start3A_52 : memref<1x16384xi32, #tpu.memory_space<hbm>> -> memref<16384xi32, #tpu.memory_space<hbm>>
      %dma_start3A_54 = arith.constant 0 : i32
      %dma_start3A_55 = tpu.memref_slice %arg3[%select_n3A, %dma_start3A_54] : memref<16x16384xi32, #tpu.memory_space<hbm>> -> memref<1x16384xi32, #tpu.memory_space<hbm>>
      %dma_start3A_56 = tpu.memref_squeeze %dma_start3A_55 : memref<1x16384xi32, #tpu.memory_space<hbm>> -> memref<16384xi32, #tpu.memory_space<hbm>>
      tpu.enqueue_dma source(%dma_start3A_56 : memref<16384xi32, #tpu.memory_space<hbm>>) target(%arg5 : memref<16384xi32, #tpu.memory_space<vmem>>) target_semaphore(%run_scoped3A : memref<!tpu.dma_semaphore, #tpu.memory_space<semaphore_mem>>)
      %dma_wait3A_57 = arith.constant 0 : i32
      %dma_wait3A_58 = tpu.memref_slice %arg3[%select_n3A, %dma_wait3A_57] : memref<16x16384xi32, #tpu.memory_space<hbm>> -> memref<1x16384xi32, #tpu.memory_space<hbm>>
      %dma_wait3A_59 = tpu.memref_squeeze %dma_wait3A_58 : memref<1x16384xi32, #tpu.memory_space<hbm>> -> memref<16384xi32, #tpu.memory_space<hbm>>
      %dma_wait3A_60 = arith.constant 0 : i32
      %dma_wait3A_61 = tpu.memref_slice %arg3[%select_n3A, %dma_wait3A_60] : memref<16x16384xi32, #tpu.memory_space<hbm>> -> memref<1x16384xi32, #tpu.memory_space<hbm>>
      %dma_wait3A_62 = tpu.memref_squeeze %dma_wait3A_61 : memref<1x16384xi32, #tpu.memory_space<hbm>> -> memref<16384xi32, #tpu.memory_space<hbm>>
      tpu.wait_dma2 semaphore(%run_scoped3A : memref<!tpu.dma_semaphore, #tpu.memory_space<semaphore_mem>>) src(%dma_wait3A_62 : memref<16384xi32, #tpu.memory_space<hbm>>) dst(%arg5 : memref<16384xi32, #tpu.memory_space<vmem>>)
      tpu.yield
    }) : () -> ()
    %scan3A = arith.constant 0 : i32
    %scan3A_35 = arith.constant 0 : i32
    %scan3A_36 = arith.constant 16 : i32
    %scan3A_37 = arith.addi %scan3A_35, %scan3A_36 : i32
    %scan3A_38 = arith.constant 1 : i32
    %scan3A_39 = scf.for %scan3A_52 = %scan3A_35 to %scan3A_37 step %scan3A_38 iter_args(%scan3A_53 = %scan3A) -> (i32)  : i32 {
      %mul3A_54 = arith.constant 2 : i32
      %mul3A_55 = arith.muli %scan3A_52, %mul3A_54 : i32
      %add3A_56 = arith.constant 0 : i32
      %add3A_57 = arith.addi %mul3A_55, %add3A_56 : i32
      %gt3A = arith.constant 0 : i32
      %gt3A_58 = arith.cmpi sgt, %scan3A_52, %gt3A : i32
      %convert_element_type3A = arith.extui %gt3A_58 : i1 to i32
      %cond3A = arith.constant 0 : i32
      %cond3A_59 = arith.cmpi ne, %convert_element_type3A, %cond3A : i32
      scf.if %cond3A_59 {
        %mul3A_86 = arith.constant 512 : i32
        %mul3A_87 = arith.muli %add3A_57, %mul3A_86 : i32
        %dma_wait3A_88 = tpu.memref_slice %arg4[%select_n3A, %mul3A_32, %mul3A_87] : memref<16x128x16384xf32, #tpu.memory_space<hbm>> -> memref<1x64x512xf32, #tpu.memory_space<hbm>>
        %dma_wait3A_89 = tpu.memref_squeeze %dma_wait3A_88 : memref<1x64x512xf32, #tpu.memory_space<hbm>> -> memref<64x512xf32, #tpu.memory_space<hbm>>
        %dma_wait3A_90 = tpu.memref_slice %arg4[%select_n3A, %mul3A_32, %mul3A_87] : memref<16x128x16384xf32, #tpu.memory_space<hbm>> -> memref<1x64x512xf32, #tpu.memory_space<hbm>>
        %dma_wait3A_91 = tpu.memref_squeeze %dma_wait3A_90 : memref<1x64x512xf32, #tpu.memory_space<hbm>> -> memref<64x512xf32, #tpu.memory_space<hbm>>
        tpu.wait_dma2 semaphore(%arg9 : memref<!tpu.dma_semaphore, #tpu.memory_space<semaphore_mem>>) src(%arg6 : memref<64x512xf32, #tpu.memory_space<vmem>>) dst(%dma_wait3A_91 : memref<64x512xf32, #tpu.memory_space<hbm>>)
      } else {
      }
      %parallel_loop3A = arith.constant 0 : i32
      %parallel_loop3A_60 = arith.constant 32 : i32
      %parallel_loop3A_61 = arith.constant 1 : i32
      scf.for %parallel_loop3A_86 = %parallel_loop3A to %parallel_loop3A_60 step %parallel_loop3A_61  : i32 {
        %parallel_loop3A_87 = arith.constant 512 : i32
        %parallel_loop3A_88 = arith.muli %add3A_57, %parallel_loop3A_87 : i32
        %parallel_loop3A_89 = arith.constant 16 : i32
        %parallel_loop3A_90 = arith.muli %parallel_loop3A_86, %parallel_loop3A_89 : i32
        %parallel_loop3A_91 = arith.addi %parallel_loop3A_88, %parallel_loop3A_90 : i32
        %parallel_loop3A_92 = arith.index_cast %parallel_loop3A_91 : i32 to index
        %parallel_loop3A_93 = tpu.vector_load %arg5[%parallel_loop3A_92] {strides = array<i32>} : memref<16384xi32, #tpu.memory_space<vmem>>, vector<16xi32>,
        %parallel_loop3A_94 = arith.constant 0 : i32
        %parallel_loop3A_95 = vector.broadcast %parallel_loop3A_94 : i32 to vector<16xi32>
        %parallel_loop3A_96 = arith.addi %parallel_loop3A_93, %parallel_loop3A_95 : vector<16xi32>
        %parallel_loop3A_97 = tpu.vector_load_idx %arg8[%parallel_loop3A_96] : memref<128xf32, #tpu.memory_space<vmem>>[vector<16xi32>], vector<16xf32>,
        %parallel_loop3A_98 = arith.constant 16 : i32
        %parallel_loop3A_99 = arith.muli %parallel_loop3A_86, %parallel_loop3A_98 : i32
        %parallel_loop3A_100 = arith.constant 0 : i32
        %parallel_loop3A_101 = arith.index_cast %parallel_loop3A_100 : i32 to index
        %parallel_loop3A_102 = arith.index_cast %parallel_loop3A_99 : i32 to index
        %parallel_loop3A_103 = tpu.vector_load %arg6[%parallel_loop3A_101, %parallel_loop3A_102] {strides = array<i32>} : memref<64x512xf32, #tpu.memory_space<vmem>>, vector<16xf32>,
        tpu.vector_store %arg6[%parallel_loop3A_101, %parallel_loop3A_102], %parallel_loop3A_97 {strides = array<i32>} : memref<64x512xf32, #tpu.memory_space<vmem>>, vector<16xf32>,
        %parallel_loop3A_104 = arith.constant 2 : i32
        %parallel_loop3A_105 = vector.broadcast %parallel_loop3A_104 : i32 to vector<16xi32>
        %parallel_loop3A_106 = arith.addi %parallel_loop3A_93, %parallel_loop3A_105 : vector<16xi32>
        %parallel_loop3A_107 = tpu.vector_load_idx %arg8[%parallel_loop3A_106] : memref<128xf32, #tpu.memory_space<vmem>>[vector<16xi32>], vector<16xf32>,
        %parallel_loop3A_108 = arith.constant 16 : i32
        %parallel_loop3A_109 = arith.muli %parallel_loop3A_86, %parallel_loop3A_108 : i32
        %parallel_loop3A_110 = arith.constant 1 : i32
        %parallel_loop3A_111 = arith.index_cast %parallel_loop3A_110 : i32 to index
        %parallel_loop3A_112 = arith.index_cast %parallel_loop3A_109 : i32 to index
        %parallel_loop3A_113 = tpu.vector_load %arg6[%parallel_loop3A_111, %parallel_loop3A_112] {strides = array<i32>} : memref<64x512xf32, #tpu.memory_space<vmem>>, vector<16xf32>,
        tpu.vector_store %arg6[%parallel_loop3A_111, %parallel_loop3A_112], %parallel_loop3A_107 {strides = array<i32>} : memref<64x512xf32, #tpu.memory_space<vmem>>, vector<16xf32>,
        %parallel_loop3A_114 = arith.constant 4 : i32
        %parallel_loop3A_115 = vector.broadcast %parallel_loop3A_114 : i32 to vector<16xi32>
        %parallel_loop3A_116 = arith.addi %parallel_loop3A_93, %parallel_loop3A_115 : vector<16xi32>
        %parallel_loop3A_117 = tpu.vector_load_idx %arg8[%parallel_loop3A_116] : memref<128xf32, #tpu.memory_space<vmem>>[vector<16xi32>], vector<16xf32>,
        %parallel_loop3A_118 = arith.constant 16 : i32
        %parallel_loop3A_119 = arith.muli %parallel_loop3A_86, %parallel_loop3A_118 : i32
        %parallel_loop3A_120 = arith.constant 2 : i32
        %parallel_loop3A_121 = arith.index_cast %parallel_loop3A_120 : i32 to index
        %parallel_loop3A_122 = arith.index_cast %parallel_loop3A_119 : i32 to index
        %parallel_loop3A_123 = tpu.vector_load %arg6[%parallel_loop3A_121, %parallel_loop3A_122] {strides = array<i32>} : memref<64x512xf32, #tpu.memory_space<vmem>>, vector<16xf32>,
        tpu.vector_store %arg6[%parallel_loop3A_121, %parallel_loop3A_122], %parallel_loop3A_117 {strides = array<i32>} : memref<64x512xf32, #tpu.memory_space<vmem>>, vector<16xf32>,
        %parallel_loop3A_124 = arith.constant 6 : i32
        %parallel_loop3A_125 = vector.broadcast %parallel_loop3A_124 : i32 to vector<16xi32>
        %parallel_loop3A_126 = arith.addi %parallel_loop3A_93, %parallel_loop3A_125 : vector<16xi32>
        %parallel_loop3A_127 = tpu.vector_load_idx %arg8[%parallel_loop3A_126] : memref<128xf32, #tpu.memory_space<vmem>>[vector<16xi32>], vector<16xf32>,
        %parallel_loop3A_128 = arith.constant 16 : i32
        %parallel_loop3A_129 = arith.muli %parallel_loop3A_86, %parallel_loop3A_128 : i32
        %parallel_loop3A_130 = arith.constant 3 : i32
        %parallel_loop3A_131 = arith.index_cast %parallel_loop3A_130 : i32 to index
        %parallel_loop3A_132 = arith.index_cast %parallel_loop3A_129 : i32 to index
        %parallel_loop3A_133 = tpu.vector_load %arg6[%parallel_loop3A_131, %parallel_loop3A_132] {strides = array<i32>} : memref<64x512xf32, #tpu.memory_space<vmem>>, vector<16xf32>,
        tpu.vector_store %arg6[%parallel_loop3A_131, %parallel_loop3A_132], %parallel_loop3A_127 {strides = array<i32>} : memref<64x512xf32, #tpu.memory_space<vmem>>, vector<16xf32>,
        %parallel_loop3A_134 = arith.constant 8 : i32
        %parallel_loop3A_135 = vector.broadcast %parallel_loop3A_134 : i32 to vector<16xi32>
        %parallel_loop3A_136 = arith.addi %parallel_loop3A_93, %parallel_loop3A_135 : vector<16xi32>
        %parallel_loop3A_137 = tpu.vector_load_idx %arg8[%parallel_loop3A_136] : memref<128xf32, #tpu.memory_space<vmem>>[vector<16xi32>], vector<16xf32>,
        %parallel_loop3A_138 = arith.constant 16 : i32
        %parallel_loop3A_139 = arith.muli %parallel_loop3A_86, %parallel_loop3A_138 : i32
        %parallel_loop3A_140 = arith.constant 4 : i32
        %parallel_loop3A_141 = arith.index_cast %parallel_loop3A_140 : i32 to index
        %parallel_loop3A_142 = arith.index_cast %parallel_loop3A_139 : i32 to index
        %parallel_loop3A_143 = tpu.vector_load %arg6[%parallel_loop3A_141, %parallel_loop3A_142] {strides = array<i32>} : memref<64x512xf32, #tpu.memory_space<vmem>>, vector<16xf32>,
        tpu.vector_store %arg6[%parallel_loop3A_141, %parallel_loop3A_142], %parallel_loop3A_137 {strides = array<i32>} : memref<64x512xf32, #tpu.memory_space<vmem>>, vector<16xf32>,
        %parallel_loop3A_144 = arith.constant 10 : i32
        %parallel_loop3A_145 = vector.broadcast %parallel_loop3A_144 : i32 to vector<16xi32>
        %parallel_loop3A_146 = arith.addi %parallel_loop3A_93, %parallel_loop3A_145 : vector<16xi32>
        %parallel_loop3A_147 = tpu.vector_load_idx %arg8[%parallel_loop3A_146] : memref<128xf32, #tpu.memory_space<vmem>>[vector<16xi32>], vector<16xf32>,
        %parallel_loop3A_148 = arith.constant 16 : i32
        %parallel_loop3A_149 = arith.muli %parallel_loop3A_86, %parallel_loop3A_148 : i32
        %parallel_loop3A_150 = arith.constant 5 : i32
        %parallel_loop3A_151 = arith.index_cast %parallel_loop3A_150 : i32 to index
        %parallel_loop3A_152 = arith.index_cast %parallel_loop3A_149 : i32 to index
        %parallel_loop3A_153 = tpu.vector_load %arg6[%parallel_loop3A_151, %parallel_loop3A_152] {strides = array<i32>} : memref<64x512xf32, #tpu.memory_space<vmem>>, vector<16xf32>,
        tpu.vector_store %arg6[%parallel_loop3A_151, %parallel_loop3A_152], %parallel_loop3A_147 {strides = array<i32>} : memref<64x512xf32, #tpu.memory_space<vmem>>, vector<16xf32>,
        %parallel_loop3A_154 = arith.constant 12 : i32
        %parallel_loop3A_155 = vector.broadcast %parallel_loop3A_154 : i32 to vector<16xi32>
        %parallel_loop3A_156 = arith.addi %parallel_loop3A_93, %parallel_loop3A_155 : vector<16xi32>
        %parallel_loop3A_157 = tpu.vector_load_idx %arg8[%parallel_loop3A_156] : memref<128xf32, #tpu.memory_space<vmem>>[vector<16xi32>], vector<16xf32>,
        %parallel_loop3A_158 = arith.constant 16 : i32
        %parallel_loop3A_159 = arith.muli %parallel_loop3A_86, %parallel_loop3A_158 : i32
        %parallel_loop3A_160 = arith.constant 6 : i32
        %parallel_loop3A_161 = arith.index_cast %parallel_loop3A_160 : i32 to index
        %parallel_loop3A_162 = arith.index_cast %parallel_loop3A_159 : i32 to index
        %parallel_loop3A_163 = tpu.vector_load %arg6[%parallel_loop3A_161, %parallel_loop3A_162] {strides = array<i32>} : memref<64x512xf32, #tpu.memory_space<vmem>>, vector<16xf32>,
        tpu.vector_store %arg6[%parallel_loop3A_161, %parallel_loop3A_162], %parallel_loop3A_157 {strides = array<i32>} : memref<64x512xf32, #tpu.memory_space<vmem>>, vector<16xf32>,
        %parallel_loop3A_164 = arith.constant 14 : i32
        %parallel_loop3A_165 = vector.broadcast %parallel_loop3A_164 : i32 to vector<16xi32>
        %parallel_loop3A_166 = arith.addi %parallel_loop3A_93, %parallel_loop3A_165 : vector<16xi32>
        %parallel_loop3A_167 = tpu.vector_load_idx %arg8[%parallel_loop3A_166] : memref<128xf32, #tpu.memory_space<vmem>>[vector<16xi32>], vector<16xf32>,
        %parallel_loop3A_168 = arith.constant 16 : i32
        %parallel_loop3A_169 = arith.muli %parallel_loop3A_86, %parallel_loop3A_168 : i32
        %parallel_loop3A_170 = arith.constant 7 : i32
        %parallel_loop3A_171 = arith.index_cast %parallel_loop3A_170 : i32 to index
        %parallel_loop3A_172 = arith.index_cast %parallel_loop3A_169 : i32 to index
        %parallel_loop3A_173 = tpu.vector_load %arg6[%parallel_loop3A_171, %parallel_loop3A_172] {strides = array<i32>} : memref<64x512xf32, #tpu.memory_space<vmem>>, vector<16xf32>,
        tpu.vector_store %arg6[%parallel_loop3A_171, %parallel_loop3A_172], %parallel_loop3A_167 {strides = array<i32>} : memref<64x512xf32, #tpu.memory_space<vmem>>, vector<16xf32>,
        %parallel_loop3A_174 = arith.constant 16 : i32
        %parallel_loop3A_175 = vector.broadcast %parallel_loop3A_174 : i32 to vector<16xi32>
        %parallel_loop3A_176 = arith.addi %parallel_loop3A_93, %parallel_loop3A_175 : vector<16xi32>
        %parallel_loop3A_177 = tpu.vector_load_idx %arg8[%parallel_loop3A_176] : memref<128xf32, #tpu.memory_space<vmem>>[vector<16xi32>], vector<16xf32>,
        %parallel_loop3A_178 = arith.constant 16 : i32
        %parallel_loop3A_179 = arith.muli %parallel_loop3A_86, %parallel_loop3A_178 : i32
        %parallel_loop3A_180 = arith.constant 8 : i32
        %parallel_loop3A_181 = arith.index_cast %parallel_loop3A_180 : i32 to index
        %parallel_loop3A_182 = arith.index_cast %parallel_loop3A_179 : i32 to index
        %parallel_loop3A_183 = tpu.vector_load %arg6[%parallel_loop3A_181, %parallel_loop3A_182] {strides = array<i32>} : memref<64x512xf32, #tpu.memory_space<vmem>>, vector<16xf32>,
        tpu.vector_store %arg6[%parallel_loop3A_181, %parallel_loop3A_182], %parallel_loop3A_177 {strides = array<i32>} : memref<64x512xf32, #tpu.memory_space<vmem>>, vector<16xf32>,
        %parallel_loop3A_184 = arith.constant 18 : i32
        %parallel_loop3A_185 = vector.broadcast %parallel_loop3A_184 : i32 to vector<16xi32>
        %parallel_loop3A_186 = arith.addi %parallel_loop3A_93, %parallel_loop3A_185 : vector<16xi32>
        %parallel_loop3A_187 = tpu.vector_load_idx %arg8[%parallel_loop3A_186] : memref<128xf32, #tpu.memory_space<vmem>>[vector<16xi32>], vector<16xf32>,
        %parallel_loop3A_188 = arith.constant 16 : i32
        %parallel_loop3A_189 = arith.muli %parallel_loop3A_86, %parallel_loop3A_188 : i32
        %parallel_loop3A_190 = arith.constant 9 : i32
        %parallel_loop3A_191 = arith.index_cast %parallel_loop3A_190 : i32 to index
        %parallel_loop3A_192 = arith.index_cast %parallel_loop3A_189 : i32 to index
        %parallel_loop3A_193 = tpu.vector_load %arg6[%parallel_loop3A_191, %parallel_loop3A_192] {strides = array<i32>} : memref<64x512xf32, #tpu.memory_space<vmem>>, vector<16xf32>,
        tpu.vector_store %arg6[%parallel_loop3A_191, %parallel_loop3A_192], %parallel_loop3A_187 {strides = array<i32>} : memref<64x512xf32, #tpu.memory_space<vmem>>, vector<16xf32>,
        %parallel_loop3A_194 = arith.constant 20 : i32
        %parallel_loop3A_195 = vector.broadcast %parallel_loop3A_194 : i32 to vector<16xi32>
        %parallel_loop3A_196 = arith.addi %parallel_loop3A_93, %parallel_loop3A_195 : vector<16xi32>
        %parallel_loop3A_197 = tpu.vector_load_idx %arg8[%parallel_loop3A_196] : memref<128xf32, #tpu.memory_space<vmem>>[vector<16xi32>], vector<16xf32>,
        %parallel_loop3A_198 = arith.constant 16 : i32
        %parallel_loop3A_199 = arith.muli %parallel_loop3A_86, %parallel_loop3A_198 : i32
        %parallel_loop3A_200 = arith.constant 10 : i32
        %parallel_loop3A_201 = arith.index_cast %parallel_loop3A_200 : i32 to index
        %parallel_loop3A_202 = arith.index_cast %parallel_loop3A_199 : i32 to index
        %parallel_loop3A_203 = tpu.vector_load %arg6[%parallel_loop3A_201, %parallel_loop3A_202] {strides = array<i32>} : memref<64x512xf32, #tpu.memory_space<vmem>>, vector<16xf32>,
        tpu.vector_store %arg6[%parallel_loop3A_201, %parallel_loop3A_202], %parallel_loop3A_197 {strides = array<i32>} : memref<64x512xf32, #tpu.memory_space<vmem>>, vector<16xf32>,
        %parallel_loop3A_204 = arith.constant 22 : i32
        %parallel_loop3A_205 = vector.broadcast %parallel_loop3A_204 : i32 to vector<16xi32>
        %parallel_loop3A_206 = arith.addi %parallel_loop3A_93, %parallel_loop3A_205 : vector<16xi32>
        %parallel_loop3A_207 = tpu.vector_load_idx %arg8[%parallel_loop3A_206] : memref<128xf32, #tpu.memory_space<vmem>>[vector<16xi32>], vector<16xf32>,
        %parallel_loop3A_208 = arith.constant 16 : i32
        %parallel_loop3A_209 = arith.muli %parallel_loop3A_86, %parallel_loop3A_208 : i32
        %parallel_loop3A_210 = arith.constant 11 : i32
        %parallel_loop3A_211 = arith.index_cast %parallel_loop3A_210 : i32 to index
        %parallel_loop3A_212 = arith.index_cast %parallel_loop3A_209 : i32 to index
        %parallel_loop3A_213 = tpu.vector_load %arg6[%parallel_loop3A_211, %parallel_loop3A_212] {strides = array<i32>} : memref<64x512xf32, #tpu.memory_space<vmem>>, vector<16xf32>,
        tpu.vector_store %arg6[%parallel_loop3A_211, %parallel_loop3A_212], %parallel_loop3A_207 {strides = array<i32>} : memref<64x512xf32, #tpu.memory_space<vmem>>, vector<16xf32>,
        %parallel_loop3A_214 = arith.constant 24 : i32
        %parallel_loop3A_215 = vector.broadcast %parallel_loop3A_214 : i32 to vector<16xi32>
        %parallel_loop3A_216 = arith.addi %parallel_loop3A_93, %parallel_loop3A_215 : vector<16xi32>
        %parallel_loop3A_217 = tpu.vector_load_idx %arg8[%parallel_loop3A_216] : memref<128xf32, #tpu.memory_space<vmem>>[vector<16xi32>], vector<16xf32>,
        %parallel_loop3A_218 = arith.constant 16 : i32
        %parallel_loop3A_219 = arith.muli %parallel_loop3A_86, %parallel_loop3A_218 : i32
        %parallel_loop3A_220 = arith.constant 12 : i32
        %parallel_loop3A_221 = arith.index_cast %parallel_loop3A_220 : i32 to index
        %parallel_loop3A_222 = arith.index_cast %parallel_loop3A_219 : i32 to index
        %parallel_loop3A_223 = tpu.vector_load %arg6[%parallel_loop3A_221, %parallel_loop3A_222] {strides = array<i32>} : memref<64x512xf32, #tpu.memory_space<vmem>>, vector<16xf32>,
        tpu.vector_store %arg6[%parallel_loop3A_221, %parallel_loop3A_222], %parallel_loop3A_217 {strides = array<i32>} : memref<64x512xf32, #tpu.memory_space<vmem>>, vector<16xf32>,
        %parallel_loop3A_224 = arith.constant 26 : i32
        %parallel_loop3A_225 = vector.broadcast %parallel_loop3A_224 : i32 to vector<16xi32>
        %parallel_loop3A_226 = arith.addi %parallel_loop3A_93, %parallel_loop3A_225 : vector<16xi32>
        %parallel_loop3A_227 = tpu.vector_load_idx %arg8[%parallel_loop3A_226] : memref<128xf32, #tpu.memory_space<vmem>>[vector<16xi32>], vector<16xf32>,
        %parallel_loop3A_228 = arith.constant 16 : i32
        %parallel_loop3A_229 = arith.muli %parallel_loop3A_86, %parallel_loop3A_228 : i32
        %parallel_loop3A_230 = arith.constant 13 : i32
        %parallel_loop3A_231 = arith.index_cast %parallel_loop3A_230 : i32 to index
        %parallel_loop3A_232 = arith.index_cast %parallel_loop3A_229 : i32 to index
        %parallel_loop3A_233 = tpu.vector_load %arg6[%parallel_loop3A_231, %parallel_loop3A_232] {strides = array<i32>} : memref<64x512xf32, #tpu.memory_space<vmem>>, vector<16xf32>,
        tpu.vector_store %arg6[%parallel_loop3A_231, %parallel_loop3A_232], %parallel_loop3A_227 {strides = array<i32>} : memref<64x512xf32, #tpu.memory_space<vmem>>, vector<16xf32>,
        %parallel_loop3A_234 = arith.constant 28 : i32
        %parallel_loop3A_235 = vector.broadcast %parallel_loop3A_234 : i32 to vector<16xi32>
        %parallel_loop3A_236 = arith.addi %parallel_loop3A_93, %parallel_loop3A_235 : vector<16xi32>
        %parallel_loop3A_237 = tpu.vector_load_idx %arg8[%parallel_loop3A_236] : memref<128xf32, #tpu.memory_space<vmem>>[vector<16xi32>], vector<16xf32>,
        %parallel_loop3A_238 = arith.constant 16 : i32
        %parallel_loop3A_239 = arith.muli %parallel_loop3A_86, %parallel_loop3A_238 : i32
        %parallel_loop3A_240 = arith.constant 14 : i32
        %parallel_loop3A_241 = arith.index_cast %parallel_loop3A_240 : i32 to index
        %parallel_loop3A_242 = arith.index_cast %parallel_loop3A_239 : i32 to index
        %parallel_loop3A_243 = tpu.vector_load %arg6[%parallel_loop3A_241, %parallel_loop3A_242] {strides = array<i32>} : memref<64x512xf32, #tpu.memory_space<vmem>>, vector<16xf32>,
        tpu.vector_store %arg6[%parallel_loop3A_241, %parallel_loop3A_242], %parallel_loop3A_237 {strides = array<i32>} : memref<64x512xf32, #tpu.memory_space<vmem>>, vector<16xf32>,
        %parallel_loop3A_244 = arith.constant 30 : i32
        %parallel_loop3A_245 = vector.broadcast %parallel_loop3A_244 : i32 to vector<16xi32>
        %parallel_loop3A_246 = arith.addi %parallel_loop3A_93, %parallel_loop3A_245 : vector<16xi32>
        %parallel_loop3A_247 = tpu.vector_load_idx %arg8[%parallel_loop3A_246] : memref<128xf32, #tpu.memory_space<vmem>>[vector<16xi32>], vector<16xf32>,
        %parallel_loop3A_248 = arith.constant 16 : i32
        %parallel_loop3A_249 = arith.muli %parallel_loop3A_86, %parallel_loop3A_248 : i32
        %parallel_loop3A_250 = arith.constant 15 : i32
        %parallel_loop3A_251 = arith.index_cast %parallel_loop3A_250 : i32 to index
        %parallel_loop3A_252 = arith.index_cast %parallel_loop3A_249 : i32 to index
        %parallel_loop3A_253 = tpu.vector_load %arg6[%parallel_loop3A_251, %parallel_loop3A_252] {strides = array<i32>} : memref<64x512xf32, #tpu.memory_space<vmem>>, vector<16xf32>,
        tpu.vector_store %arg6[%parallel_loop3A_251, %parallel_loop3A_252], %parallel_loop3A_247 {strides = array<i32>} : memref<64x512xf32, #tpu.memory_space<vmem>>, vector<16xf32>,
        %parallel_loop3A_254 = arith.constant 32 : i32
        %parallel_loop3A_255 = vector.broadcast %parallel_loop3A_254 : i32 to vector<16xi32>
        %parallel_loop3A_256 = arith.addi %parallel_loop3A_93, %parallel_loop3A_255 : vector<16xi32>
        %parallel_loop3A_257 = tpu.vector_load_idx %arg8[%parallel_loop3A_256] : memref<128xf32, #tpu.memory_space<vmem>>[vector<16xi32>], vector<16xf32>,
        %parallel_loop3A_258 = arith.constant 16 : i32
        %parallel_loop3A_259 = arith.muli %parallel_loop3A_86, %parallel_loop3A_258 : i32
        %parallel_loop3A_260 = arith.constant 16 : i32
        %parallel_loop3A_261 = arith.index_cast %parallel_loop3A_260 : i32 to index
        %parallel_loop3A_262 = arith.index_cast %parallel_loop3A_259 : i32 to index
        %parallel_loop3A_263 = tpu.vector_load %arg6[%parallel_loop3A_261, %parallel_loop3A_262] {strides = array<i32>} : memref<64x512xf32, #tpu.memory_space<vmem>>, vector<16xf32>,
        tpu.vector_store %arg6[%parallel_loop3A_261, %parallel_loop3A_262], %parallel_loop3A_257 {strides = array<i32>} : memref<64x512xf32, #tpu.memory_space<vmem>>, vector<16xf32>,
        %parallel_loop3A_264 = arith.constant 34 : i32
        %parallel_loop3A_265 = vector.broadcast %parallel_loop3A_264 : i32 to vector<16xi32>
        %parallel_loop3A_266 = arith.addi %parallel_loop3A_93, %parallel_loop3A_265 : vector<16xi32>
        %parallel_loop3A_267 = tpu.vector_load_idx %arg8[%parallel_loop3A_266] : memref<128xf32, #tpu.memory_space<vmem>>[vector<16xi32>], vector<16xf32>,
        %parallel_loop3A_268 = arith.constant 16 : i32
        %parallel_loop3A_269 = arith.muli %parallel_loop3A_86, %parallel_loop3A_268 : i32
        %parallel_loop3A_270 = arith.constant 17 : i32
        %parallel_loop3A_271 = arith.index_cast %parallel_loop3A_270 : i32 to index
        %parallel_loop3A_272 = arith.index_cast %parallel_loop3A_269 : i32 to index
        %parallel_loop3A_273 = tpu.vector_load %arg6[%parallel_loop3A_271, %parallel_loop3A_272] {strides = array<i32>} : memref<64x512xf32, #tpu.memory_space<vmem>>, vector<16xf32>,
        tpu.vector_store %arg6[%parallel_loop3A_271, %parallel_loop3A_272], %parallel_loop3A_267 {strides = array<i32>} : memref<64x512xf32, #tpu.memory_space<vmem>>, vector<16xf32>,
        %parallel_loop3A_274 = arith.constant 36 : i32
        %parallel_loop3A_275 = vector.broadcast %parallel_loop3A_274 : i32 to vector<16xi32>
        %parallel_loop3A_276 = arith.addi %parallel_loop3A_93, %parallel_loop3A_275 : vector<16xi32>
        %parallel_loop3A_277 = tpu.vector_load_idx %arg8[%parallel_loop3A_276] : memref<128xf32, #tpu.memory_space<vmem>>[vector<16xi32>], vector<16xf32>,
        %parallel_loop3A_278 = arith.constant 16 : i32
        %parallel_loop3A_279 = arith.muli %parallel_loop3A_86, %parallel_loop3A_278 : i32
        %parallel_loop3A_280 = arith.constant 18 : i32
        %parallel_loop3A_281 = arith.index_cast %parallel_loop3A_280 : i32 to index
        %parallel_loop3A_282 = arith.index_cast %parallel_loop3A_279 : i32 to index
        %parallel_loop3A_283 = tpu.vector_load %arg6[%parallel_loop3A_281, %parallel_loop3A_282] {strides = array<i32>} : memref<64x512xf32, #tpu.memory_space<vmem>>, vector<16xf32>,
        tpu.vector_store %arg6[%parallel_loop3A_281, %parallel_loop3A_282], %parallel_loop3A_277 {strides = array<i32>} : memref<64x512xf32, #tpu.memory_space<vmem>>, vector<16xf32>,
        %parallel_loop3A_284 = arith.constant 38 : i32
        %parallel_loop3A_285 = vector.broadcast %parallel_loop3A_284 : i32 to vector<16xi32>
        %parallel_loop3A_286 = arith.addi %parallel_loop3A_93, %parallel_loop3A_285 : vector<16xi32>
        %parallel_loop3A_287 = tpu.vector_load_idx %arg8[%parallel_loop3A_286] : memref<128xf32, #tpu.memory_space<vmem>>[vector<16xi32>], vector<16xf32>,
        %parallel_loop3A_288 = arith.constant 16 : i32
        %parallel_loop3A_289 = arith.muli %parallel_loop3A_86, %parallel_loop3A_288 : i32
        %parallel_loop3A_290 = arith.constant 19 : i32
        %parallel_loop3A_291 = arith.index_cast %parallel_loop3A_290 : i32 to index
        %parallel_loop3A_292 = arith.index_cast %parallel_loop3A_289 : i32 to index
        %parallel_loop3A_293 = tpu.vector_load %arg6[%parallel_loop3A_291, %parallel_loop3A_292] {strides = array<i32>} : memref<64x512xf32, #tpu.memory_space<vmem>>, vector<16xf32>,
        tpu.vector_store %arg6[%parallel_loop3A_291, %parallel_loop3A_292], %parallel_loop3A_287 {strides = array<i32>} : memref<64x512xf32, #tpu.memory_space<vmem>>, vector<16xf32>,
        %parallel_loop3A_294 = arith.constant 40 : i32
        %parallel_loop3A_295 = vector.broadcast %parallel_loop3A_294 : i32 to vector<16xi32>
        %parallel_loop3A_296 = arith.addi %parallel_loop3A_93, %parallel_loop3A_295 : vector<16xi32>
        %parallel_loop3A_297 = tpu.vector_load_idx %arg8[%parallel_loop3A_296] : memref<128xf32, #tpu.memory_space<vmem>>[vector<16xi32>], vector<16xf32>,
        %parallel_loop3A_298 = arith.constant 16 : i32
        %parallel_loop3A_299 = arith.muli %parallel_loop3A_86, %parallel_loop3A_298 : i32
        %parallel_loop3A_300 = arith.constant 20 : i32
        %parallel_loop3A_301 = arith.index_cast %parallel_loop3A_300 : i32 to index
        %parallel_loop3A_302 = arith.index_cast %parallel_loop3A_299 : i32 to index
        %parallel_loop3A_303 = tpu.vector_load %arg6[%parallel_loop3A_301, %parallel_loop3A_302] {strides = array<i32>} : memref<64x512xf32, #tpu.memory_space<vmem>>, vector<16xf32>,
        tpu.vector_store %arg6[%parallel_loop3A_301, %parallel_loop3A_302], %parallel_loop3A_297 {strides = array<i32>} : memref<64x512xf32, #tpu.memory_space<vmem>>, vector<16xf32>,
        %parallel_loop3A_304 = arith.constant 42 : i32
        %parallel_loop3A_305 = vector.broadcast %parallel_loop3A_304 : i32 to vector<16xi32>
        %parallel_loop3A_306 = arith.addi %parallel_loop3A_93, %parallel_loop3A_305 : vector<16xi32>
        %parallel_loop3A_307 = tpu.vector_load_idx %arg8[%parallel_loop3A_306] : memref<128xf32, #tpu.memory_space<vmem>>[vector<16xi32>], vector<16xf32>,
        %parallel_loop3A_308 = arith.constant 16 : i32
        %parallel_loop3A_309 = arith.muli %parallel_loop3A_86, %parallel_loop3A_308 : i32
        %parallel_loop3A_310 = arith.constant 21 : i32
        %parallel_loop3A_311 = arith.index_cast %parallel_loop3A_310 : i32 to index
        %parallel_loop3A_312 = arith.index_cast %parallel_loop3A_309 : i32 to index
        %parallel_loop3A_313 = tpu.vector_load %arg6[%parallel_loop3A_311, %parallel_loop3A_312] {strides = array<i32>} : memref<64x512xf32, #tpu.memory_space<vmem>>, vector<16xf32>,
        tpu.vector_store %arg6[%parallel_loop3A_311, %parallel_loop3A_312], %parallel_loop3A_307 {strides = array<i32>} : memref<64x512xf32, #tpu.memory_space<vmem>>, vector<16xf32>,
        %parallel_loop3A_314 = arith.constant 44 : i32
        %parallel_loop3A_315 = vector.broadcast %parallel_loop3A_314 : i32 to vector<16xi32>
        %parallel_loop3A_316 = arith.addi %parallel_loop3A_93, %parallel_loop3A_315 : vector<16xi32>
        %parallel_loop3A_317 = tpu.vector_load_idx %arg8[%parallel_loop3A_316] : memref<128xf32, #tpu.memory_space<vmem>>[vector<16xi32>], vector<16xf32>,
        %parallel_loop3A_318 = arith.constant 16 : i32
        %parallel_loop3A_319 = arith.muli %parallel_loop3A_86, %parallel_loop3A_318 : i32
        %parallel_loop3A_320 = arith.constant 22 : i32
        %parallel_loop3A_321 = arith.index_cast %parallel_loop3A_320 : i32 to index
        %parallel_loop3A_322 = arith.index_cast %parallel_loop3A_319 : i32 to index
        %parallel_loop3A_323 = tpu.vector_load %arg6[%parallel_loop3A_321, %parallel_loop3A_322] {strides = array<i32>} : memref<64x512xf32, #tpu.memory_space<vmem>>, vector<16xf32>,
        tpu.vector_store %arg6[%parallel_loop3A_321, %parallel_loop3A_322], %parallel_loop3A_317 {strides = array<i32>} : memref<64x512xf32, #tpu.memory_space<vmem>>, vector<16xf32>,
        %parallel_loop3A_324 = arith.constant 46 : i32
        %parallel_loop3A_325 = vector.broadcast %parallel_loop3A_324 : i32 to vector<16xi32>
        %parallel_loop3A_326 = arith.addi %parallel_loop3A_93, %parallel_loop3A_325 : vector<16xi32>
        %parallel_loop3A_327 = tpu.vector_load_idx %arg8[%parallel_loop3A_326] : memref<128xf32, #tpu.memory_space<vmem>>[vector<16xi32>], vector<16xf32>,
        %parallel_loop3A_328 = arith.constant 16 : i32
        %parallel_loop3A_329 = arith.muli %parallel_loop3A_86, %parallel_loop3A_328 : i32
        %parallel_loop3A_330 = arith.constant 23 : i32
        %parallel_loop3A_331 = arith.index_cast %parallel_loop3A_330 : i32 to index
        %parallel_loop3A_332 = arith.index_cast %parallel_loop3A_329 : i32 to index
        %parallel_loop3A_333 = tpu.vector_load %arg6[%parallel_loop3A_331, %parallel_loop3A_332] {strides = array<i32>} : memref<64x512xf32, #tpu.memory_space<vmem>>, vector<16xf32>,
        tpu.vector_store %arg6[%parallel_loop3A_331, %parallel_loop3A_332], %parallel_loop3A_327 {strides = array<i32>} : memref<64x512xf32, #tpu.memory_space<vmem>>, vector<16xf32>,
        %parallel_loop3A_334 = arith.constant 48 : i32
        %parallel_loop3A_335 = vector.broadcast %parallel_loop3A_334 : i32 to vector<16xi32>
        %parallel_loop3A_336 = arith.addi %parallel_loop3A_93, %parallel_loop3A_335 : vector<16xi32>
        %parallel_loop3A_337 = tpu.vector_load_idx %arg8[%parallel_loop3A_336] : memref<128xf32, #tpu.memory_space<vmem>>[vector<16xi32>], vector<16xf32>,
        %parallel_loop3A_338 = arith.constant 16 : i32
        %parallel_loop3A_339 = arith.muli %parallel_loop3A_86, %parallel_loop3A_338 : i32
        %parallel_loop3A_340 = arith.constant 24 : i32
        %parallel_loop3A_341 = arith.index_cast %parallel_loop3A_340 : i32 to index
        %parallel_loop3A_342 = arith.index_cast %parallel_loop3A_339 : i32 to index
        %parallel_loop3A_343 = tpu.vector_load %arg6[%parallel_loop3A_341, %parallel_loop3A_342] {strides = array<i32>} : memref<64x512xf32, #tpu.memory_space<vmem>>, vector<16xf32>,
        tpu.vector_store %arg6[%parallel_loop3A_341, %parallel_loop3A_342], %parallel_loop3A_337 {strides = array<i32>} : memref<64x512xf32, #tpu.memory_space<vmem>>, vector<16xf32>,
        %parallel_loop3A_344 = arith.constant 50 : i32
        %parallel_loop3A_345 = vector.broadcast %parallel_loop3A_344 : i32 to vector<16xi32>
        %parallel_loop3A_346 = arith.addi %parallel_loop3A_93, %parallel_loop3A_345 : vector<16xi32>
        %parallel_loop3A_347 = tpu.vector_load_idx %arg8[%parallel_loop3A_346] : memref<128xf32, #tpu.memory_space<vmem>>[vector<16xi32>], vector<16xf32>,
        %parallel_loop3A_348 = arith.constant 16 : i32
        %parallel_loop3A_349 = arith.muli %parallel_loop3A_86, %parallel_loop3A_348 : i32
        %parallel_loop3A_350 = arith.constant 25 : i32
        %parallel_loop3A_351 = arith.index_cast %parallel_loop3A_350 : i32 to index
        %parallel_loop3A_352 = arith.index_cast %parallel_loop3A_349 : i32 to index
        %parallel_loop3A_353 = tpu.vector_load %arg6[%parallel_loop3A_351, %parallel_loop3A_352] {strides = array<i32>} : memref<64x512xf32, #tpu.memory_space<vmem>>, vector<16xf32>,
        tpu.vector_store %arg6[%parallel_loop3A_351, %parallel_loop3A_352], %parallel_loop3A_347 {strides = array<i32>} : memref<64x512xf32, #tpu.memory_space<vmem>>, vector<16xf32>,
        %parallel_loop3A_354 = arith.constant 52 : i32
        %parallel_loop3A_355 = vector.broadcast %parallel_loop3A_354 : i32 to vector<16xi32>
        %parallel_loop3A_356 = arith.addi %parallel_loop3A_93, %parallel_loop3A_355 : vector<16xi32>
        %parallel_loop3A_357 = tpu.vector_load_idx %arg8[%parallel_loop3A_356] : memref<128xf32, #tpu.memory_space<vmem>>[vector<16xi32>], vector<16xf32>,
        %parallel_loop3A_358 = arith.constant 16 : i32
        %parallel_loop3A_359 = arith.muli %parallel_loop3A_86, %parallel_loop3A_358 : i32
        %parallel_loop3A_360 = arith.constant 26 : i32
        %parallel_loop3A_361 = arith.index_cast %parallel_loop3A_360 : i32 to index
        %parallel_loop3A_362 = arith.index_cast %parallel_loop3A_359 : i32 to index
        %parallel_loop3A_363 = tpu.vector_load %arg6[%parallel_loop3A_361, %parallel_loop3A_362] {strides = array<i32>} : memref<64x512xf32, #tpu.memory_space<vmem>>, vector<16xf32>,
        tpu.vector_store %arg6[%parallel_loop3A_361, %parallel_loop3A_362], %parallel_loop3A_357 {strides = array<i32>} : memref<64x512xf32, #tpu.memory_space<vmem>>, vector<16xf32>,
        %parallel_loop3A_364 = arith.constant 54 : i32
        %parallel_loop3A_365 = vector.broadcast %parallel_loop3A_364 : i32 to vector<16xi32>
        %parallel_loop3A_366 = arith.addi %parallel_loop3A_93, %parallel_loop3A_365 : vector<16xi32>
        %parallel_loop3A_367 = tpu.vector_load_idx %arg8[%parallel_loop3A_366] : memref<128xf32, #tpu.memory_space<vmem>>[vector<16xi32>], vector<16xf32>,
        %parallel_loop3A_368 = arith.constant 16 : i32
        %parallel_loop3A_369 = arith.muli %parallel_loop3A_86, %parallel_loop3A_368 : i32
        %parallel_loop3A_370 = arith.constant 27 : i32
        %parallel_loop3A_371 = arith.index_cast %parallel_loop3A_370 : i32 to index
        %parallel_loop3A_372 = arith.index_cast %parallel_loop3A_369 : i32 to index
        %parallel_loop3A_373 = tpu.vector_load %arg6[%parallel_loop3A_371, %parallel_loop3A_372] {strides = array<i32>} : memref<64x512xf32, #tpu.memory_space<vmem>>, vector<16xf32>,
        tpu.vector_store %arg6[%parallel_loop3A_371, %parallel_loop3A_372], %parallel_loop3A_367 {strides = array<i32>} : memref<64x512xf32, #tpu.memory_space<vmem>>, vector<16xf32>,
        %parallel_loop3A_374 = arith.constant 56 : i32
        %parallel_loop3A_375 = vector.broadcast %parallel_loop3A_374 : i32 to vector<16xi32>
        %parallel_loop3A_376 = arith.addi %parallel_loop3A_93, %parallel_loop3A_375 : vector<16xi32>
        %parallel_loop3A_377 = tpu.vector_load_idx %arg8[%parallel_loop3A_376] : memref<128xf32, #tpu.memory_space<vmem>>[vector<16xi32>], vector<16xf32>,
        %parallel_loop3A_378 = arith.constant 16 : i32
        %parallel_loop3A_379 = arith.muli %parallel_loop3A_86, %parallel_loop3A_378 : i32
        %parallel_loop3A_380 = arith.constant 28 : i32
        %parallel_loop3A_381 = arith.index_cast %parallel_loop3A_380 : i32 to index
        %parallel_loop3A_382 = arith.index_cast %parallel_loop3A_379 : i32 to index
        %parallel_loop3A_383 = tpu.vector_load %arg6[%parallel_loop3A_381, %parallel_loop3A_382] {strides = array<i32>} : memref<64x512xf32, #tpu.memory_space<vmem>>, vector<16xf32>,
        tpu.vector_store %arg6[%parallel_loop3A_381, %parallel_loop3A_382], %parallel_loop3A_377 {strides = array<i32>} : memref<64x512xf32, #tpu.memory_space<vmem>>, vector<16xf32>,
        %parallel_loop3A_384 = arith.constant 58 : i32
        %parallel_loop3A_385 = vector.broadcast %parallel_loop3A_384 : i32 to vector<16xi32>
        %parallel_loop3A_386 = arith.addi %parallel_loop3A_93, %parallel_loop3A_385 : vector<16xi32>
        %parallel_loop3A_387 = tpu.vector_load_idx %arg8[%parallel_loop3A_386] : memref<128xf32, #tpu.memory_space<vmem>>[vector<16xi32>], vector<16xf32>,
        %parallel_loop3A_388 = arith.constant 16 : i32
        %parallel_loop3A_389 = arith.muli %parallel_loop3A_86, %parallel_loop3A_388 : i32
        %parallel_loop3A_390 = arith.constant 29 : i32
        %parallel_loop3A_391 = arith.index_cast %parallel_loop3A_390 : i32 to index
        %parallel_loop3A_392 = arith.index_cast %parallel_loop3A_389 : i32 to index
        %parallel_loop3A_393 = tpu.vector_load %arg6[%parallel_loop3A_391, %parallel_loop3A_392] {strides = array<i32>} : memref<64x512xf32, #tpu.memory_space<vmem>>, vector<16xf32>,
        tpu.vector_store %arg6[%parallel_loop3A_391, %parallel_loop3A_392], %parallel_loop3A_387 {strides = array<i32>} : memref<64x512xf32, #tpu.memory_space<vmem>>, vector<16xf32>,
        %parallel_loop3A_394 = arith.constant 60 : i32
        %parallel_loop3A_395 = vector.broadcast %parallel_loop3A_394 : i32 to vector<16xi32>
        %parallel_loop3A_396 = arith.addi %parallel_loop3A_93, %parallel_loop3A_395 : vector<16xi32>
        %parallel_loop3A_397 = tpu.vector_load_idx %arg8[%parallel_loop3A_396] : memref<128xf32, #tpu.memory_space<vmem>>[vector<16xi32>], vector<16xf32>,
        %parallel_loop3A_398 = arith.constant 16 : i32
        %parallel_loop3A_399 = arith.muli %parallel_loop3A_86, %parallel_loop3A_398 : i32
        %parallel_loop3A_400 = arith.constant 30 : i32
        %parallel_loop3A_401 = arith.index_cast %parallel_loop3A_400 : i32 to index
        %parallel_loop3A_402 = arith.index_cast %parallel_loop3A_399 : i32 to index
        %parallel_loop3A_403 = tpu.vector_load %arg6[%parallel_loop3A_401, %parallel_loop3A_402] {strides = array<i32>} : memref<64x512xf32, #tpu.memory_space<vmem>>, vector<16xf32>,
        tpu.vector_store %arg6[%parallel_loop3A_401, %parallel_loop3A_402], %parallel_loop3A_397 {strides = array<i32>} : memref<64x512xf32, #tpu.memory_space<vmem>>, vector<16xf32>,
        %parallel_loop3A_404 = arith.constant 62 : i32
        %parallel_loop3A_405 = vector.broadcast %parallel_loop3A_404 : i32 to vector<16xi32>
        %parallel_loop3A_406 = arith.addi %parallel_loop3A_93, %parallel_loop3A_405 : vector<16xi32>
        %parallel_loop3A_407 = tpu.vector_load_idx %arg8[%parallel_loop3A_406] : memref<128xf32, #tpu.memory_space<vmem>>[vector<16xi32>], vector<16xf32>,
        %parallel_loop3A_408 = arith.constant 16 : i32
        %parallel_loop3A_409 = arith.muli %parallel_loop3A_86, %parallel_loop3A_408 : i32
        %parallel_loop3A_410 = arith.constant 31 : i32
        %parallel_loop3A_411 = arith.index_cast %parallel_loop3A_410 : i32 to index
        %parallel_loop3A_412 = arith.index_cast %parallel_loop3A_409 : i32 to index
        %parallel_loop3A_413 = tpu.vector_load %arg6[%parallel_loop3A_411, %parallel_loop3A_412] {strides = array<i32>} : memref<64x512xf32, #tpu.memory_space<vmem>>, vector<16xf32>,
        tpu.vector_store %arg6[%parallel_loop3A_411, %parallel_loop3A_412], %parallel_loop3A_407 {strides = array<i32>} : memref<64x512xf32, #tpu.memory_space<vmem>>, vector<16xf32>,
        %parallel_loop3A_414 = arith.constant 64 : i32
        %parallel_loop3A_415 = vector.broadcast %parallel_loop3A_414 : i32 to vector<16xi32>
        %parallel_loop3A_416 = arith.addi %parallel_loop3A_93, %parallel_loop3A_415 : vector<16xi32>
        %parallel_loop3A_417 = tpu.vector_load_idx %arg8[%parallel_loop3A_416] : memref<128xf32, #tpu.memory_space<vmem>>[vector<16xi32>], vector<16xf32>,
        %parallel_loop3A_418 = arith.constant 16 : i32
        %parallel_loop3A_419 = arith.muli %parallel_loop3A_86, %parallel_loop3A_418 : i32
        %parallel_loop3A_420 = arith.constant 32 : i32
        %parallel_loop3A_421 = arith.index_cast %parallel_loop3A_420 : i32 to index
        %parallel_loop3A_422 = arith.index_cast %parallel_loop3A_419 : i32 to index
        %parallel_loop3A_423 = tpu.vector_load %arg6[%parallel_loop3A_421, %parallel_loop3A_422] {strides = array<i32>} : memref<64x512xf32, #tpu.memory_space<vmem>>, vector<16xf32>,
        tpu.vector_store %arg6[%parallel_loop3A_421, %parallel_loop3A_422], %parallel_loop3A_417 {strides = array<i32>} : memref<64x512xf32, #tpu.memory_space<vmem>>, vector<16xf32>,
        %parallel_loop3A_424 = arith.constant 66 : i32
        %parallel_loop3A_425 = vector.broadcast %parallel_loop3A_424 : i32 to vector<16xi32>
        %parallel_loop3A_426 = arith.addi %parallel_loop3A_93, %parallel_loop3A_425 : vector<16xi32>
        %parallel_loop3A_427 = tpu.vector_load_idx %arg8[%parallel_loop3A_426] : memref<128xf32, #tpu.memory_space<vmem>>[vector<16xi32>], vector<16xf32>,
        %parallel_loop3A_428 = arith.constant 16 : i32
        %parallel_loop3A_429 = arith.muli %parallel_loop3A_86, %parallel_loop3A_428 : i32
        %parallel_loop3A_430 = arith.constant 33 : i32
        %parallel_loop3A_431 = arith.index_cast %parallel_loop3A_430 : i32 to index
        %parallel_loop3A_432 = arith.index_cast %parallel_loop3A_429 : i32 to index
        %parallel_loop3A_433 = tpu.vector_load %arg6[%parallel_loop3A_431, %parallel_loop3A_432] {strides = array<i32>} : memref<64x512xf32, #tpu.memory_space<vmem>>, vector<16xf32>,
        tpu.vector_store %arg6[%parallel_loop3A_431, %parallel_loop3A_432], %parallel_loop3A_427 {strides = array<i32>} : memref<64x512xf32, #tpu.memory_space<vmem>>, vector<16xf32>,
        %parallel_loop3A_434 = arith.constant 68 : i32
        %parallel_loop3A_435 = vector.broadcast %parallel_loop3A_434 : i32 to vector<16xi32>
        %parallel_loop3A_436 = arith.addi %parallel_loop3A_93, %parallel_loop3A_435 : vector<16xi32>
        %parallel_loop3A_437 = tpu.vector_load_idx %arg8[%parallel_loop3A_436] : memref<128xf32, #tpu.memory_space<vmem>>[vector<16xi32>], vector<16xf32>,
        %parallel_loop3A_438 = arith.constant 16 : i32
        %parallel_loop3A_439 = arith.muli %parallel_loop3A_86, %parallel_loop3A_438 : i32
        %parallel_loop3A_440 = arith.constant 34 : i32
        %parallel_loop3A_441 = arith.index_cast %parallel_loop3A_440 : i32 to index
        %parallel_loop3A_442 = arith.index_cast %parallel_loop3A_439 : i32 to index
        %parallel_loop3A_443 = tpu.vector_load %arg6[%parallel_loop3A_441, %parallel_loop3A_442] {strides = array<i32>} : memref<64x512xf32, #tpu.memory_space<vmem>>, vector<16xf32>,
        tpu.vector_store %arg6[%parallel_loop3A_441, %parallel_loop3A_442], %parallel_loop3A_437 {strides = array<i32>} : memref<64x512xf32, #tpu.memory_space<vmem>>, vector<16xf32>,
        %parallel_loop3A_444 = arith.constant 70 : i32
        %parallel_loop3A_445 = vector.broadcast %parallel_loop3A_444 : i32 to vector<16xi32>
        %parallel_loop3A_446 = arith.addi %parallel_loop3A_93, %parallel_loop3A_445 : vector<16xi32>
        %parallel_loop3A_447 = tpu.vector_load_idx %arg8[%parallel_loop3A_446] : memref<128xf32, #tpu.memory_space<vmem>>[vector<16xi32>], vector<16xf32>,
        %parallel_loop3A_448 = arith.constant 16 : i32
        %parallel_loop3A_449 = arith.muli %parallel_loop3A_86, %parallel_loop3A_448 : i32
        %parallel_loop3A_450 = arith.constant 35 : i32
        %parallel_loop3A_451 = arith.index_cast %parallel_loop3A_450 : i32 to index
        %parallel_loop3A_452 = arith.index_cast %parallel_loop3A_449 : i32 to index
        %parallel_loop3A_453 = tpu.vector_load %arg6[%parallel_loop3A_451, %parallel_loop3A_452] {strides = array<i32>} : memref<64x512xf32, #tpu.memory_space<vmem>>, vector<16xf32>,
        tpu.vector_store %arg6[%parallel_loop3A_451, %parallel_loop3A_452], %parallel_loop3A_447 {strides = array<i32>} : memref<64x512xf32, #tpu.memory_space<vmem>>, vector<16xf32>,
        %parallel_loop3A_454 = arith.constant 72 : i32
        %parallel_loop3A_455 = vector.broadcast %parallel_loop3A_454 : i32 to vector<16xi32>
        %parallel_loop3A_456 = arith.addi %parallel_loop3A_93, %parallel_loop3A_455 : vector<16xi32>
        %parallel_loop3A_457 = tpu.vector_load_idx %arg8[%parallel_loop3A_456] : memref<128xf32, #tpu.memory_space<vmem>>[vector<16xi32>], vector<16xf32>,
        %parallel_loop3A_458 = arith.constant 16 : i32
        %parallel_loop3A_459 = arith.muli %parallel_loop3A_86, %parallel_loop3A_458 : i32
        %parallel_loop3A_460 = arith.constant 36 : i32
        %parallel_loop3A_461 = arith.index_cast %parallel_loop3A_460 : i32 to index
        %parallel_loop3A_462 = arith.index_cast %parallel_loop3A_459 : i32 to index
        %parallel_loop3A_463 = tpu.vector_load %arg6[%parallel_loop3A_461, %parallel_loop3A_462] {strides = array<i32>} : memref<64x512xf32, #tpu.memory_space<vmem>>, vector<16xf32>,
        tpu.vector_store %arg6[%parallel_loop3A_461, %parallel_loop3A_462], %parallel_loop3A_457 {strides = array<i32>} : memref<64x512xf32, #tpu.memory_space<vmem>>, vector<16xf32>,
        %parallel_loop3A_464 = arith.constant 74 : i32
        %parallel_loop3A_465 = vector.broadcast %parallel_loop3A_464 : i32 to vector<16xi32>
        %parallel_loop3A_466 = arith.addi %parallel_loop3A_93, %parallel_loop3A_465 : vector<16xi32>
        %parallel_loop3A_467 = tpu.vector_load_idx %arg8[%parallel_loop3A_466] : memref<128xf32, #tpu.memory_space<vmem>>[vector<16xi32>], vector<16xf32>,
        %parallel_loop3A_468 = arith.constant 16 : i32
        %parallel_loop3A_469 = arith.muli %parallel_loop3A_86, %parallel_loop3A_468 : i32
        %parallel_loop3A_470 = arith.constant 37 : i32
        %parallel_loop3A_471 = arith.index_cast %parallel_loop3A_470 : i32 to index
        %parallel_loop3A_472 = arith.index_cast %parallel_loop3A_469 : i32 to index
        %parallel_loop3A_473 = tpu.vector_load %arg6[%parallel_loop3A_471, %parallel_loop3A_472] {strides = array<i32>} : memref<64x512xf32, #tpu.memory_space<vmem>>, vector<16xf32>,
        tpu.vector_store %arg6[%parallel_loop3A_471, %parallel_loop3A_472], %parallel_loop3A_467 {strides = array<i32>} : memref<64x512xf32, #tpu.memory_space<vmem>>, vector<16xf32>,
        %parallel_loop3A_474 = arith.constant 76 : i32
        %parallel_loop3A_475 = vector.broadcast %parallel_loop3A_474 : i32 to vector<16xi32>
        %parallel_loop3A_476 = arith.addi %parallel_loop3A_93, %parallel_loop3A_475 : vector<16xi32>
        %parallel_loop3A_477 = tpu.vector_load_idx %arg8[%parallel_loop3A_476] : memref<128xf32, #tpu.memory_space<vmem>>[vector<16xi32>], vector<16xf32>,
        %parallel_loop3A_478 = arith.constant 16 : i32
        %parallel_loop3A_479 = arith.muli %parallel_loop3A_86, %parallel_loop3A_478 : i32
        %parallel_loop3A_480 = arith.constant 38 : i32
        %parallel_loop3A_481 = arith.index_cast %parallel_loop3A_480 : i32 to index
        %parallel_loop3A_482 = arith.index_cast %parallel_loop3A_479 : i32 to index
        %parallel_loop3A_483 = tpu.vector_load %arg6[%parallel_loop3A_481, %parallel_loop3A_482] {strides = array<i32>} : memref<64x512xf32, #tpu.memory_space<vmem>>, vector<16xf32>,
        tpu.vector_store %arg6[%parallel_loop3A_481, %parallel_loop3A_482], %parallel_loop3A_477 {strides = array<i32>} : memref<64x512xf32, #tpu.memory_space<vmem>>, vector<16xf32>,
        %parallel_loop3A_484 = arith.constant 78 : i32
        %parallel_loop3A_485 = vector.broadcast %parallel_loop3A_484 : i32 to vector<16xi32>
        %parallel_loop3A_486 = arith.addi %parallel_loop3A_93, %parallel_loop3A_485 : vector<16xi32>
        %parallel_loop3A_487 = tpu.vector_load_idx %arg8[%parallel_loop3A_486] : memref<128xf32, #tpu.memory_space<vmem>>[vector<16xi32>], vector<16xf32>,
        %parallel_loop3A_488 = arith.constant 16 : i32
        %parallel_loop3A_489 = arith.muli %parallel_loop3A_86, %parallel_loop3A_488 : i32
        %parallel_loop3A_490 = arith.constant 39 : i32
        %parallel_loop3A_491 = arith.index_cast %parallel_loop3A_490 : i32 to index
        %parallel_loop3A_492 = arith.index_cast %parallel_loop3A_489 : i32 to index
        %parallel_loop3A_493 = tpu.vector_load %arg6[%parallel_loop3A_491, %parallel_loop3A_492] {strides = array<i32>} : memref<64x512xf32, #tpu.memory_space<vmem>>, vector<16xf32>,
        tpu.vector_store %arg6[%parallel_loop3A_491, %parallel_loop3A_492], %parallel_loop3A_487 {strides = array<i32>} : memref<64x512xf32, #tpu.memory_space<vmem>>, vector<16xf32>,
        %parallel_loop3A_494 = arith.constant 80 : i32
        %parallel_loop3A_495 = vector.broadcast %parallel_loop3A_494 : i32 to vector<16xi32>
        %parallel_loop3A_496 = arith.addi %parallel_loop3A_93, %parallel_loop3A_495 : vector<16xi32>
        %parallel_loop3A_497 = tpu.vector_load_idx %arg8[%parallel_loop3A_496] : memref<128xf32, #tpu.memory_space<vmem>>[vector<16xi32>], vector<16xf32>,
        %parallel_loop3A_498 = arith.constant 16 : i32
        %parallel_loop3A_499 = arith.muli %parallel_loop3A_86, %parallel_loop3A_498 : i32
        %parallel_loop3A_500 = arith.constant 40 : i32
        %parallel_loop3A_501 = arith.index_cast %parallel_loop3A_500 : i32 to index
        %parallel_loop3A_502 = arith.index_cast %parallel_loop3A_499 : i32 to index
        %parallel_loop3A_503 = tpu.vector_load %arg6[%parallel_loop3A_501, %parallel_loop3A_502] {strides = array<i32>} : memref<64x512xf32, #tpu.memory_space<vmem>>, vector<16xf32>,
        tpu.vector_store %arg6[%parallel_loop3A_501, %parallel_loop3A_502], %parallel_loop3A_497 {strides = array<i32>} : memref<64x512xf32, #tpu.memory_space<vmem>>, vector<16xf32>,
        %parallel_loop3A_504 = arith.constant 82 : i32
        %parallel_loop3A_505 = vector.broadcast %parallel_loop3A_504 : i32 to vector<16xi32>
        %parallel_loop3A_506 = arith.addi %parallel_loop3A_93, %parallel_loop3A_505 : vector<16xi32>
        %parallel_loop3A_507 = tpu.vector_load_idx %arg8[%parallel_loop3A_506] : memref<128xf32, #tpu.memory_space<vmem>>[vector<16xi32>], vector<16xf32>,
        %parallel_loop3A_508 = arith.constant 16 : i32
        %parallel_loop3A_509 = arith.muli %parallel_loop3A_86, %parallel_loop3A_508 : i32
        %parallel_loop3A_510 = arith.constant 41 : i32
        %parallel_loop3A_511 = arith.index_cast %parallel_loop3A_510 : i32 to index
        %parallel_loop3A_512 = arith.index_cast %parallel_loop3A_509 : i32 to index
        %parallel_loop3A_513 = tpu.vector_load %arg6[%parallel_loop3A_511, %parallel_loop3A_512] {strides = array<i32>} : memref<64x512xf32, #tpu.memory_space<vmem>>, vector<16xf32>,
        tpu.vector_store %arg6[%parallel_loop3A_511, %parallel_loop3A_512], %parallel_loop3A_507 {strides = array<i32>} : memref<64x512xf32, #tpu.memory_space<vmem>>, vector<16xf32>,
        %parallel_loop3A_514 = arith.constant 84 : i32
        %parallel_loop3A_515 = vector.broadcast %parallel_loop3A_514 : i32 to vector<16xi32>
        %parallel_loop3A_516 = arith.addi %parallel_loop3A_93, %parallel_loop3A_515 : vector<16xi32>
        %parallel_loop3A_517 = tpu.vector_load_idx %arg8[%parallel_loop3A_516] : memref<128xf32, #tpu.memory_space<vmem>>[vector<16xi32>], vector<16xf32>,
        %parallel_loop3A_518 = arith.constant 16 : i32
        %parallel_loop3A_519 = arith.muli %parallel_loop3A_86, %parallel_loop3A_518 : i32
        %parallel_loop3A_520 = arith.constant 42 : i32
        %parallel_loop3A_521 = arith.index_cast %parallel_loop3A_520 : i32 to index
        %parallel_loop3A_522 = arith.index_cast %parallel_loop3A_519 : i32 to index
        %parallel_loop3A_523 = tpu.vector_load %arg6[%parallel_loop3A_521, %parallel_loop3A_522] {strides = array<i32>} : memref<64x512xf32, #tpu.memory_space<vmem>>, vector<16xf32>,
        tpu.vector_store %arg6[%parallel_loop3A_521, %parallel_loop3A_522], %parallel_loop3A_517 {strides = array<i32>} : memref<64x512xf32, #tpu.memory_space<vmem>>, vector<16xf32>,
        %parallel_loop3A_524 = arith.constant 86 : i32
        %parallel_loop3A_525 = vector.broadcast %parallel_loop3A_524 : i32 to vector<16xi32>
        %parallel_loop3A_526 = arith.addi %parallel_loop3A_93, %parallel_loop3A_525 : vector<16xi32>
        %parallel_loop3A_527 = tpu.vector_load_idx %arg8[%parallel_loop3A_526] : memref<128xf32, #tpu.memory_space<vmem>>[vector<16xi32>], vector<16xf32>,
        %parallel_loop3A_528 = arith.constant 16 : i32
        %parallel_loop3A_529 = arith.muli %parallel_loop3A_86, %parallel_loop3A_528 : i32
        %parallel_loop3A_530 = arith.constant 43 : i32
        %parallel_loop3A_531 = arith.index_cast %parallel_loop3A_530 : i32 to index
        %parallel_loop3A_532 = arith.index_cast %parallel_loop3A_529 : i32 to index
        %parallel_loop3A_533 = tpu.vector_load %arg6[%parallel_loop3A_531, %parallel_loop3A_532] {strides = array<i32>} : memref<64x512xf32, #tpu.memory_space<vmem>>, vector<16xf32>,
        tpu.vector_store %arg6[%parallel_loop3A_531, %parallel_loop3A_532], %parallel_loop3A_527 {strides = array<i32>} : memref<64x512xf32, #tpu.memory_space<vmem>>, vector<16xf32>,
        %parallel_loop3A_534 = arith.constant 88 : i32
        %parallel_loop3A_535 = vector.broadcast %parallel_loop3A_534 : i32 to vector<16xi32>
        %parallel_loop3A_536 = arith.addi %parallel_loop3A_93, %parallel_loop3A_535 : vector<16xi32>
        %parallel_loop3A_537 = tpu.vector_load_idx %arg8[%parallel_loop3A_536] : memref<128xf32, #tpu.memory_space<vmem>>[vector<16xi32>], vector<16xf32>,
        %parallel_loop3A_538 = arith.constant 16 : i32
        %parallel_loop3A_539 = arith.muli %parallel_loop3A_86, %parallel_loop3A_538 : i32
        %parallel_loop3A_540 = arith.constant 44 : i32
        %parallel_loop3A_541 = arith.index_cast %parallel_loop3A_540 : i32 to index
        %parallel_loop3A_542 = arith.index_cast %parallel_loop3A_539 : i32 to index
        %parallel_loop3A_543 = tpu.vector_load %arg6[%parallel_loop3A_541, %parallel_loop3A_542] {strides = array<i32>} : memref<64x512xf32, #tpu.memory_space<vmem>>, vector<16xf32>,
        tpu.vector_store %arg6[%parallel_loop3A_541, %parallel_loop3A_542], %parallel_loop3A_537 {strides = array<i32>} : memref<64x512xf32, #tpu.memory_space<vmem>>, vector<16xf32>,
        %parallel_loop3A_544 = arith.constant 90 : i32
        %parallel_loop3A_545 = vector.broadcast %parallel_loop3A_544 : i32 to vector<16xi32>
        %parallel_loop3A_546 = arith.addi %parallel_loop3A_93, %parallel_loop3A_545 : vector<16xi32>
        %parallel_loop3A_547 = tpu.vector_load_idx %arg8[%parallel_loop3A_546] : memref<128xf32, #tpu.memory_space<vmem>>[vector<16xi32>], vector<16xf32>,
        %parallel_loop3A_548 = arith.constant 16 : i32
        %parallel_loop3A_549 = arith.muli %parallel_loop3A_86, %parallel_loop3A_548 : i32
        %parallel_loop3A_550 = arith.constant 45 : i32
        %parallel_loop3A_551 = arith.index_cast %parallel_loop3A_550 : i32 to index
        %parallel_loop3A_552 = arith.index_cast %parallel_loop3A_549 : i32 to index
        %parallel_loop3A_553 = tpu.vector_load %arg6[%parallel_loop3A_551, %parallel_loop3A_552] {strides = array<i32>} : memref<64x512xf32, #tpu.memory_space<vmem>>, vector<16xf32>,
        tpu.vector_store %arg6[%parallel_loop3A_551, %parallel_loop3A_552], %parallel_loop3A_547 {strides = array<i32>} : memref<64x512xf32, #tpu.memory_space<vmem>>, vector<16xf32>,
        %parallel_loop3A_554 = arith.constant 92 : i32
        %parallel_loop3A_555 = vector.broadcast %parallel_loop3A_554 : i32 to vector<16xi32>
        %parallel_loop3A_556 = arith.addi %parallel_loop3A_93, %parallel_loop3A_555 : vector<16xi32>
        %parallel_loop3A_557 = tpu.vector_load_idx %arg8[%parallel_loop3A_556] : memref<128xf32, #tpu.memory_space<vmem>>[vector<16xi32>], vector<16xf32>,
        %parallel_loop3A_558 = arith.constant 16 : i32
        %parallel_loop3A_559 = arith.muli %parallel_loop3A_86, %parallel_loop3A_558 : i32
        %parallel_loop3A_560 = arith.constant 46 : i32
        %parallel_loop3A_561 = arith.index_cast %parallel_loop3A_560 : i32 to index
        %parallel_loop3A_562 = arith.index_cast %parallel_loop3A_559 : i32 to index
        %parallel_loop3A_563 = tpu.vector_load %arg6[%parallel_loop3A_561, %parallel_loop3A_562] {strides = array<i32>} : memref<64x512xf32, #tpu.memory_space<vmem>>, vector<16xf32>,
        tpu.vector_store %arg6[%parallel_loop3A_561, %parallel_loop3A_562], %parallel_loop3A_557 {strides = array<i32>} : memref<64x512xf32, #tpu.memory_space<vmem>>, vector<16xf32>,
        %parallel_loop3A_564 = arith.constant 94 : i32
        %parallel_loop3A_565 = vector.broadcast %parallel_loop3A_564 : i32 to vector<16xi32>
        %parallel_loop3A_566 = arith.addi %parallel_loop3A_93, %parallel_loop3A_565 : vector<16xi32>
        %parallel_loop3A_567 = tpu.vector_load_idx %arg8[%parallel_loop3A_566] : memref<128xf32, #tpu.memory_space<vmem>>[vector<16xi32>], vector<16xf32>,
        %parallel_loop3A_568 = arith.constant 16 : i32
        %parallel_loop3A_569 = arith.muli %parallel_loop3A_86, %parallel_loop3A_568 : i32
        %parallel_loop3A_570 = arith.constant 47 : i32
        %parallel_loop3A_571 = arith.index_cast %parallel_loop3A_570 : i32 to index
        %parallel_loop3A_572 = arith.index_cast %parallel_loop3A_569 : i32 to index
        %parallel_loop3A_573 = tpu.vector_load %arg6[%parallel_loop3A_571, %parallel_loop3A_572] {strides = array<i32>} : memref<64x512xf32, #tpu.memory_space<vmem>>, vector<16xf32>,
        tpu.vector_store %arg6[%parallel_loop3A_571, %parallel_loop3A_572], %parallel_loop3A_567 {strides = array<i32>} : memref<64x512xf32, #tpu.memory_space<vmem>>, vector<16xf32>,
        %parallel_loop3A_574 = arith.constant 96 : i32
        %parallel_loop3A_575 = vector.broadcast %parallel_loop3A_574 : i32 to vector<16xi32>
        %parallel_loop3A_576 = arith.addi %parallel_loop3A_93, %parallel_loop3A_575 : vector<16xi32>
        %parallel_loop3A_577 = tpu.vector_load_idx %arg8[%parallel_loop3A_576] : memref<128xf32, #tpu.memory_space<vmem>>[vector<16xi32>], vector<16xf32>,
        %parallel_loop3A_578 = arith.constant 16 : i32
        %parallel_loop3A_579 = arith.muli %parallel_loop3A_86, %parallel_loop3A_578 : i32
        %parallel_loop3A_580 = arith.constant 48 : i32
        %parallel_loop3A_581 = arith.index_cast %parallel_loop3A_580 : i32 to index
        %parallel_loop3A_582 = arith.index_cast %parallel_loop3A_579 : i32 to index
        %parallel_loop3A_583 = tpu.vector_load %arg6[%parallel_loop3A_581, %parallel_loop3A_582] {strides = array<i32>} : memref<64x512xf32, #tpu.memory_space<vmem>>, vector<16xf32>,
        tpu.vector_store %arg6[%parallel_loop3A_581, %parallel_loop3A_582], %parallel_loop3A_577 {strides = array<i32>} : memref<64x512xf32, #tpu.memory_space<vmem>>, vector<16xf32>,
        %parallel_loop3A_584 = arith.constant 98 : i32
        %parallel_loop3A_585 = vector.broadcast %parallel_loop3A_584 : i32 to vector<16xi32>
        %parallel_loop3A_586 = arith.addi %parallel_loop3A_93, %parallel_loop3A_585 : vector<16xi32>
        %parallel_loop3A_587 = tpu.vector_load_idx %arg8[%parallel_loop3A_586] : memref<128xf32, #tpu.memory_space<vmem>>[vector<16xi32>], vector<16xf32>,
        %parallel_loop3A_588 = arith.constant 16 : i32
        %parallel_loop3A_589 = arith.muli %parallel_loop3A_86, %parallel_loop3A_588 : i32
        %parallel_loop3A_590 = arith.constant 49 : i32
        %parallel_loop3A_591 = arith.index_cast %parallel_loop3A_590 : i32 to index
        %parallel_loop3A_592 = arith.index_cast %parallel_loop3A_589 : i32 to index
        %parallel_loop3A_593 = tpu.vector_load %arg6[%parallel_loop3A_591, %parallel_loop3A_592] {strides = array<i32>} : memref<64x512xf32, #tpu.memory_space<vmem>>, vector<16xf32>,
        tpu.vector_store %arg6[%parallel_loop3A_591, %parallel_loop3A_592], %parallel_loop3A_587 {strides = array<i32>} : memref<64x512xf32, #tpu.memory_space<vmem>>, vector<16xf32>,
        %parallel_loop3A_594 = arith.constant 100 : i32
        %parallel_loop3A_595 = vector.broadcast %parallel_loop3A_594 : i32 to vector<16xi32>
        %parallel_loop3A_596 = arith.addi %parallel_loop3A_93, %parallel_loop3A_595 : vector<16xi32>
        %parallel_loop3A_597 = tpu.vector_load_idx %arg8[%parallel_loop3A_596] : memref<128xf32, #tpu.memory_space<vmem>>[vector<16xi32>], vector<16xf32>,
        %parallel_loop3A_598 = arith.constant 16 : i32
        %parallel_loop3A_599 = arith.muli %parallel_loop3A_86, %parallel_loop3A_598 : i32
        %parallel_loop3A_600 = arith.constant 50 : i32
        %parallel_loop3A_601 = arith.index_cast %parallel_loop3A_600 : i32 to index
        %parallel_loop3A_602 = arith.index_cast %parallel_loop3A_599 : i32 to index
        %parallel_loop3A_603 = tpu.vector_load %arg6[%parallel_loop3A_601, %parallel_loop3A_602] {strides = array<i32>} : memref<64x512xf32, #tpu.memory_space<vmem>>, vector<16xf32>,
        tpu.vector_store %arg6[%parallel_loop3A_601, %parallel_loop3A_602], %parallel_loop3A_597 {strides = array<i32>} : memref<64x512xf32, #tpu.memory_space<vmem>>, vector<16xf32>,
        %parallel_loop3A_604 = arith.constant 102 : i32
        %parallel_loop3A_605 = vector.broadcast %parallel_loop3A_604 : i32 to vector<16xi32>
        %parallel_loop3A_606 = arith.addi %parallel_loop3A_93, %parallel_loop3A_605 : vector<16xi32>
        %parallel_loop3A_607 = tpu.vector_load_idx %arg8[%parallel_loop3A_606] : memref<128xf32, #tpu.memory_space<vmem>>[vector<16xi32>], vector<16xf32>,
        %parallel_loop3A_608 = arith.constant 16 : i32
        %parallel_loop3A_609 = arith.muli %parallel_loop3A_86, %parallel_loop3A_608 : i32
        %parallel_loop3A_610 = arith.constant 51 : i32
        %parallel_loop3A_611 = arith.index_cast %parallel_loop3A_610 : i32 to index
        %parallel_loop3A_612 = arith.index_cast %parallel_loop3A_609 : i32 to index
        %parallel_loop3A_613 = tpu.vector_load %arg6[%parallel_loop3A_611, %parallel_loop3A_612] {strides = array<i32>} : memref<64x512xf32, #tpu.memory_space<vmem>>, vector<16xf32>,
        tpu.vector_store %arg6[%parallel_loop3A_611, %parallel_loop3A_612], %parallel_loop3A_607 {strides = array<i32>} : memref<64x512xf32, #tpu.memory_space<vmem>>, vector<16xf32>,
        %parallel_loop3A_614 = arith.constant 104 : i32
        %parallel_loop3A_615 = vector.broadcast %parallel_loop3A_614 : i32 to vector<16xi32>
        %parallel_loop3A_616 = arith.addi %parallel_loop3A_93, %parallel_loop3A_615 : vector<16xi32>
        %parallel_loop3A_617 = tpu.vector_load_idx %arg8[%parallel_loop3A_616] : memref<128xf32, #tpu.memory_space<vmem>>[vector<16xi32>], vector<16xf32>,
        %parallel_loop3A_618 = arith.constant 16 : i32
        %parallel_loop3A_619 = arith.muli %parallel_loop3A_86, %parallel_loop3A_618 : i32
        %parallel_loop3A_620 = arith.constant 52 : i32
        %parallel_loop3A_621 = arith.index_cast %parallel_loop3A_620 : i32 to index
        %parallel_loop3A_622 = arith.index_cast %parallel_loop3A_619 : i32 to index
        %parallel_loop3A_623 = tpu.vector_load %arg6[%parallel_loop3A_621, %parallel_loop3A_622] {strides = array<i32>} : memref<64x512xf32, #tpu.memory_space<vmem>>, vector<16xf32>,
        tpu.vector_store %arg6[%parallel_loop3A_621, %parallel_loop3A_622], %parallel_loop3A_617 {strides = array<i32>} : memref<64x512xf32, #tpu.memory_space<vmem>>, vector<16xf32>,
        %parallel_loop3A_624 = arith.constant 106 : i32
        %parallel_loop3A_625 = vector.broadcast %parallel_loop3A_624 : i32 to vector<16xi32>
        %parallel_loop3A_626 = arith.addi %parallel_loop3A_93, %parallel_loop3A_625 : vector<16xi32>
        %parallel_loop3A_627 = tpu.vector_load_idx %arg8[%parallel_loop3A_626] : memref<128xf32, #tpu.memory_space<vmem>>[vector<16xi32>], vector<16xf32>,
        %parallel_loop3A_628 = arith.constant 16 : i32
        %parallel_loop3A_629 = arith.muli %parallel_loop3A_86, %parallel_loop3A_628 : i32
        %parallel_loop3A_630 = arith.constant 53 : i32
        %parallel_loop3A_631 = arith.index_cast %parallel_loop3A_630 : i32 to index
        %parallel_loop3A_632 = arith.index_cast %parallel_loop3A_629 : i32 to index
        %parallel_loop3A_633 = tpu.vector_load %arg6[%parallel_loop3A_631, %parallel_loop3A_632] {strides = array<i32>} : memref<64x512xf32, #tpu.memory_space<vmem>>, vector<16xf32>,
        tpu.vector_store %arg6[%parallel_loop3A_631, %parallel_loop3A_632], %parallel_loop3A_627 {strides = array<i32>} : memref<64x512xf32, #tpu.memory_space<vmem>>, vector<16xf32>,
        %parallel_loop3A_634 = arith.constant 108 : i32
        %parallel_loop3A_635 = vector.broadcast %parallel_loop3A_634 : i32 to vector<16xi32>
        %parallel_loop3A_636 = arith.addi %parallel_loop3A_93, %parallel_loop3A_635 : vector<16xi32>
        %parallel_loop3A_637 = tpu.vector_load_idx %arg8[%parallel_loop3A_636] : memref<128xf32, #tpu.memory_space<vmem>>[vector<16xi32>], vector<16xf32>,
        %parallel_loop3A_638 = arith.constant 16 : i32
        %parallel_loop3A_639 = arith.muli %parallel_loop3A_86, %parallel_loop3A_638 : i32
        %parallel_loop3A_640 = arith.constant 54 : i32
        %parallel_loop3A_641 = arith.index_cast %parallel_loop3A_640 : i32 to index
        %parallel_loop3A_642 = arith.index_cast %parallel_loop3A_639 : i32 to index
        %parallel_loop3A_643 = tpu.vector_load %arg6[%parallel_loop3A_641, %parallel_loop3A_642] {strides = array<i32>} : memref<64x512xf32, #tpu.memory_space<vmem>>, vector<16xf32>,
        tpu.vector_store %arg6[%parallel_loop3A_641, %parallel_loop3A_642], %parallel_loop3A_637 {strides = array<i32>} : memref<64x512xf32, #tpu.memory_space<vmem>>, vector<16xf32>,
        %parallel_loop3A_644 = arith.constant 110 : i32
        %parallel_loop3A_645 = vector.broadcast %parallel_loop3A_644 : i32 to vector<16xi32>
        %parallel_loop3A_646 = arith.addi %parallel_loop3A_93, %parallel_loop3A_645 : vector<16xi32>
        %parallel_loop3A_647 = tpu.vector_load_idx %arg8[%parallel_loop3A_646] : memref<128xf32, #tpu.memory_space<vmem>>[vector<16xi32>], vector<16xf32>,
        %parallel_loop3A_648 = arith.constant 16 : i32
        %parallel_loop3A_649 = arith.muli %parallel_loop3A_86, %parallel_loop3A_648 : i32
        %parallel_loop3A_650 = arith.constant 55 : i32
        %parallel_loop3A_651 = arith.index_cast %parallel_loop3A_650 : i32 to index
        %parallel_loop3A_652 = arith.index_cast %parallel_loop3A_649 : i32 to index
        %parallel_loop3A_653 = tpu.vector_load %arg6[%parallel_loop3A_651, %parallel_loop3A_652] {strides = array<i32>} : memref<64x512xf32, #tpu.memory_space<vmem>>, vector<16xf32>,
        tpu.vector_store %arg6[%parallel_loop3A_651, %parallel_loop3A_652], %parallel_loop3A_647 {strides = array<i32>} : memref<64x512xf32, #tpu.memory_space<vmem>>, vector<16xf32>,
        %parallel_loop3A_654 = arith.constant 112 : i32
        %parallel_loop3A_655 = vector.broadcast %parallel_loop3A_654 : i32 to vector<16xi32>
        %parallel_loop3A_656 = arith.addi %parallel_loop3A_93, %parallel_loop3A_655 : vector<16xi32>
        %parallel_loop3A_657 = tpu.vector_load_idx %arg8[%parallel_loop3A_656] : memref<128xf32, #tpu.memory_space<vmem>>[vector<16xi32>], vector<16xf32>,
        %parallel_loop3A_658 = arith.constant 16 : i32
        %parallel_loop3A_659 = arith.muli %parallel_loop3A_86, %parallel_loop3A_658 : i32
        %parallel_loop3A_660 = arith.constant 56 : i32
        %parallel_loop3A_661 = arith.index_cast %parallel_loop3A_660 : i32 to index
        %parallel_loop3A_662 = arith.index_cast %parallel_loop3A_659 : i32 to index
        %parallel_loop3A_663 = tpu.vector_load %arg6[%parallel_loop3A_661, %parallel_loop3A_662] {strides = array<i32>} : memref<64x512xf32, #tpu.memory_space<vmem>>, vector<16xf32>,
        tpu.vector_store %arg6[%parallel_loop3A_661, %parallel_loop3A_662], %parallel_loop3A_657 {strides = array<i32>} : memref<64x512xf32, #tpu.memory_space<vmem>>, vector<16xf32>,
        %parallel_loop3A_664 = arith.constant 114 : i32
        %parallel_loop3A_665 = vector.broadcast %parallel_loop3A_664 : i32 to vector<16xi32>
        %parallel_loop3A_666 = arith.addi %parallel_loop3A_93, %parallel_loop3A_665 : vector<16xi32>
        %parallel_loop3A_667 = tpu.vector_load_idx %arg8[%parallel_loop3A_666] : memref<128xf32, #tpu.memory_space<vmem>>[vector<16xi32>], vector<16xf32>,
        %parallel_loop3A_668 = arith.constant 16 : i32
        %parallel_loop3A_669 = arith.muli %parallel_loop3A_86, %parallel_loop3A_668 : i32
        %parallel_loop3A_670 = arith.constant 57 : i32
        %parallel_loop3A_671 = arith.index_cast %parallel_loop3A_670 : i32 to index
        %parallel_loop3A_672 = arith.index_cast %parallel_loop3A_669 : i32 to index
        %parallel_loop3A_673 = tpu.vector_load %arg6[%parallel_loop3A_671, %parallel_loop3A_672] {strides = array<i32>} : memref<64x512xf32, #tpu.memory_space<vmem>>, vector<16xf32>,
        tpu.vector_store %arg6[%parallel_loop3A_671, %parallel_loop3A_672], %parallel_loop3A_667 {strides = array<i32>} : memref<64x512xf32, #tpu.memory_space<vmem>>, vector<16xf32>,
        %parallel_loop3A_674 = arith.constant 116 : i32
        %parallel_loop3A_675 = vector.broadcast %parallel_loop3A_674 : i32 to vector<16xi32>
        %parallel_loop3A_676 = arith.addi %parallel_loop3A_93, %parallel_loop3A_675 : vector<16xi32>
        %parallel_loop3A_677 = tpu.vector_load_idx %arg8[%parallel_loop3A_676] : memref<128xf32, #tpu.memory_space<vmem>>[vector<16xi32>], vector<16xf32>,
        %parallel_loop3A_678 = arith.constant 16 : i32
        %parallel_loop3A_679 = arith.muli %parallel_loop3A_86, %parallel_loop3A_678 : i32
        %parallel_loop3A_680 = arith.constant 58 : i32
        %parallel_loop3A_681 = arith.index_cast %parallel_loop3A_680 : i32 to index
        %parallel_loop3A_682 = arith.index_cast %parallel_loop3A_679 : i32 to index
        %parallel_loop3A_683 = tpu.vector_load %arg6[%parallel_loop3A_681, %parallel_loop3A_682] {strides = array<i32>} : memref<64x512xf32, #tpu.memory_space<vmem>>, vector<16xf32>,
        tpu.vector_store %arg6[%parallel_loop3A_681, %parallel_loop3A_682], %parallel_loop3A_677 {strides = array<i32>} : memref<64x512xf32, #tpu.memory_space<vmem>>, vector<16xf32>,
        %parallel_loop3A_684 = arith.constant 118 : i32
        %parallel_loop3A_685 = vector.broadcast %parallel_loop3A_684 : i32 to vector<16xi32>
        %parallel_loop3A_686 = arith.addi %parallel_loop3A_93, %parallel_loop3A_685 : vector<16xi32>
        %parallel_loop3A_687 = tpu.vector_load_idx %arg8[%parallel_loop3A_686] : memref<128xf32, #tpu.memory_space<vmem>>[vector<16xi32>], vector<16xf32>,
        %parallel_loop3A_688 = arith.constant 16 : i32
        %parallel_loop3A_689 = arith.muli %parallel_loop3A_86, %parallel_loop3A_688 : i32
        %parallel_loop3A_690 = arith.constant 59 : i32
        %parallel_loop3A_691 = arith.index_cast %parallel_loop3A_690 : i32 to index
        %parallel_loop3A_692 = arith.index_cast %parallel_loop3A_689 : i32 to index
        %parallel_loop3A_693 = tpu.vector_load %arg6[%parallel_loop3A_691, %parallel_loop3A_692] {strides = array<i32>} : memref<64x512xf32, #tpu.memory_space<vmem>>, vector<16xf32>,
        tpu.vector_store %arg6[%parallel_loop3A_691, %parallel_loop3A_692], %parallel_loop3A_687 {strides = array<i32>} : memref<64x512xf32, #tpu.memory_space<vmem>>, vector<16xf32>,
        %parallel_loop3A_694 = arith.constant 120 : i32
        %parallel_loop3A_695 = vector.broadcast %parallel_loop3A_694 : i32 to vector<16xi32>
        %parallel_loop3A_696 = arith.addi %parallel_loop3A_93, %parallel_loop3A_695 : vector<16xi32>
        %parallel_loop3A_697 = tpu.vector_load_idx %arg8[%parallel_loop3A_696] : memref<128xf32, #tpu.memory_space<vmem>>[vector<16xi32>], vector<16xf32>,
        %parallel_loop3A_698 = arith.constant 16 : i32
        %parallel_loop3A_699 = arith.muli %parallel_loop3A_86, %parallel_loop3A_698 : i32
        %parallel_loop3A_700 = arith.constant 60 : i32
        %parallel_loop3A_701 = arith.index_cast %parallel_loop3A_700 : i32 to index
        %parallel_loop3A_702 = arith.index_cast %parallel_loop3A_699 : i32 to index
        %parallel_loop3A_703 = tpu.vector_load %arg6[%parallel_loop3A_701, %parallel_loop3A_702] {strides = array<i32>} : memref<64x512xf32, #tpu.memory_space<vmem>>, vector<16xf32>,
        tpu.vector_store %arg6[%parallel_loop3A_701, %parallel_loop3A_702], %parallel_loop3A_697 {strides = array<i32>} : memref<64x512xf32, #tpu.memory_space<vmem>>, vector<16xf32>,
        %parallel_loop3A_704 = arith.constant 122 : i32
        %parallel_loop3A_705 = vector.broadcast %parallel_loop3A_704 : i32 to vector<16xi32>
        %parallel_loop3A_706 = arith.addi %parallel_loop3A_93, %parallel_loop3A_705 : vector<16xi32>
        %parallel_loop3A_707 = tpu.vector_load_idx %arg8[%parallel_loop3A_706] : memref<128xf32, #tpu.memory_space<vmem>>[vector<16xi32>], vector<16xf32>,
        %parallel_loop3A_708 = arith.constant 16 : i32
        %parallel_loop3A_709 = arith.muli %parallel_loop3A_86, %parallel_loop3A_708 : i32
        %parallel_loop3A_710 = arith.constant 61 : i32
        %parallel_loop3A_711 = arith.index_cast %parallel_loop3A_710 : i32 to index
        %parallel_loop3A_712 = arith.index_cast %parallel_loop3A_709 : i32 to index
        %parallel_loop3A_713 = tpu.vector_load %arg6[%parallel_loop3A_711, %parallel_loop3A_712] {strides = array<i32>} : memref<64x512xf32, #tpu.memory_space<vmem>>, vector<16xf32>,
        tpu.vector_store %arg6[%parallel_loop3A_711, %parallel_loop3A_712], %parallel_loop3A_707 {strides = array<i32>} : memref<64x512xf32, #tpu.memory_space<vmem>>, vector<16xf32>,
        %parallel_loop3A_714 = arith.constant 124 : i32
        %parallel_loop3A_715 = vector.broadcast %parallel_loop3A_714 : i32 to vector<16xi32>
        %parallel_loop3A_716 = arith.addi %parallel_loop3A_93, %parallel_loop3A_715 : vector<16xi32>
        %parallel_loop3A_717 = tpu.vector_load_idx %arg8[%parallel_loop3A_716] : memref<128xf32, #tpu.memory_space<vmem>>[vector<16xi32>], vector<16xf32>,
        %parallel_loop3A_718 = arith.constant 16 : i32
        %parallel_loop3A_719 = arith.muli %parallel_loop3A_86, %parallel_loop3A_718 : i32
        %parallel_loop3A_720 = arith.constant 62 : i32
        %parallel_loop3A_721 = arith.index_cast %parallel_loop3A_720 : i32 to index
        %parallel_loop3A_722 = arith.index_cast %parallel_loop3A_719 : i32 to index
        %parallel_loop3A_723 = tpu.vector_load %arg6[%parallel_loop3A_721, %parallel_loop3A_722] {strides = array<i32>} : memref<64x512xf32, #tpu.memory_space<vmem>>, vector<16xf32>,
        tpu.vector_store %arg6[%parallel_loop3A_721, %parallel_loop3A_722], %parallel_loop3A_717 {strides = array<i32>} : memref<64x512xf32, #tpu.memory_space<vmem>>, vector<16xf32>,
        %parallel_loop3A_724 = arith.constant 126 : i32
        %parallel_loop3A_725 = vector.broadcast %parallel_loop3A_724 : i32 to vector<16xi32>
        %parallel_loop3A_726 = arith.addi %parallel_loop3A_93, %parallel_loop3A_725 : vector<16xi32>
        %parallel_loop3A_727 = tpu.vector_load_idx %arg8[%parallel_loop3A_726] : memref<128xf32, #tpu.memory_space<vmem>>[vector<16xi32>], vector<16xf32>,
        %parallel_loop3A_728 = arith.constant 16 : i32
        %parallel_loop3A_729 = arith.muli %parallel_loop3A_86, %parallel_loop3A_728 : i32
        %parallel_loop3A_730 = arith.constant 63 : i32
        %parallel_loop3A_731 = arith.index_cast %parallel_loop3A_730 : i32 to index
        %parallel_loop3A_732 = arith.index_cast %parallel_loop3A_729 : i32 to index
        %parallel_loop3A_733 = tpu.vector_load %arg6[%parallel_loop3A_731, %parallel_loop3A_732] {strides = array<i32>} : memref<64x512xf32, #tpu.memory_space<vmem>>, vector<16xf32>,
        tpu.vector_store %arg6[%parallel_loop3A_731, %parallel_loop3A_732], %parallel_loop3A_727 {strides = array<i32>} : memref<64x512xf32, #tpu.memory_space<vmem>>, vector<16xf32>,
      } {sc.loop_unroll_factor = 4 : i64, sc.parallel_access}
      %mul3A_62 = arith.constant 512 : i32
      %mul3A_63 = arith.muli %add3A_57, %mul3A_62 : i32
      %dma_start3A = tpu.memref_slice %arg4[%select_n3A, %mul3A_32, %mul3A_63] : memref<16x128x16384xf32, #tpu.memory_space<hbm>> -> memref<1x64x512xf32, #tpu.memory_space<hbm>>
      %dma_start3A_64 = tpu.memref_squeeze %dma_start3A : memref<1x64x512xf32, #tpu.memory_space<hbm>> -> memref<64x512xf32, #tpu.memory_space<hbm>>
      %dma_start3A_65 = tpu.memref_slice %arg4[%select_n3A, %mul3A_32, %mul3A_63] : memref<16x128x16384xf32, #tpu.memory_space<hbm>> -> memref<1x64x512xf32, #tpu.memory_space<hbm>>
      %dma_start3A_66 = tpu.memref_squeeze %dma_start3A_65 : memref<1x64x512xf32, #tpu.memory_space<hbm>> -> memref<64x512xf32, #tpu.memory_space<hbm>>
      tpu.enqueue_dma source(%arg6 : memref<64x512xf32, #tpu.memory_space<vmem>>) target(%dma_start3A_66 : memref<64x512xf32, #tpu.memory_space<hbm>>) target_semaphore(%arg9 : memref<!tpu.dma_semaphore, #tpu.memory_space<semaphore_mem>>)
      %mul3A_67 = arith.constant 2 : i32
      %mul3A_68 = arith.muli %scan3A_52, %mul3A_67 : i32
      %add3A_69 = arith.constant 1 : i32
      %add3A_70 = arith.addi %mul3A_68, %add3A_69 : i32
      %gt3A_71 = arith.constant 0 : i32
      %gt3A_72 = arith.cmpi sgt, %scan3A_52, %gt3A_71 : i32
      %convert_element_type3A_73 = arith.extui %gt3A_72 : i1 to i32
      %cond3A_74 = arith.constant 0 : i32
      %cond3A_75 = arith.cmpi ne, %convert_element_type3A_73, %cond3A_74 : i32
      scf.if %cond3A_75 {
        %mul3A_86 = arith.constant 512 : i32
        %mul3A_87 = arith.muli %add3A_70, %mul3A_86 : i32
        %dma_wait3A_88 = tpu.memref_slice %arg4[%select_n3A, %mul3A_32, %mul3A_87] : memref<16x128x16384xf32, #tpu.memory_space<hbm>> -> memref<1x64x512xf32, #tpu.memory_space<hbm>>
        %dma_wait3A_89 = tpu.memref_squeeze %dma_wait3A_88 : memref<1x64x512xf32, #tpu.memory_space<hbm>> -> memref<64x512xf32, #tpu.memory_space<hbm>>
        %dma_wait3A_90 = tpu.memref_slice %arg4[%select_n3A, %mul3A_32, %mul3A_87] : memref<16x128x16384xf32, #tpu.memory_space<hbm>> -> memref<1x64x512xf32, #tpu.memory_space<hbm>>
        %dma_wait3A_91 = tpu.memref_squeeze %dma_wait3A_90 : memref<1x64x512xf32, #tpu.memory_space<hbm>> -> memref<64x512xf32, #tpu.memory_space<hbm>>
        tpu.wait_dma2 semaphore(%arg10 : memref<!tpu.dma_semaphore, #tpu.memory_space<semaphore_mem>>) src(%arg7 : memref<64x512xf32, #tpu.memory_space<vmem>>) dst(%dma_wait3A_91 : memref<64x512xf32, #tpu.memory_space<hbm>>)
      } else {
      }
      %parallel_loop3A_76 = arith.constant 0 : i32
      %parallel_loop3A_77 = arith.constant 32 : i32
      %parallel_loop3A_78 = arith.constant 1 : i32
      scf.for %parallel_loop3A_86 = %parallel_loop3A_76 to %parallel_loop3A_77 step %parallel_loop3A_78  : i32 {
        %parallel_loop3A_87 = arith.constant 512 : i32
        %parallel_loop3A_88 = arith.muli %add3A_70, %parallel_loop3A_87 : i32
        %parallel_loop3A_89 = arith.constant 16 : i32
        %parallel_loop3A_90 = arith.muli %parallel_loop3A_86, %parallel_loop3A_89 : i32
        %parallel_loop3A_91 = arith.addi %parallel_loop3A_88, %parallel_loop3A_90 : i32
        %parallel_loop3A_92 = arith.index_cast %parallel_loop3A_91 : i32 to index
        %parallel_loop3A_93 = tpu.vector_load %arg5[%parallel_loop3A_92] {strides = array<i32>} : memref<16384xi32, #tpu.memory_space<vmem>>, vector<16xi32>,
        %parallel_loop3A_94 = arith.constant 0 : i32
        %parallel_loop3A_95 = vector.broadcast %parallel_loop3A_94 : i32 to vector<16xi32>
        %parallel_loop3A_96 = arith.addi %parallel_loop3A_93, %parallel_loop3A_95 : vector<16xi32>
        %parallel_loop3A_97 = tpu.vector_load_idx %arg8[%parallel_loop3A_96] : memref<128xf32, #tpu.memory_space<vmem>>[vector<16xi32>], vector<16xf32>,
        %parallel_loop3A_98 = arith.constant 16 : i32
        %parallel_loop3A_99 = arith.muli %parallel_loop3A_86, %parallel_loop3A_98 : i32
        %parallel_loop3A_100 = arith.constant 0 : i32
        %parallel_loop3A_101 = arith.index_cast %parallel_loop3A_100 : i32 to index
        %parallel_loop3A_102 = arith.index_cast %parallel_loop3A_99 : i32 to index
        %parallel_loop3A_103 = tpu.vector_load %arg7[%parallel_loop3A_101, %parallel_loop3A_102] {strides = array<i32>} : memref<64x512xf32, #tpu.memory_space<vmem>>, vector<16xf32>,
        tpu.vector_store %arg7[%parallel_loop3A_101, %parallel_loop3A_102], %parallel_loop3A_97 {strides = array<i32>} : memref<64x512xf32, #tpu.memory_space<vmem>>, vector<16xf32>,
        %parallel_loop3A_104 = arith.constant 2 : i32
        %parallel_loop3A_105 = vector.broadcast %parallel_loop3A_104 : i32 to vector<16xi32>
        %parallel_loop3A_106 = arith.addi %parallel_loop3A_93, %parallel_loop3A_105 : vector<16xi32>
        %parallel_loop3A_107 = tpu.vector_load_idx %arg8[%parallel_loop3A_106] : memref<128xf32, #tpu.memory_space<vmem>>[vector<16xi32>], vector<16xf32>,
        %parallel_loop3A_108 = arith.constant 16 : i32
        %parallel_loop3A_109 = arith.muli %parallel_loop3A_86, %parallel_loop3A_108 : i32
        %parallel_loop3A_110 = arith.constant 1 : i32
        %parallel_loop3A_111 = arith.index_cast %parallel_loop3A_110 : i32 to index
        %parallel_loop3A_112 = arith.index_cast %parallel_loop3A_109 : i32 to index
        %parallel_loop3A_113 = tpu.vector_load %arg7[%parallel_loop3A_111, %parallel_loop3A_112] {strides = array<i32>} : memref<64x512xf32, #tpu.memory_space<vmem>>, vector<16xf32>,
        tpu.vector_store %arg7[%parallel_loop3A_111, %parallel_loop3A_112], %parallel_loop3A_107 {strides = array<i32>} : memref<64x512xf32, #tpu.memory_space<vmem>>, vector<16xf32>,
        %parallel_loop3A_114 = arith.constant 4 : i32
        %parallel_loop3A_115 = vector.broadcast %parallel_loop3A_114 : i32 to vector<16xi32>
        %parallel_loop3A_116 = arith.addi %parallel_loop3A_93, %parallel_loop3A_115 : vector<16xi32>
        %parallel_loop3A_117 = tpu.vector_load_idx %arg8[%parallel_loop3A_116] : memref<128xf32, #tpu.memory_space<vmem>>[vector<16xi32>], vector<16xf32>,
        %parallel_loop3A_118 = arith.constant 16 : i32
        %parallel_loop3A_119 = arith.muli %parallel_loop3A_86, %parallel_loop3A_118 : i32
        %parallel_loop3A_120 = arith.constant 2 : i32
        %parallel_loop3A_121 = arith.index_cast %parallel_loop3A_120 : i32 to index
        %parallel_loop3A_122 = arith.index_cast %parallel_loop3A_119 : i32 to index
        %parallel_loop3A_123 = tpu.vector_load %arg7[%parallel_loop3A_121, %parallel_loop3A_122] {strides = array<i32>} : memref<64x512xf32, #tpu.memory_space<vmem>>, vector<16xf32>,
        tpu.vector_store %arg7[%parallel_loop3A_121, %parallel_loop3A_122], %parallel_loop3A_117 {strides = array<i32>} : memref<64x512xf32, #tpu.memory_space<vmem>>, vector<16xf32>,
        %parallel_loop3A_124 = arith.constant 6 : i32
        %parallel_loop3A_125 = vector.broadcast %parallel_loop3A_124 : i32 to vector<16xi32>
        %parallel_loop3A_126 = arith.addi %parallel_loop3A_93, %parallel_loop3A_125 : vector<16xi32>
        %parallel_loop3A_127 = tpu.vector_load_idx %arg8[%parallel_loop3A_126] : memref<128xf32, #tpu.memory_space<vmem>>[vector<16xi32>], vector<16xf32>,
        %parallel_loop3A_128 = arith.constant 16 : i32
        %parallel_loop3A_129 = arith.muli %parallel_loop3A_86, %parallel_loop3A_128 : i32
        %parallel_loop3A_130 = arith.constant 3 : i32
        %parallel_loop3A_131 = arith.index_cast %parallel_loop3A_130 : i32 to index
        %parallel_loop3A_132 = arith.index_cast %parallel_loop3A_129 : i32 to index
        %parallel_loop3A_133 = tpu.vector_load %arg7[%parallel_loop3A_131, %parallel_loop3A_132] {strides = array<i32>} : memref<64x512xf32, #tpu.memory_space<vmem>>, vector<16xf32>,
        tpu.vector_store %arg7[%parallel_loop3A_131, %parallel_loop3A_132], %parallel_loop3A_127 {strides = array<i32>} : memref<64x512xf32, #tpu.memory_space<vmem>>, vector<16xf32>,
        %parallel_loop3A_134 = arith.constant 8 : i32
        %parallel_loop3A_135 = vector.broadcast %parallel_loop3A_134 : i32 to vector<16xi32>
        %parallel_loop3A_136 = arith.addi %parallel_loop3A_93, %parallel_loop3A_135 : vector<16xi32>
        %parallel_loop3A_137 = tpu.vector_load_idx %arg8[%parallel_loop3A_136] : memref<128xf32, #tpu.memory_space<vmem>>[vector<16xi32>], vector<16xf32>,
        %parallel_loop3A_138 = arith.constant 16 : i32
        %parallel_loop3A_139 = arith.muli %parallel_loop3A_86, %parallel_loop3A_138 : i32
        %parallel_loop3A_140 = arith.constant 4 : i32
        %parallel_loop3A_141 = arith.index_cast %parallel_loop3A_140 : i32 to index
        %parallel_loop3A_142 = arith.index_cast %parallel_loop3A_139 : i32 to index
        %parallel_loop3A_143 = tpu.vector_load %arg7[%parallel_loop3A_141, %parallel_loop3A_142] {strides = array<i32>} : memref<64x512xf32, #tpu.memory_space<vmem>>, vector<16xf32>,
        tpu.vector_store %arg7[%parallel_loop3A_141, %parallel_loop3A_142], %parallel_loop3A_137 {strides = array<i32>} : memref<64x512xf32, #tpu.memory_space<vmem>>, vector<16xf32>,
        %parallel_loop3A_144 = arith.constant 10 : i32
        %parallel_loop3A_145 = vector.broadcast %parallel_loop3A_144 : i32 to vector<16xi32>
        %parallel_loop3A_146 = arith.addi %parallel_loop3A_93, %parallel_loop3A_145 : vector<16xi32>
        %parallel_loop3A_147 = tpu.vector_load_idx %arg8[%parallel_loop3A_146] : memref<128xf32, #tpu.memory_space<vmem>>[vector<16xi32>], vector<16xf32>,
        %parallel_loop3A_148 = arith.constant 16 : i32
        %parallel_loop3A_149 = arith.muli %parallel_loop3A_86, %parallel_loop3A_148 : i32
        %parallel_loop3A_150 = arith.constant 5 : i32
        %parallel_loop3A_151 = arith.index_cast %parallel_loop3A_150 : i32 to index
        %parallel_loop3A_152 = arith.index_cast %parallel_loop3A_149 : i32 to index
        %parallel_loop3A_153 = tpu.vector_load %arg7[%parallel_loop3A_151, %parallel_loop3A_152] {strides = array<i32>} : memref<64x512xf32, #tpu.memory_space<vmem>>, vector<16xf32>,
        tpu.vector_store %arg7[%parallel_loop3A_151, %parallel_loop3A_152], %parallel_loop3A_147 {strides = array<i32>} : memref<64x512xf32, #tpu.memory_space<vmem>>, vector<16xf32>,
        %parallel_loop3A_154 = arith.constant 12 : i32
        %parallel_loop3A_155 = vector.broadcast %parallel_loop3A_154 : i32 to vector<16xi32>
        %parallel_loop3A_156 = arith.addi %parallel_loop3A_93, %parallel_loop3A_155 : vector<16xi32>
        %parallel_loop3A_157 = tpu.vector_load_idx %arg8[%parallel_loop3A_156] : memref<128xf32, #tpu.memory_space<vmem>>[vector<16xi32>], vector<16xf32>,
        %parallel_loop3A_158 = arith.constant 16 : i32
        %parallel_loop3A_159 = arith.muli %parallel_loop3A_86, %parallel_loop3A_158 : i32
        %parallel_loop3A_160 = arith.constant 6 : i32
        %parallel_loop3A_161 = arith.index_cast %parallel_loop3A_160 : i32 to index
        %parallel_loop3A_162 = arith.index_cast %parallel_loop3A_159 : i32 to index
        %parallel_loop3A_163 = tpu.vector_load %arg7[%parallel_loop3A_161, %parallel_loop3A_162] {strides = array<i32>} : memref<64x512xf32, #tpu.memory_space<vmem>>, vector<16xf32>,
        tpu.vector_store %arg7[%parallel_loop3A_161, %parallel_loop3A_162], %parallel_loop3A_157 {strides = array<i32>} : memref<64x512xf32, #tpu.memory_space<vmem>>, vector<16xf32>,
        %parallel_loop3A_164 = arith.constant 14 : i32
        %parallel_loop3A_165 = vector.broadcast %parallel_loop3A_164 : i32 to vector<16xi32>
        %parallel_loop3A_166 = arith.addi %parallel_loop3A_93, %parallel_loop3A_165 : vector<16xi32>
        %parallel_loop3A_167 = tpu.vector_load_idx %arg8[%parallel_loop3A_166] : memref<128xf32, #tpu.memory_space<vmem>>[vector<16xi32>], vector<16xf32>,
        %parallel_loop3A_168 = arith.constant 16 : i32
        %parallel_loop3A_169 = arith.muli %parallel_loop3A_86, %parallel_loop3A_168 : i32
        %parallel_loop3A_170 = arith.constant 7 : i32
        %parallel_loop3A_171 = arith.index_cast %parallel_loop3A_170 : i32 to index
        %parallel_loop3A_172 = arith.index_cast %parallel_loop3A_169 : i32 to index
        %parallel_loop3A_173 = tpu.vector_load %arg7[%parallel_loop3A_171, %parallel_loop3A_172] {strides = array<i32>} : memref<64x512xf32, #tpu.memory_space<vmem>>, vector<16xf32>,
        tpu.vector_store %arg7[%parallel_loop3A_171, %parallel_loop3A_172], %parallel_loop3A_167 {strides = array<i32>} : memref<64x512xf32, #tpu.memory_space<vmem>>, vector<16xf32>,
        %parallel_loop3A_174 = arith.constant 16 : i32
        %parallel_loop3A_175 = vector.broadcast %parallel_loop3A_174 : i32 to vector<16xi32>
        %parallel_loop3A_176 = arith.addi %parallel_loop3A_93, %parallel_loop3A_175 : vector<16xi32>
        %parallel_loop3A_177 = tpu.vector_load_idx %arg8[%parallel_loop3A_176] : memref<128xf32, #tpu.memory_space<vmem>>[vector<16xi32>], vector<16xf32>,
        %parallel_loop3A_178 = arith.constant 16 : i32
        %parallel_loop3A_179 = arith.muli %parallel_loop3A_86, %parallel_loop3A_178 : i32
        %parallel_loop3A_180 = arith.constant 8 : i32
        %parallel_loop3A_181 = arith.index_cast %parallel_loop3A_180 : i32 to index
        %parallel_loop3A_182 = arith.index_cast %parallel_loop3A_179 : i32 to index
        %parallel_loop3A_183 = tpu.vector_load %arg7[%parallel_loop3A_181, %parallel_loop3A_182] {strides = array<i32>} : memref<64x512xf32, #tpu.memory_space<vmem>>, vector<16xf32>,
        tpu.vector_store %arg7[%parallel_loop3A_181, %parallel_loop3A_182], %parallel_loop3A_177 {strides = array<i32>} : memref<64x512xf32, #tpu.memory_space<vmem>>, vector<16xf32>,
        %parallel_loop3A_184 = arith.constant 18 : i32
        %parallel_loop3A_185 = vector.broadcast %parallel_loop3A_184 : i32 to vector<16xi32>
        %parallel_loop3A_186 = arith.addi %parallel_loop3A_93, %parallel_loop3A_185 : vector<16xi32>
        %parallel_loop3A_187 = tpu.vector_load_idx %arg8[%parallel_loop3A_186] : memref<128xf32, #tpu.memory_space<vmem>>[vector<16xi32>], vector<16xf32>,
        %parallel_loop3A_188 = arith.constant 16 : i32
        %parallel_loop3A_189 = arith.muli %parallel_loop3A_86, %parallel_loop3A_188 : i32
        %parallel_loop3A_190 = arith.constant 9 : i32
        %parallel_loop3A_191 = arith.index_cast %parallel_loop3A_190 : i32 to index
        %parallel_loop3A_192 = arith.index_cast %parallel_loop3A_189 : i32 to index
        %parallel_loop3A_193 = tpu.vector_load %arg7[%parallel_loop3A_191, %parallel_loop3A_192] {strides = array<i32>} : memref<64x512xf32, #tpu.memory_space<vmem>>, vector<16xf32>,
        tpu.vector_store %arg7[%parallel_loop3A_191, %parallel_loop3A_192], %parallel_loop3A_187 {strides = array<i32>} : memref<64x512xf32, #tpu.memory_space<vmem>>, vector<16xf32>,
        %parallel_loop3A_194 = arith.constant 20 : i32
        %parallel_loop3A_195 = vector.broadcast %parallel_loop3A_194 : i32 to vector<16xi32>
        %parallel_loop3A_196 = arith.addi %parallel_loop3A_93, %parallel_loop3A_195 : vector<16xi32>
        %parallel_loop3A_197 = tpu.vector_load_idx %arg8[%parallel_loop3A_196] : memref<128xf32, #tpu.memory_space<vmem>>[vector<16xi32>], vector<16xf32>,
        %parallel_loop3A_198 = arith.constant 16 : i32
        %parallel_loop3A_199 = arith.muli %parallel_loop3A_86, %parallel_loop3A_198 : i32
        %parallel_loop3A_200 = arith.constant 10 : i32
        %parallel_loop3A_201 = arith.index_cast %parallel_loop3A_200 : i32 to index
        %parallel_loop3A_202 = arith.index_cast %parallel_loop3A_199 : i32 to index
        %parallel_loop3A_203 = tpu.vector_load %arg7[%parallel_loop3A_201, %parallel_loop3A_202] {strides = array<i32>} : memref<64x512xf32, #tpu.memory_space<vmem>>, vector<16xf32>,
        tpu.vector_store %arg7[%parallel_loop3A_201, %parallel_loop3A_202], %parallel_loop3A_197 {strides = array<i32>} : memref<64x512xf32, #tpu.memory_space<vmem>>, vector<16xf32>,
        %parallel_loop3A_204 = arith.constant 22 : i32
        %parallel_loop3A_205 = vector.broadcast %parallel_loop3A_204 : i32 to vector<16xi32>
        %parallel_loop3A_206 = arith.addi %parallel_loop3A_93, %parallel_loop3A_205 : vector<16xi32>
        %parallel_loop3A_207 = tpu.vector_load_idx %arg8[%parallel_loop3A_206] : memref<128xf32, #tpu.memory_space<vmem>>[vector<16xi32>], vector<16xf32>,
        %parallel_loop3A_208 = arith.constant 16 : i32
        %parallel_loop3A_209 = arith.muli %parallel_loop3A_86, %parallel_loop3A_208 : i32
        %parallel_loop3A_210 = arith.constant 11 : i32
        %parallel_loop3A_211 = arith.index_cast %parallel_loop3A_210 : i32 to index
        %parallel_loop3A_212 = arith.index_cast %parallel_loop3A_209 : i32 to index
        %parallel_loop3A_213 = tpu.vector_load %arg7[%parallel_loop3A_211, %parallel_loop3A_212] {strides = array<i32>} : memref<64x512xf32, #tpu.memory_space<vmem>>, vector<16xf32>,
        tpu.vector_store %arg7[%parallel_loop3A_211, %parallel_loop3A_212], %parallel_loop3A_207 {strides = array<i32>} : memref<64x512xf32, #tpu.memory_space<vmem>>, vector<16xf32>,
        %parallel_loop3A_214 = arith.constant 24 : i32
        %parallel_loop3A_215 = vector.broadcast %parallel_loop3A_214 : i32 to vector<16xi32>
        %parallel_loop3A_216 = arith.addi %parallel_loop3A_93, %parallel_loop3A_215 : vector<16xi32>
        %parallel_loop3A_217 = tpu.vector_load_idx %arg8[%parallel_loop3A_216] : memref<128xf32, #tpu.memory_space<vmem>>[vector<16xi32>], vector<16xf32>,
        %parallel_loop3A_218 = arith.constant 16 : i32
        %parallel_loop3A_219 = arith.muli %parallel_loop3A_86, %parallel_loop3A_218 : i32
        %parallel_loop3A_220 = arith.constant 12 : i32
        %parallel_loop3A_221 = arith.index_cast %parallel_loop3A_220 : i32 to index
        %parallel_loop3A_222 = arith.index_cast %parallel_loop3A_219 : i32 to index
        %parallel_loop3A_223 = tpu.vector_load %arg7[%parallel_loop3A_221, %parallel_loop3A_222] {strides = array<i32>} : memref<64x512xf32, #tpu.memory_space<vmem>>, vector<16xf32>,
        tpu.vector_store %arg7[%parallel_loop3A_221, %parallel_loop3A_222], %parallel_loop3A_217 {strides = array<i32>} : memref<64x512xf32, #tpu.memory_space<vmem>>, vector<16xf32>,
        %parallel_loop3A_224 = arith.constant 26 : i32
        %parallel_loop3A_225 = vector.broadcast %parallel_loop3A_224 : i32 to vector<16xi32>
        %parallel_loop3A_226 = arith.addi %parallel_loop3A_93, %parallel_loop3A_225 : vector<16xi32>
        %parallel_loop3A_227 = tpu.vector_load_idx %arg8[%parallel_loop3A_226] : memref<128xf32, #tpu.memory_space<vmem>>[vector<16xi32>], vector<16xf32>,
        %parallel_loop3A_228 = arith.constant 16 : i32
        %parallel_loop3A_229 = arith.muli %parallel_loop3A_86, %parallel_loop3A_228 : i32
        %parallel_loop3A_230 = arith.constant 13 : i32
        %parallel_loop3A_231 = arith.index_cast %parallel_loop3A_230 : i32 to index
        %parallel_loop3A_232 = arith.index_cast %parallel_loop3A_229 : i32 to index
        %parallel_loop3A_233 = tpu.vector_load %arg7[%parallel_loop3A_231, %parallel_loop3A_232] {strides = array<i32>} : memref<64x512xf32, #tpu.memory_space<vmem>>, vector<16xf32>,
        tpu.vector_store %arg7[%parallel_loop3A_231, %parallel_loop3A_232], %parallel_loop3A_227 {strides = array<i32>} : memref<64x512xf32, #tpu.memory_space<vmem>>, vector<16xf32>,
        %parallel_loop3A_234 = arith.constant 28 : i32
        %parallel_loop3A_235 = vector.broadcast %parallel_loop3A_234 : i32 to vector<16xi32>
        %parallel_loop3A_236 = arith.addi %parallel_loop3A_93, %parallel_loop3A_235 : vector<16xi32>
        %parallel_loop3A_237 = tpu.vector_load_idx %arg8[%parallel_loop3A_236] : memref<128xf32, #tpu.memory_space<vmem>>[vector<16xi32>], vector<16xf32>,
        %parallel_loop3A_238 = arith.constant 16 : i32
        %parallel_loop3A_239 = arith.muli %parallel_loop3A_86, %parallel_loop3A_238 : i32
        %parallel_loop3A_240 = arith.constant 14 : i32
        %parallel_loop3A_241 = arith.index_cast %parallel_loop3A_240 : i32 to index
        %parallel_loop3A_242 = arith.index_cast %parallel_loop3A_239 : i32 to index
        %parallel_loop3A_243 = tpu.vector_load %arg7[%parallel_loop3A_241, %parallel_loop3A_242] {strides = array<i32>} : memref<64x512xf32, #tpu.memory_space<vmem>>, vector<16xf32>,
        tpu.vector_store %arg7[%parallel_loop3A_241, %parallel_loop3A_242], %parallel_loop3A_237 {strides = array<i32>} : memref<64x512xf32, #tpu.memory_space<vmem>>, vector<16xf32>,
        %parallel_loop3A_244 = arith.constant 30 : i32
        %parallel_loop3A_245 = vector.broadcast %parallel_loop3A_244 : i32 to vector<16xi32>
        %parallel_loop3A_246 = arith.addi %parallel_loop3A_93, %parallel_loop3A_245 : vector<16xi32>
        %parallel_loop3A_247 = tpu.vector_load_idx %arg8[%parallel_loop3A_246] : memref<128xf32, #tpu.memory_space<vmem>>[vector<16xi32>], vector<16xf32>,
        %parallel_loop3A_248 = arith.constant 16 : i32
        %parallel_loop3A_249 = arith.muli %parallel_loop3A_86, %parallel_loop3A_248 : i32
        %parallel_loop3A_250 = arith.constant 15 : i32
        %parallel_loop3A_251 = arith.index_cast %parallel_loop3A_250 : i32 to index
        %parallel_loop3A_252 = arith.index_cast %parallel_loop3A_249 : i32 to index
        %parallel_loop3A_253 = tpu.vector_load %arg7[%parallel_loop3A_251, %parallel_loop3A_252] {strides = array<i32>} : memref<64x512xf32, #tpu.memory_space<vmem>>, vector<16xf32>,
        tpu.vector_store %arg7[%parallel_loop3A_251, %parallel_loop3A_252], %parallel_loop3A_247 {strides = array<i32>} : memref<64x512xf32, #tpu.memory_space<vmem>>, vector<16xf32>,
        %parallel_loop3A_254 = arith.constant 32 : i32
        %parallel_loop3A_255 = vector.broadcast %parallel_loop3A_254 : i32 to vector<16xi32>
        %parallel_loop3A_256 = arith.addi %parallel_loop3A_93, %parallel_loop3A_255 : vector<16xi32>
        %parallel_loop3A_257 = tpu.vector_load_idx %arg8[%parallel_loop3A_256] : memref<128xf32, #tpu.memory_space<vmem>>[vector<16xi32>], vector<16xf32>,
        %parallel_loop3A_258 = arith.constant 16 : i32
        %parallel_loop3A_259 = arith.muli %parallel_loop3A_86, %parallel_loop3A_258 : i32
        %parallel_loop3A_260 = arith.constant 16 : i32
        %parallel_loop3A_261 = arith.index_cast %parallel_loop3A_260 : i32 to index
        %parallel_loop3A_262 = arith.index_cast %parallel_loop3A_259 : i32 to index
        %parallel_loop3A_263 = tpu.vector_load %arg7[%parallel_loop3A_261, %parallel_loop3A_262] {strides = array<i32>} : memref<64x512xf32, #tpu.memory_space<vmem>>, vector<16xf32>,
        tpu.vector_store %arg7[%parallel_loop3A_261, %parallel_loop3A_262], %parallel_loop3A_257 {strides = array<i32>} : memref<64x512xf32, #tpu.memory_space<vmem>>, vector<16xf32>,
        %parallel_loop3A_264 = arith.constant 34 : i32
        %parallel_loop3A_265 = vector.broadcast %parallel_loop3A_264 : i32 to vector<16xi32>
        %parallel_loop3A_266 = arith.addi %parallel_loop3A_93, %parallel_loop3A_265 : vector<16xi32>
        %parallel_loop3A_267 = tpu.vector_load_idx %arg8[%parallel_loop3A_266] : memref<128xf32, #tpu.memory_space<vmem>>[vector<16xi32>], vector<16xf32>,
        %parallel_loop3A_268 = arith.constant 16 : i32
        %parallel_loop3A_269 = arith.muli %parallel_loop3A_86, %parallel_loop3A_268 : i32
        %parallel_loop3A_270 = arith.constant 17 : i32
        %parallel_loop3A_271 = arith.index_cast %parallel_loop3A_270 : i32 to index
        %parallel_loop3A_272 = arith.index_cast %parallel_loop3A_269 : i32 to index
        %parallel_loop3A_273 = tpu.vector_load %arg7[%parallel_loop3A_271, %parallel_loop3A_272] {strides = array<i32>} : memref<64x512xf32, #tpu.memory_space<vmem>>, vector<16xf32>,
        tpu.vector_store %arg7[%parallel_loop3A_271, %parallel_loop3A_272], %parallel_loop3A_267 {strides = array<i32>} : memref<64x512xf32, #tpu.memory_space<vmem>>, vector<16xf32>,
        %parallel_loop3A_274 = arith.constant 36 : i32
        %parallel_loop3A_275 = vector.broadcast %parallel_loop3A_274 : i32 to vector<16xi32>
        %parallel_loop3A_276 = arith.addi %parallel_loop3A_93, %parallel_loop3A_275 : vector<16xi32>
        %parallel_loop3A_277 = tpu.vector_load_idx %arg8[%parallel_loop3A_276] : memref<128xf32, #tpu.memory_space<vmem>>[vector<16xi32>], vector<16xf32>,
        %parallel_loop3A_278 = arith.constant 16 : i32
        %parallel_loop3A_279 = arith.muli %parallel_loop3A_86, %parallel_loop3A_278 : i32
        %parallel_loop3A_280 = arith.constant 18 : i32
        %parallel_loop3A_281 = arith.index_cast %parallel_loop3A_280 : i32 to index
        %parallel_loop3A_282 = arith.index_cast %parallel_loop3A_279 : i32 to index
        %parallel_loop3A_283 = tpu.vector_load %arg7[%parallel_loop3A_281, %parallel_loop3A_282] {strides = array<i32>} : memref<64x512xf32, #tpu.memory_space<vmem>>, vector<16xf32>,
        tpu.vector_store %arg7[%parallel_loop3A_281, %parallel_loop3A_282], %parallel_loop3A_277 {strides = array<i32>} : memref<64x512xf32, #tpu.memory_space<vmem>>, vector<16xf32>,
        %parallel_loop3A_284 = arith.constant 38 : i32
        %parallel_loop3A_285 = vector.broadcast %parallel_loop3A_284 : i32 to vector<16xi32>
        %parallel_loop3A_286 = arith.addi %parallel_loop3A_93, %parallel_loop3A_285 : vector<16xi32>
        %parallel_loop3A_287 = tpu.vector_load_idx %arg8[%parallel_loop3A_286] : memref<128xf32, #tpu.memory_space<vmem>>[vector<16xi32>], vector<16xf32>,
        %parallel_loop3A_288 = arith.constant 16 : i32
        %parallel_loop3A_289 = arith.muli %parallel_loop3A_86, %parallel_loop3A_288 : i32
        %parallel_loop3A_290 = arith.constant 19 : i32
        %parallel_loop3A_291 = arith.index_cast %parallel_loop3A_290 : i32 to index
        %parallel_loop3A_292 = arith.index_cast %parallel_loop3A_289 : i32 to index
        %parallel_loop3A_293 = tpu.vector_load %arg7[%parallel_loop3A_291, %parallel_loop3A_292] {strides = array<i32>} : memref<64x512xf32, #tpu.memory_space<vmem>>, vector<16xf32>,
        tpu.vector_store %arg7[%parallel_loop3A_291, %parallel_loop3A_292], %parallel_loop3A_287 {strides = array<i32>} : memref<64x512xf32, #tpu.memory_space<vmem>>, vector<16xf32>,
        %parallel_loop3A_294 = arith.constant 40 : i32
        %parallel_loop3A_295 = vector.broadcast %parallel_loop3A_294 : i32 to vector<16xi32>
        %parallel_loop3A_296 = arith.addi %parallel_loop3A_93, %parallel_loop3A_295 : vector<16xi32>
        %parallel_loop3A_297 = tpu.vector_load_idx %arg8[%parallel_loop3A_296] : memref<128xf32, #tpu.memory_space<vmem>>[vector<16xi32>], vector<16xf32>,
        %parallel_loop3A_298 = arith.constant 16 : i32
        %parallel_loop3A_299 = arith.muli %parallel_loop3A_86, %parallel_loop3A_298 : i32
        %parallel_loop3A_300 = arith.constant 20 : i32
        %parallel_loop3A_301 = arith.index_cast %parallel_loop3A_300 : i32 to index
        %parallel_loop3A_302 = arith.index_cast %parallel_loop3A_299 : i32 to index
        %parallel_loop3A_303 = tpu.vector_load %arg7[%parallel_loop3A_301, %parallel_loop3A_302] {strides = array<i32>} : memref<64x512xf32, #tpu.memory_space<vmem>>, vector<16xf32>,
        tpu.vector_store %arg7[%parallel_loop3A_301, %parallel_loop3A_302], %parallel_loop3A_297 {strides = array<i32>} : memref<64x512xf32, #tpu.memory_space<vmem>>, vector<16xf32>,
        %parallel_loop3A_304 = arith.constant 42 : i32
        %parallel_loop3A_305 = vector.broadcast %parallel_loop3A_304 : i32 to vector<16xi32>
        %parallel_loop3A_306 = arith.addi %parallel_loop3A_93, %parallel_loop3A_305 : vector<16xi32>
        %parallel_loop3A_307 = tpu.vector_load_idx %arg8[%parallel_loop3A_306] : memref<128xf32, #tpu.memory_space<vmem>>[vector<16xi32>], vector<16xf32>,
        %parallel_loop3A_308 = arith.constant 16 : i32
        %parallel_loop3A_309 = arith.muli %parallel_loop3A_86, %parallel_loop3A_308 : i32
        %parallel_loop3A_310 = arith.constant 21 : i32
        %parallel_loop3A_311 = arith.index_cast %parallel_loop3A_310 : i32 to index
        %parallel_loop3A_312 = arith.index_cast %parallel_loop3A_309 : i32 to index
        %parallel_loop3A_313 = tpu.vector_load %arg7[%parallel_loop3A_311, %parallel_loop3A_312] {strides = array<i32>} : memref<64x512xf32, #tpu.memory_space<vmem>>, vector<16xf32>,
        tpu.vector_store %arg7[%parallel_loop3A_311, %parallel_loop3A_312], %parallel_loop3A_307 {strides = array<i32>} : memref<64x512xf32, #tpu.memory_space<vmem>>, vector<16xf32>,
        %parallel_loop3A_314 = arith.constant 44 : i32
        %parallel_loop3A_315 = vector.broadcast %parallel_loop3A_314 : i32 to vector<16xi32>
        %parallel_loop3A_316 = arith.addi %parallel_loop3A_93, %parallel_loop3A_315 : vector<16xi32>
        %parallel_loop3A_317 = tpu.vector_load_idx %arg8[%parallel_loop3A_316] : memref<128xf32, #tpu.memory_space<vmem>>[vector<16xi32>], vector<16xf32>,
        %parallel_loop3A_318 = arith.constant 16 : i32
        %parallel_loop3A_319 = arith.muli %parallel_loop3A_86, %parallel_loop3A_318 : i32
        %parallel_loop3A_320 = arith.constant 22 : i32
        %parallel_loop3A_321 = arith.index_cast %parallel_loop3A_320 : i32 to index
        %parallel_loop3A_322 = arith.index_cast %parallel_loop3A_319 : i32 to index
        %parallel_loop3A_323 = tpu.vector_load %arg7[%parallel_loop3A_321, %parallel_loop3A_322] {strides = array<i32>} : memref<64x512xf32, #tpu.memory_space<vmem>>, vector<16xf32>,
        tpu.vector_store %arg7[%parallel_loop3A_321, %parallel_loop3A_322], %parallel_loop3A_317 {strides = array<i32>} : memref<64x512xf32, #tpu.memory_space<vmem>>, vector<16xf32>,
        %parallel_loop3A_324 = arith.constant 46 : i32
        %parallel_loop3A_325 = vector.broadcast %parallel_loop3A_324 : i32 to vector<16xi32>
        %parallel_loop3A_326 = arith.addi %parallel_loop3A_93, %parallel_loop3A_325 : vector<16xi32>
        %parallel_loop3A_327 = tpu.vector_load_idx %arg8[%parallel_loop3A_326] : memref<128xf32, #tpu.memory_space<vmem>>[vector<16xi32>], vector<16xf32>,
        %parallel_loop3A_328 = arith.constant 16 : i32
        %parallel_loop3A_329 = arith.muli %parallel_loop3A_86, %parallel_loop3A_328 : i32
        %parallel_loop3A_330 = arith.constant 23 : i32
        %parallel_loop3A_331 = arith.index_cast %parallel_loop3A_330 : i32 to index
        %parallel_loop3A_332 = arith.index_cast %parallel_loop3A_329 : i32 to index
        %parallel_loop3A_333 = tpu.vector_load %arg7[%parallel_loop3A_331, %parallel_loop3A_332] {strides = array<i32>} : memref<64x512xf32, #tpu.memory_space<vmem>>, vector<16xf32>,
        tpu.vector_store %arg7[%parallel_loop3A_331, %parallel_loop3A_332], %parallel_loop3A_327 {strides = array<i32>} : memref<64x512xf32, #tpu.memory_space<vmem>>, vector<16xf32>,
        %parallel_loop3A_334 = arith.constant 48 : i32
        %parallel_loop3A_335 = vector.broadcast %parallel_loop3A_334 : i32 to vector<16xi32>
        %parallel_loop3A_336 = arith.addi %parallel_loop3A_93, %parallel_loop3A_335 : vector<16xi32>
        %parallel_loop3A_337 = tpu.vector_load_idx %arg8[%parallel_loop3A_336] : memref<128xf32, #tpu.memory_space<vmem>>[vector<16xi32>], vector<16xf32>,
        %parallel_loop3A_338 = arith.constant 16 : i32
        %parallel_loop3A_339 = arith.muli %parallel_loop3A_86, %parallel_loop3A_338 : i32
        %parallel_loop3A_340 = arith.constant 24 : i32
        %parallel_loop3A_341 = arith.index_cast %parallel_loop3A_340 : i32 to index
        %parallel_loop3A_342 = arith.index_cast %parallel_loop3A_339 : i32 to index
        %parallel_loop3A_343 = tpu.vector_load %arg7[%parallel_loop3A_341, %parallel_loop3A_342] {strides = array<i32>} : memref<64x512xf32, #tpu.memory_space<vmem>>, vector<16xf32>,
        tpu.vector_store %arg7[%parallel_loop3A_341, %parallel_loop3A_342], %parallel_loop3A_337 {strides = array<i32>} : memref<64x512xf32, #tpu.memory_space<vmem>>, vector<16xf32>,
        %parallel_loop3A_344 = arith.constant 50 : i32
        %parallel_loop3A_345 = vector.broadcast %parallel_loop3A_344 : i32 to vector<16xi32>
        %parallel_loop3A_346 = arith.addi %parallel_loop3A_93, %parallel_loop3A_345 : vector<16xi32>
        %parallel_loop3A_347 = tpu.vector_load_idx %arg8[%parallel_loop3A_346] : memref<128xf32, #tpu.memory_space<vmem>>[vector<16xi32>], vector<16xf32>,
        %parallel_loop3A_348 = arith.constant 16 : i32
        %parallel_loop3A_349 = arith.muli %parallel_loop3A_86, %parallel_loop3A_348 : i32
        %parallel_loop3A_350 = arith.constant 25 : i32
        %parallel_loop3A_351 = arith.index_cast %parallel_loop3A_350 : i32 to index
        %parallel_loop3A_352 = arith.index_cast %parallel_loop3A_349 : i32 to index
        %parallel_loop3A_353 = tpu.vector_load %arg7[%parallel_loop3A_351, %parallel_loop3A_352] {strides = array<i32>} : memref<64x512xf32, #tpu.memory_space<vmem>>, vector<16xf32>,
        tpu.vector_store %arg7[%parallel_loop3A_351, %parallel_loop3A_352], %parallel_loop3A_347 {strides = array<i32>} : memref<64x512xf32, #tpu.memory_space<vmem>>, vector<16xf32>,
        %parallel_loop3A_354 = arith.constant 52 : i32
        %parallel_loop3A_355 = vector.broadcast %parallel_loop3A_354 : i32 to vector<16xi32>
        %parallel_loop3A_356 = arith.addi %parallel_loop3A_93, %parallel_loop3A_355 : vector<16xi32>
        %parallel_loop3A_357 = tpu.vector_load_idx %arg8[%parallel_loop3A_356] : memref<128xf32, #tpu.memory_space<vmem>>[vector<16xi32>], vector<16xf32>,
        %parallel_loop3A_358 = arith.constant 16 : i32
        %parallel_loop3A_359 = arith.muli %parallel_loop3A_86, %parallel_loop3A_358 : i32
        %parallel_loop3A_360 = arith.constant 26 : i32
        %parallel_loop3A_361 = arith.index_cast %parallel_loop3A_360 : i32 to index
        %parallel_loop3A_362 = arith.index_cast %parallel_loop3A_359 : i32 to index
        %parallel_loop3A_363 = tpu.vector_load %arg7[%parallel_loop3A_361, %parallel_loop3A_362] {strides = array<i32>} : memref<64x512xf32, #tpu.memory_space<vmem>>, vector<16xf32>,
        tpu.vector_store %arg7[%parallel_loop3A_361, %parallel_loop3A_362], %parallel_loop3A_357 {strides = array<i32>} : memref<64x512xf32, #tpu.memory_space<vmem>>, vector<16xf32>,
        %parallel_loop3A_364 = arith.constant 54 : i32
        %parallel_loop3A_365 = vector.broadcast %parallel_loop3A_364 : i32 to vector<16xi32>
        %parallel_loop3A_366 = arith.addi %parallel_loop3A_93, %parallel_loop3A_365 : vector<16xi32>
        %parallel_loop3A_367 = tpu.vector_load_idx %arg8[%parallel_loop3A_366] : memref<128xf32, #tpu.memory_space<vmem>>[vector<16xi32>], vector<16xf32>,
        %parallel_loop3A_368 = arith.constant 16 : i32
        %parallel_loop3A_369 = arith.muli %parallel_loop3A_86, %parallel_loop3A_368 : i32
        %parallel_loop3A_370 = arith.constant 27 : i32
        %parallel_loop3A_371 = arith.index_cast %parallel_loop3A_370 : i32 to index
        %parallel_loop3A_372 = arith.index_cast %parallel_loop3A_369 : i32 to index
        %parallel_loop3A_373 = tpu.vector_load %arg7[%parallel_loop3A_371, %parallel_loop3A_372] {strides = array<i32>} : memref<64x512xf32, #tpu.memory_space<vmem>>, vector<16xf32>,
        tpu.vector_store %arg7[%parallel_loop3A_371, %parallel_loop3A_372], %parallel_loop3A_367 {strides = array<i32>} : memref<64x512xf32, #tpu.memory_space<vmem>>, vector<16xf32>,
        %parallel_loop3A_374 = arith.constant 56 : i32
        %parallel_loop3A_375 = vector.broadcast %parallel_loop3A_374 : i32 to vector<16xi32>
        %parallel_loop3A_376 = arith.addi %parallel_loop3A_93, %parallel_loop3A_375 : vector<16xi32>
        %parallel_loop3A_377 = tpu.vector_load_idx %arg8[%parallel_loop3A_376] : memref<128xf32, #tpu.memory_space<vmem>>[vector<16xi32>], vector<16xf32>,
        %parallel_loop3A_378 = arith.constant 16 : i32
        %parallel_loop3A_379 = arith.muli %parallel_loop3A_86, %parallel_loop3A_378 : i32
        %parallel_loop3A_380 = arith.constant 28 : i32
        %parallel_loop3A_381 = arith.index_cast %parallel_loop3A_380 : i32 to index
        %parallel_loop3A_382 = arith.index_cast %parallel_loop3A_379 : i32 to index
        %parallel_loop3A_383 = tpu.vector_load %arg7[%parallel_loop3A_381, %parallel_loop3A_382] {strides = array<i32>} : memref<64x512xf32, #tpu.memory_space<vmem>>, vector<16xf32>,
        tpu.vector_store %arg7[%parallel_loop3A_381, %parallel_loop3A_382], %parallel_loop3A_377 {strides = array<i32>} : memref<64x512xf32, #tpu.memory_space<vmem>>, vector<16xf32>,
        %parallel_loop3A_384 = arith.constant 58 : i32
        %parallel_loop3A_385 = vector.broadcast %parallel_loop3A_384 : i32 to vector<16xi32>
        %parallel_loop3A_386 = arith.addi %parallel_loop3A_93, %parallel_loop3A_385 : vector<16xi32>
        %parallel_loop3A_387 = tpu.vector_load_idx %arg8[%parallel_loop3A_386] : memref<128xf32, #tpu.memory_space<vmem>>[vector<16xi32>], vector<16xf32>,
        %parallel_loop3A_388 = arith.constant 16 : i32
        %parallel_loop3A_389 = arith.muli %parallel_loop3A_86, %parallel_loop3A_388 : i32
        %parallel_loop3A_390 = arith.constant 29 : i32
        %parallel_loop3A_391 = arith.index_cast %parallel_loop3A_390 : i32 to index
        %parallel_loop3A_392 = arith.index_cast %parallel_loop3A_389 : i32 to index
        %parallel_loop3A_393 = tpu.vector_load %arg7[%parallel_loop3A_391, %parallel_loop3A_392] {strides = array<i32>} : memref<64x512xf32, #tpu.memory_space<vmem>>, vector<16xf32>,
        tpu.vector_store %arg7[%parallel_loop3A_391, %parallel_loop3A_392], %parallel_loop3A_387 {strides = array<i32>} : memref<64x512xf32, #tpu.memory_space<vmem>>, vector<16xf32>,
        %parallel_loop3A_394 = arith.constant 60 : i32
        %parallel_loop3A_395 = vector.broadcast %parallel_loop3A_394 : i32 to vector<16xi32>
        %parallel_loop3A_396 = arith.addi %parallel_loop3A_93, %parallel_loop3A_395 : vector<16xi32>
        %parallel_loop3A_397 = tpu.vector_load_idx %arg8[%parallel_loop3A_396] : memref<128xf32, #tpu.memory_space<vmem>>[vector<16xi32>], vector<16xf32>,
        %parallel_loop3A_398 = arith.constant 16 : i32
        %parallel_loop3A_399 = arith.muli %parallel_loop3A_86, %parallel_loop3A_398 : i32
        %parallel_loop3A_400 = arith.constant 30 : i32
        %parallel_loop3A_401 = arith.index_cast %parallel_loop3A_400 : i32 to index
        %parallel_loop3A_402 = arith.index_cast %parallel_loop3A_399 : i32 to index
        %parallel_loop3A_403 = tpu.vector_load %arg7[%parallel_loop3A_401, %parallel_loop3A_402] {strides = array<i32>} : memref<64x512xf32, #tpu.memory_space<vmem>>, vector<16xf32>,
        tpu.vector_store %arg7[%parallel_loop3A_401, %parallel_loop3A_402], %parallel_loop3A_397 {strides = array<i32>} : memref<64x512xf32, #tpu.memory_space<vmem>>, vector<16xf32>,
        %parallel_loop3A_404 = arith.constant 62 : i32
        %parallel_loop3A_405 = vector.broadcast %parallel_loop3A_404 : i32 to vector<16xi32>
        %parallel_loop3A_406 = arith.addi %parallel_loop3A_93, %parallel_loop3A_405 : vector<16xi32>
        %parallel_loop3A_407 = tpu.vector_load_idx %arg8[%parallel_loop3A_406] : memref<128xf32, #tpu.memory_space<vmem>>[vector<16xi32>], vector<16xf32>,
        %parallel_loop3A_408 = arith.constant 16 : i32
        %parallel_loop3A_409 = arith.muli %parallel_loop3A_86, %parallel_loop3A_408 : i32
        %parallel_loop3A_410 = arith.constant 31 : i32
        %parallel_loop3A_411 = arith.index_cast %parallel_loop3A_410 : i32 to index
        %parallel_loop3A_412 = arith.index_cast %parallel_loop3A_409 : i32 to index
        %parallel_loop3A_413 = tpu.vector_load %arg7[%parallel_loop3A_411, %parallel_loop3A_412] {strides = array<i32>} : memref<64x512xf32, #tpu.memory_space<vmem>>, vector<16xf32>,
        tpu.vector_store %arg7[%parallel_loop3A_411, %parallel_loop3A_412], %parallel_loop3A_407 {strides = array<i32>} : memref<64x512xf32, #tpu.memory_space<vmem>>, vector<16xf32>,
        %parallel_loop3A_414 = arith.constant 64 : i32
        %parallel_loop3A_415 = vector.broadcast %parallel_loop3A_414 : i32 to vector<16xi32>
        %parallel_loop3A_416 = arith.addi %parallel_loop3A_93, %parallel_loop3A_415 : vector<16xi32>
        %parallel_loop3A_417 = tpu.vector_load_idx %arg8[%parallel_loop3A_416] : memref<128xf32, #tpu.memory_space<vmem>>[vector<16xi32>], vector<16xf32>,
        %parallel_loop3A_418 = arith.constant 16 : i32
        %parallel_loop3A_419 = arith.muli %parallel_loop3A_86, %parallel_loop3A_418 : i32
        %parallel_loop3A_420 = arith.constant 32 : i32
        %parallel_loop3A_421 = arith.index_cast %parallel_loop3A_420 : i32 to index
        %parallel_loop3A_422 = arith.index_cast %parallel_loop3A_419 : i32 to index
        %parallel_loop3A_423 = tpu.vector_load %arg7[%parallel_loop3A_421, %parallel_loop3A_422] {strides = array<i32>} : memref<64x512xf32, #tpu.memory_space<vmem>>, vector<16xf32>,
        tpu.vector_store %arg7[%parallel_loop3A_421, %parallel_loop3A_422], %parallel_loop3A_417 {strides = array<i32>} : memref<64x512xf32, #tpu.memory_space<vmem>>, vector<16xf32>,
        %parallel_loop3A_424 = arith.constant 66 : i32
        %parallel_loop3A_425 = vector.broadcast %parallel_loop3A_424 : i32 to vector<16xi32>
        %parallel_loop3A_426 = arith.addi %parallel_loop3A_93, %parallel_loop3A_425 : vector<16xi32>
        %parallel_loop3A_427 = tpu.vector_load_idx %arg8[%parallel_loop3A_426] : memref<128xf32, #tpu.memory_space<vmem>>[vector<16xi32>], vector<16xf32>,
        %parallel_loop3A_428 = arith.constant 16 : i32
        %parallel_loop3A_429 = arith.muli %parallel_loop3A_86, %parallel_loop3A_428 : i32
        %parallel_loop3A_430 = arith.constant 33 : i32
        %parallel_loop3A_431 = arith.index_cast %parallel_loop3A_430 : i32 to index
        %parallel_loop3A_432 = arith.index_cast %parallel_loop3A_429 : i32 to index
        %parallel_loop3A_433 = tpu.vector_load %arg7[%parallel_loop3A_431, %parallel_loop3A_432] {strides = array<i32>} : memref<64x512xf32, #tpu.memory_space<vmem>>, vector<16xf32>,
        tpu.vector_store %arg7[%parallel_loop3A_431, %parallel_loop3A_432], %parallel_loop3A_427 {strides = array<i32>} : memref<64x512xf32, #tpu.memory_space<vmem>>, vector<16xf32>,
        %parallel_loop3A_434 = arith.constant 68 : i32
        %parallel_loop3A_435 = vector.broadcast %parallel_loop3A_434 : i32 to vector<16xi32>
        %parallel_loop3A_436 = arith.addi %parallel_loop3A_93, %parallel_loop3A_435 : vector<16xi32>
        %parallel_loop3A_437 = tpu.vector_load_idx %arg8[%parallel_loop3A_436] : memref<128xf32, #tpu.memory_space<vmem>>[vector<16xi32>], vector<16xf32>,
        %parallel_loop3A_438 = arith.constant 16 : i32
        %parallel_loop3A_439 = arith.muli %parallel_loop3A_86, %parallel_loop3A_438 : i32
        %parallel_loop3A_440 = arith.constant 34 : i32
        %parallel_loop3A_441 = arith.index_cast %parallel_loop3A_440 : i32 to index
        %parallel_loop3A_442 = arith.index_cast %parallel_loop3A_439 : i32 to index
        %parallel_loop3A_443 = tpu.vector_load %arg7[%parallel_loop3A_441, %parallel_loop3A_442] {strides = array<i32>} : memref<64x512xf32, #tpu.memory_space<vmem>>, vector<16xf32>,
        tpu.vector_store %arg7[%parallel_loop3A_441, %parallel_loop3A_442], %parallel_loop3A_437 {strides = array<i32>} : memref<64x512xf32, #tpu.memory_space<vmem>>, vector<16xf32>,
        %parallel_loop3A_444 = arith.constant 70 : i32
        %parallel_loop3A_445 = vector.broadcast %parallel_loop3A_444 : i32 to vector<16xi32>
        %parallel_loop3A_446 = arith.addi %parallel_loop3A_93, %parallel_loop3A_445 : vector<16xi32>
        %parallel_loop3A_447 = tpu.vector_load_idx %arg8[%parallel_loop3A_446] : memref<128xf32, #tpu.memory_space<vmem>>[vector<16xi32>], vector<16xf32>,
        %parallel_loop3A_448 = arith.constant 16 : i32
        %parallel_loop3A_449 = arith.muli %parallel_loop3A_86, %parallel_loop3A_448 : i32
        %parallel_loop3A_450 = arith.constant 35 : i32
        %parallel_loop3A_451 = arith.index_cast %parallel_loop3A_450 : i32 to index
        %parallel_loop3A_452 = arith.index_cast %parallel_loop3A_449 : i32 to index
        %parallel_loop3A_453 = tpu.vector_load %arg7[%parallel_loop3A_451, %parallel_loop3A_452] {strides = array<i32>} : memref<64x512xf32, #tpu.memory_space<vmem>>, vector<16xf32>,
        tpu.vector_store %arg7[%parallel_loop3A_451, %parallel_loop3A_452], %parallel_loop3A_447 {strides = array<i32>} : memref<64x512xf32, #tpu.memory_space<vmem>>, vector<16xf32>,
        %parallel_loop3A_454 = arith.constant 72 : i32
        %parallel_loop3A_455 = vector.broadcast %parallel_loop3A_454 : i32 to vector<16xi32>
        %parallel_loop3A_456 = arith.addi %parallel_loop3A_93, %parallel_loop3A_455 : vector<16xi32>
        %parallel_loop3A_457 = tpu.vector_load_idx %arg8[%parallel_loop3A_456] : memref<128xf32, #tpu.memory_space<vmem>>[vector<16xi32>], vector<16xf32>,
        %parallel_loop3A_458 = arith.constant 16 : i32
        %parallel_loop3A_459 = arith.muli %parallel_loop3A_86, %parallel_loop3A_458 : i32
        %parallel_loop3A_460 = arith.constant 36 : i32
        %parallel_loop3A_461 = arith.index_cast %parallel_loop3A_460 : i32 to index
        %parallel_loop3A_462 = arith.index_cast %parallel_loop3A_459 : i32 to index
        %parallel_loop3A_463 = tpu.vector_load %arg7[%parallel_loop3A_461, %parallel_loop3A_462] {strides = array<i32>} : memref<64x512xf32, #tpu.memory_space<vmem>>, vector<16xf32>,
        tpu.vector_store %arg7[%parallel_loop3A_461, %parallel_loop3A_462], %parallel_loop3A_457 {strides = array<i32>} : memref<64x512xf32, #tpu.memory_space<vmem>>, vector<16xf32>,
        %parallel_loop3A_464 = arith.constant 74 : i32
        %parallel_loop3A_465 = vector.broadcast %parallel_loop3A_464 : i32 to vector<16xi32>
        %parallel_loop3A_466 = arith.addi %parallel_loop3A_93, %parallel_loop3A_465 : vector<16xi32>
        %parallel_loop3A_467 = tpu.vector_load_idx %arg8[%parallel_loop3A_466] : memref<128xf32, #tpu.memory_space<vmem>>[vector<16xi32>], vector<16xf32>,
        %parallel_loop3A_468 = arith.constant 16 : i32
        %parallel_loop3A_469 = arith.muli %parallel_loop3A_86, %parallel_loop3A_468 : i32
        %parallel_loop3A_470 = arith.constant 37 : i32
        %parallel_loop3A_471 = arith.index_cast %parallel_loop3A_470 : i32 to index
        %parallel_loop3A_472 = arith.index_cast %parallel_loop3A_469 : i32 to index
        %parallel_loop3A_473 = tpu.vector_load %arg7[%parallel_loop3A_471, %parallel_loop3A_472] {strides = array<i32>} : memref<64x512xf32, #tpu.memory_space<vmem>>, vector<16xf32>,
        tpu.vector_store %arg7[%parallel_loop3A_471, %parallel_loop3A_472], %parallel_loop3A_467 {strides = array<i32>} : memref<64x512xf32, #tpu.memory_space<vmem>>, vector<16xf32>,
        %parallel_loop3A_474 = arith.constant 76 : i32
        %parallel_loop3A_475 = vector.broadcast %parallel_loop3A_474 : i32 to vector<16xi32>
        %parallel_loop3A_476 = arith.addi %parallel_loop3A_93, %parallel_loop3A_475 : vector<16xi32>
        %parallel_loop3A_477 = tpu.vector_load_idx %arg8[%parallel_loop3A_476] : memref<128xf32, #tpu.memory_space<vmem>>[vector<16xi32>], vector<16xf32>,
        %parallel_loop3A_478 = arith.constant 16 : i32
        %parallel_loop3A_479 = arith.muli %parallel_loop3A_86, %parallel_loop3A_478 : i32
        %parallel_loop3A_480 = arith.constant 38 : i32
        %parallel_loop3A_481 = arith.index_cast %parallel_loop3A_480 : i32 to index
        %parallel_loop3A_482 = arith.index_cast %parallel_loop3A_479 : i32 to index
        %parallel_loop3A_483 = tpu.vector_load %arg7[%parallel_loop3A_481, %parallel_loop3A_482] {strides = array<i32>} : memref<64x512xf32, #tpu.memory_space<vmem>>, vector<16xf32>,
        tpu.vector_store %arg7[%parallel_loop3A_481, %parallel_loop3A_482], %parallel_loop3A_477 {strides = array<i32>} : memref<64x512xf32, #tpu.memory_space<vmem>>, vector<16xf32>,
        %parallel_loop3A_484 = arith.constant 78 : i32
        %parallel_loop3A_485 = vector.broadcast %parallel_loop3A_484 : i32 to vector<16xi32>
        %parallel_loop3A_486 = arith.addi %parallel_loop3A_93, %parallel_loop3A_485 : vector<16xi32>
        %parallel_loop3A_487 = tpu.vector_load_idx %arg8[%parallel_loop3A_486] : memref<128xf32, #tpu.memory_space<vmem>>[vector<16xi32>], vector<16xf32>,
        %parallel_loop3A_488 = arith.constant 16 : i32
        %parallel_loop3A_489 = arith.muli %parallel_loop3A_86, %parallel_loop3A_488 : i32
        %parallel_loop3A_490 = arith.constant 39 : i32
        %parallel_loop3A_491 = arith.index_cast %parallel_loop3A_490 : i32 to index
        %parallel_loop3A_492 = arith.index_cast %parallel_loop3A_489 : i32 to index
        %parallel_loop3A_493 = tpu.vector_load %arg7[%parallel_loop3A_491, %parallel_loop3A_492] {strides = array<i32>} : memref<64x512xf32, #tpu.memory_space<vmem>>, vector<16xf32>,
        tpu.vector_store %arg7[%parallel_loop3A_491, %parallel_loop3A_492], %parallel_loop3A_487 {strides = array<i32>} : memref<64x512xf32, #tpu.memory_space<vmem>>, vector<16xf32>,
        %parallel_loop3A_494 = arith.constant 80 : i32
        %parallel_loop3A_495 = vector.broadcast %parallel_loop3A_494 : i32 to vector<16xi32>
        %parallel_loop3A_496 = arith.addi %parallel_loop3A_93, %parallel_loop3A_495 : vector<16xi32>
        %parallel_loop3A_497 = tpu.vector_load_idx %arg8[%parallel_loop3A_496] : memref<128xf32, #tpu.memory_space<vmem>>[vector<16xi32>], vector<16xf32>,
        %parallel_loop3A_498 = arith.constant 16 : i32
        %parallel_loop3A_499 = arith.muli %parallel_loop3A_86, %parallel_loop3A_498 : i32
        %parallel_loop3A_500 = arith.constant 40 : i32
        %parallel_loop3A_501 = arith.index_cast %parallel_loop3A_500 : i32 to index
        %parallel_loop3A_502 = arith.index_cast %parallel_loop3A_499 : i32 to index
        %parallel_loop3A_503 = tpu.vector_load %arg7[%parallel_loop3A_501, %parallel_loop3A_502] {strides = array<i32>} : memref<64x512xf32, #tpu.memory_space<vmem>>, vector<16xf32>,
        tpu.vector_store %arg7[%parallel_loop3A_501, %parallel_loop3A_502], %parallel_loop3A_497 {strides = array<i32>} : memref<64x512xf32, #tpu.memory_space<vmem>>, vector<16xf32>,
        %parallel_loop3A_504 = arith.constant 82 : i32
        %parallel_loop3A_505 = vector.broadcast %parallel_loop3A_504 : i32 to vector<16xi32>
        %parallel_loop3A_506 = arith.addi %parallel_loop3A_93, %parallel_loop3A_505 : vector<16xi32>
        %parallel_loop3A_507 = tpu.vector_load_idx %arg8[%parallel_loop3A_506] : memref<128xf32, #tpu.memory_space<vmem>>[vector<16xi32>], vector<16xf32>,
        %parallel_loop3A_508 = arith.constant 16 : i32
        %parallel_loop3A_509 = arith.muli %parallel_loop3A_86, %parallel_loop3A_508 : i32
        %parallel_loop3A_510 = arith.constant 41 : i32
        %parallel_loop3A_511 = arith.index_cast %parallel_loop3A_510 : i32 to index
        %parallel_loop3A_512 = arith.index_cast %parallel_loop3A_509 : i32 to index
        %parallel_loop3A_513 = tpu.vector_load %arg7[%parallel_loop3A_511, %parallel_loop3A_512] {strides = array<i32>} : memref<64x512xf32, #tpu.memory_space<vmem>>, vector<16xf32>,
        tpu.vector_store %arg7[%parallel_loop3A_511, %parallel_loop3A_512], %parallel_loop3A_507 {strides = array<i32>} : memref<64x512xf32, #tpu.memory_space<vmem>>, vector<16xf32>,
        %parallel_loop3A_514 = arith.constant 84 : i32
        %parallel_loop3A_515 = vector.broadcast %parallel_loop3A_514 : i32 to vector<16xi32>
        %parallel_loop3A_516 = arith.addi %parallel_loop3A_93, %parallel_loop3A_515 : vector<16xi32>
        %parallel_loop3A_517 = tpu.vector_load_idx %arg8[%parallel_loop3A_516] : memref<128xf32, #tpu.memory_space<vmem>>[vector<16xi32>], vector<16xf32>,
        %parallel_loop3A_518 = arith.constant 16 : i32
        %parallel_loop3A_519 = arith.muli %parallel_loop3A_86, %parallel_loop3A_518 : i32
        %parallel_loop3A_520 = arith.constant 42 : i32
        %parallel_loop3A_521 = arith.index_cast %parallel_loop3A_520 : i32 to index
        %parallel_loop3A_522 = arith.index_cast %parallel_loop3A_519 : i32 to index
        %parallel_loop3A_523 = tpu.vector_load %arg7[%parallel_loop3A_521, %parallel_loop3A_522] {strides = array<i32>} : memref<64x512xf32, #tpu.memory_space<vmem>>, vector<16xf32>,
        tpu.vector_store %arg7[%parallel_loop3A_521, %parallel_loop3A_522], %parallel_loop3A_517 {strides = array<i32>} : memref<64x512xf32, #tpu.memory_space<vmem>>, vector<16xf32>,
        %parallel_loop3A_524 = arith.constant 86 : i32
        %parallel_loop3A_525 = vector.broadcast %parallel_loop3A_524 : i32 to vector<16xi32>
        %parallel_loop3A_526 = arith.addi %parallel_loop3A_93, %parallel_loop3A_525 : vector<16xi32>
        %parallel_loop3A_527 = tpu.vector_load_idx %arg8[%parallel_loop3A_526] : memref<128xf32, #tpu.memory_space<vmem>>[vector<16xi32>], vector<16xf32>,
        %parallel_loop3A_528 = arith.constant 16 : i32
        %parallel_loop3A_529 = arith.muli %parallel_loop3A_86, %parallel_loop3A_528 : i32
        %parallel_loop3A_530 = arith.constant 43 : i32
        %parallel_loop3A_531 = arith.index_cast %parallel_loop3A_530 : i32 to index
        %parallel_loop3A_532 = arith.index_cast %parallel_loop3A_529 : i32 to index
        %parallel_loop3A_533 = tpu.vector_load %arg7[%parallel_loop3A_531, %parallel_loop3A_532] {strides = array<i32>} : memref<64x512xf32, #tpu.memory_space<vmem>>, vector<16xf32>,
        tpu.vector_store %arg7[%parallel_loop3A_531, %parallel_loop3A_532], %parallel_loop3A_527 {strides = array<i32>} : memref<64x512xf32, #tpu.memory_space<vmem>>, vector<16xf32>,
        %parallel_loop3A_534 = arith.constant 88 : i32
        %parallel_loop3A_535 = vector.broadcast %parallel_loop3A_534 : i32 to vector<16xi32>
        %parallel_loop3A_536 = arith.addi %parallel_loop3A_93, %parallel_loop3A_535 : vector<16xi32>
        %parallel_loop3A_537 = tpu.vector_load_idx %arg8[%parallel_loop3A_536] : memref<128xf32, #tpu.memory_space<vmem>>[vector<16xi32>], vector<16xf32>,
        %parallel_loop3A_538 = arith.constant 16 : i32
        %parallel_loop3A_539 = arith.muli %parallel_loop3A_86, %parallel_loop3A_538 : i32
        %parallel_loop3A_540 = arith.constant 44 : i32
        %parallel_loop3A_541 = arith.index_cast %parallel_loop3A_540 : i32 to index
        %parallel_loop3A_542 = arith.index_cast %parallel_loop3A_539 : i32 to index
        %parallel_loop3A_543 = tpu.vector_load %arg7[%parallel_loop3A_541, %parallel_loop3A_542] {strides = array<i32>} : memref<64x512xf32, #tpu.memory_space<vmem>>, vector<16xf32>,
        tpu.vector_store %arg7[%parallel_loop3A_541, %parallel_loop3A_542], %parallel_loop3A_537 {strides = array<i32>} : memref<64x512xf32, #tpu.memory_space<vmem>>, vector<16xf32>,
        %parallel_loop3A_544 = arith.constant 90 : i32
        %parallel_loop3A_545 = vector.broadcast %parallel_loop3A_544 : i32 to vector<16xi32>
        %parallel_loop3A_546 = arith.addi %parallel_loop3A_93, %parallel_loop3A_545 : vector<16xi32>
        %parallel_loop3A_547 = tpu.vector_load_idx %arg8[%parallel_loop3A_546] : memref<128xf32, #tpu.memory_space<vmem>>[vector<16xi32>], vector<16xf32>,
        %parallel_loop3A_548 = arith.constant 16 : i32
        %parallel_loop3A_549 = arith.muli %parallel_loop3A_86, %parallel_loop3A_548 : i32
        %parallel_loop3A_550 = arith.constant 45 : i32
        %parallel_loop3A_551 = arith.index_cast %parallel_loop3A_550 : i32 to index
        %parallel_loop3A_552 = arith.index_cast %parallel_loop3A_549 : i32 to index
        %parallel_loop3A_553 = tpu.vector_load %arg7[%parallel_loop3A_551, %parallel_loop3A_552] {strides = array<i32>} : memref<64x512xf32, #tpu.memory_space<vmem>>, vector<16xf32>,
        tpu.vector_store %arg7[%parallel_loop3A_551, %parallel_loop3A_552], %parallel_loop3A_547 {strides = array<i32>} : memref<64x512xf32, #tpu.memory_space<vmem>>, vector<16xf32>,
        %parallel_loop3A_554 = arith.constant 92 : i32
        %parallel_loop3A_555 = vector.broadcast %parallel_loop3A_554 : i32 to vector<16xi32>
        %parallel_loop3A_556 = arith.addi %parallel_loop3A_93, %parallel_loop3A_555 : vector<16xi32>
        %parallel_loop3A_557 = tpu.vector_load_idx %arg8[%parallel_loop3A_556] : memref<128xf32, #tpu.memory_space<vmem>>[vector<16xi32>], vector<16xf32>,
        %parallel_loop3A_558 = arith.constant 16 : i32
        %parallel_loop3A_559 = arith.muli %parallel_loop3A_86, %parallel_loop3A_558 : i32
        %parallel_loop3A_560 = arith.constant 46 : i32
        %parallel_loop3A_561 = arith.index_cast %parallel_loop3A_560 : i32 to index
        %parallel_loop3A_562 = arith.index_cast %parallel_loop3A_559 : i32 to index
        %parallel_loop3A_563 = tpu.vector_load %arg7[%parallel_loop3A_561, %parallel_loop3A_562] {strides = array<i32>} : memref<64x512xf32, #tpu.memory_space<vmem>>, vector<16xf32>,
        tpu.vector_store %arg7[%parallel_loop3A_561, %parallel_loop3A_562], %parallel_loop3A_557 {strides = array<i32>} : memref<64x512xf32, #tpu.memory_space<vmem>>, vector<16xf32>,
        %parallel_loop3A_564 = arith.constant 94 : i32
        %parallel_loop3A_565 = vector.broadcast %parallel_loop3A_564 : i32 to vector<16xi32>
        %parallel_loop3A_566 = arith.addi %parallel_loop3A_93, %parallel_loop3A_565 : vector<16xi32>
        %parallel_loop3A_567 = tpu.vector_load_idx %arg8[%parallel_loop3A_566] : memref<128xf32, #tpu.memory_space<vmem>>[vector<16xi32>], vector<16xf32>,
        %parallel_loop3A_568 = arith.constant 16 : i32
        %parallel_loop3A_569 = arith.muli %parallel_loop3A_86, %parallel_loop3A_568 : i32
        %parallel_loop3A_570 = arith.constant 47 : i32
        %parallel_loop3A_571 = arith.index_cast %parallel_loop3A_570 : i32 to index
        %parallel_loop3A_572 = arith.index_cast %parallel_loop3A_569 : i32 to index
        %parallel_loop3A_573 = tpu.vector_load %arg7[%parallel_loop3A_571, %parallel_loop3A_572] {strides = array<i32>} : memref<64x512xf32, #tpu.memory_space<vmem>>, vector<16xf32>,
        tpu.vector_store %arg7[%parallel_loop3A_571, %parallel_loop3A_572], %parallel_loop3A_567 {strides = array<i32>} : memref<64x512xf32, #tpu.memory_space<vmem>>, vector<16xf32>,
        %parallel_loop3A_574 = arith.constant 96 : i32
        %parallel_loop3A_575 = vector.broadcast %parallel_loop3A_574 : i32 to vector<16xi32>
        %parallel_loop3A_576 = arith.addi %parallel_loop3A_93, %parallel_loop3A_575 : vector<16xi32>
        %parallel_loop3A_577 = tpu.vector_load_idx %arg8[%parallel_loop3A_576] : memref<128xf32, #tpu.memory_space<vmem>>[vector<16xi32>], vector<16xf32>,
        %parallel_loop3A_578 = arith.constant 16 : i32
        %parallel_loop3A_579 = arith.muli %parallel_loop3A_86, %parallel_loop3A_578 : i32
        %parallel_loop3A_580 = arith.constant 48 : i32
        %parallel_loop3A_581 = arith.index_cast %parallel_loop3A_580 : i32 to index
        %parallel_loop3A_582 = arith.index_cast %parallel_loop3A_579 : i32 to index
        %parallel_loop3A_583 = tpu.vector_load %arg7[%parallel_loop3A_581, %parallel_loop3A_582] {strides = array<i32>} : memref<64x512xf32, #tpu.memory_space<vmem>>, vector<16xf32>,
        tpu.vector_store %arg7[%parallel_loop3A_581, %parallel_loop3A_582], %parallel_loop3A_577 {strides = array<i32>} : memref<64x512xf32, #tpu.memory_space<vmem>>, vector<16xf32>,
        %parallel_loop3A_584 = arith.constant 98 : i32
        %parallel_loop3A_585 = vector.broadcast %parallel_loop3A_584 : i32 to vector<16xi32>
        %parallel_loop3A_586 = arith.addi %parallel_loop3A_93, %parallel_loop3A_585 : vector<16xi32>
        %parallel_loop3A_587 = tpu.vector_load_idx %arg8[%parallel_loop3A_586] : memref<128xf32, #tpu.memory_space<vmem>>[vector<16xi32>], vector<16xf32>,
        %parallel_loop3A_588 = arith.constant 16 : i32
        %parallel_loop3A_589 = arith.muli %parallel_loop3A_86, %parallel_loop3A_588 : i32
        %parallel_loop3A_590 = arith.constant 49 : i32
        %parallel_loop3A_591 = arith.index_cast %parallel_loop3A_590 : i32 to index
        %parallel_loop3A_592 = arith.index_cast %parallel_loop3A_589 : i32 to index
        %parallel_loop3A_593 = tpu.vector_load %arg7[%parallel_loop3A_591, %parallel_loop3A_592] {strides = array<i32>} : memref<64x512xf32, #tpu.memory_space<vmem>>, vector<16xf32>,
        tpu.vector_store %arg7[%parallel_loop3A_591, %parallel_loop3A_592], %parallel_loop3A_587 {strides = array<i32>} : memref<64x512xf32, #tpu.memory_space<vmem>>, vector<16xf32>,
        %parallel_loop3A_594 = arith.constant 100 : i32
        %parallel_loop3A_595 = vector.broadcast %parallel_loop3A_594 : i32 to vector<16xi32>
        %parallel_loop3A_596 = arith.addi %parallel_loop3A_93, %parallel_loop3A_595 : vector<16xi32>
        %parallel_loop3A_597 = tpu.vector_load_idx %arg8[%parallel_loop3A_596] : memref<128xf32, #tpu.memory_space<vmem>>[vector<16xi32>], vector<16xf32>,
        %parallel_loop3A_598 = arith.constant 16 : i32
        %parallel_loop3A_599 = arith.muli %parallel_loop3A_86, %parallel_loop3A_598 : i32
        %parallel_loop3A_600 = arith.constant 50 : i32
        %parallel_loop3A_601 = arith.index_cast %parallel_loop3A_600 : i32 to index
        %parallel_loop3A_602 = arith.index_cast %parallel_loop3A_599 : i32 to index
        %parallel_loop3A_603 = tpu.vector_load %arg7[%parallel_loop3A_601, %parallel_loop3A_602] {strides = array<i32>} : memref<64x512xf32, #tpu.memory_space<vmem>>, vector<16xf32>,
        tpu.vector_store %arg7[%parallel_loop3A_601, %parallel_loop3A_602], %parallel_loop3A_597 {strides = array<i32>} : memref<64x512xf32, #tpu.memory_space<vmem>>, vector<16xf32>,
        %parallel_loop3A_604 = arith.constant 102 : i32
        %parallel_loop3A_605 = vector.broadcast %parallel_loop3A_604 : i32 to vector<16xi32>
        %parallel_loop3A_606 = arith.addi %parallel_loop3A_93, %parallel_loop3A_605 : vector<16xi32>
        %parallel_loop3A_607 = tpu.vector_load_idx %arg8[%parallel_loop3A_606] : memref<128xf32, #tpu.memory_space<vmem>>[vector<16xi32>], vector<16xf32>,
        %parallel_loop3A_608 = arith.constant 16 : i32
        %parallel_loop3A_609 = arith.muli %parallel_loop3A_86, %parallel_loop3A_608 : i32
        %parallel_loop3A_610 = arith.constant 51 : i32
        %parallel_loop3A_611 = arith.index_cast %parallel_loop3A_610 : i32 to index
        %parallel_loop3A_612 = arith.index_cast %parallel_loop3A_609 : i32 to index
        %parallel_loop3A_613 = tpu.vector_load %arg7[%parallel_loop3A_611, %parallel_loop3A_612] {strides = array<i32>} : memref<64x512xf32, #tpu.memory_space<vmem>>, vector<16xf32>,
        tpu.vector_store %arg7[%parallel_loop3A_611, %parallel_loop3A_612], %parallel_loop3A_607 {strides = array<i32>} : memref<64x512xf32, #tpu.memory_space<vmem>>, vector<16xf32>,
        %parallel_loop3A_614 = arith.constant 104 : i32
        %parallel_loop3A_615 = vector.broadcast %parallel_loop3A_614 : i32 to vector<16xi32>
        %parallel_loop3A_616 = arith.addi %parallel_loop3A_93, %parallel_loop3A_615 : vector<16xi32>
        %parallel_loop3A_617 = tpu.vector_load_idx %arg8[%parallel_loop3A_616] : memref<128xf32, #tpu.memory_space<vmem>>[vector<16xi32>], vector<16xf32>,
        %parallel_loop3A_618 = arith.constant 16 : i32
        %parallel_loop3A_619 = arith.muli %parallel_loop3A_86, %parallel_loop3A_618 : i32
        %parallel_loop3A_620 = arith.constant 52 : i32
        %parallel_loop3A_621 = arith.index_cast %parallel_loop3A_620 : i32 to index
        %parallel_loop3A_622 = arith.index_cast %parallel_loop3A_619 : i32 to index
        %parallel_loop3A_623 = tpu.vector_load %arg7[%parallel_loop3A_621, %parallel_loop3A_622] {strides = array<i32>} : memref<64x512xf32, #tpu.memory_space<vmem>>, vector<16xf32>,
        tpu.vector_store %arg7[%parallel_loop3A_621, %parallel_loop3A_622], %parallel_loop3A_617 {strides = array<i32>} : memref<64x512xf32, #tpu.memory_space<vmem>>, vector<16xf32>,
        %parallel_loop3A_624 = arith.constant 106 : i32
        %parallel_loop3A_625 = vector.broadcast %parallel_loop3A_624 : i32 to vector<16xi32>
        %parallel_loop3A_626 = arith.addi %parallel_loop3A_93, %parallel_loop3A_625 : vector<16xi32>
        %parallel_loop3A_627 = tpu.vector_load_idx %arg8[%parallel_loop3A_626] : memref<128xf32, #tpu.memory_space<vmem>>[vector<16xi32>], vector<16xf32>,
        %parallel_loop3A_628 = arith.constant 16 : i32
        %parallel_loop3A_629 = arith.muli %parallel_loop3A_86, %parallel_loop3A_628 : i32
        %parallel_loop3A_630 = arith.constant 53 : i32
        %parallel_loop3A_631 = arith.index_cast %parallel_loop3A_630 : i32 to index
        %parallel_loop3A_632 = arith.index_cast %parallel_loop3A_629 : i32 to index
        %parallel_loop3A_633 = tpu.vector_load %arg7[%parallel_loop3A_631, %parallel_loop3A_632] {strides = array<i32>} : memref<64x512xf32, #tpu.memory_space<vmem>>, vector<16xf32>,
        tpu.vector_store %arg7[%parallel_loop3A_631, %parallel_loop3A_632], %parallel_loop3A_627 {strides = array<i32>} : memref<64x512xf32, #tpu.memory_space<vmem>>, vector<16xf32>,
        %parallel_loop3A_634 = arith.constant 108 : i32
        %parallel_loop3A_635 = vector.broadcast %parallel_loop3A_634 : i32 to vector<16xi32>
        %parallel_loop3A_636 = arith.addi %parallel_loop3A_93, %parallel_loop3A_635 : vector<16xi32>
        %parallel_loop3A_637 = tpu.vector_load_idx %arg8[%parallel_loop3A_636] : memref<128xf32, #tpu.memory_space<vmem>>[vector<16xi32>], vector<16xf32>,
        %parallel_loop3A_638 = arith.constant 16 : i32
        %parallel_loop3A_639 = arith.muli %parallel_loop3A_86, %parallel_loop3A_638 : i32
        %parallel_loop3A_640 = arith.constant 54 : i32
        %parallel_loop3A_641 = arith.index_cast %parallel_loop3A_640 : i32 to index
        %parallel_loop3A_642 = arith.index_cast %parallel_loop3A_639 : i32 to index
        %parallel_loop3A_643 = tpu.vector_load %arg7[%parallel_loop3A_641, %parallel_loop3A_642] {strides = array<i32>} : memref<64x512xf32, #tpu.memory_space<vmem>>, vector<16xf32>,
        tpu.vector_store %arg7[%parallel_loop3A_641, %parallel_loop3A_642], %parallel_loop3A_637 {strides = array<i32>} : memref<64x512xf32, #tpu.memory_space<vmem>>, vector<16xf32>,
        %parallel_loop3A_644 = arith.constant 110 : i32
        %parallel_loop3A_645 = vector.broadcast %parallel_loop3A_644 : i32 to vector<16xi32>
        %parallel_loop3A_646 = arith.addi %parallel_loop3A_93, %parallel_loop3A_645 : vector<16xi32>
        %parallel_loop3A_647 = tpu.vector_load_idx %arg8[%parallel_loop3A_646] : memref<128xf32, #tpu.memory_space<vmem>>[vector<16xi32>], vector<16xf32>,
        %parallel_loop3A_648 = arith.constant 16 : i32
        %parallel_loop3A_649 = arith.muli %parallel_loop3A_86, %parallel_loop3A_648 : i32
        %parallel_loop3A_650 = arith.constant 55 : i32
        %parallel_loop3A_651 = arith.index_cast %parallel_loop3A_650 : i32 to index
        %parallel_loop3A_652 = arith.index_cast %parallel_loop3A_649 : i32 to index
        %parallel_loop3A_653 = tpu.vector_load %arg7[%parallel_loop3A_651, %parallel_loop3A_652] {strides = array<i32>} : memref<64x512xf32, #tpu.memory_space<vmem>>, vector<16xf32>,
        tpu.vector_store %arg7[%parallel_loop3A_651, %parallel_loop3A_652], %parallel_loop3A_647 {strides = array<i32>} : memref<64x512xf32, #tpu.memory_space<vmem>>, vector<16xf32>,
        %parallel_loop3A_654 = arith.constant 112 : i32
        %parallel_loop3A_655 = vector.broadcast %parallel_loop3A_654 : i32 to vector<16xi32>
        %parallel_loop3A_656 = arith.addi %parallel_loop3A_93, %parallel_loop3A_655 : vector<16xi32>
        %parallel_loop3A_657 = tpu.vector_load_idx %arg8[%parallel_loop3A_656] : memref<128xf32, #tpu.memory_space<vmem>>[vector<16xi32>], vector<16xf32>,
        %parallel_loop3A_658 = arith.constant 16 : i32
        %parallel_loop3A_659 = arith.muli %parallel_loop3A_86, %parallel_loop3A_658 : i32
        %parallel_loop3A_660 = arith.constant 56 : i32
        %parallel_loop3A_661 = arith.index_cast %parallel_loop3A_660 : i32 to index
        %parallel_loop3A_662 = arith.index_cast %parallel_loop3A_659 : i32 to index
        %parallel_loop3A_663 = tpu.vector_load %arg7[%parallel_loop3A_661, %parallel_loop3A_662] {strides = array<i32>} : memref<64x512xf32, #tpu.memory_space<vmem>>, vector<16xf32>,
        tpu.vector_store %arg7[%parallel_loop3A_661, %parallel_loop3A_662], %parallel_loop3A_657 {strides = array<i32>} : memref<64x512xf32, #tpu.memory_space<vmem>>, vector<16xf32>,
        %parallel_loop3A_664 = arith.constant 114 : i32
        %parallel_loop3A_665 = vector.broadcast %parallel_loop3A_664 : i32 to vector<16xi32>
        %parallel_loop3A_666 = arith.addi %parallel_loop3A_93, %parallel_loop3A_665 : vector<16xi32>
        %parallel_loop3A_667 = tpu.vector_load_idx %arg8[%parallel_loop3A_666] : memref<128xf32, #tpu.memory_space<vmem>>[vector<16xi32>], vector<16xf32>,
        %parallel_loop3A_668 = arith.constant 16 : i32
        %parallel_loop3A_669 = arith.muli %parallel_loop3A_86, %parallel_loop3A_668 : i32
        %parallel_loop3A_670 = arith.constant 57 : i32
        %parallel_loop3A_671 = arith.index_cast %parallel_loop3A_670 : i32 to index
        %parallel_loop3A_672 = arith.index_cast %parallel_loop3A_669 : i32 to index
        %parallel_loop3A_673 = tpu.vector_load %arg7[%parallel_loop3A_671, %parallel_loop3A_672] {strides = array<i32>} : memref<64x512xf32, #tpu.memory_space<vmem>>, vector<16xf32>,
        tpu.vector_store %arg7[%parallel_loop3A_671, %parallel_loop3A_672], %parallel_loop3A_667 {strides = array<i32>} : memref<64x512xf32, #tpu.memory_space<vmem>>, vector<16xf32>,
        %parallel_loop3A_674 = arith.constant 116 : i32
        %parallel_loop3A_675 = vector.broadcast %parallel_loop3A_674 : i32 to vector<16xi32>
        %parallel_loop3A_676 = arith.addi %parallel_loop3A_93, %parallel_loop3A_675 : vector<16xi32>
        %parallel_loop3A_677 = tpu.vector_load_idx %arg8[%parallel_loop3A_676] : memref<128xf32, #tpu.memory_space<vmem>>[vector<16xi32>], vector<16xf32>,
        %parallel_loop3A_678 = arith.constant 16 : i32
        %parallel_loop3A_679 = arith.muli %parallel_loop3A_86, %parallel_loop3A_678 : i32
        %parallel_loop3A_680 = arith.constant 58 : i32
        %parallel_loop3A_681 = arith.index_cast %parallel_loop3A_680 : i32 to index
        %parallel_loop3A_682 = arith.index_cast %parallel_loop3A_679 : i32 to index
        %parallel_loop3A_683 = tpu.vector_load %arg7[%parallel_loop3A_681, %parallel_loop3A_682] {strides = array<i32>} : memref<64x512xf32, #tpu.memory_space<vmem>>, vector<16xf32>,
        tpu.vector_store %arg7[%parallel_loop3A_681, %parallel_loop3A_682], %parallel_loop3A_677 {strides = array<i32>} : memref<64x512xf32, #tpu.memory_space<vmem>>, vector<16xf32>,
        %parallel_loop3A_684 = arith.constant 118 : i32
        %parallel_loop3A_685 = vector.broadcast %parallel_loop3A_684 : i32 to vector<16xi32>
        %parallel_loop3A_686 = arith.addi %parallel_loop3A_93, %parallel_loop3A_685 : vector<16xi32>
        %parallel_loop3A_687 = tpu.vector_load_idx %arg8[%parallel_loop3A_686] : memref<128xf32, #tpu.memory_space<vmem>>[vector<16xi32>], vector<16xf32>,
        %parallel_loop3A_688 = arith.constant 16 : i32
        %parallel_loop3A_689 = arith.muli %parallel_loop3A_86, %parallel_loop3A_688 : i32
        %parallel_loop3A_690 = arith.constant 59 : i32
        %parallel_loop3A_691 = arith.index_cast %parallel_loop3A_690 : i32 to index
        %parallel_loop3A_692 = arith.index_cast %parallel_loop3A_689 : i32 to index
        %parallel_loop3A_693 = tpu.vector_load %arg7[%parallel_loop3A_691, %parallel_loop3A_692] {strides = array<i32>} : memref<64x512xf32, #tpu.memory_space<vmem>>, vector<16xf32>,
        tpu.vector_store %arg7[%parallel_loop3A_691, %parallel_loop3A_692], %parallel_loop3A_687 {strides = array<i32>} : memref<64x512xf32, #tpu.memory_space<vmem>>, vector<16xf32>,
        %parallel_loop3A_694 = arith.constant 120 : i32
        %parallel_loop3A_695 = vector.broadcast %parallel_loop3A_694 : i32 to vector<16xi32>
        %parallel_loop3A_696 = arith.addi %parallel_loop3A_93, %parallel_loop3A_695 : vector<16xi32>
        %parallel_loop3A_697 = tpu.vector_load_idx %arg8[%parallel_loop3A_696] : memref<128xf32, #tpu.memory_space<vmem>>[vector<16xi32>], vector<16xf32>,
        %parallel_loop3A_698 = arith.constant 16 : i32
        %parallel_loop3A_699 = arith.muli %parallel_loop3A_86, %parallel_loop3A_698 : i32
        %parallel_loop3A_700 = arith.constant 60 : i32
        %parallel_loop3A_701 = arith.index_cast %parallel_loop3A_700 : i32 to index
        %parallel_loop3A_702 = arith.index_cast %parallel_loop3A_699 : i32 to index
        %parallel_loop3A_703 = tpu.vector_load %arg7[%parallel_loop3A_701, %parallel_loop3A_702] {strides = array<i32>} : memref<64x512xf32, #tpu.memory_space<vmem>>, vector<16xf32>,
        tpu.vector_store %arg7[%parallel_loop3A_701, %parallel_loop3A_702], %parallel_loop3A_697 {strides = array<i32>} : memref<64x512xf32, #tpu.memory_space<vmem>>, vector<16xf32>,
        %parallel_loop3A_704 = arith.constant 122 : i32
        %parallel_loop3A_705 = vector.broadcast %parallel_loop3A_704 : i32 to vector<16xi32>
        %parallel_loop3A_706 = arith.addi %parallel_loop3A_93, %parallel_loop3A_705 : vector<16xi32>
        %parallel_loop3A_707 = tpu.vector_load_idx %arg8[%parallel_loop3A_706] : memref<128xf32, #tpu.memory_space<vmem>>[vector<16xi32>], vector<16xf32>,
        %parallel_loop3A_708 = arith.constant 16 : i32
        %parallel_loop3A_709 = arith.muli %parallel_loop3A_86, %parallel_loop3A_708 : i32
        %parallel_loop3A_710 = arith.constant 61 : i32
        %parallel_loop3A_711 = arith.index_cast %parallel_loop3A_710 : i32 to index
        %parallel_loop3A_712 = arith.index_cast %parallel_loop3A_709 : i32 to index
        %parallel_loop3A_713 = tpu.vector_load %arg7[%parallel_loop3A_711, %parallel_loop3A_712] {strides = array<i32>} : memref<64x512xf32, #tpu.memory_space<vmem>>, vector<16xf32>,
        tpu.vector_store %arg7[%parallel_loop3A_711, %parallel_loop3A_712], %parallel_loop3A_707 {strides = array<i32>} : memref<64x512xf32, #tpu.memory_space<vmem>>, vector<16xf32>,
        %parallel_loop3A_714 = arith.constant 124 : i32
        %parallel_loop3A_715 = vector.broadcast %parallel_loop3A_714 : i32 to vector<16xi32>
        %parallel_loop3A_716 = arith.addi %parallel_loop3A_93, %parallel_loop3A_715 : vector<16xi32>
        %parallel_loop3A_717 = tpu.vector_load_idx %arg8[%parallel_loop3A_716] : memref<128xf32, #tpu.memory_space<vmem>>[vector<16xi32>], vector<16xf32>,
        %parallel_loop3A_718 = arith.constant 16 : i32
        %parallel_loop3A_719 = arith.muli %parallel_loop3A_86, %parallel_loop3A_718 : i32
        %parallel_loop3A_720 = arith.constant 62 : i32
        %parallel_loop3A_721 = arith.index_cast %parallel_loop3A_720 : i32 to index
        %parallel_loop3A_722 = arith.index_cast %parallel_loop3A_719 : i32 to index
        %parallel_loop3A_723 = tpu.vector_load %arg7[%parallel_loop3A_721, %parallel_loop3A_722] {strides = array<i32>} : memref<64x512xf32, #tpu.memory_space<vmem>>, vector<16xf32>,
        tpu.vector_store %arg7[%parallel_loop3A_721, %parallel_loop3A_722], %parallel_loop3A_717 {strides = array<i32>} : memref<64x512xf32, #tpu.memory_space<vmem>>, vector<16xf32>,
        %parallel_loop3A_724 = arith.constant 126 : i32
        %parallel_loop3A_725 = vector.broadcast %parallel_loop3A_724 : i32 to vector<16xi32>
        %parallel_loop3A_726 = arith.addi %parallel_loop3A_93, %parallel_loop3A_725 : vector<16xi32>
        %parallel_loop3A_727 = tpu.vector_load_idx %arg8[%parallel_loop3A_726] : memref<128xf32, #tpu.memory_space<vmem>>[vector<16xi32>], vector<16xf32>,
        %parallel_loop3A_728 = arith.constant 16 : i32
        %parallel_loop3A_729 = arith.muli %parallel_loop3A_86, %parallel_loop3A_728 : i32
        %parallel_loop3A_730 = arith.constant 63 : i32
        %parallel_loop3A_731 = arith.index_cast %parallel_loop3A_730 : i32 to index
        %parallel_loop3A_732 = arith.index_cast %parallel_loop3A_729 : i32 to index
        %parallel_loop3A_733 = tpu.vector_load %arg7[%parallel_loop3A_731, %parallel_loop3A_732] {strides = array<i32>} : memref<64x512xf32, #tpu.memory_space<vmem>>, vector<16xf32>,
        tpu.vector_store %arg7[%parallel_loop3A_731, %parallel_loop3A_732], %parallel_loop3A_727 {strides = array<i32>} : memref<64x512xf32, #tpu.memory_space<vmem>>, vector<16xf32>,
      } {sc.loop_unroll_factor = 4 : i64, sc.parallel_access}
      %mul3A_79 = arith.constant 512 : i32
      %mul3A_80 = arith.muli %add3A_70, %mul3A_79 : i32
      %dma_start3A_81 = tpu.memref_slice %arg4[%select_n3A, %mul3A_32, %mul3A_80] : memref<16x128x16384xf32, #tpu.memory_space<hbm>> -> memref<1x64x512xf32, #tpu.memory_space<hbm>>
      %dma_start3A_82 = tpu.memref_squeeze %dma_start3A_81 : memref<1x64x512xf32, #tpu.memory_space<hbm>> -> memref<64x512xf32, #tpu.memory_space<hbm>>
      %dma_start3A_83 = tpu.memref_slice %arg4[%select_n3A, %mul3A_32, %mul3A_80] : memref<16x128x16384xf32, #tpu.memory_space<hbm>> -> memref<1x64x512xf32, #tpu.memory_space<hbm>>
      %dma_start3A_84 = tpu.memref_squeeze %dma_start3A_83 : memref<1x64x512xf32, #tpu.memory_space<hbm>> -> memref<64x512xf32, #tpu.memory_space<hbm>>
      tpu.enqueue_dma source(%arg7 : memref<64x512xf32, #tpu.memory_space<vmem>>) target(%dma_start3A_84 : memref<64x512xf32, #tpu.memory_space<hbm>>) target_semaphore(%arg10 : memref<!tpu.dma_semaphore, #tpu.memory_space<semaphore_mem>>)
      %scan3A_85 = arith.constant 0 : i32
      scf.yield %scan3A_85 : i32
    }
    %scan3A_40 = arith.constant 16 : i32
    %dma_wait3A = arith.constant 15360 : i32
    %dma_wait3A_41 = tpu.memref_slice %arg4[%select_n3A, %mul3A_32, %dma_wait3A] : memref<16x128x16384xf32, #tpu.memory_space<hbm>> -> memref<1x64x512xf32, #tpu.memory_space<hbm>>
    %dma_wait3A_42 = tpu.memref_squeeze %dma_wait3A_41 : memref<1x64x512xf32, #tpu.memory_space<hbm>> -> memref<64x512xf32, #tpu.memory_space<hbm>>
    %dma_wait3A_43 = arith.constant 15360 : i32
    %dma_wait3A_44 = tpu.memref_slice %arg4[%select_n3A, %mul3A_32, %dma_wait3A_43] : memref<16x128x16384xf32, #tpu.memory_space<hbm>> -> memref<1x64x512xf32, #tpu.memory_space<hbm>>
    %dma_wait3A_45 = tpu.memref_squeeze %dma_wait3A_44 : memref<1x64x512xf32, #tpu.memory_space<hbm>> -> memref<64x512xf32, #tpu.memory_space<hbm>>
    tpu.wait_dma2 semaphore(%arg9 : memref<!tpu.dma_semaphore, #tpu.memory_space<semaphore_mem>>) src(%arg6 : memref<64x512xf32, #tpu.memory_space<vmem>>) dst(%dma_wait3A_45 : memref<64x512xf32, #tpu.memory_space<hbm>>)
    %dma_wait3A_46 = arith.constant 15872 : i32
    %dma_wait3A_47 = tpu.memref_slice %arg4[%select_n3A, %mul3A_32, %dma_wait3A_46] : memref<16x128x16384xf32, #tpu.memory_space<hbm>> -> memref<1x64x512xf32, #tpu.memory_space<hbm>>
    %dma_wait3A_48 = tpu.memref_squeeze %dma_wait3A_47 : memref<1x64x512xf32, #tpu.memory_space<hbm>> -> memref<64x512xf32, #tpu.memory_space<hbm>>
    %dma_wait3A_49 = arith.constant 15872 : i32
    %dma_wait3A_50 = tpu.memref_slice %arg4[%select_n3A, %mul3A_32, %dma_wait3A_49] : memref<16x128x16384xf32, #tpu.memory_space<hbm>> -> memref<1x64x512xf32, #tpu.memory_space<hbm>>
    %dma_wait3A_51 = tpu.memref_squeeze %dma_wait3A_50 : memref<1x64x512xf32, #tpu.memory_space<hbm>> -> memref<64x512xf32, #tpu.memory_space<hbm>>
    tpu.wait_dma2 semaphore(%arg10 : memref<!tpu.dma_semaphore, #tpu.memory_space<semaphore_mem>>) src(%arg7 : memref<64x512xf32, #tpu.memory_space<vmem>>) dst(%dma_wait3A_51 : memref<64x512xf32, #tpu.memory_space<hbm>>)
    return
  }
}

module attributes {stable_mosaic.version = 14 : i64} {
  func.func @_stage1_body(%arg0: i32, %arg1: i32, %arg2: memref<1x64x16384xf32, #tpu.memory_space<vmem>>, %arg3: memref<1x1x16384xi32, #tpu.memory_space<vmem>>, %arg4: memref<256x72xbf16, #tpu.memory_space<vmem>>, %arg5: memref<1x256xf32, #tpu.memory_space<vmem>>, %arg6: memref<1x1x256xf32, #tpu.memory_space<vmem>>, %arg7: memref<256x128xf32, #tpu.memory_space<vmem>>) attributes {dimension_semantics = [#tpu.dimension_semantics<arbitrary>, #tpu.dimension_semantics<arbitrary>], iteration_bounds = array<i64: 16, 1>, scalar_prefetch = 0 : i64, scratch_operands = 1 : i64, tpu.core_type = #tpu.core_type<tc>, window_params = [{transform_indices = @transform_0, window_bounds = array<i64: 1, 64, 16384>}, {transform_indices = @transform_1, window_bounds = array<i64: 1, 1, 16384>}, {pipeline_mode = #tpu.pipeline_mode<synchronous>, transform_indices = @transform_2, window_bounds = array<i64: 256, 72>}, {pipeline_mode = #tpu.pipeline_mode<synchronous>, transform_indices = @transform_3, window_bounds = array<i64: 1, 256>}, {transform_indices = @transform_4, window_bounds = array<i64: 1, 1, 256>}]} {
    %get3A = arith.constant 0 : index
    %get3A_0 = arith.constant 0 : index
    %get3A_1 = arith.constant 0 : index
    %get3A_2 = vector.load %arg2[%get3A, %get3A_0, %get3A_1] : memref<1x64x16384xf32, #tpu.memory_space<vmem>>, vector<1x64x16384xf32>
    %get3A_3 = vector.shape_cast %get3A_2 : vector<1x64x16384xf32> to vector<64x16384xf32>
    %convert_element_type3A = arith.truncf %get3A_3 : vector<64x16384xf32> to vector<64x16384xbf16>
    %get3A_4 = arith.constant 0 : index
    %get3A_5 = arith.constant 0 : index
    %get3A_6 = arith.constant 0 : index
    %get3A_7 = vector.load %arg3[%get3A_4, %get3A_5, %get3A_6] : memref<1x1x16384xi32, #tpu.memory_space<vmem>>, vector<1x1x16384xi32>
    %get3A_8 = vector.shape_cast %get3A_7 : vector<1x1x16384xi32> to vector<16384xi32>
    %eq3A = arith.constant 0 : i32
    %eq3A_9 = vector.broadcast %eq3A : i32 to vector<16384xi32>
    %eq3A_10 = arith.cmpi eq, %get3A_8, %eq3A_9 : vector<16384xi32>
    %jit3A = arith.constant 0.000000e+00 : f32
    %jit3A_11 = arith.constant -1.000000e+09 : f32
    %broadcast_in_dim3A = vector.broadcast %jit3A : f32 to vector<16384xf32>
    %broadcast_in_dim3A_12 = vector.broadcast %jit3A_11 : f32 to vector<16384xf32>
    %select_n3A = arith.select %eq3A_10, %broadcast_in_dim3A, %broadcast_in_dim3A_12 : vector<16384xi1>, vector<16384xf32>
    %eq3A_13 = arith.constant 0 : i32
    %eq3A_14 = vector.broadcast %eq3A_13 : i32 to vector<16384xi32>
    %eq3A_15 = arith.cmpi eq, %get3A_8, %eq3A_14 : vector<16384xi32>
    %jit3A_16 = arith.constant -1.000000e+09 : f32
    %jit3A_17 = arith.constant 0.000000e+00 : f32
    %broadcast_in_dim3A_18 = vector.broadcast %jit3A_16 : f32 to vector<16384xf32>
    %broadcast_in_dim3A_19 = vector.broadcast %jit3A_17 : f32 to vector<16384xf32>
    %select_n3A_20 = arith.select %eq3A_15, %broadcast_in_dim3A_18, %broadcast_in_dim3A_19 : vector<16384xi1>, vector<16384xf32>
    %iota3A = tpu.iota {dimensions = array<i32: 0>} : vector<8x16384xi32>
    %eq3A_21 = arith.constant 0 : i32
    %eq3A_22 = vector.broadcast %eq3A_21 : i32 to vector<8x16384xi32>
    %eq3A_23 = arith.cmpi eq, %iota3A, %eq3A_22 : vector<8x16384xi32>
    %broadcast_in_dim3A_24 = vector.shape_cast %select_n3A : vector<16384xf32> to vector<1x16384xf32>
    %eq3A_25 = arith.constant 1 : i32
    %eq3A_26 = vector.broadcast %eq3A_25 : i32 to vector<8x16384xi32>
    %eq3A_27 = arith.cmpi eq, %iota3A, %eq3A_26 : vector<8x16384xi32>
    %broadcast_in_dim3A_28 = vector.shape_cast %select_n3A_20 : vector<16384xf32> to vector<1x16384xf32>
    %jit3A_29 = arith.constant 0.000000e+00 : f32
    %broadcast_in_dim3A_30 = vector.shape_cast %broadcast_in_dim3A_28 : vector<1x16384xf32> to vector<1x16384xf32>
    %broadcast_in_dim3A_31 = vector.broadcast %broadcast_in_dim3A_30 : vector<1x16384xf32> to vector<8x16384xf32>
    %broadcast_in_dim3A_32 = vector.broadcast %jit3A_29 : f32 to vector<8x16384xf32>
    %select_n3A_33 = arith.select %eq3A_27, %broadcast_in_dim3A_31, %broadcast_in_dim3A_32 : vector<8x16384xi1>, vector<8x16384xf32>
    %broadcast_in_dim3A_34 = vector.shape_cast %broadcast_in_dim3A_24 : vector<1x16384xf32> to vector<1x16384xf32>
    %broadcast_in_dim3A_35 = vector.broadcast %broadcast_in_dim3A_34 : vector<1x16384xf32> to vector<8x16384xf32>
    %select_n3A_36 = arith.select %eq3A_23, %broadcast_in_dim3A_35, %select_n3A_33 : vector<8x16384xi1>, vector<8x16384xf32>
    %convert_element_type3A_37 = arith.truncf %select_n3A_36 : vector<8x16384xf32> to vector<8x16384xbf16>
    %concatenate3A = tpu.concatenate %convert_element_type3A, %convert_element_type3A_37 in 0 : vector<64x16384xbf16>, vector<8x16384xbf16> -> vector<72x16384xbf16>
    %get3A_38 = arith.constant 0 : index
    %get3A_39 = arith.constant 0 : index
    %get3A_40 = vector.load %arg4[%get3A_38, %get3A_39] : memref<256x72xbf16, #tpu.memory_space<vmem>>, vector<256x72xbf16>
    %dot_general3A = arith.constant dense<0.000000e+00> : vector<256x16384xf32>
    %dot_general3A_41 = tpu.matmul %get3A_40, %concatenate3A, %dot_general3A {dimension_numbers = #tpu.dot_dimension_numbers<[1], [0], [0], [1], [0, 0, 1, 1], [], []>, transpose_lhs_hint = false} : vector<256x72xbf16>, vector<72x16384xbf16>, vector<256x16384xf32> -> vector<256x16384xf32>
    %slice3A = vector.extract_strided_slice %dot_general3A_41 {offsets = [0, 0], sizes = [256, 128], strides = [1, 1]} : vector<256x16384xf32> to vector<256x128xf32>
    %slice3A_42 = vector.extract_strided_slice %dot_general3A_41 {offsets = [0, 128], sizes = [256, 128], strides = [1, 1]} : vector<256x16384xf32> to vector<256x128xf32>
    %slice3A_43 = vector.extract_strided_slice %dot_general3A_41 {offsets = [0, 256], sizes = [256, 128], strides = [1, 1]} : vector<256x16384xf32> to vector<256x128xf32>
    %slice3A_44 = vector.extract_strided_slice %dot_general3A_41 {offsets = [0, 384], sizes = [256, 128], strides = [1, 1]} : vector<256x16384xf32> to vector<256x128xf32>
    %slice3A_45 = vector.extract_strided_slice %dot_general3A_41 {offsets = [0, 512], sizes = [256, 128], strides = [1, 1]} : vector<256x16384xf32> to vector<256x128xf32>
    %slice3A_46 = vector.extract_strided_slice %dot_general3A_41 {offsets = [0, 640], sizes = [256, 128], strides = [1, 1]} : vector<256x16384xf32> to vector<256x128xf32>
    %slice3A_47 = vector.extract_strided_slice %dot_general3A_41 {offsets = [0, 768], sizes = [256, 128], strides = [1, 1]} : vector<256x16384xf32> to vector<256x128xf32>
    %slice3A_48 = vector.extract_strided_slice %dot_general3A_41 {offsets = [0, 896], sizes = [256, 128], strides = [1, 1]} : vector<256x16384xf32> to vector<256x128xf32>
    %slice3A_49 = vector.extract_strided_slice %dot_general3A_41 {offsets = [0, 1024], sizes = [256, 128], strides = [1, 1]} : vector<256x16384xf32> to vector<256x128xf32>
    %slice3A_50 = vector.extract_strided_slice %dot_general3A_41 {offsets = [0, 1152], sizes = [256, 128], strides = [1, 1]} : vector<256x16384xf32> to vector<256x128xf32>
    %slice3A_51 = vector.extract_strided_slice %dot_general3A_41 {offsets = [0, 1280], sizes = [256, 128], strides = [1, 1]} : vector<256x16384xf32> to vector<256x128xf32>
    %slice3A_52 = vector.extract_strided_slice %dot_general3A_41 {offsets = [0, 1408], sizes = [256, 128], strides = [1, 1]} : vector<256x16384xf32> to vector<256x128xf32>
    %slice3A_53 = vector.extract_strided_slice %dot_general3A_41 {offsets = [0, 1536], sizes = [256, 128], strides = [1, 1]} : vector<256x16384xf32> to vector<256x128xf32>
    %slice3A_54 = vector.extract_strided_slice %dot_general3A_41 {offsets = [0, 1664], sizes = [256, 128], strides = [1, 1]} : vector<256x16384xf32> to vector<256x128xf32>
    %slice3A_55 = vector.extract_strided_slice %dot_general3A_41 {offsets = [0, 1792], sizes = [256, 128], strides = [1, 1]} : vector<256x16384xf32> to vector<256x128xf32>
    %slice3A_56 = vector.extract_strided_slice %dot_general3A_41 {offsets = [0, 1920], sizes = [256, 128], strides = [1, 1]} : vector<256x16384xf32> to vector<256x128xf32>
    %slice3A_57 = vector.extract_strided_slice %dot_general3A_41 {offsets = [0, 2048], sizes = [256, 128], strides = [1, 1]} : vector<256x16384xf32> to vector<256x128xf32>
    %slice3A_58 = vector.extract_strided_slice %dot_general3A_41 {offsets = [0, 2176], sizes = [256, 128], strides = [1, 1]} : vector<256x16384xf32> to vector<256x128xf32>
    %slice3A_59 = vector.extract_strided_slice %dot_general3A_41 {offsets = [0, 2304], sizes = [256, 128], strides = [1, 1]} : vector<256x16384xf32> to vector<256x128xf32>
    %slice3A_60 = vector.extract_strided_slice %dot_general3A_41 {offsets = [0, 2432], sizes = [256, 128], strides = [1, 1]} : vector<256x16384xf32> to vector<256x128xf32>
    %slice3A_61 = vector.extract_strided_slice %dot_general3A_41 {offsets = [0, 2560], sizes = [256, 128], strides = [1, 1]} : vector<256x16384xf32> to vector<256x128xf32>
    %slice3A_62 = vector.extract_strided_slice %dot_general3A_41 {offsets = [0, 2688], sizes = [256, 128], strides = [1, 1]} : vector<256x16384xf32> to vector<256x128xf32>
    %slice3A_63 = vector.extract_strided_slice %dot_general3A_41 {offsets = [0, 2816], sizes = [256, 128], strides = [1, 1]} : vector<256x16384xf32> to vector<256x128xf32>
    %slice3A_64 = vector.extract_strided_slice %dot_general3A_41 {offsets = [0, 2944], sizes = [256, 128], strides = [1, 1]} : vector<256x16384xf32> to vector<256x128xf32>
    %slice3A_65 = vector.extract_strided_slice %dot_general3A_41 {offsets = [0, 3072], sizes = [256, 128], strides = [1, 1]} : vector<256x16384xf32> to vector<256x128xf32>
    %slice3A_66 = vector.extract_strided_slice %dot_general3A_41 {offsets = [0, 3200], sizes = [256, 128], strides = [1, 1]} : vector<256x16384xf32> to vector<256x128xf32>
    %slice3A_67 = vector.extract_strided_slice %dot_general3A_41 {offsets = [0, 3328], sizes = [256, 128], strides = [1, 1]} : vector<256x16384xf32> to vector<256x128xf32>
    %slice3A_68 = vector.extract_strided_slice %dot_general3A_41 {offsets = [0, 3456], sizes = [256, 128], strides = [1, 1]} : vector<256x16384xf32> to vector<256x128xf32>
    %slice3A_69 = vector.extract_strided_slice %dot_general3A_41 {offsets = [0, 3584], sizes = [256, 128], strides = [1, 1]} : vector<256x16384xf32> to vector<256x128xf32>
    %slice3A_70 = vector.extract_strided_slice %dot_general3A_41 {offsets = [0, 3712], sizes = [256, 128], strides = [1, 1]} : vector<256x16384xf32> to vector<256x128xf32>
    %slice3A_71 = vector.extract_strided_slice %dot_general3A_41 {offsets = [0, 3840], sizes = [256, 128], strides = [1, 1]} : vector<256x16384xf32> to vector<256x128xf32>
    %slice3A_72 = vector.extract_strided_slice %dot_general3A_41 {offsets = [0, 3968], sizes = [256, 128], strides = [1, 1]} : vector<256x16384xf32> to vector<256x128xf32>
    %slice3A_73 = vector.extract_strided_slice %dot_general3A_41 {offsets = [0, 4096], sizes = [256, 128], strides = [1, 1]} : vector<256x16384xf32> to vector<256x128xf32>
    %slice3A_74 = vector.extract_strided_slice %dot_general3A_41 {offsets = [0, 4224], sizes = [256, 128], strides = [1, 1]} : vector<256x16384xf32> to vector<256x128xf32>
    %slice3A_75 = vector.extract_strided_slice %dot_general3A_41 {offsets = [0, 4352], sizes = [256, 128], strides = [1, 1]} : vector<256x16384xf32> to vector<256x128xf32>
    %slice3A_76 = vector.extract_strided_slice %dot_general3A_41 {offsets = [0, 4480], sizes = [256, 128], strides = [1, 1]} : vector<256x16384xf32> to vector<256x128xf32>
    %slice3A_77 = vector.extract_strided_slice %dot_general3A_41 {offsets = [0, 4608], sizes = [256, 128], strides = [1, 1]} : vector<256x16384xf32> to vector<256x128xf32>
    %slice3A_78 = vector.extract_strided_slice %dot_general3A_41 {offsets = [0, 4736], sizes = [256, 128], strides = [1, 1]} : vector<256x16384xf32> to vector<256x128xf32>
    %slice3A_79 = vector.extract_strided_slice %dot_general3A_41 {offsets = [0, 4864], sizes = [256, 128], strides = [1, 1]} : vector<256x16384xf32> to vector<256x128xf32>
    %slice3A_80 = vector.extract_strided_slice %dot_general3A_41 {offsets = [0, 4992], sizes = [256, 128], strides = [1, 1]} : vector<256x16384xf32> to vector<256x128xf32>
    %slice3A_81 = vector.extract_strided_slice %dot_general3A_41 {offsets = [0, 5120], sizes = [256, 128], strides = [1, 1]} : vector<256x16384xf32> to vector<256x128xf32>
    %slice3A_82 = vector.extract_strided_slice %dot_general3A_41 {offsets = [0, 5248], sizes = [256, 128], strides = [1, 1]} : vector<256x16384xf32> to vector<256x128xf32>
    %slice3A_83 = vector.extract_strided_slice %dot_general3A_41 {offsets = [0, 5376], sizes = [256, 128], strides = [1, 1]} : vector<256x16384xf32> to vector<256x128xf32>
    %slice3A_84 = vector.extract_strided_slice %dot_general3A_41 {offsets = [0, 5504], sizes = [256, 128], strides = [1, 1]} : vector<256x16384xf32> to vector<256x128xf32>
    %slice3A_85 = vector.extract_strided_slice %dot_general3A_41 {offsets = [0, 5632], sizes = [256, 128], strides = [1, 1]} : vector<256x16384xf32> to vector<256x128xf32>
    %slice3A_86 = vector.extract_strided_slice %dot_general3A_41 {offsets = [0, 5760], sizes = [256, 128], strides = [1, 1]} : vector<256x16384xf32> to vector<256x128xf32>
    %slice3A_87 = vector.extract_strided_slice %dot_general3A_41 {offsets = [0, 5888], sizes = [256, 128], strides = [1, 1]} : vector<256x16384xf32> to vector<256x128xf32>
    %slice3A_88 = vector.extract_strided_slice %dot_general3A_41 {offsets = [0, 6016], sizes = [256, 128], strides = [1, 1]} : vector<256x16384xf32> to vector<256x128xf32>
    %slice3A_89 = vector.extract_strided_slice %dot_general3A_41 {offsets = [0, 6144], sizes = [256, 128], strides = [1, 1]} : vector<256x16384xf32> to vector<256x128xf32>
    %slice3A_90 = vector.extract_strided_slice %dot_general3A_41 {offsets = [0, 6272], sizes = [256, 128], strides = [1, 1]} : vector<256x16384xf32> to vector<256x128xf32>
    %slice3A_91 = vector.extract_strided_slice %dot_general3A_41 {offsets = [0, 6400], sizes = [256, 128], strides = [1, 1]} : vector<256x16384xf32> to vector<256x128xf32>
    %slice3A_92 = vector.extract_strided_slice %dot_general3A_41 {offsets = [0, 6528], sizes = [256, 128], strides = [1, 1]} : vector<256x16384xf32> to vector<256x128xf32>
    %slice3A_93 = vector.extract_strided_slice %dot_general3A_41 {offsets = [0, 6656], sizes = [256, 128], strides = [1, 1]} : vector<256x16384xf32> to vector<256x128xf32>
    %slice3A_94 = vector.extract_strided_slice %dot_general3A_41 {offsets = [0, 6784], sizes = [256, 128], strides = [1, 1]} : vector<256x16384xf32> to vector<256x128xf32>
    %slice3A_95 = vector.extract_strided_slice %dot_general3A_41 {offsets = [0, 6912], sizes = [256, 128], strides = [1, 1]} : vector<256x16384xf32> to vector<256x128xf32>
    %slice3A_96 = vector.extract_strided_slice %dot_general3A_41 {offsets = [0, 7040], sizes = [256, 128], strides = [1, 1]} : vector<256x16384xf32> to vector<256x128xf32>
    %slice3A_97 = vector.extract_strided_slice %dot_general3A_41 {offsets = [0, 7168], sizes = [256, 128], strides = [1, 1]} : vector<256x16384xf32> to vector<256x128xf32>
    %slice3A_98 = vector.extract_strided_slice %dot_general3A_41 {offsets = [0, 7296], sizes = [256, 128], strides = [1, 1]} : vector<256x16384xf32> to vector<256x128xf32>
    %slice3A_99 = vector.extract_strided_slice %dot_general3A_41 {offsets = [0, 7424], sizes = [256, 128], strides = [1, 1]} : vector<256x16384xf32> to vector<256x128xf32>
    %slice3A_100 = vector.extract_strided_slice %dot_general3A_41 {offsets = [0, 7552], sizes = [256, 128], strides = [1, 1]} : vector<256x16384xf32> to vector<256x128xf32>
    %slice3A_101 = vector.extract_strided_slice %dot_general3A_41 {offsets = [0, 7680], sizes = [256, 128], strides = [1, 1]} : vector<256x16384xf32> to vector<256x128xf32>
    %slice3A_102 = vector.extract_strided_slice %dot_general3A_41 {offsets = [0, 7808], sizes = [256, 128], strides = [1, 1]} : vector<256x16384xf32> to vector<256x128xf32>
    %slice3A_103 = vector.extract_strided_slice %dot_general3A_41 {offsets = [0, 7936], sizes = [256, 128], strides = [1, 1]} : vector<256x16384xf32> to vector<256x128xf32>
    %slice3A_104 = vector.extract_strided_slice %dot_general3A_41 {offsets = [0, 8064], sizes = [256, 128], strides = [1, 1]} : vector<256x16384xf32> to vector<256x128xf32>
    %slice3A_105 = vector.extract_strided_slice %dot_general3A_41 {offsets = [0, 8192], sizes = [256, 128], strides = [1, 1]} : vector<256x16384xf32> to vector<256x128xf32>
    %slice3A_106 = vector.extract_strided_slice %dot_general3A_41 {offsets = [0, 8320], sizes = [256, 128], strides = [1, 1]} : vector<256x16384xf32> to vector<256x128xf32>
    %slice3A_107 = vector.extract_strided_slice %dot_general3A_41 {offsets = [0, 8448], sizes = [256, 128], strides = [1, 1]} : vector<256x16384xf32> to vector<256x128xf32>
    %slice3A_108 = vector.extract_strided_slice %dot_general3A_41 {offsets = [0, 8576], sizes = [256, 128], strides = [1, 1]} : vector<256x16384xf32> to vector<256x128xf32>
    %slice3A_109 = vector.extract_strided_slice %dot_general3A_41 {offsets = [0, 8704], sizes = [256, 128], strides = [1, 1]} : vector<256x16384xf32> to vector<256x128xf32>
    %slice3A_110 = vector.extract_strided_slice %dot_general3A_41 {offsets = [0, 8832], sizes = [256, 128], strides = [1, 1]} : vector<256x16384xf32> to vector<256x128xf32>
    %slice3A_111 = vector.extract_strided_slice %dot_general3A_41 {offsets = [0, 8960], sizes = [256, 128], strides = [1, 1]} : vector<256x16384xf32> to vector<256x128xf32>
    %slice3A_112 = vector.extract_strided_slice %dot_general3A_41 {offsets = [0, 9088], sizes = [256, 128], strides = [1, 1]} : vector<256x16384xf32> to vector<256x128xf32>
    %slice3A_113 = vector.extract_strided_slice %dot_general3A_41 {offsets = [0, 9216], sizes = [256, 128], strides = [1, 1]} : vector<256x16384xf32> to vector<256x128xf32>
    %slice3A_114 = vector.extract_strided_slice %dot_general3A_41 {offsets = [0, 9344], sizes = [256, 128], strides = [1, 1]} : vector<256x16384xf32> to vector<256x128xf32>
    %slice3A_115 = vector.extract_strided_slice %dot_general3A_41 {offsets = [0, 9472], sizes = [256, 128], strides = [1, 1]} : vector<256x16384xf32> to vector<256x128xf32>
    %slice3A_116 = vector.extract_strided_slice %dot_general3A_41 {offsets = [0, 9600], sizes = [256, 128], strides = [1, 1]} : vector<256x16384xf32> to vector<256x128xf32>
    %slice3A_117 = vector.extract_strided_slice %dot_general3A_41 {offsets = [0, 9728], sizes = [256, 128], strides = [1, 1]} : vector<256x16384xf32> to vector<256x128xf32>
    %slice3A_118 = vector.extract_strided_slice %dot_general3A_41 {offsets = [0, 9856], sizes = [256, 128], strides = [1, 1]} : vector<256x16384xf32> to vector<256x128xf32>
    %slice3A_119 = vector.extract_strided_slice %dot_general3A_41 {offsets = [0, 9984], sizes = [256, 128], strides = [1, 1]} : vector<256x16384xf32> to vector<256x128xf32>
    %slice3A_120 = vector.extract_strided_slice %dot_general3A_41 {offsets = [0, 10112], sizes = [256, 128], strides = [1, 1]} : vector<256x16384xf32> to vector<256x128xf32>
    %slice3A_121 = vector.extract_strided_slice %dot_general3A_41 {offsets = [0, 10240], sizes = [256, 128], strides = [1, 1]} : vector<256x16384xf32> to vector<256x128xf32>
    %slice3A_122 = vector.extract_strided_slice %dot_general3A_41 {offsets = [0, 10368], sizes = [256, 128], strides = [1, 1]} : vector<256x16384xf32> to vector<256x128xf32>
    %slice3A_123 = vector.extract_strided_slice %dot_general3A_41 {offsets = [0, 10496], sizes = [256, 128], strides = [1, 1]} : vector<256x16384xf32> to vector<256x128xf32>
    %slice3A_124 = vector.extract_strided_slice %dot_general3A_41 {offsets = [0, 10624], sizes = [256, 128], strides = [1, 1]} : vector<256x16384xf32> to vector<256x128xf32>
    %slice3A_125 = vector.extract_strided_slice %dot_general3A_41 {offsets = [0, 10752], sizes = [256, 128], strides = [1, 1]} : vector<256x16384xf32> to vector<256x128xf32>
    %slice3A_126 = vector.extract_strided_slice %dot_general3A_41 {offsets = [0, 10880], sizes = [256, 128], strides = [1, 1]} : vector<256x16384xf32> to vector<256x128xf32>
    %slice3A_127 = vector.extract_strided_slice %dot_general3A_41 {offsets = [0, 11008], sizes = [256, 128], strides = [1, 1]} : vector<256x16384xf32> to vector<256x128xf32>
    %slice3A_128 = vector.extract_strided_slice %dot_general3A_41 {offsets = [0, 11136], sizes = [256, 128], strides = [1, 1]} : vector<256x16384xf32> to vector<256x128xf32>
    %slice3A_129 = vector.extract_strided_slice %dot_general3A_41 {offsets = [0, 11264], sizes = [256, 128], strides = [1, 1]} : vector<256x16384xf32> to vector<256x128xf32>
    %slice3A_130 = vector.extract_strided_slice %dot_general3A_41 {offsets = [0, 11392], sizes = [256, 128], strides = [1, 1]} : vector<256x16384xf32> to vector<256x128xf32>
    %slice3A_131 = vector.extract_strided_slice %dot_general3A_41 {offsets = [0, 11520], sizes = [256, 128], strides = [1, 1]} : vector<256x16384xf32> to vector<256x128xf32>
    %slice3A_132 = vector.extract_strided_slice %dot_general3A_41 {offsets = [0, 11648], sizes = [256, 128], strides = [1, 1]} : vector<256x16384xf32> to vector<256x128xf32>
    %slice3A_133 = vector.extract_strided_slice %dot_general3A_41 {offsets = [0, 11776], sizes = [256, 128], strides = [1, 1]} : vector<256x16384xf32> to vector<256x128xf32>
    %slice3A_134 = vector.extract_strided_slice %dot_general3A_41 {offsets = [0, 11904], sizes = [256, 128], strides = [1, 1]} : vector<256x16384xf32> to vector<256x128xf32>
    %slice3A_135 = vector.extract_strided_slice %dot_general3A_41 {offsets = [0, 12032], sizes = [256, 128], strides = [1, 1]} : vector<256x16384xf32> to vector<256x128xf32>
    %slice3A_136 = vector.extract_strided_slice %dot_general3A_41 {offsets = [0, 12160], sizes = [256, 128], strides = [1, 1]} : vector<256x16384xf32> to vector<256x128xf32>
    %slice3A_137 = vector.extract_strided_slice %dot_general3A_41 {offsets = [0, 12288], sizes = [256, 128], strides = [1, 1]} : vector<256x16384xf32> to vector<256x128xf32>
    %slice3A_138 = vector.extract_strided_slice %dot_general3A_41 {offsets = [0, 12416], sizes = [256, 128], strides = [1, 1]} : vector<256x16384xf32> to vector<256x128xf32>
    %slice3A_139 = vector.extract_strided_slice %dot_general3A_41 {offsets = [0, 12544], sizes = [256, 128], strides = [1, 1]} : vector<256x16384xf32> to vector<256x128xf32>
    %slice3A_140 = vector.extract_strided_slice %dot_general3A_41 {offsets = [0, 12672], sizes = [256, 128], strides = [1, 1]} : vector<256x16384xf32> to vector<256x128xf32>
    %slice3A_141 = vector.extract_strided_slice %dot_general3A_41 {offsets = [0, 12800], sizes = [256, 128], strides = [1, 1]} : vector<256x16384xf32> to vector<256x128xf32>
    %slice3A_142 = vector.extract_strided_slice %dot_general3A_41 {offsets = [0, 12928], sizes = [256, 128], strides = [1, 1]} : vector<256x16384xf32> to vector<256x128xf32>
    %slice3A_143 = vector.extract_strided_slice %dot_general3A_41 {offsets = [0, 13056], sizes = [256, 128], strides = [1, 1]} : vector<256x16384xf32> to vector<256x128xf32>
    %slice3A_144 = vector.extract_strided_slice %dot_general3A_41 {offsets = [0, 13184], sizes = [256, 128], strides = [1, 1]} : vector<256x16384xf32> to vector<256x128xf32>
    %slice3A_145 = vector.extract_strided_slice %dot_general3A_41 {offsets = [0, 13312], sizes = [256, 128], strides = [1, 1]} : vector<256x16384xf32> to vector<256x128xf32>
    %slice3A_146 = vector.extract_strided_slice %dot_general3A_41 {offsets = [0, 13440], sizes = [256, 128], strides = [1, 1]} : vector<256x16384xf32> to vector<256x128xf32>
    %slice3A_147 = vector.extract_strided_slice %dot_general3A_41 {offsets = [0, 13568], sizes = [256, 128], strides = [1, 1]} : vector<256x16384xf32> to vector<256x128xf32>
    %slice3A_148 = vector.extract_strided_slice %dot_general3A_41 {offsets = [0, 13696], sizes = [256, 128], strides = [1, 1]} : vector<256x16384xf32> to vector<256x128xf32>
    %slice3A_149 = vector.extract_strided_slice %dot_general3A_41 {offsets = [0, 13824], sizes = [256, 128], strides = [1, 1]} : vector<256x16384xf32> to vector<256x128xf32>
    %slice3A_150 = vector.extract_strided_slice %dot_general3A_41 {offsets = [0, 13952], sizes = [256, 128], strides = [1, 1]} : vector<256x16384xf32> to vector<256x128xf32>
    %slice3A_151 = vector.extract_strided_slice %dot_general3A_41 {offsets = [0, 14080], sizes = [256, 128], strides = [1, 1]} : vector<256x16384xf32> to vector<256x128xf32>
    %slice3A_152 = vector.extract_strided_slice %dot_general3A_41 {offsets = [0, 14208], sizes = [256, 128], strides = [1, 1]} : vector<256x16384xf32> to vector<256x128xf32>
    %slice3A_153 = vector.extract_strided_slice %dot_general3A_41 {offsets = [0, 14336], sizes = [256, 128], strides = [1, 1]} : vector<256x16384xf32> to vector<256x128xf32>
    %slice3A_154 = vector.extract_strided_slice %dot_general3A_41 {offsets = [0, 14464], sizes = [256, 128], strides = [1, 1]} : vector<256x16384xf32> to vector<256x128xf32>
    %slice3A_155 = vector.extract_strided_slice %dot_general3A_41 {offsets = [0, 14592], sizes = [256, 128], strides = [1, 1]} : vector<256x16384xf32> to vector<256x128xf32>
    %slice3A_156 = vector.extract_strided_slice %dot_general3A_41 {offsets = [0, 14720], sizes = [256, 128], strides = [1, 1]} : vector<256x16384xf32> to vector<256x128xf32>
    %slice3A_157 = vector.extract_strided_slice %dot_general3A_41 {offsets = [0, 14848], sizes = [256, 128], strides = [1, 1]} : vector<256x16384xf32> to vector<256x128xf32>
    %slice3A_158 = vector.extract_strided_slice %dot_general3A_41 {offsets = [0, 14976], sizes = [256, 128], strides = [1, 1]} : vector<256x16384xf32> to vector<256x128xf32>
    %slice3A_159 = vector.extract_strided_slice %dot_general3A_41 {offsets = [0, 15104], sizes = [256, 128], strides = [1, 1]} : vector<256x16384xf32> to vector<256x128xf32>
    %slice3A_160 = vector.extract_strided_slice %dot_general3A_41 {offsets = [0, 15232], sizes = [256, 128], strides = [1, 1]} : vector<256x16384xf32> to vector<256x128xf32>
    %slice3A_161 = vector.extract_strided_slice %dot_general3A_41 {offsets = [0, 15360], sizes = [256, 128], strides = [1, 1]} : vector<256x16384xf32> to vector<256x128xf32>
    %slice3A_162 = vector.extract_strided_slice %dot_general3A_41 {offsets = [0, 15488], sizes = [256, 128], strides = [1, 1]} : vector<256x16384xf32> to vector<256x128xf32>
    %slice3A_163 = vector.extract_strided_slice %dot_general3A_41 {offsets = [0, 15616], sizes = [256, 128], strides = [1, 1]} : vector<256x16384xf32> to vector<256x128xf32>
    %slice3A_164 = vector.extract_strided_slice %dot_general3A_41 {offsets = [0, 15744], sizes = [256, 128], strides = [1, 1]} : vector<256x16384xf32> to vector<256x128xf32>
    %slice3A_165 = vector.extract_strided_slice %dot_general3A_41 {offsets = [0, 15872], sizes = [256, 128], strides = [1, 1]} : vector<256x16384xf32> to vector<256x128xf32>
    %slice3A_166 = vector.extract_strided_slice %dot_general3A_41 {offsets = [0, 16000], sizes = [256, 128], strides = [1, 1]} : vector<256x16384xf32> to vector<256x128xf32>
    %slice3A_167 = vector.extract_strided_slice %dot_general3A_41 {offsets = [0, 16128], sizes = [256, 128], strides = [1, 1]} : vector<256x16384xf32> to vector<256x128xf32>
    %slice3A_168 = vector.extract_strided_slice %dot_general3A_41 {offsets = [0, 16256], sizes = [256, 128], strides = [1, 1]} : vector<256x16384xf32> to vector<256x128xf32>
    %max3A = arith.maximumf %slice3A, %slice3A_42 : vector<256x128xf32>
    %max3A_169 = arith.maximumf %slice3A_43, %slice3A_44 : vector<256x128xf32>
    %max3A_170 = arith.maximumf %slice3A_45, %slice3A_46 : vector<256x128xf32>
    %max3A_171 = arith.maximumf %slice3A_47, %slice3A_48 : vector<256x128xf32>
    %max3A_172 = arith.maximumf %slice3A_49, %slice3A_50 : vector<256x128xf32>
    %max3A_173 = arith.maximumf %slice3A_51, %slice3A_52 : vector<256x128xf32>
    %max3A_174 = arith.maximumf %slice3A_53, %slice3A_54 : vector<256x128xf32>
    %max3A_175 = arith.maximumf %slice3A_55, %slice3A_56 : vector<256x128xf32>
    %max3A_176 = arith.maximumf %slice3A_57, %slice3A_58 : vector<256x128xf32>
    %max3A_177 = arith.maximumf %slice3A_59, %slice3A_60 : vector<256x128xf32>
    %max3A_178 = arith.maximumf %slice3A_61, %slice3A_62 : vector<256x128xf32>
    %max3A_179 = arith.maximumf %slice3A_63, %slice3A_64 : vector<256x128xf32>
    %max3A_180 = arith.maximumf %slice3A_65, %slice3A_66 : vector<256x128xf32>
    %max3A_181 = arith.maximumf %slice3A_67, %slice3A_68 : vector<256x128xf32>
    %max3A_182 = arith.maximumf %slice3A_69, %slice3A_70 : vector<256x128xf32>
    %max3A_183 = arith.maximumf %slice3A_71, %slice3A_72 : vector<256x128xf32>
    %max3A_184 = arith.maximumf %slice3A_73, %slice3A_74 : vector<256x128xf32>
    %max3A_185 = arith.maximumf %slice3A_75, %slice3A_76 : vector<256x128xf32>
    %max3A_186 = arith.maximumf %slice3A_77, %slice3A_78 : vector<256x128xf32>
    %max3A_187 = arith.maximumf %slice3A_79, %slice3A_80 : vector<256x128xf32>
    %max3A_188 = arith.maximumf %slice3A_81, %slice3A_82 : vector<256x128xf32>
    %max3A_189 = arith.maximumf %slice3A_83, %slice3A_84 : vector<256x128xf32>
    %max3A_190 = arith.maximumf %slice3A_85, %slice3A_86 : vector<256x128xf32>
    %max3A_191 = arith.maximumf %slice3A_87, %slice3A_88 : vector<256x128xf32>
    %max3A_192 = arith.maximumf %slice3A_89, %slice3A_90 : vector<256x128xf32>
    %max3A_193 = arith.maximumf %slice3A_91, %slice3A_92 : vector<256x128xf32>
    %max3A_194 = arith.maximumf %slice3A_93, %slice3A_94 : vector<256x128xf32>
    %max3A_195 = arith.maximumf %slice3A_95, %slice3A_96 : vector<256x128xf32>
    %max3A_196 = arith.maximumf %slice3A_97, %slice3A_98 : vector<256x128xf32>
    %max3A_197 = arith.maximumf %slice3A_99, %slice3A_100 : vector<256x128xf32>
    %max3A_198 = arith.maximumf %slice3A_101, %slice3A_102 : vector<256x128xf32>
    %max3A_199 = arith.maximumf %slice3A_103, %slice3A_104 : vector<256x128xf32>
    %max3A_200 = arith.maximumf %slice3A_105, %slice3A_106 : vector<256x128xf32>
    %max3A_201 = arith.maximumf %slice3A_107, %slice3A_108 : vector<256x128xf32>
    %max3A_202 = arith.maximumf %slice3A_109, %slice3A_110 : vector<256x128xf32>
    %max3A_203 = arith.maximumf %slice3A_111, %slice3A_112 : vector<256x128xf32>
    %max3A_204 = arith.maximumf %slice3A_113, %slice3A_114 : vector<256x128xf32>
    %max3A_205 = arith.maximumf %slice3A_115, %slice3A_116 : vector<256x128xf32>
    %max3A_206 = arith.maximumf %slice3A_117, %slice3A_118 : vector<256x128xf32>
    %max3A_207 = arith.maximumf %slice3A_119, %slice3A_120 : vector<256x128xf32>
    %max3A_208 = arith.maximumf %slice3A_121, %slice3A_122 : vector<256x128xf32>
    %max3A_209 = arith.maximumf %slice3A_123, %slice3A_124 : vector<256x128xf32>
    %max3A_210 = arith.maximumf %slice3A_125, %slice3A_126 : vector<256x128xf32>
    %max3A_211 = arith.maximumf %slice3A_127, %slice3A_128 : vector<256x128xf32>
    %max3A_212 = arith.maximumf %slice3A_129, %slice3A_130 : vector<256x128xf32>
    %max3A_213 = arith.maximumf %slice3A_131, %slice3A_132 : vector<256x128xf32>
    %max3A_214 = arith.maximumf %slice3A_133, %slice3A_134 : vector<256x128xf32>
    %max3A_215 = arith.maximumf %slice3A_135, %slice3A_136 : vector<256x128xf32>
    %max3A_216 = arith.maximumf %slice3A_137, %slice3A_138 : vector<256x128xf32>
    %max3A_217 = arith.maximumf %slice3A_139, %slice3A_140 : vector<256x128xf32>
    %max3A_218 = arith.maximumf %slice3A_141, %slice3A_142 : vector<256x128xf32>
    %max3A_219 = arith.maximumf %slice3A_143, %slice3A_144 : vector<256x128xf32>
    %max3A_220 = arith.maximumf %slice3A_145, %slice3A_146 : vector<256x128xf32>
    %max3A_221 = arith.maximumf %slice3A_147, %slice3A_148 : vector<256x128xf32>
    %max3A_222 = arith.maximumf %slice3A_149, %slice3A_150 : vector<256x128xf32>
    %max3A_223 = arith.maximumf %slice3A_151, %slice3A_152 : vector<256x128xf32>
    %max3A_224 = arith.maximumf %slice3A_153, %slice3A_154 : vector<256x128xf32>
    %max3A_225 = arith.maximumf %slice3A_155, %slice3A_156 : vector<256x128xf32>
    %max3A_226 = arith.maximumf %slice3A_157, %slice3A_158 : vector<256x128xf32>
    %max3A_227 = arith.maximumf %slice3A_159, %slice3A_160 : vector<256x128xf32>
    %max3A_228 = arith.maximumf %slice3A_161, %slice3A_162 : vector<256x128xf32>
    %max3A_229 = arith.maximumf %slice3A_163, %slice3A_164 : vector<256x128xf32>
    %max3A_230 = arith.maximumf %slice3A_165, %slice3A_166 : vector<256x128xf32>
    %max3A_231 = arith.maximumf %slice3A_167, %slice3A_168 : vector<256x128xf32>
    %max3A_232 = arith.maximumf %max3A, %max3A_169 : vector<256x128xf32>
    %max3A_233 = arith.maximumf %max3A_170, %max3A_171 : vector<256x128xf32>
    %max3A_234 = arith.maximumf %max3A_172, %max3A_173 : vector<256x128xf32>
    %max3A_235 = arith.maximumf %max3A_174, %max3A_175 : vector<256x128xf32>
    %max3A_236 = arith.maximumf %max3A_176, %max3A_177 : vector<256x128xf32>
    %max3A_237 = arith.maximumf %max3A_178, %max3A_179 : vector<256x128xf32>
    %max3A_238 = arith.maximumf %max3A_180, %max3A_181 : vector<256x128xf32>
    %max3A_239 = arith.maximumf %max3A_182, %max3A_183 : vector<256x128xf32>
    %max3A_240 = arith.maximumf %max3A_184, %max3A_185 : vector<256x128xf32>
    %max3A_241 = arith.maximumf %max3A_186, %max3A_187 : vector<256x128xf32>
    %max3A_242 = arith.maximumf %max3A_188, %max3A_189 : vector<256x128xf32>
    %max3A_243 = arith.maximumf %max3A_190, %max3A_191 : vector<256x128xf32>
    %max3A_244 = arith.maximumf %max3A_192, %max3A_193 : vector<256x128xf32>
    %max3A_245 = arith.maximumf %max3A_194, %max3A_195 : vector<256x128xf32>
    %max3A_246 = arith.maximumf %max3A_196, %max3A_197 : vector<256x128xf32>
    %max3A_247 = arith.maximumf %max3A_198, %max3A_199 : vector<256x128xf32>
    %max3A_248 = arith.maximumf %max3A_200, %max3A_201 : vector<256x128xf32>
    %max3A_249 = arith.maximumf %max3A_202, %max3A_203 : vector<256x128xf32>
    %max3A_250 = arith.maximumf %max3A_204, %max3A_205 : vector<256x128xf32>
    %max3A_251 = arith.maximumf %max3A_206, %max3A_207 : vector<256x128xf32>
    %max3A_252 = arith.maximumf %max3A_208, %max3A_209 : vector<256x128xf32>
    %max3A_253 = arith.maximumf %max3A_210, %max3A_211 : vector<256x128xf32>
    %max3A_254 = arith.maximumf %max3A_212, %max3A_213 : vector<256x128xf32>
    %max3A_255 = arith.maximumf %max3A_214, %max3A_215 : vector<256x128xf32>
    %max3A_256 = arith.maximumf %max3A_216, %max3A_217 : vector<256x128xf32>
    %max3A_257 = arith.maximumf %max3A_218, %max3A_219 : vector<256x128xf32>
    %max3A_258 = arith.maximumf %max3A_220, %max3A_221 : vector<256x128xf32>
    %max3A_259 = arith.maximumf %max3A_222, %max3A_223 : vector<256x128xf32>
    %max3A_260 = arith.maximumf %max3A_224, %max3A_225 : vector<256x128xf32>
    %max3A_261 = arith.maximumf %max3A_226, %max3A_227 : vector<256x128xf32>
    %max3A_262 = arith.maximumf %max3A_228, %max3A_229 : vector<256x128xf32>
    %max3A_263 = arith.maximumf %max3A_230, %max3A_231 : vector<256x128xf32>
    %max3A_264 = arith.maximumf %max3A_232, %max3A_233 : vector<256x128xf32>
    %max3A_265 = arith.maximumf %max3A_234, %max3A_235 : vector<256x128xf32>
    %max3A_266 = arith.maximumf %max3A_236, %max3A_237 : vector<256x128xf32>
    %max3A_267 = arith.maximumf %max3A_238, %max3A_239 : vector<256x128xf32>
    %max3A_268 = arith.maximumf %max3A_240, %max3A_241 : vector<256x128xf32>
    %max3A_269 = arith.maximumf %max3A_242, %max3A_243 : vector<256x128xf32>
    %max3A_270 = arith.maximumf %max3A_244, %max3A_245 : vector<256x128xf32>
    %max3A_271 = arith.maximumf %max3A_246, %max3A_247 : vector<256x128xf32>
    %max3A_272 = arith.maximumf %max3A_248, %max3A_249 : vector<256x128xf32>
    %max3A_273 = arith.maximumf %max3A_250, %max3A_251 : vector<256x128xf32>
    %max3A_274 = arith.maximumf %max3A_252, %max3A_253 : vector<256x128xf32>
    %max3A_275 = arith.maximumf %max3A_254, %max3A_255 : vector<256x128xf32>
    %max3A_276 = arith.maximumf %max3A_256, %max3A_257 : vector<256x128xf32>
    %max3A_277 = arith.maximumf %max3A_258, %max3A_259 : vector<256x128xf32>
    %max3A_278 = arith.maximumf %max3A_260, %max3A_261 : vector<256x128xf32>
    %max3A_279 = arith.maximumf %max3A_262, %max3A_263 : vector<256x128xf32>
    %max3A_280 = arith.maximumf %max3A_264, %max3A_265 : vector<256x128xf32>
    %max3A_281 = arith.maximumf %max3A_266, %max3A_267 : vector<256x128xf32>
    %max3A_282 = arith.maximumf %max3A_268, %max3A_269 : vector<256x128xf32>
    %max3A_283 = arith.maximumf %max3A_270, %max3A_271 : vector<256x128xf32>
    %max3A_284 = arith.maximumf %max3A_272, %max3A_273 : vector<256x128xf32>
    %max3A_285 = arith.maximumf %max3A_274, %max3A_275 : vector<256x128xf32>
    %max3A_286 = arith.maximumf %max3A_276, %max3A_277 : vector<256x128xf32>
    %max3A_287 = arith.maximumf %max3A_278, %max3A_279 : vector<256x128xf32>
    %max3A_288 = arith.maximumf %max3A_280, %max3A_281 : vector<256x128xf32>
    %max3A_289 = arith.maximumf %max3A_282, %max3A_283 : vector<256x128xf32>
    %max3A_290 = arith.maximumf %max3A_284, %max3A_285 : vector<256x128xf32>
    %max3A_291 = arith.maximumf %max3A_286, %max3A_287 : vector<256x128xf32>
    %max3A_292 = arith.maximumf %max3A_288, %max3A_289 : vector<256x128xf32>
    %max3A_293 = arith.maximumf %max3A_290, %max3A_291 : vector<256x128xf32>
    %max3A_294 = arith.maximumf %max3A_292, %max3A_293 : vector<256x128xf32>
    %eq3A_295 = arith.constant 0 : i32
    %eq3A_296 = arith.cmpi eq, %arg1, %eq3A_295 : i32
    %convert_element_type3A_297 = arith.extui %eq3A_296 : i1 to i32
    %cond3A = arith.constant 0 : i32
    %cond3A_298 = arith.cmpi ne, %convert_element_type3A_297, %cond3A : i32
    scf.if %cond3A_298 {
      %swap3A = arith.constant 0 : index
      %swap3A_308 = arith.constant 0 : index
      %swap3A_309 = vector.load %arg7[%swap3A, %swap3A_308] : memref<256x128xf32, #tpu.memory_space<vmem>>, vector<256x128xf32>
      tpu.vector_store %arg7[%swap3A, %swap3A_308], %max3A_294 {strides = array<i32>} : memref<256x128xf32, #tpu.memory_space<vmem>>, vector<256x128xf32>,
    } else {
    }
    %gt3A = arith.constant 0 : i32
    %gt3A_299 = arith.cmpi sgt, %arg1, %gt3A : i32
    %convert_element_type3A_300 = arith.extui %gt3A_299 : i1 to i32
    %cond3A_301 = arith.constant 0 : i32
    %cond3A_302 = arith.cmpi ne, %convert_element_type3A_300, %cond3A_301 : i32
    scf.if %cond3A_302 {
      %get3A_308 = arith.constant 0 : index
      %get3A_309 = arith.constant 0 : index
      %get3A_310 = vector.load %arg7[%get3A_308, %get3A_309] : memref<256x128xf32, #tpu.memory_space<vmem>>, vector<256x128xf32>
      %max3A_311 = arith.maximumf %get3A_310, %max3A_294 : vector<256x128xf32>
      %swap3A = arith.constant 0 : index
      %swap3A_312 = arith.constant 0 : index
      %swap3A_313 = vector.load %arg7[%swap3A, %swap3A_312] : memref<256x128xf32, #tpu.memory_space<vmem>>, vector<256x128xf32>
      tpu.vector_store %arg7[%swap3A, %swap3A_312], %max3A_311 {strides = array<i32>} : memref<256x128xf32, #tpu.memory_space<vmem>>, vector<256x128xf32>,
    } else {
    }
    %eq3A_303 = arith.constant 0 : i32
    %eq3A_304 = arith.cmpi eq, %arg1, %eq3A_303 : i32
    %convert_element_type3A_305 = arith.extui %eq3A_304 : i1 to i32
    %cond3A_306 = arith.constant 0 : i32
    %cond3A_307 = arith.cmpi ne, %convert_element_type3A_305, %cond3A_306 : i32
    scf.if %cond3A_307 {
      %get3A_308 = arith.constant 0 : index
      %get3A_309 = arith.constant 0 : index
      %get3A_310 = vector.load %arg7[%get3A_308, %get3A_309] : memref<256x128xf32, #tpu.memory_space<vmem>>, vector<256x128xf32>
      %reduce_max3A = arith.constant dense<0xFF800000> : vector<256xf32>
      %reduce_max3A_311 = vector.multi_reduction <maximumf>, %get3A_310, %reduce_max3A [1] : vector<256x128xf32> to vector<256xf32>
      %get3A_312 = arith.constant 0 : index
      %get3A_313 = arith.constant 0 : index
      %get3A_314 = vector.load %arg5[%get3A_312, %get3A_313] : memref<1x256xf32, #tpu.memory_space<vmem>>, vector<1x256xf32>
      %get3A_315 = vector.shape_cast %get3A_314 : vector<1x256xf32> to vector<256xf32>
      %add3A = arith.addf %reduce_max3A_311, %get3A_315 : vector<256xf32>
      %swap3A = arith.constant 0 : index
      %swap3A_316 = arith.constant 0 : index
      %swap3A_317 = arith.constant 0 : index
      %swap3A_318 = vector.load %arg6[%swap3A, %swap3A_316, %swap3A_317] : memref<1x1x256xf32, #tpu.memory_space<vmem>>, vector<1x1x256xf32>
      %swap3A_319 = vector.shape_cast %swap3A_318 : vector<1x1x256xf32> to vector<256xf32>
      %swap3A_320 = vector.shape_cast %add3A : vector<256xf32> to vector<1x1x256xf32>
      tpu.vector_store %arg6[%swap3A, %swap3A_316, %swap3A_317], %swap3A_320 {strides = array<i32>} : memref<1x1x256xf32, #tpu.memory_space<vmem>>, vector<1x1x256xf32>,
    } else {
    }
    return
  }
  func.func @transform_0(%arg0: i32, %arg1: i32) -> (i32, i32, i32) {
    %c0_i32 = arith.constant 0 : i32
    %c0_i32_0 = arith.constant 0 : i32
    return %arg0, %c0_i32, %arg1 : i32, i32, i32
  }
  func.func @transform_1(%arg0: i32, %arg1: i32) -> (i32, i32, i32) {
    %mul3A = arith.constant 1 : i32
    %mul3A_0 = arith.muli %arg0, %mul3A : i32
    %add3A = arith.addi %mul3A_0, %arg1 : i32
    %c0_i32 = arith.constant 0 : i32
    %c0_i32_1 = arith.constant 0 : i32
    %c0_i32_2 = arith.constant 0 : i32
    return %add3A, %c0_i32, %c0_i32_1 : i32, i32, i32
  }
  func.func @transform_2(%arg0: i32, %arg1: i32) -> (i32, i32) {
    %c0_i32 = arith.constant 0 : i32
    %c0_i32_0 = arith.constant 0 : i32
    %c0_i32_1 = arith.constant 0 : i32
    return %c0_i32, %c0_i32_0 : i32, i32
  }
  func.func @transform_3(%arg0: i32, %arg1: i32) -> (i32, i32) {
    %c0_i32 = arith.constant 0 : i32
    %c0_i32_0 = arith.constant 0 : i32
    %c0_i32_1 = arith.constant 0 : i32
    return %c0_i32, %c0_i32_0 : i32, i32
  }
  func.func @transform_4(%arg0: i32, %arg1: i32) -> (i32, i32, i32) {
    %c0_i32 = arith.constant 0 : i32
    %c0_i32_0 = arith.constant 0 : i32
    %c0_i32_1 = arith.constant 0 : i32
    return %arg0, %c0_i32, %c0_i32_0 : i32, i32, i32
  }
}

</mosaic_0001>

<sc_bundles>
// kernel: kernel.4.cloned.1.call-start
scs
__scs_entry_jumppad:
0x0: {  	(pc) =	sbr.rel $0x88, $3  }
0x1: {  	(tag) =	ssettag $0x0;
	lr =	simm.s32 $0x1  }
0x2: {  	[smem:$0x3F99] =	sst lr;
	_ =	strace $0xD0000000  }
0x3: {  	_ = 	snop  }
0x4: {  	_ = 	snop  }
0x5: {  	_ = 	snop  }
0x6: {  	_ = 	snop  }
0x7: {  	_ = 	snop  }
__scs_overlays_trampoline_lowered:
0x8: {  	[smem:$0x3FA8] =	sst s0  }
0x9: {  	[smem:$0x3FA9] =	sst s1  }
0xa: {  	[smem:$0x3FAA] =	sst s2  }
0xb: {  	[smem:$0x3FAB] =	sst s3  }
0xc: {  	[smem:$0x3FAC] =	sst s4  }
0xd: {  	[smem:$0x3FAD] =	sst s5  }
0xe: {  	[smem:$0x3FAE] =	sst s6  }
0xf: {  	[smem:$0x3FAF] =	sst s7  }
0x10: {  	[smem:$0x3FB0] =	sst s8  }
0x11: {  	[smem:$0x3FB1] =	sst s9;
	s0 =	simm.s32 @!p0 $0x0  }
0x12: {  	s1 =	sld [smem:$0x3F97];
	s0 =	simm.s32 @p0 $0x1  }
0x13: {  	[smem:$0x3FB2] =	sst s0;
	s0 =	simm.s32 @!p1 $0x0  }
0x14: {  	s2 =	sld [smem:$0x3F96];
	s0 =	simm.s32 @p1 $0x1  }
0x15: {  	[smem:$0x3FB3] =	sst s0;
	s0 =	simm.s32 @!p2 $0x0  }
0x16: {  	s3 =	sld [smem:$0x3FDB];
	s0 =	simm.s32 @p2 $0x1  }
0x17: {  	s4 =	simm.s32 $0x1BF5;
	[smem:$0x3FB5] =	sst s0  }
0x18: {  	s0 =	sld [smem:$0x3F98];
	_ =	swait.ge [sflag:s4], $0x0  }
0x19: {  	s7 =	sld [smem:$0x3F99]  }
0x1a: {  	s8 =	sadd.s32 $0xFFFFE003, lr  }
0x1b: {  	s9 =	sadd.s32 $0xFFFFFEF7, lr;
	s5 =	simm.s32 $0xFFFFFFFF;
	p2 =	slt.u32 s8, $0xFFFFF086  }
0x1c: {  	p1 =	slt.u32 s9, $0xF7A;
	s5 =	simm.s32 @!p2 $0x0  }
0x1d: {  	s5 =	simm.s32 @p1 $0x1;
	p0 =	seq.s32 s7, s2  }
0x1e: {  	s7 =	smul.u32 @!p0 $0xF7A, s2;
	p2 =	seq.s32 @!p0 s5, $0x0  }
0x1f: {  	s9 =	smul.u32 $0xF7A, s1;
	s8 =	simm.s32 @!p0 $0x1BF5;
	p2 =	por !p2, p0  }
0x20: {  	[sflag:s8] =	ssyncset.s32 @!p0 $0xFFFFF086;
	s6 =	sadd.s32 @!p0 s3, s7;
	s7 =	simm.s32 @!p0 $0x108  }
0x21: {  	s3 =	sadd.s32 s3, s9;
	s6 =	sadd.s32 @!p0 $0x88, s6;
	s7 =	simm.s32 @p2 $0x1082  }
0x22: {  	[simem:s7], [sflag:s8] =	dma.local @!p0 [hbm:s6], $0xF7A  }
0x23: {  	s9 =	sor.u32 $0xD0000000, s2;
	s6 =	simm.s32 $0x108;
	_ =	swait.ge @!p0 [sflag:s8], $0x0  }
0x24: {  	s3 =	sadd.s32 $0x88, s3;
	s6 =	simm.s32 @!p1 $0x1082;
	[sflag:s4] =	ssyncset.s32 $0xFFFFF086  }
0x25: {  	[simem:s6], [sflag:s4] =	dma.local [hbm:s3], $0xF7A  }
0x26: {  	[smem:$0x3F99] =	sst s1;
	(tag) =	ssettag s2;
	_ =	strace s9  }
0x27: {  	s1 =	sld [smem:$0x3FA9]  }
0x28: {  	s2 =	sld [smem:$0x3FAA]  }
0x29: {  	s4 =	sld [smem:$0x3FAC]  }
0x2a: {  	p0 =	seq.s32 s5, $0x0;
	s5 =	sld [smem:$0x3FAD]  }
0x2b: {  	s6 =	sld [smem:$0x3FAE]  }
0x2c: {  	s7 =	sld [smem:$0x3FAF]  }
0x2d: {  	s3 =	simm.s32 $0x108;
	s8 =	sld [smem:$0x3FB0]  }
0x2e: {  	s3 =	simm.s32 @!p0 $0x1082;
	s9 =	sld [smem:$0x3FB1]  }
0x2f: {  	lr =	sadd.s32 s0, s3;
	s0 =	sld [smem:$0x3FA8]  }
0x30: {  	s3 =	sld [smem:$0x3FAB]  }
0x31: {  	[smem:$0x3FB4] =	sst s10  }
0x32: {  	s10 =	sld [smem:$0x3FB2];
	_ =	sdelay $0x3  }
0x33: {  	p0 =	seq.s32 s10, $0x1;
	s10 =	sld [smem:$0x3FB4];
	_ =	sdelay $0x3  }
0x34: {  	[smem:$0x3FB4] =	sst s10  }
0x35: {  	s10 =	sld [smem:$0x3FB3];
	_ =	sdelay $0x3  }
0x36: {  	p1 =	seq.s32 s10, $0x1;
	s10 =	sld [smem:$0x3FB4];
	_ =	sdelay $0x3  }
0x37: {  	[smem:$0x3FB4] =	sst s10  }
0x38: {  	s10 =	sld [smem:$0x3FB5]  }
0x39: {  	_ = 	snop;
	(pc) =	sbr.ind lr, $3  }
0x3a: {  	_ = 	snop  }
0x3b: {  	_ = 	snop  }
0x3c: {  	p2 =	seq.s32 s10, $0x1;
	s10 =	sld [smem:$0x3FB4]  }
0x3d: {  	_ =	shalt  }
0x3e: {  	_ =	shalt  }
0x3f: {  	_ =	shalt  }
0x40: {  	_ =	shalt  }
0x41: {  	_ =	shalt  }
0x42: {  	_ =	shalt  }
0x43: {  	_ =	shalt  }
0x44: {  	_ =	shalt  }
0x45: {  	_ =	shalt  }
0x46: {  	_ =	shalt  }
0x47: {  	_ =	shalt  }
0x48: {  	_ =	shalt  }
0x49: {  	_ =	shalt  }
0x4a: {  	_ =	shalt  }
0x4b: {  	_ =	shalt  }
0x4c: {  	_ =	shalt  }
0x4d: {  	_ =	shalt  }
0x4e: {  	_ =	shalt  }
0x4f: {  	_ =	shalt  }
0x50: {  	_ =	shalt  }
0x51: {  	_ =	shalt  }
0x52: {  	_ =	shalt  }
0x53: {  	_ =	shalt  }
0x54: {  	_ =	shalt  }
0x55: {  	_ =	shalt  }
0x56: {  	_ =	shalt  }
0x57: {  	_ =	shalt  }
0x58: {  	_ =	shalt  }
0x59: {  	_ =	shalt  }
0x5a: {  	_ =	shalt  }
0x5b: {  	_ =	shalt  }
0x5c: {  	_ =	shalt  }
0x5d: {  	_ =	shalt  }
0x5e: {  	_ =	shalt  }
0x5f: {  	_ =	shalt  }
0x60: {  	_ =	shalt  }
0x61: {  	_ =	shalt  }
0x62: {  	_ =	shalt  }
0x63: {  	_ =	shalt  }
0x64: {  	_ =	shalt  }
0x65: {  	_ =	shalt  }
0x66: {  	_ =	shalt  }
0x67: {  	_ =	shalt  }
0x68: {  	_ =	shalt  }
0x69: {  	_ =	shalt  }
0x6a: {  	_ =	shalt  }
0x6b: {  	_ =	shalt  }
0x6c: {  	_ =	shalt  }
0x6d: {  	_ =	shalt  }
0x6e: {  	_ =	shalt  }
0x6f: {  	_ =	shalt  }
0x70: {  	_ =	shalt  }
0x71: {  	_ =	shalt  }
0x72: {  	_ =	shalt  }
0x73: {  	_ =	shalt  }
0x74: {  	_ =	shalt  }
0x75: {  	_ =	shalt  }
0x76: {  	_ =	shalt  }
0x77: {  	_ =	shalt  }
0x78: {  	_ =	shalt  }
0x79: {  	_ =	shalt  }
0x7a: {  	_ =	shalt  }
0x7b: {  	_ =	shalt  }
0x7c: {  	_ =	shalt  }
0x7d: {  	_ =	shalt  }
0x7e: {  	_ =	shalt  }
0x7f: {  	_ =	shalt  }
0x80: {  	_ =	shalt  }
0x81: {  	_ =	shalt  }
0x82: {  	_ =	shalt  }
0x83: {  	_ =	shalt  }
0x84: {  	_ =	shalt  }
0x85: {  	_ =	shalt  }
0x86: {  	_ =	shalt  }
0x87: {  	_ =	shalt  }
.Lfunc_end0:
.L_simem_size_0:
called_computation_lowered:
.L_overlay_start_0:
0x88: {  	s2 =	sld [smem:$0x3FD9]  }
0x89: {  	s3 =	sld [smem:$0x3FFE];
	_ =	sdelay $0x1  }
0x8a: {  	s1 =	srdreg.scid  }
0x8b: {  	s0 =	sand.u32 $0x1, s1  }
0x8c: {  	s17 =	sshll.u32 s0, $0xA;
	s2 =	sadd.s32 s3, s2  }
0x8d: {  	s2 =	sadd.s32 s2, s17  }
0x8e: {  	[smem:$0x3FC0] =	sst s2  }
0x8f: {  	_ = 	snop  }
0x90: {  	s2 =	sld [smem:$0x3FC8]  }
0x91: {  	s18 =	sld [smem:$0x3FD0];
	(tm) =	ssettm $0x1  }
0x92: {  	s4 =	sld [smem:$0x3FFB];
	_ =	sdelay $0x3  }
0x93: {  	_ =	strace s4  }
0x94: {  	s4 =	sld [smem:$0x3FFC];
	_ =	sdelay $0x3  }
0x95: {  	_ =	strace s4  }
0x96: {  	s4 =	sld [smem:$0x3FFD];
	_ =	sdelay $0x3  }
0x97: {  	_ =	strace s4  }
0x98: {  	_ =	strace $0x8FFFFFFF  }
0x99: {  	s19 =	sld [smem:$0x3FDB];
	_ =	sdelay $0x1  }
0x9a: {  	s5 =	simm.s32 $_scs_section_size  }
0x9b: {  	s6 =	simm.s32 $_size__tile_overlayer_lowered;
	s7 =	simm.s32 $_tile_overlayer_lowered  }
0x9c: {  	s22 =	simm.s32 $0x1BFF;
	s21 =	sshll.u32 s7, $0x1;
	s4 =	sadd.s32 s5, s19  }
0x9d: {  	s8 =	simm.s32 $0x0;
	s20 =	sshll.u32 s6, $0x1;
	s6 =	sadd.s32 s21, s4  }
0x9e: {  	[timem:s8], [sflag:s22] =	dma.local [hbm:s6], s20  }
0x9f: {  	_ =	swait.ge [sflag:s22], s20  }
0xa0: {  	s5 =	ssub.s32 $0x0, s20;
	[sflag:s22] =	ssyncset.done $0x0  }
0xa1: {  	[sflag:s22] =	ssyncadd.s32 s5;
	_ =	sdelay $0x1  }
0xa2: {  	s23 =	simm.s32 $0x1B8B  }
0xa3: {  	_ =	swait.ge [sflag:s23], $0x1  }
0xa4: {  	[sflag:s23] =	ssyncset.done $0x0  }
0xa5: {  	s25 =	simm.s32 $0x1B8E;
	s24 =	sld [smem:$0x3FFE];
	[sflag:s23] =	ssyncadd.s32 $0xFFFFFFFF  }
0xa6: {  	s26 =	simm.s32 $execute0_lowered;
	[smem:$0x3FD2] =	sst s25  }
0xa7: {  	s6 =	sshll.u32 s26, $0x1;
	_ =	strace $0x80000046;
	[dreg:$0x1] =	wrdreg $0xFFFFFFFF  }
0xa8: {  	s28 =	simm.s32 $_size_execute0_lowered;
	s4 =	sadd.s32 s4, s6;
	[dreg:$0x0] =	wrdreg $0x0  }
0xa9: {  	s6 =	sshll.u32 s28, $0x1;
	[dreg:$0x2] =	wrdreg s4  }
0xaa: {  	[dreg:$0x3] =	wrdreg s6  }
0xab: {  	[dreg:$0x4] =	wrdreg $0xC0  }
0xac: {  	_ =	task [dreg:s8], $0x5FFFF  }
0xad: {  	[dreg:$0x1] =	wrdreg $0xFFFFFFFF  }
0xae: {  	[dreg:$0x0] =	wrdreg $0x60  }
0xaf: {  	[dreg:$0x2] =	wrdreg s24  }
0xb0: {  	[dreg:$0x3] =	wrdreg s2  }
0xb1: {  	[dreg:$0x4] =	wrdreg s18  }
0xb2: {  	[dreg:$0x5] =	wrdreg $0x9  }
0xb3: {  	_ =	task.clear_ibuf [dreg:s8], $0x6FFFF;
	_ =	strace $0x90000046  }
0xb4: {  	s29 =	simm.s32 $0x9;
	_ =	strace $0x80000048  }
0xb5: {  	_ =	swait.ge [sflag:s29], $0x1  }
0xb6: {  	[sflag:s29] =	ssyncadd.s32 $0xFFFFFFFF  }
0xb7: {  	_ =	strace $0x90000048  }
0xb8: {  	_ =	sfence  }
0xb9: {  	s30 =	sld [smem:$0x0];
	_ =	sdelay $0x2  }
0xba: {  	s31 =	sshll.u32 s1, $0xD;
	s1 =	sshrl.u32 s1, $0x2  }
0xbb: {  	s3 =	sand.u32 $0x4000, s31;
	s1 =	sadd.s32 s1, s30  }
0xbc: {  	s0 =	sor.u32 s3, s0;
	s1 =	sshll.u32 s1, $0x11  }
0xbd: {  	s0 =	sor.u32 s1, s0  }
0xbe: {  	s0 =	sadd.s32 $0x8F2B, s0  }
0xbf: {  	[sflag:s0] =	ssyncadd.remote.s32 $0x1  }
0xc0: {  	_ =	sfence.sel $0xFFFF  }
0xc1: {  	[dreg:$0x0] =	wrdreg $0xFFFFFFFF;
	(pc) =	sbr.abs _section_cstart, $3  }
0xc2: {  	[dreg:$0x1] =	wrdreg $0xFFFFFFFF  }
0xc3: {  	_ =	task.clear_ibuf [dreg:s8], $0x2FFFF;
	_ =	strace $0x9FFFFFFF  }
0xc4: {  	(tm) =	ssettm $0x7FFFFFFF  }
0xc5: {  	_ =	shalt  }
tec
execute0_lowered:
.L_overlay_start_1:
0x0: {  	(tag) =	ssettag $0x1  }
0x1: {  	s0 =	srdreg.scid  }
0x2: {  	s4 =	stileid.u32;
	s25 =	rddreg [dreg:$0x0];
	s0 =	sand.u32 $0x1, s0  }
0x3: {  	s3 =	simm.s32 $0x1;
	s6 =	rddreg [dreg:$0x1];
	s1 =	sor.u32 s0, s4  }
0x4: {  	s2 =	rddreg [dreg:$0x2];
	p1 =	seq.s32 s0, $0x1;
	p0 =	seq.s32 s1, $0x0  }
0x5: {  	s26 =	simm.s32 $0x0;
	s13 =	simm.s32 $0x1000;
	p0 =	por !p0, !p1  }
0x6: {  	s14 =	simm.s32 $0x20000;
	s15 =	simm.s32 $0x4000;
	p0 =	por !p0, !p0  }
0x7: {  	s16 =	simm.s32 $0xC000;
	s17 =	simm.s32 $0x2;
	s3 =	simm.s32 @!p0 $0x0  }
0x8: {  	s18 =	simm.s32 $0x0;
	[smem:$0x7FF] =	sst s26;
	s7 =	ssub.s32 s4, s3  }
0x9: {  	s8 =	sshll.u32 s0, $0xA;
	_ =	strace $0x80000047;
	s5 =	sshrl.u32 s7, $0x3  }
0xa: {  	s10 =	ssub.s32 $0x2, s0;
	s9 =	sshll.u32 s7, $0x7;
	s28 =	sshll.u32 s5, $0xB  }
0xb: {  	s0 =	sshll.u32 s0, $0x14;
	s9 =	sand.u32 $0x380, s9;
	s8 =	sor.u32 s8, s28  }
0xc: {  	s29 =	sshrl.u32 s10, $0x1;
	s4 =	simm.s32 $0x1;
	s8 =	sor.u32 s9, s8  }
0xd: {  	s31 =	sshll.u32 s7, $0x15;
	s5 =	sshll.u32 s5, $0x11;
	s8 =	sshrl.u32 s8, $0x3  }
0xe: {  	s7 =	sor.u32 s0, s31;
	s9 =	sor.u32 s9, s5;
	s1 =	sadd.s32 s8, s25  }
0xf: {  	s30 =	sshrl.u32 s9, $0x3;
	s9 =	simm.s32 $0x14000;
	s1 =	sadd.s32 $0x600, s1  }
0x10: {  	s8 =	ssub.s32 s10, s29;
	[dreg:$0x6] =	wrdreg s1;
	s1 =	sadd.s32 s6, s30  }
0x11: {  	s10 =	simm.s32 $0x3;
	s8 =	smax.u32 s8, $0x1;
	[dreg:$0x7] =	wrdreg s1  }
.LBB2_1:
0x12: {  	s0 =	simm.s32 $0x0;
	s1 =	rddreg [dreg:$0x6]  }
0x13: {  	[tilespmem:s9], [sflag:$0x3] =	stream.linear.gather [hbm4b:s1+s0], $0x80, $0x38;
	[tilespmem:$0x14080] =	vst v63  }
0x14: {  	_ =	swait.ge [sflag:s10], $0x80  }
0x15: {  	s3 =	simm.s32 $0x80;
	[sflag:s10] =	ssyncset.done $0x0  }
0x16: {  	s5 =	simm.s32 $0x400;
	s31 =	rddreg [dreg:$0x7];
	[sflag:s10] =	ssyncadd.s32 $0xFFFFFF80  }
0x17: {  	[tilespmem:s0], [sflag:$0x3] =	stream.strided.gather [hbm4b:s31+s3], $0x4000, s5, s3, $0x38;
	[tilespmem:$0x14080] =	vst v63  }
0x18: {  	_ =	swait.ge [sflag:s10], $0x4000  }
0x19: {  	[sflag:s10] =	ssyncset.done $0x0  }
0x1a: {  	s19 =	simm.s32 $0x0;
	[sflag:s10] =	ssyncadd.s32 $0xFFFFC000  }
.LBB2_2:
0x1b: {  	p0 =	seq.s32 s19, $0x0;
	s1 =	sshll.u32 s19, $0xA  }
0x1c: {  	s20 =	simm.s32 $0xFFFFFFFC;
	s21 =	simm.s32 $0x0;
	s0 =	simm.s32 @!p0 $0x1  }
0x1d: {  	p1 =	por $0x0, $0x0;
	s22 =	simm.s32 $0x0;
	_ =	swait.ge @!p0 [sflag:s0], $0x8000  }
0x1e: {  	s23 =	simm.s32 $0x0;
	s1 =	sand.u32 $0x3FFFFC00, s1;
	[sflag:s0] =	ssyncset.done @!p0 $0x0  }
0x1f: {  	s24 =	simm.s32 $0x0;
	[dreg:$0x4] =	wrdreg s1;
	[sflag:s0] =	ssyncadd.s32 @!p0 $0xFFFF8000  }
.LBB2_3:
0x20: {  	s0 =	rddreg [dreg:$0x4];
	s1 =	sand.u32 $0x180, s21  }
0x21: {  	s25 =	sand.u32 $0x40, s21;
	s11 =	sadd.s32 s1, s0  }
0x22: {  	s0 =	sadd.s32 s25, s11  }
0x23: {  	v0 =	vld [tilespmem:s0+$0x0];
	_ =	sdelay $0x7  }
0x24: {  	v1 =	vld.idx.msk [tilespmem:v0+s9+$0x0], $0xffff  }
0x25: {  	v2 =	vadd.s32 $0x2, v0  }
0x26: {  	s26 =	sand.u32 $0xC00, s24  }
0x27: {  	s12 =	sor.u32 $0x4000, s26  }
0x28: {  	s30 =	sor.u32 s25, s12  }
0x29: {  	[tilespmem:s30+$0x0] =	vst v1  }
0x2a: {  	v1 =	vld.idx.msk [tilespmem:v2+s9+$0x0], $0xffff  }
0x2b: {  	v27 =	vadd.s32 $0x4, v0;
	_ =	sdelay $0x3  }
0x2c: {  	[tilespmem:s30+$0x80] =	vst v1  }
0x2d: {  	v1 =	vld.idx.msk [tilespmem:v27+s9+$0x0], $0xffff  }
0x2e: {  	v28 =	vadd.s32 $0x6, v0;
	_ =	sdelay $0x3  }
0x2f: {  	[tilespmem:s30+$0x100] =	vst v1  }
0x30: {  	v1 =	vld.idx.msk [tilespmem:v28+s9+$0x0], $0xffff  }
0x31: {  	v29 =	vadd.s32 $0x8, v0;
	_ =	sdelay $0x3  }
0x32: {  	[tilespmem:s30+$0x180] =	vst v1  }
0x33: {  	s0 =	simm.s32 $0x1;
	v1 =	vld.idx.msk [tilespmem:v29+s9+$0x0], $0xffff  }
0x34: {  	s0 =	simm.s32 @!p1 $0x0;
	v30 =	vadd.s32 $0xA, v0  }
0x35: {  	s0 =	sshll.u32 s0, $0x6  }
0x36: {  	s0 =	sadd.s32 s0, s24  }
0x37: {  	s31 =	sor.u32 $0x200, s0  }
0x38: {  	[tilespmem:s31+$0x4000] =	vst v1  }
0x39: {  	v1 =	vld.idx.msk [tilespmem:v30+s9+$0x0], $0xffff  }
0x3a: {  	v31 =	vadd.s32 $0xC, v0;
	_ =	sdelay $0x2  }
0x3b: {  	s3 =	sor.u32 $0x280, s0  }
0x3c: {  	[tilespmem:s3+$0x4000] =	vst v1  }
0x3d: {  	v1 =	vld.idx.msk [tilespmem:v31+s9+$0x0], $0xffff  }
0x3e: {  	v32 =	vadd.s32 $0xE, v0;
	_ =	sdelay $0x2  }
0x3f: {  	s0 =	sor.u32 $0x300, s0  }
0x40: {  	[tilespmem:s0+$0x4000] =	vst v1  }
0x41: {  	v1 =	vld.idx.msk [tilespmem:v32+s9+$0x0], $0xffff;
	_ =	sdelay $0x2  }
0x42: {  	s5 =	sor.u32 s21, s24;
	s31 =	sadd.s32 $0x10, s21  }
0x43: {  	s1 =	sadd.s32 $0x20, s21;
	s28 =	sand.u32 $0x50, s31;
	s0 =	sor.u32 $0x380, s5  }
0x44: {  	s29 =	sand.u32 $0x60, s1;
	s30 =	sadd.s32 s28, s11;
	[tilespmem:s0+$0x4000] =	vst v1;
	s0 =	sadd.s32 $0x30, s21  }
0x45: {  	s3 =	sadd.s32 s29, s11;
	v2 =	vld [tilespmem:s30+$0x0];
	s30 =	sand.u32 $0x70, s0  }
0x46: {  	v3 =	vld [tilespmem:s3+$0x0];
	s6 =	sadd.s32 s30, s11  }
0x47: {  	v1 =	vld [tilespmem:s6+$0x0];
	_ =	sdelay $0x5  }
0x48: {  	v4 =	vld.idx.msk [tilespmem:v2+s9+$0x0], $0xffff  }
0x49: {  	v5 =	vadd.s32 $0x2, v2;
	v6 =	vld.idx.msk [tilespmem:v3+s9+$0x0], $0xffff  }
0x4a: {  	v7 =	vadd.s32 $0x2, v3;
	v8 =	vld.idx.msk [tilespmem:v1+s9+$0x0], $0xffff  }
0x4b: {  	v9 =	vadd.s32 $0x2, v1  }
0x4c: {  	s11 =	sor.u32 s28, s12  }
0x4d: {  	s5 =	sor.u32 s29, s12;
	[tilespmem:s11+$0x0] =	vst v4  }
0x4e: {  	s12 =	sor.u32 s30, s12;
	[tilespmem:s5+$0x0] =	vst v6;
	v4 =	vld.idx.msk [tilespmem:v5+s9+$0x0], $0xffff  }
0x4f: {  	v33 =	vadd.s32 $0x4, v2;
	v6 =	vld.idx.msk [tilespmem:v7+s9+$0x0], $0xffff;
	[tilespmem:s12+$0x0] =	vst v8  }
0x50: {  	v34 =	vadd.s32 $0x4, v3;
	v8 =	vld.idx.msk [tilespmem:v9+s9+$0x0], $0xffff  }
0x51: {  	v35 =	vadd.s32 $0x4, v1;
	_ =	sdelay $0x1  }
0x52: {  	[tilespmem:s11+$0x80] =	vst v4  }
0x53: {  	[tilespmem:s5+$0x80] =	vst v6;
	v4 =	vld.idx.msk [tilespmem:v33+s9+$0x0], $0xffff  }
0x54: {  	v36 =	vadd.s32 $0x6, v2;
	v6 =	vld.idx.msk [tilespmem:v34+s9+$0x0], $0xffff;
	[tilespmem:s12+$0x80] =	vst v8  }
0x55: {  	v37 =	vadd.s32 $0x6, v3;
	v8 =	vld.idx.msk [tilespmem:v35+s9+$0x0], $0xffff  }
0x56: {  	v38 =	vadd.s32 $0x6, v1;
	_ =	sdelay $0x1  }
0x57: {  	[tilespmem:s11+$0x100] =	vst v4  }
0x58: {  	[tilespmem:s5+$0x100] =	vst v6;
	v4 =	vld.idx.msk [tilespmem:v36+s9+$0x0], $0xffff  }
0x59: {  	v39 =	vadd.s32 $0x8, v2;
	v6 =	vld.idx.msk [tilespmem:v37+s9+$0x0], $0xffff;
	[tilespmem:s12+$0x100] =	vst v8  }
0x5a: {  	v40 =	vadd.s32 $0x8, v3;
	v8 =	vld.idx.msk [tilespmem:v38+s9+$0x0], $0xffff  }
0x5b: {  	v41 =	vadd.s32 $0x8, v1;
	_ =	sdelay $0x1  }
0x5c: {  	[tilespmem:s11+$0x180] =	vst v4  }
0x5d: {  	s6 =	sand.u32 $0x7, s23;
	[tilespmem:s5+$0x180] =	vst v6;
	v4 =	vld.idx.msk [tilespmem:v39+s9+$0x0], $0xffff  }
0x5e: {  	s3 =	sshll.u32 s6, $0x4;
	v42 =	vadd.s32 $0xA, v2;
	s5 =	sand.u32 $0x3, s22;
	v6 =	vld.idx.msk [tilespmem:v40+s9+$0x0], $0xffff;
	[tilespmem:s12+$0x180] =	vst v8  }
0x5f: {  	s3 =	sadd.s32 s24, s3;
	v43 =	vadd.s32 $0xA, v3;
	s11 =	sshll.u32 s5, $0x5;
	v8 =	vld.idx.msk [tilespmem:v41+s9+$0x0], $0xffff  }
0x60: {  	v44 =	vadd.s32 $0xA, v1;
	s11 =	sadd.s32 s24, s11;
	s12 =	sadd.s32 $0x10, s3  }
0x61: {  	s5 =	sor.u32 $0x200, s12;
	s11 =	sadd.s32 $0x20, s11  }
0x62: {  	s3 =	sadd.s32 $0x30, s3;
	s6 =	sor.u32 $0x200, s11;
	[tilespmem:s5+$0x4000] =	vst v4  }
0x63: {  	[tilespmem:s6+$0x4000] =	vst v6;
	s6 =	sor.u32 $0x200, s3;
	v4 =	vld.idx.msk [tilespmem:v42+s9+$0x0], $0xffff  }
0x64: {  	v45 =	vadd.s32 $0xC, v2;
	v6 =	vld.idx.msk [tilespmem:v43+s9+$0x0], $0xffff;
	[tilespmem:s6+$0x4000] =	vst v8  }
0x65: {  	v46 =	vadd.s32 $0xC, v3;
	v8 =	vld.idx.msk [tilespmem:v44+s9+$0x0], $0xffff  }
0x66: {  	v47 =	vadd.s32 $0xC, v1  }
0x67: {  	s6 =	sor.u32 $0x280, s12  }
0x68: {  	[tilespmem:s6+$0x4000] =	vst v4;
	s6 =	sor.u32 $0x280, s11  }
0x69: {  	v4 =	vld.idx.msk [tilespmem:v45+s9+$0x0], $0xffff;
	[tilespmem:s6+$0x4000] =	vst v6;
	s6 =	sor.u32 $0x280, s3  }
0x6a: {  	v48 =	vadd.s32 $0xE, v2;
	[tilespmem:s6+$0x4000] =	vst v8;
	v6 =	vld.idx.msk [tilespmem:v46+s9+$0x0], $0xffff  }
0x6b: {  	v49 =	vadd.s32 $0xE, v3;
	v8 =	vld.idx.msk [tilespmem:v47+s9+$0x0], $0xffff  }
0x6c: {  	v50 =	vadd.s32 $0xE, v1  }
0x6d: {  	s6 =	sor.u32 $0x300, s12  }
0x6e: {  	s12 =	sor.u32 $0x300, s11;
	[tilespmem:s6+$0x4000] =	vst v4  }
0x6f: {  	v51 =	vadd.s32 $0x10, v0;
	s3 =	sor.u32 $0x300, s3;
	[tilespmem:s12+$0x4000] =	vst v6;
	v5 =	vld.idx.msk [tilespmem:v48+s9+$0x0], $0xffff  }
0x70: {  	v52 =	vadd.s32 $0x10, v2;
	[tilespmem:s3+$0x4000] =	vst v8;
	v7 =	vld.idx.msk [tilespmem:v49+s9+$0x0], $0xffff  }
0x71: {  	v53 =	vadd.s32 $0x10, v3;
	v9 =	vld.idx.msk [tilespmem:v50+s9+$0x0], $0xffff  }
0x72: {  	s31 =	sor.u32 s31, s24;
	v10 =	vadd.s32 $0x10, v1  }
0x73: {  	s1 =	sor.u32 s1, s24;
	s3 =	sor.u32 $0x380, s31  }
0x74: {  	s1 =	sor.u32 $0x380, s1;
	s0 =	sor.u32 s0, s24;
	v4 =	vld.idx.msk [tilespmem:v51+s9+$0x0], $0xffff;
	[tilespmem:s3+$0x4000] =	vst v5  }
0x75: {  	v54 =	vadd.s32 $0x12, v0;
	s0 =	sor.u32 $0x380, s0;
	v6 =	vld.idx.msk [tilespmem:v52+s9+$0x0], $0xffff;
	[tilespmem:s1+$0x4000] =	vst v7  }
0x76: {  	v55 =	vadd.s32 $0x12, v2;
	v8 =	vld.idx.msk [tilespmem:v53+s9+$0x0], $0xffff;
	[tilespmem:s0+$0x4000] =	vst v9  }
0x77: {  	v56 =	vadd.s32 $0x12, v3;
	s3 =	sor.u32 $0x5000, s26;
	v10 =	vld.idx.msk [tilespmem:v10+s9+$0x0], $0xffff  }
0x78: {  	v11 =	vadd.s32 $0x12, v1;
	s5 =	sor.u32 s25, s3  }
0x79: {  	s6 =	sor.u32 s28, s3;
	[tilespmem:s5+$0x0] =	vst v4  }
0x7a: {  	s11 =	sor.u32 s29, s3;
	v4 =	vld.idx.msk [tilespmem:v54+s9+$0x0], $0xffff;
	[tilespmem:s6+$0x0] =	vst v6  }
0x7b: {  	v57 =	vadd.s32 $0x14, v0;
	s0 =	sor.u32 s30, s3;
	v6 =	vld.idx.msk [tilespmem:v55+s9+$0x0], $0xffff;
	[tilespmem:s11+$0x0] =	vst v8  }
0x7c: {  	v58 =	vadd.s32 $0x14, v2;
	v8 =	vld.idx.msk [tilespmem:v56+s9+$0x0], $0xffff;
	[tilespmem:s0+$0x0] =	vst v10  }
0x7d: {  	v59 =	vadd.s32 $0x14, v3;
	s12 =	sor.u32 $0x5080, s26;
	v10 =	vld.idx.msk [tilespmem:v11+s9+$0x0], $0xffff  }
0x7e: {  	v60 =	vadd.s32 $0x14, v1;
	s31 =	sor.u32 s25, s12  }
0x7f: {  	s3 =	sor.u32 s28, s12;
	[tilespmem:s31+$0x0] =	vst v4  }
0x80: {  	s5 =	sor.u32 s29, s12;
	v4 =	vld.idx.msk [tilespmem:v57+s9+$0x0], $0xffff;
	[tilespmem:s3+$0x0] =	vst v6  }
0x81: {  	v61 =	vadd.s32 $0x16, v0;
	s0 =	sor.u32 s30, s12;
	v6 =	vld.idx.msk [tilespmem:v58+s9+$0x0], $0xffff;
	[tilespmem:s5+$0x0] =	vst v8  }
0x82: {  	v62 =	vadd.s32 $0x16, v2;
	v8 =	vld.idx.msk [tilespmem:v59+s9+$0x0], $0xffff;
	[tilespmem:s0+$0x0] =	vst v10  }
0x83: {  	v63 =	vadd.s32 $0x16, v3;
	s6 =	sor.u32 $0x5100, s26;
	v10 =	vld.idx.msk [tilespmem:v60+s9+$0x0], $0xffff  }
0x84: {  	v12 =	vadd.s32 $0x16, v1;
	s11 =	sor.u32 s25, s6  }
0x85: {  	s12 =	sor.u32 s28, s6;
	[tilespmem:s11+$0x0] =	vst v4  }
0x86: {  	s31 =	sor.u32 s29, s6;
	v4 =	vld.idx.msk [tilespmem:v61+s9+$0x0], $0xffff;
	[tilespmem:s12+$0x0] =	vst v6  }
0x87: {  	v13 =	vadd.s32 $0x18, v0;
	s0 =	sor.u32 s30, s6;
	v6 =	vld.idx.msk [tilespmem:v62+s9+$0x0], $0xffff;
	[tilespmem:s31+$0x0] =	vst v8  }
0x88: {  	v14 =	vadd.s32 $0x18, v2;
	v8 =	vld.idx.msk [tilespmem:v63+s9+$0x0], $0xffff;
	[tilespmem:s0+$0x0] =	vst v10  }
0x89: {  	v15 =	vadd.s32 $0x18, v3;
	s3 =	sor.u32 $0x5180, s26;
	v10 =	vld.idx.msk [tilespmem:v12+s9+$0x0], $0xffff  }
0x8a: {  	v16 =	vadd.s32 $0x18, v1;
	s5 =	sor.u32 s25, s3  }
0x8b: {  	s6 =	sor.u32 s28, s3;
	[tilespmem:s5+$0x0] =	vst v4  }
0x8c: {  	s11 =	sor.u32 s29, s3;
	v4 =	vld.idx.msk [tilespmem:v13+s9+$0x0], $0xffff;
	[tilespmem:s6+$0x0] =	vst v6  }
0x8d: {  	v17 =	vadd.s32 $0x1A, v0;
	s0 =	sor.u32 s30, s3;
	v6 =	vld.idx.msk [tilespmem:v14+s9+$0x0], $0xffff;
	[tilespmem:s11+$0x0] =	vst v8  }
0x8e: {  	v18 =	vadd.s32 $0x1A, v2;
	v8 =	vld.idx.msk [tilespmem:v15+s9+$0x0], $0xffff;
	[tilespmem:s0+$0x0] =	vst v10  }
0x8f: {  	v19 =	vadd.s32 $0x1A, v3;
	s12 =	sor.u32 $0x5200, s26;
	v10 =	vld.idx.msk [tilespmem:v16+s9+$0x0], $0xffff  }
0x90: {  	v20 =	vadd.s32 $0x1A, v1;
	s31 =	sor.u32 s25, s12  }
0x91: {  	s3 =	sor.u32 s28, s12;
	[tilespmem:s31+$0x0] =	vst v4  }
0x92: {  	s5 =	sor.u32 s29, s12;
	v4 =	vld.idx.msk [tilespmem:v17+s9+$0x0], $0xffff;
	[tilespmem:s3+$0x0] =	vst v6  }
0x93: {  	v21 =	vadd.s32 $0x1C, v0;
	s0 =	sor.u32 s30, s12;
	v6 =	vld.idx.msk [tilespmem:v18+s9+$0x0], $0xffff;
	[tilespmem:s5+$0x0] =	vst v8  }
0x94: {  	v22 =	vadd.s32 $0x1C, v2;
	v8 =	vld.idx.msk [tilespmem:v19+s9+$0x0], $0xffff;
	[tilespmem:s0+$0x0] =	vst v10  }
0x95: {  	v23 =	vadd.s32 $0x1C, v3;
	s6 =	sor.u32 $0x5280, s26;
	v10 =	vld.idx.msk [tilespmem:v20+s9+$0x0], $0xffff  }
0x96: {  	v24 =	vadd.s32 $0x1C, v1;
	s11 =	sor.u32 s25, s6  }
0x97: {  	s12 =	sor.u32 s28, s6;
	[tilespmem:s11+$0x0] =	vst v4  }
0x98: {  	s31 =	sor.u32 s29, s6;
	v4 =	vld.idx.msk [tilespmem:v21+s9+$0x0], $0xffff;
	[tilespmem:s12+$0x0] =	vst v6  }
0x99: {  	v25 =	vadd.s32 $0x1E, v0;
	s0 =	sor.u32 s30, s6;
	v6 =	vld.idx.msk [tilespmem:v22+s9+$0x0], $0xffff;
	[tilespmem:s31+$0x0] =	vst v8  }
0x9a: {  	v26 =	vadd.s32 $0x1E, v2;
	v8 =	vld.idx.msk [tilespmem:v23+s9+$0x0], $0xffff;
	[tilespmem:s0+$0x0] =	vst v10  }
0x9b: {  	v27 =	vadd.s32 $0x1E, v3;
	s3 =	sor.u32 $0x5300, s26;
	v10 =	vld.idx.msk [tilespmem:v24+s9+$0x0], $0xffff  }
0x9c: {  	v28 =	vadd.s32 $0x1E, v1;
	s5 =	sor.u32 s25, s3  }
0x9d: {  	s6 =	sor.u32 s28, s3;
	[tilespmem:s5+$0x0] =	vst v4  }
0x9e: {  	s11 =	sor.u32 s29, s3;
	v4 =	vld.idx.msk [tilespmem:v25+s9+$0x0], $0xffff;
	[tilespmem:s6+$0x0] =	vst v6  }
0x9f: {  	v29 =	vadd.s32 $0x20, v0;
	s0 =	sor.u32 s30, s3;
	v6 =	vld.idx.msk [tilespmem:v26+s9+$0x0], $0xffff;
	[tilespmem:s11+$0x0] =	vst v8  }
0xa0: {  	v30 =	vadd.s32 $0x20, v2;
	v8 =	vld.idx.msk [tilespmem:v27+s9+$0x0], $0xffff;
	[tilespmem:s0+$0x0] =	vst v10  }
0xa1: {  	v31 =	vadd.s32 $0x20, v3;
	s12 =	sor.u32 $0x5380, s26;
	v10 =	vld.idx.msk [tilespmem:v28+s9+$0x0], $0xffff  }
0xa2: {  	v32 =	vadd.s32 $0x20, v1;
	s31 =	sor.u32 s25, s12  }
0xa3: {  	s3 =	sor.u32 s28, s12;
	[tilespmem:s31+$0x0] =	vst v4  }
0xa4: {  	s5 =	sor.u32 s29, s12;
	v4 =	vld.idx.msk [tilespmem:v29+s9+$0x0], $0xffff;
	[tilespmem:s3+$0x0] =	vst v6  }
0xa5: {  	v33 =	vadd.s32 $0x22, v0;
	s0 =	sor.u32 s30, s12;
	v6 =	vld.idx.msk [tilespmem:v30+s9+$0x0], $0xffff;
	[tilespmem:s5+$0x0] =	vst v8  }
0xa6: {  	v34 =	vadd.s32 $0x22, v2;
	v8 =	vld.idx.msk [tilespmem:v31+s9+$0x0], $0xffff;
	[tilespmem:s0+$0x0] =	vst v10  }
0xa7: {  	v35 =	vadd.s32 $0x22, v3;
	s6 =	sor.u32 $0x6000, s26;
	v10 =	vld.idx.msk [tilespmem:v32+s9+$0x0], $0xffff  }
0xa8: {  	v36 =	vadd.s32 $0x22, v1;
	s11 =	sor.u32 s25, s6  }
0xa9: {  	s12 =	sor.u32 s28, s6;
	[tilespmem:s11+$0x0] =	vst v4  }
0xaa: {  	s31 =	sor.u32 s29, s6;
	v4 =	vld.idx.msk [tilespmem:v33+s9+$0x0], $0xffff;
	[tilespmem:s12+$0x0] =	vst v6  }
0xab: {  	v37 =	vadd.s32 $0x24, v0;
	s0 =	sor.u32 s30, s6;
	v6 =	vld.idx.msk [tilespmem:v34+s9+$0x0], $0xffff;
	[tilespmem:s31+$0x0] =	vst v8  }
0xac: {  	v38 =	vadd.s32 $0x24, v2;
	v8 =	vld.idx.msk [tilespmem:v35+s9+$0x0], $0xffff;
	[tilespmem:s0+$0x0] =	vst v10  }
0xad: {  	v39 =	vadd.s32 $0x24, v3;
	s3 =	sor.u32 $0x6080, s26;
	v10 =	vld.idx.msk [tilespmem:v36+s9+$0x0], $0xffff  }
0xae: {  	v40 =	vadd.s32 $0x24, v1;
	s5 =	sor.u32 s25, s3  }
0xaf: {  	s6 =	sor.u32 s28, s3;
	[tilespmem:s5+$0x0] =	vst v4  }
0xb0: {  	s11 =	sor.u32 s29, s3;
	v4 =	vld.idx.msk [tilespmem:v37+s9+$0x0], $0xffff;
	[tilespmem:s6+$0x0] =	vst v6  }
0xb1: {  	v41 =	vadd.s32 $0x26, v0;
	s0 =	sor.u32 s30, s3;
	v6 =	vld.idx.msk [tilespmem:v38+s9+$0x0], $0xffff;
	[tilespmem:s11+$0x0] =	vst v8  }
0xb2: {  	v42 =	vadd.s32 $0x26, v2;
	v8 =	vld.idx.msk [tilespmem:v39+s9+$0x0], $0xffff;
	[tilespmem:s0+$0x0] =	vst v10  }
0xb3: {  	v43 =	vadd.s32 $0x26, v3;
	s12 =	sor.u32 $0x6100, s26;
	v10 =	vld.idx.msk [tilespmem:v40+s9+$0x0], $0xffff  }
0xb4: {  	v44 =	vadd.s32 $0x26, v1;
	s31 =	sor.u32 s25, s12  }
0xb5: {  	s3 =	sor.u32 s28, s12;
	[tilespmem:s31+$0x0] =	vst v4  }
0xb6: {  	s5 =	sor.u32 s29, s12;
	v4 =	vld.idx.msk [tilespmem:v41+s9+$0x0], $0xffff;
	[tilespmem:s3+$0x0] =	vst v6  }
0xb7: {  	v45 =	vadd.s32 $0x28, v0;
	s0 =	sor.u32 s30, s12;
	v6 =	vld.idx.msk [tilespmem:v42+s9+$0x0], $0xffff;
	[tilespmem:s5+$0x0] =	vst v8  }
0xb8: {  	v46 =	vadd.s32 $0x28, v2;
	v8 =	vld.idx.msk [tilespmem:v43+s9+$0x0], $0xffff;
	[tilespmem:s0+$0x0] =	vst v10  }
0xb9: {  	v47 =	vadd.s32 $0x28, v3;
	s6 =	sor.u32 $0x6180, s26;
	v10 =	vld.idx.msk [tilespmem:v44+s9+$0x0], $0xffff  }
0xba: {  	v48 =	vadd.s32 $0x28, v1;
	s11 =	sor.u32 s25, s6  }
0xbb: {  	s12 =	sor.u32 s28, s6;
	[tilespmem:s11+$0x0] =	vst v4  }
0xbc: {  	s31 =	sor.u32 s29, s6;
	v4 =	vld.idx.msk [tilespmem:v45+s9+$0x0], $0xffff;
	[tilespmem:s12+$0x0] =	vst v6  }
0xbd: {  	v49 =	vadd.s32 $0x2A, v0;
	s0 =	sor.u32 s30, s6;
	v6 =	vld.idx.msk [tilespmem:v46+s9+$0x0], $0xffff;
	[tilespmem:s31+$0x0] =	vst v8  }
0xbe: {  	v50 =	vadd.s32 $0x2A, v2;
	v8 =	vld.idx.msk [tilespmem:v47+s9+$0x0], $0xffff;
	[tilespmem:s0+$0x0] =	vst v10  }
0xbf: {  	v51 =	vadd.s32 $0x2A, v3;
	s3 =	sor.u32 $0x6200, s26;
	v10 =	vld.idx.msk [tilespmem:v48+s9+$0x0], $0xffff  }
0xc0: {  	v52 =	vadd.s32 $0x2A, v1;
	s5 =	sor.u32 s25, s3  }
0xc1: {  	s6 =	sor.u32 s28, s3;
	[tilespmem:s5+$0x0] =	vst v4  }
0xc2: {  	s11 =	sor.u32 s29, s3;
	v4 =	vld.idx.msk [tilespmem:v49+s9+$0x0], $0xffff;
	[tilespmem:s6+$0x0] =	vst v6  }
0xc3: {  	v53 =	vadd.s32 $0x2C, v0;
	s0 =	sor.u32 s30, s3;
	v6 =	vld.idx.msk [tilespmem:v50+s9+$0x0], $0xffff;
	[tilespmem:s11+$0x0] =	vst v8  }
0xc4: {  	v54 =	vadd.s32 $0x2C, v2;
	v8 =	vld.idx.msk [tilespmem:v51+s9+$0x0], $0xffff;
	[tilespmem:s0+$0x0] =	vst v10  }
0xc5: {  	v55 =	vadd.s32 $0x2C, v3;
	s12 =	sor.u32 $0x6280, s26;
	v10 =	vld.idx.msk [tilespmem:v52+s9+$0x0], $0xffff  }
0xc6: {  	v56 =	vadd.s32 $0x2C, v1;
	s31 =	sor.u32 s25, s12  }
0xc7: {  	s3 =	sor.u32 s28, s12;
	[tilespmem:s31+$0x0] =	vst v4  }
0xc8: {  	s5 =	sor.u32 s29, s12;
	v4 =	vld.idx.msk [tilespmem:v53+s9+$0x0], $0xffff;
	[tilespmem:s3+$0x0] =	vst v6  }
0xc9: {  	v57 =	vadd.s32 $0x2E, v0;
	s0 =	sor.u32 s30, s12;
	v6 =	vld.idx.msk [tilespmem:v54+s9+$0x0], $0xffff;
	[tilespmem:s5+$0x0] =	vst v8  }
0xca: {  	v58 =	vadd.s32 $0x2E, v2;
	v8 =	vld.idx.msk [tilespmem:v55+s9+$0x0], $0xffff;
	[tilespmem:s0+$0x0] =	vst v10  }
0xcb: {  	v59 =	vadd.s32 $0x2E, v3;
	s6 =	sor.u32 $0x6300, s26;
	v10 =	vld.idx.msk [tilespmem:v56+s9+$0x0], $0xffff  }
0xcc: {  	v60 =	vadd.s32 $0x2E, v1;
	s11 =	sor.u32 s25, s6  }
0xcd: {  	s12 =	sor.u32 s28, s6;
	[tilespmem:s11+$0x0] =	vst v4  }
0xce: {  	s31 =	sor.u32 s29, s6;
	v4 =	vld.idx.msk [tilespmem:v57+s9+$0x0], $0xffff;
	[tilespmem:s12+$0x0] =	vst v6  }
0xcf: {  	v61 =	vadd.s32 $0x30, v0;
	s0 =	sor.u32 s30, s6;
	v6 =	vld.idx.msk [tilespmem:v58+s9+$0x0], $0xffff;
	[tilespmem:s31+$0x0] =	vst v8  }
0xd0: {  	v62 =	vadd.s32 $0x30, v2;
	v8 =	vld.idx.msk [tilespmem:v59+s9+$0x0], $0xffff;
	[tilespmem:s0+$0x0] =	vst v10  }
0xd1: {  	v63 =	vadd.s32 $0x30, v3;
	s3 =	sor.u32 $0x6380, s26;
	v10 =	vld.idx.msk [tilespmem:v60+s9+$0x0], $0xffff  }
0xd2: {  	v12 =	vadd.s32 $0x30, v1;
	s5 =	sor.u32 s25, s3  }
0xd3: {  	s6 =	sor.u32 s28, s3;
	[tilespmem:s5+$0x0] =	vst v4  }
0xd4: {  	s11 =	sor.u32 s29, s3;
	v4 =	vld.idx.msk [tilespmem:v61+s9+$0x0], $0xffff;
	[tilespmem:s6+$0x0] =	vst v6  }
0xd5: {  	v13 =	vadd.s32 $0x32, v0;
	s0 =	sor.u32 s30, s3;
	v6 =	vld.idx.msk [tilespmem:v62+s9+$0x0], $0xffff;
	[tilespmem:s11+$0x0] =	vst v8  }
0xd6: {  	v14 =	vadd.s32 $0x32, v2;
	v8 =	vld.idx.msk [tilespmem:v63+s9+$0x0], $0xffff;
	[tilespmem:s0+$0x0] =	vst v10  }
0xd7: {  	v15 =	vadd.s32 $0x32, v3;
	s12 =	sor.u32 $0x7000, s26;
	v10 =	vld.idx.msk [tilespmem:v12+s9+$0x0], $0xffff  }
0xd8: {  	v16 =	vadd.s32 $0x32, v1;
	s31 =	sor.u32 s25, s12  }
0xd9: {  	s3 =	sor.u32 s28, s12;
	[tilespmem:s31+$0x0] =	vst v4  }
0xda: {  	s5 =	sor.u32 s29, s12;
	v4 =	vld.idx.msk [tilespmem:v13+s9+$0x0], $0xffff;
	[tilespmem:s3+$0x0] =	vst v6  }
0xdb: {  	v17 =	vadd.s32 $0x34, v0;
	s0 =	sor.u32 s30, s12;
	v6 =	vld.idx.msk [tilespmem:v14+s9+$0x0], $0xffff;
	[tilespmem:s5+$0x0] =	vst v8  }
0xdc: {  	v18 =	vadd.s32 $0x34, v2;
	v8 =	vld.idx.msk [tilespmem:v15+s9+$0x0], $0xffff;
	[tilespmem:s0+$0x0] =	vst v10  }
0xdd: {  	v19 =	vadd.s32 $0x34, v3;
	s6 =	sor.u32 $0x7080, s26;
	v10 =	vld.idx.msk [tilespmem:v16+s9+$0x0], $0xffff  }
0xde: {  	v20 =	vadd.s32 $0x34, v1;
	s11 =	sor.u32 s25, s6  }
0xdf: {  	s12 =	sor.u32 s28, s6;
	[tilespmem:s11+$0x0] =	vst v4  }
0xe0: {  	s31 =	sor.u32 s29, s6;
	v4 =	vld.idx.msk [tilespmem:v17+s9+$0x0], $0xffff;
	[tilespmem:s12+$0x0] =	vst v6  }
0xe1: {  	v21 =	vadd.s32 $0x36, v0;
	s0 =	sor.u32 s30, s6;
	v6 =	vld.idx.msk [tilespmem:v18+s9+$0x0], $0xffff;
	[tilespmem:s31+$0x0] =	vst v8  }
0xe2: {  	v22 =	vadd.s32 $0x36, v2;
	v8 =	vld.idx.msk [tilespmem:v19+s9+$0x0], $0xffff;
	[tilespmem:s0+$0x0] =	vst v10  }
0xe3: {  	v23 =	vadd.s32 $0x36, v3;
	s3 =	sor.u32 $0x7100, s26;
	v10 =	vld.idx.msk [tilespmem:v20+s9+$0x0], $0xffff  }
0xe4: {  	v24 =	vadd.s32 $0x36, v1;
	s5 =	sor.u32 s25, s3  }
0xe5: {  	s6 =	sor.u32 s28, s3;
	[tilespmem:s5+$0x0] =	vst v4  }
0xe6: {  	s11 =	sor.u32 s29, s3;
	v4 =	vld.idx.msk [tilespmem:v21+s9+$0x0], $0xffff;
	[tilespmem:s6+$0x0] =	vst v6  }
0xe7: {  	v25 =	vadd.s32 $0x38, v0;
	s0 =	sor.u32 s30, s3;
	v6 =	vld.idx.msk [tilespmem:v22+s9+$0x0], $0xffff;
	[tilespmem:s11+$0x0] =	vst v8  }
0xe8: {  	v26 =	vadd.s32 $0x38, v2;
	v8 =	vld.idx.msk [tilespmem:v23+s9+$0x0], $0xffff;
	[tilespmem:s0+$0x0] =	vst v10  }
0xe9: {  	v27 =	vadd.s32 $0x38, v3;
	s12 =	sor.u32 $0x7180, s26;
	v10 =	vld.idx.msk [tilespmem:v24+s9+$0x0], $0xffff  }
0xea: {  	v28 =	vadd.s32 $0x38, v1;
	s31 =	sor.u32 s25, s12  }
0xeb: {  	s3 =	sor.u32 s28, s12;
	[tilespmem:s31+$0x0] =	vst v4  }
0xec: {  	s5 =	sor.u32 s29, s12;
	v4 =	vld.idx.msk [tilespmem:v25+s9+$0x0], $0xffff;
	[tilespmem:s3+$0x0] =	vst v6  }
0xed: {  	v29 =	vadd.s32 $0x3A, v0;
	s0 =	sor.u32 s30, s12;
	v6 =	vld.idx.msk [tilespmem:v26+s9+$0x0], $0xffff;
	[tilespmem:s5+$0x0] =	vst v8  }
0xee: {  	v30 =	vadd.s32 $0x3A, v2;
	v8 =	vld.idx.msk [tilespmem:v27+s9+$0x0], $0xffff;
	[tilespmem:s0+$0x0] =	vst v10  }
0xef: {  	v31 =	vadd.s32 $0x3A, v3;
	s6 =	sor.u32 $0x7200, s26;
	v10 =	vld.idx.msk [tilespmem:v28+s9+$0x0], $0xffff  }
0xf0: {  	v32 =	vadd.s32 $0x3A, v1;
	s11 =	sor.u32 s25, s6  }
0xf1: {  	s12 =	sor.u32 s28, s6;
	[tilespmem:s11+$0x0] =	vst v4  }
0xf2: {  	s31 =	sor.u32 s29, s6;
	v4 =	vld.idx.msk [tilespmem:v29+s9+$0x0], $0xffff;
	[tilespmem:s12+$0x0] =	vst v6  }
0xf3: {  	v33 =	vadd.s32 $0x3C, v0;
	s0 =	sor.u32 s30, s6;
	v6 =	vld.idx.msk [tilespmem:v30+s9+$0x0], $0xffff;
	[tilespmem:s31+$0x0] =	vst v8  }
0xf4: {  	v34 =	vadd.s32 $0x3C, v2;
	v8 =	vld.idx.msk [tilespmem:v31+s9+$0x0], $0xffff;
	[tilespmem:s0+$0x0] =	vst v10  }
0xf5: {  	v35 =	vadd.s32 $0x3C, v3;
	s3 =	sor.u32 $0x7280, s26;
	v10 =	vld.idx.msk [tilespmem:v32+s9+$0x0], $0xffff  }
0xf6: {  	v36 =	vadd.s32 $0x3C, v1;
	s5 =	sor.u32 s25, s3  }
0xf7: {  	s6 =	sor.u32 s28, s3;
	[tilespmem:s5+$0x0] =	vst v4  }
0xf8: {  	s11 =	sor.u32 s29, s3;
	v4 =	vld.idx.msk [tilespmem:v33+s9+$0x0], $0xffff;
	[tilespmem:s6+$0x0] =	vst v6  }
0xf9: {  	v37 =	vadd.s32 $0x3E, v0;
	s0 =	sor.u32 s30, s3;
	v6 =	vld.idx.msk [tilespmem:v34+s9+$0x0], $0xffff;
	[tilespmem:s11+$0x0] =	vst v8  }
0xfa: {  	v38 =	vadd.s32 $0x3E, v2;
	v8 =	vld.idx.msk [tilespmem:v35+s9+$0x0], $0xffff;
	[tilespmem:s0+$0x0] =	vst v10  }
0xfb: {  	v39 =	vadd.s32 $0x3E, v3;
	s12 =	sor.u32 $0x7300, s26;
	v10 =	vld.idx.msk [tilespmem:v36+s9+$0x0], $0xffff  }
0xfc: {  	v40 =	vadd.s32 $0x3E, v1;
	s31 =	sor.u32 s25, s12  }
0xfd: {  	s3 =	sor.u32 s28, s12;
	[tilespmem:s31+$0x0] =	vst v4  }
0xfe: {  	s5 =	sor.u32 s29, s12;
	v4 =	vld.idx.msk [tilespmem:v37+s9+$0x0], $0xffff;
	[tilespmem:s3+$0x0] =	vst v6  }
0xff: {  	v41 =	vadd.s32 $0x40, v0;
	s0 =	sor.u32 s30, s12;
	v6 =	vld.idx.msk [tilespmem:v38+s9+$0x0], $0xffff;
	[tilespmem:s5+$0x0] =	vst v8  }
0x100: {  	v42 =	vadd.s32 $0x40, v2;
	v8 =	vld.idx.msk [tilespmem:v39+s9+$0x0], $0xffff;
	[tilespmem:s0+$0x0] =	vst v10  }
0x101: {  	v43 =	vadd.s32 $0x40, v3;
	s6 =	sor.u32 $0x7380, s26;
	v10 =	vld.idx.msk [tilespmem:v40+s9+$0x0], $0xffff  }
0x102: {  	v44 =	vadd.s32 $0x40, v1;
	s11 =	sor.u32 s25, s6  }
0x103: {  	s12 =	sor.u32 s28, s6;
	[tilespmem:s11+$0x0] =	vst v4  }
0x104: {  	s31 =	sor.u32 s29, s6;
	v4 =	vld.idx.msk [tilespmem:v41+s9+$0x0], $0xffff;
	[tilespmem:s12+$0x0] =	vst v6  }
0x105: {  	v45 =	vadd.s32 $0x42, v0;
	s0 =	sor.u32 s30, s6;
	v6 =	vld.idx.msk [tilespmem:v42+s9+$0x0], $0xffff;
	[tilespmem:s31+$0x0] =	vst v8  }
0x106: {  	v46 =	vadd.s32 $0x42, v2;
	v8 =	vld.idx.msk [tilespmem:v43+s9+$0x0], $0xffff;
	[tilespmem:s0+$0x0] =	vst v10  }
0x107: {  	v47 =	vadd.s32 $0x42, v3;
	s3 =	sor.u32 $0x8000, s26;
	v10 =	vld.idx.msk [tilespmem:v44+s9+$0x0], $0xffff  }
0x108: {  	v48 =	vadd.s32 $0x42, v1;
	s5 =	sor.u32 s25, s3  }
0x109: {  	s6 =	sor.u32 s28, s3;
	[tilespmem:s5+$0x0] =	vst v4  }
0x10a: {  	s11 =	sor.u32 s29, s3;
	v4 =	vld.idx.msk [tilespmem:v45+s9+$0x0], $0xffff;
	[tilespmem:s6+$0x0] =	vst v6  }
0x10b: {  	v49 =	vadd.s32 $0x44, v0;
	s0 =	sor.u32 s30, s3;
	v6 =	vld.idx.msk [tilespmem:v46+s9+$0x0], $0xffff;
	[tilespmem:s11+$0x0] =	vst v8  }
0x10c: {  	v50 =	vadd.s32 $0x44, v2;
	v8 =	vld.idx.msk [tilespmem:v47+s9+$0x0], $0xffff;
	[tilespmem:s0+$0x0] =	vst v10  }
0x10d: {  	v51 =	vadd.s32 $0x44, v3;
	s12 =	sor.u32 $0x8080, s26;
	v10 =	vld.idx.msk [tilespmem:v48+s9+$0x0], $0xffff  }
0x10e: {  	v52 =	vadd.s32 $0x44, v1;
	s31 =	sor.u32 s25, s12  }
0x10f: {  	s3 =	sor.u32 s28, s12;
	[tilespmem:s31+$0x0] =	vst v4  }
0x110: {  	s5 =	sor.u32 s29, s12;
	v4 =	vld.idx.msk [tilespmem:v49+s9+$0x0], $0xffff;
	[tilespmem:s3+$0x0] =	vst v6  }
0x111: {  	v53 =	vadd.s32 $0x46, v0;
	s0 =	sor.u32 s30, s12;
	v6 =	vld.idx.msk [tilespmem:v50+s9+$0x0], $0xffff;
	[tilespmem:s5+$0x0] =	vst v8  }
0x112: {  	v54 =	vadd.s32 $0x46, v2;
	v8 =	vld.idx.msk [tilespmem:v51+s9+$0x0], $0xffff;
	[tilespmem:s0+$0x0] =	vst v10  }
0x113: {  	v55 =	vadd.s32 $0x46, v3;
	s6 =	sor.u32 $0x8100, s26;
	v10 =	vld.idx.msk [tilespmem:v52+s9+$0x0], $0xffff  }
0x114: {  	v56 =	vadd.s32 $0x46, v1;
	s11 =	sor.u32 s25, s6  }
0x115: {  	s12 =	sor.u32 s28, s6;
	[tilespmem:s11+$0x0] =	vst v4  }
0x116: {  	s31 =	sor.u32 s29, s6;
	v4 =	vld.idx.msk [tilespmem:v53+s9+$0x0], $0xffff;
	[tilespmem:s12+$0x0] =	vst v6  }
0x117: {  	v57 =	vadd.s32 $0x48, v0;
	s0 =	sor.u32 s30, s6;
	v6 =	vld.idx.msk [tilespmem:v54+s9+$0x0], $0xffff;
	[tilespmem:s31+$0x0] =	vst v8  }
0x118: {  	v58 =	vadd.s32 $0x48, v2;
	v8 =	vld.idx.msk [tilespmem:v55+s9+$0x0], $0xffff;
	[tilespmem:s0+$0x0] =	vst v10  }
0x119: {  	v59 =	vadd.s32 $0x48, v3;
	s3 =	sor.u32 $0x8180, s26;
	v10 =	vld.idx.msk [tilespmem:v56+s9+$0x0], $0xffff  }
0x11a: {  	v60 =	vadd.s32 $0x48, v1;
	s5 =	sor.u32 s25, s3  }
0x11b: {  	s6 =	sor.u32 s28, s3;
	[tilespmem:s5+$0x0] =	vst v4  }
0x11c: {  	s11 =	sor.u32 s29, s3;
	v4 =	vld.idx.msk [tilespmem:v57+s9+$0x0], $0xffff;
	[tilespmem:s6+$0x0] =	vst v6  }
0x11d: {  	v61 =	vadd.s32 $0x4A, v0;
	s0 =	sor.u32 s30, s3;
	v6 =	vld.idx.msk [tilespmem:v58+s9+$0x0], $0xffff;
	[tilespmem:s11+$0x0] =	vst v8  }
0x11e: {  	v62 =	vadd.s32 $0x4A, v2;
	v8 =	vld.idx.msk [tilespmem:v59+s9+$0x0], $0xffff;
	[tilespmem:s0+$0x0] =	vst v10  }
0x11f: {  	v63 =	vadd.s32 $0x4A, v3;
	s12 =	sor.u32 $0x8200, s26;
	v10 =	vld.idx.msk [tilespmem:v60+s9+$0x0], $0xffff  }
0x120: {  	v12 =	vadd.s32 $0x4A, v1;
	s31 =	sor.u32 s25, s12  }
0x121: {  	s3 =	sor.u32 s28, s12;
	[tilespmem:s31+$0x0] =	vst v4  }
0x122: {  	s5 =	sor.u32 s29, s12;
	v4 =	vld.idx.msk [tilespmem:v61+s9+$0x0], $0xffff;
	[tilespmem:s3+$0x0] =	vst v6  }
0x123: {  	v13 =	vadd.s32 $0x4C, v0;
	s0 =	sor.u32 s30, s12;
	v6 =	vld.idx.msk [tilespmem:v62+s9+$0x0], $0xffff;
	[tilespmem:s5+$0x0] =	vst v8  }
0x124: {  	v14 =	vadd.s32 $0x4C, v2;
	v8 =	vld.idx.msk [tilespmem:v63+s9+$0x0], $0xffff;
	[tilespmem:s0+$0x0] =	vst v10  }
0x125: {  	v15 =	vadd.s32 $0x4C, v3;
	s6 =	sor.u32 $0x8280, s26;
	v10 =	vld.idx.msk [tilespmem:v12+s9+$0x0], $0xffff  }
0x126: {  	v16 =	vadd.s32 $0x4C, v1;
	s11 =	sor.u32 s25, s6  }
0x127: {  	s12 =	sor.u32 s28, s6;
	[tilespmem:s11+$0x0] =	vst v4  }
0x128: {  	s31 =	sor.u32 s29, s6;
	v4 =	vld.idx.msk [tilespmem:v13+s9+$0x0], $0xffff;
	[tilespmem:s12+$0x0] =	vst v6  }
0x129: {  	v17 =	vadd.s32 $0x4E, v0;
	s0 =	sor.u32 s30, s6;
	v6 =	vld.idx.msk [tilespmem:v14+s9+$0x0], $0xffff;
	[tilespmem:s31+$0x0] =	vst v8  }
0x12a: {  	v18 =	vadd.s32 $0x4E, v2;
	v8 =	vld.idx.msk [tilespmem:v15+s9+$0x0], $0xffff;
	[tilespmem:s0+$0x0] =	vst v10  }
0x12b: {  	v19 =	vadd.s32 $0x4E, v3;
	s3 =	sor.u32 $0x8300, s26;
	v10 =	vld.idx.msk [tilespmem:v16+s9+$0x0], $0xffff  }
0x12c: {  	v20 =	vadd.s32 $0x4E, v1;
	s5 =	sor.u32 s25, s3  }
0x12d: {  	s6 =	sor.u32 s28, s3;
	[tilespmem:s5+$0x0] =	vst v4  }
0x12e: {  	s11 =	sor.u32 s29, s3;
	v4 =	vld.idx.msk [tilespmem:v17+s9+$0x0], $0xffff;
	[tilespmem:s6+$0x0] =	vst v6  }
0x12f: {  	v21 =	vadd.s32 $0x50, v0;
	s0 =	sor.u32 s30, s3;
	v6 =	vld.idx.msk [tilespmem:v18+s9+$0x0], $0xffff;
	[tilespmem:s11+$0x0] =	vst v8  }
0x130: {  	v22 =	vadd.s32 $0x50, v2;
	v8 =	vld.idx.msk [tilespmem:v19+s9+$0x0], $0xffff;
	[tilespmem:s0+$0x0] =	vst v10  }
0x131: {  	v23 =	vadd.s32 $0x50, v3;
	s12 =	sor.u32 $0x8380, s26;
	v10 =	vld.idx.msk [tilespmem:v20+s9+$0x0], $0xffff  }
0x132: {  	v24 =	vadd.s32 $0x50, v1;
	s31 =	sor.u32 s25, s12  }
0x133: {  	s3 =	sor.u32 s28, s12;
	[tilespmem:s31+$0x0] =	vst v4  }
0x134: {  	s5 =	sor.u32 s29, s12;
	v4 =	vld.idx.msk [tilespmem:v21+s9+$0x0], $0xffff;
	[tilespmem:s3+$0x0] =	vst v6  }
0x135: {  	v25 =	vadd.s32 $0x52, v0;
	s0 =	sor.u32 s30, s12;
	v6 =	vld.idx.msk [tilespmem:v22+s9+$0x0], $0xffff;
	[tilespmem:s5+$0x0] =	vst v8  }
0x136: {  	v26 =	vadd.s32 $0x52, v2;
	v8 =	vld.idx.msk [tilespmem:v23+s9+$0x0], $0xffff;
	[tilespmem:s0+$0x0] =	vst v10  }
0x137: {  	v27 =	vadd.s32 $0x52, v3;
	s6 =	sor.u32 $0x9000, s26;
	v10 =	vld.idx.msk [tilespmem:v24+s9+$0x0], $0xffff  }
0x138: {  	v28 =	vadd.s32 $0x52, v1;
	s11 =	sor.u32 s25, s6  }
0x139: {  	s12 =	sor.u32 s28, s6;
	[tilespmem:s11+$0x0] =	vst v4  }
0x13a: {  	s31 =	sor.u32 s29, s6;
	v4 =	vld.idx.msk [tilespmem:v25+s9+$0x0], $0xffff;
	[tilespmem:s12+$0x0] =	vst v6  }
0x13b: {  	v29 =	vadd.s32 $0x54, v0;
	s0 =	sor.u32 s30, s6;
	v6 =	vld.idx.msk [tilespmem:v26+s9+$0x0], $0xffff;
	[tilespmem:s31+$0x0] =	vst v8  }
0x13c: {  	v30 =	vadd.s32 $0x54, v2;
	v8 =	vld.idx.msk [tilespmem:v27+s9+$0x0], $0xffff;
	[tilespmem:s0+$0x0] =	vst v10  }
0x13d: {  	v31 =	vadd.s32 $0x54, v3;
	s3 =	sor.u32 $0x9080, s26;
	v10 =	vld.idx.msk [tilespmem:v28+s9+$0x0], $0xffff  }
0x13e: {  	v32 =	vadd.s32 $0x54, v1;
	s5 =	sor.u32 s25, s3  }
0x13f: {  	s6 =	sor.u32 s28, s3;
	[tilespmem:s5+$0x0] =	vst v4  }
0x140: {  	s11 =	sor.u32 s29, s3;
	v4 =	vld.idx.msk [tilespmem:v29+s9+$0x0], $0xffff;
	[tilespmem:s6+$0x0] =	vst v6  }
0x141: {  	v33 =	vadd.s32 $0x56, v0;
	s0 =	sor.u32 s30, s3;
	v6 =	vld.idx.msk [tilespmem:v30+s9+$0x0], $0xffff;
	[tilespmem:s11+$0x0] =	vst v8  }
0x142: {  	v34 =	vadd.s32 $0x56, v2;
	v8 =	vld.idx.msk [tilespmem:v31+s9+$0x0], $0xffff;
	[tilespmem:s0+$0x0] =	vst v10  }
0x143: {  	v35 =	vadd.s32 $0x56, v3;
	s12 =	sor.u32 $0x9100, s26;
	v10 =	vld.idx.msk [tilespmem:v32+s9+$0x0], $0xffff  }
0x144: {  	v36 =	vadd.s32 $0x56, v1;
	s31 =	sor.u32 s25, s12  }
0x145: {  	s3 =	sor.u32 s28, s12;
	[tilespmem:s31+$0x0] =	vst v4  }
0x146: {  	s5 =	sor.u32 s29, s12;
	v4 =	vld.idx.msk [tilespmem:v33+s9+$0x0], $0xffff;
	[tilespmem:s3+$0x0] =	vst v6  }
0x147: {  	v37 =	vadd.s32 $0x58, v0;
	s0 =	sor.u32 s30, s12;
	v6 =	vld.idx.msk [tilespmem:v34+s9+$0x0], $0xffff;
	[tilespmem:s5+$0x0] =	vst v8  }
0x148: {  	v38 =	vadd.s32 $0x58, v2;
	v8 =	vld.idx.msk [tilespmem:v35+s9+$0x0], $0xffff;
	[tilespmem:s0+$0x0] =	vst v10  }
0x149: {  	v39 =	vadd.s32 $0x58, v3;
	s6 =	sor.u32 $0x9180, s26;
	v10 =	vld.idx.msk [tilespmem:v36+s9+$0x0], $0xffff  }
0x14a: {  	v40 =	vadd.s32 $0x58, v1;
	s11 =	sor.u32 s25, s6  }
0x14b: {  	s12 =	sor.u32 s28, s6;
	[tilespmem:s11+$0x0] =	vst v4  }
0x14c: {  	s31 =	sor.u32 s29, s6;
	v4 =	vld.idx.msk [tilespmem:v37+s9+$0x0], $0xffff;
	[tilespmem:s12+$0x0] =	vst v6  }
0x14d: {  	v41 =	vadd.s32 $0x5A, v0;
	s0 =	sor.u32 s30, s6;
	v6 =	vld.idx.msk [tilespmem:v38+s9+$0x0], $0xffff;
	[tilespmem:s31+$0x0] =	vst v8  }
0x14e: {  	v42 =	vadd.s32 $0x5A, v2;
	v8 =	vld.idx.msk [tilespmem:v39+s9+$0x0], $0xffff;
	[tilespmem:s0+$0x0] =	vst v10  }
0x14f: {  	v43 =	vadd.s32 $0x5A, v3;
	s3 =	sor.u32 $0x9200, s26;
	v10 =	vld.idx.msk [tilespmem:v40+s9+$0x0], $0xffff  }
0x150: {  	v44 =	vadd.s32 $0x5A, v1;
	s5 =	sor.u32 s25, s3  }
0x151: {  	s6 =	sor.u32 s28, s3;
	[tilespmem:s5+$0x0] =	vst v4  }
0x152: {  	s11 =	sor.u32 s29, s3;
	v4 =	vld.idx.msk [tilespmem:v41+s9+$0x0], $0xffff;
	[tilespmem:s6+$0x0] =	vst v6  }
0x153: {  	v45 =	vadd.s32 $0x5C, v0;
	s0 =	sor.u32 s30, s3;
	v6 =	vld.idx.msk [tilespmem:v42+s9+$0x0], $0xffff;
	[tilespmem:s11+$0x0] =	vst v8  }
0x154: {  	v46 =	vadd.s32 $0x5C, v2;
	v8 =	vld.idx.msk [tilespmem:v43+s9+$0x0], $0xffff;
	[tilespmem:s0+$0x0] =	vst v10  }
0x155: {  	v47 =	vadd.s32 $0x5C, v3;
	s12 =	sor.u32 $0x9280, s26;
	v10 =	vld.idx.msk [tilespmem:v44+s9+$0x0], $0xffff  }
0x156: {  	v48 =	vadd.s32 $0x5C, v1;
	s31 =	sor.u32 s25, s12  }
0x157: {  	s3 =	sor.u32 s28, s12;
	[tilespmem:s31+$0x0] =	vst v4  }
0x158: {  	s5 =	sor.u32 s29, s12;
	v4 =	vld.idx.msk [tilespmem:v45+s9+$0x0], $0xffff;
	[tilespmem:s3+$0x0] =	vst v6  }
0x159: {  	v49 =	vadd.s32 $0x5E, v0;
	s0 =	sor.u32 s30, s12;
	v6 =	vld.idx.msk [tilespmem:v46+s9+$0x0], $0xffff;
	[tilespmem:s5+$0x0] =	vst v8  }
0x15a: {  	v50 =	vadd.s32 $0x5E, v2;
	v8 =	vld.idx.msk [tilespmem:v47+s9+$0x0], $0xffff;
	[tilespmem:s0+$0x0] =	vst v10  }
0x15b: {  	v51 =	vadd.s32 $0x5E, v3;
	s6 =	sor.u32 $0x9300, s26;
	v10 =	vld.idx.msk [tilespmem:v48+s9+$0x0], $0xffff  }
0x15c: {  	v52 =	vadd.s32 $0x5E, v1;
	s11 =	sor.u32 s25, s6  }
0x15d: {  	s12 =	sor.u32 s28, s6;
	[tilespmem:s11+$0x0] =	vst v4  }
0x15e: {  	s31 =	sor.u32 s29, s6;
	v4 =	vld.idx.msk [tilespmem:v49+s9+$0x0], $0xffff;
	[tilespmem:s12+$0x0] =	vst v6  }
0x15f: {  	v53 =	vadd.s32 $0x60, v0;
	s0 =	sor.u32 s30, s6;
	v6 =	vld.idx.msk [tilespmem:v50+s9+$0x0], $0xffff;
	[tilespmem:s31+$0x0] =	vst v8  }
0x160: {  	v54 =	vadd.s32 $0x60, v2;
	v8 =	vld.idx.msk [tilespmem:v51+s9+$0x0], $0xffff;
	[tilespmem:s0+$0x0] =	vst v10  }
0x161: {  	v55 =	vadd.s32 $0x60, v3;
	s3 =	sor.u32 $0x9380, s26;
	v10 =	vld.idx.msk [tilespmem:v52+s9+$0x0], $0xffff  }
0x162: {  	v56 =	vadd.s32 $0x60, v1;
	s5 =	sor.u32 s25, s3  }
0x163: {  	s6 =	sor.u32 s28, s3;
	[tilespmem:s5+$0x0] =	vst v4  }
0x164: {  	s11 =	sor.u32 s29, s3;
	v4 =	vld.idx.msk [tilespmem:v53+s9+$0x0], $0xffff;
	[tilespmem:s6+$0x0] =	vst v6  }
0x165: {  	v57 =	vadd.s32 $0x62, v0;
	s0 =	sor.u32 s30, s3;
	v6 =	vld.idx.msk [tilespmem:v54+s9+$0x0], $0xffff;
	[tilespmem:s11+$0x0] =	vst v8  }
0x166: {  	v58 =	vadd.s32 $0x62, v2;
	v8 =	vld.idx.msk [tilespmem:v55+s9+$0x0], $0xffff;
	[tilespmem:s0+$0x0] =	vst v10  }
0x167: {  	v59 =	vadd.s32 $0x62, v3;
	s12 =	sor.u32 $0xA000, s26;
	v10 =	vld.idx.msk [tilespmem:v56+s9+$0x0], $0xffff  }
0x168: {  	v60 =	vadd.s32 $0x62, v1;
	s31 =	sor.u32 s25, s12  }
0x169: {  	s3 =	sor.u32 s28, s12;
	[tilespmem:s31+$0x0] =	vst v4  }
0x16a: {  	s5 =	sor.u32 s29, s12;
	v4 =	vld.idx.msk [tilespmem:v57+s9+$0x0], $0xffff;
	[tilespmem:s3+$0x0] =	vst v6  }
0x16b: {  	v61 =	vadd.s32 $0x64, v0;
	s0 =	sor.u32 s30, s12;
	v6 =	vld.idx.msk [tilespmem:v58+s9+$0x0], $0xffff;
	[tilespmem:s5+$0x0] =	vst v8  }
0x16c: {  	v62 =	vadd.s32 $0x64, v2;
	v8 =	vld.idx.msk [tilespmem:v59+s9+$0x0], $0xffff;
	[tilespmem:s0+$0x0] =	vst v10  }
0x16d: {  	v63 =	vadd.s32 $0x64, v3;
	s6 =	sor.u32 $0xA080, s26;
	v10 =	vld.idx.msk [tilespmem:v60+s9+$0x0], $0xffff  }
0x16e: {  	v12 =	vadd.s32 $0x64, v1;
	s11 =	sor.u32 s25, s6  }
0x16f: {  	s12 =	sor.u32 s28, s6;
	[tilespmem:s11+$0x0] =	vst v4  }
0x170: {  	s31 =	sor.u32 s29, s6;
	v4 =	vld.idx.msk [tilespmem:v61+s9+$0x0], $0xffff;
	[tilespmem:s12+$0x0] =	vst v6  }
0x171: {  	v13 =	vadd.s32 $0x66, v0;
	s0 =	sor.u32 s30, s6;
	v6 =	vld.idx.msk [tilespmem:v62+s9+$0x0], $0xffff;
	[tilespmem:s31+$0x0] =	vst v8  }
0x172: {  	v14 =	vadd.s32 $0x66, v2;
	v8 =	vld.idx.msk [tilespmem:v63+s9+$0x0], $0xffff;
	[tilespmem:s0+$0x0] =	vst v10  }
0x173: {  	v15 =	vadd.s32 $0x66, v3;
	s3 =	sor.u32 $0xA100, s26;
	v10 =	vld.idx.msk [tilespmem:v12+s9+$0x0], $0xffff  }
0x174: {  	v16 =	vadd.s32 $0x66, v1;
	s5 =	sor.u32 s25, s3  }
0x175: {  	s6 =	sor.u32 s28, s3;
	[tilespmem:s5+$0x0] =	vst v4  }
0x176: {  	s11 =	sor.u32 s29, s3;
	v4 =	vld.idx.msk [tilespmem:v13+s9+$0x0], $0xffff;
	[tilespmem:s6+$0x0] =	vst v6  }
0x177: {  	v17 =	vadd.s32 $0x68, v0;
	s0 =	sor.u32 s30, s3;
	v6 =	vld.idx.msk [tilespmem:v14+s9+$0x0], $0xffff;
	[tilespmem:s11+$0x0] =	vst v8  }
0x178: {  	v18 =	vadd.s32 $0x68, v2;
	v8 =	vld.idx.msk [tilespmem:v15+s9+$0x0], $0xffff;
	[tilespmem:s0+$0x0] =	vst v10  }
0x179: {  	v19 =	vadd.s32 $0x68, v3;
	s12 =	sor.u32 $0xA180, s26;
	v10 =	vld.idx.msk [tilespmem:v16+s9+$0x0], $0xffff  }
0x17a: {  	v20 =	vadd.s32 $0x68, v1;
	s31 =	sor.u32 s25, s12  }
0x17b: {  	s3 =	sor.u32 s28, s12;
	[tilespmem:s31+$0x0] =	vst v4  }
0x17c: {  	s5 =	sor.u32 s29, s12;
	v4 =	vld.idx.msk [tilespmem:v17+s9+$0x0], $0xffff;
	[tilespmem:s3+$0x0] =	vst v6  }
0x17d: {  	v21 =	vadd.s32 $0x6A, v0;
	s0 =	sor.u32 s30, s12;
	v6 =	vld.idx.msk [tilespmem:v18+s9+$0x0], $0xffff;
	[tilespmem:s5+$0x0] =	vst v8  }
0x17e: {  	v22 =	vadd.s32 $0x6A, v2;
	v8 =	vld.idx.msk [tilespmem:v19+s9+$0x0], $0xffff;
	[tilespmem:s0+$0x0] =	vst v10  }
0x17f: {  	v23 =	vadd.s32 $0x6A, v3;
	s6 =	sor.u32 $0xA200, s26;
	v10 =	vld.idx.msk [tilespmem:v20+s9+$0x0], $0xffff  }
0x180: {  	v24 =	vadd.s32 $0x6A, v1;
	s11 =	sor.u32 s25, s6  }
0x181: {  	s12 =	sor.u32 s28, s6;
	[tilespmem:s11+$0x0] =	vst v4  }
0x182: {  	s31 =	sor.u32 s29, s6;
	v4 =	vld.idx.msk [tilespmem:v21+s9+$0x0], $0xffff;
	[tilespmem:s12+$0x0] =	vst v6  }
0x183: {  	v25 =	vadd.s32 $0x6C, v0;
	s0 =	sor.u32 s30, s6;
	v6 =	vld.idx.msk [tilespmem:v22+s9+$0x0], $0xffff;
	[tilespmem:s31+$0x0] =	vst v8  }
0x184: {  	v26 =	vadd.s32 $0x6C, v2;
	v8 =	vld.idx.msk [tilespmem:v23+s9+$0x0], $0xffff;
	[tilespmem:s0+$0x0] =	vst v10  }
0x185: {  	v27 =	vadd.s32 $0x6C, v3;
	s3 =	sor.u32 $0xA280, s26;
	v10 =	vld.idx.msk [tilespmem:v24+s9+$0x0], $0xffff  }
0x186: {  	v28 =	vadd.s32 $0x6C, v1;
	s5 =	sor.u32 s25, s3  }
0x187: {  	s6 =	sor.u32 s28, s3;
	[tilespmem:s5+$0x0] =	vst v4  }
0x188: {  	s11 =	sor.u32 s29, s3;
	v4 =	vld.idx.msk [tilespmem:v25+s9+$0x0], $0xffff;
	[tilespmem:s6+$0x0] =	vst v6  }
0x189: {  	v29 =	vadd.s32 $0x6E, v0;
	s0 =	sor.u32 s30, s3;
	v6 =	vld.idx.msk [tilespmem:v26+s9+$0x0], $0xffff;
	[tilespmem:s11+$0x0] =	vst v8  }
0x18a: {  	v30 =	vadd.s32 $0x6E, v2;
	v8 =	vld.idx.msk [tilespmem:v27+s9+$0x0], $0xffff;
	[tilespmem:s0+$0x0] =	vst v10  }
0x18b: {  	v31 =	vadd.s32 $0x6E, v3;
	s12 =	sor.u32 $0xA300, s26;
	v10 =	vld.idx.msk [tilespmem:v28+s9+$0x0], $0xffff  }
0x18c: {  	v32 =	vadd.s32 $0x6E, v1;
	s31 =	sor.u32 s25, s12  }
0x18d: {  	s3 =	sor.u32 s28, s12;
	[tilespmem:s31+$0x0] =	vst v4  }
0x18e: {  	s5 =	sor.u32 s29, s12;
	v4 =	vld.idx.msk [tilespmem:v29+s9+$0x0], $0xffff;
	[tilespmem:s3+$0x0] =	vst v6  }
0x18f: {  	v33 =	vadd.s32 $0x70, v0;
	s0 =	sor.u32 s30, s12;
	v6 =	vld.idx.msk [tilespmem:v30+s9+$0x0], $0xffff;
	[tilespmem:s5+$0x0] =	vst v8  }
0x190: {  	v34 =	vadd.s32 $0x70, v2;
	v8 =	vld.idx.msk [tilespmem:v31+s9+$0x0], $0xffff;
	[tilespmem:s0+$0x0] =	vst v10  }
0x191: {  	v35 =	vadd.s32 $0x70, v3;
	s6 =	sor.u32 $0xA380, s26;
	v10 =	vld.idx.msk [tilespmem:v32+s9+$0x0], $0xffff  }
0x192: {  	v36 =	vadd.s32 $0x70, v1;
	s11 =	sor.u32 s25, s6  }
0x193: {  	s12 =	sor.u32 s28, s6;
	[tilespmem:s11+$0x0] =	vst v4  }
0x194: {  	s31 =	sor.u32 s29, s6;
	v4 =	vld.idx.msk [tilespmem:v33+s9+$0x0], $0xffff;
	[tilespmem:s12+$0x0] =	vst v6  }
0x195: {  	v37 =	vadd.s32 $0x72, v0;
	s0 =	sor.u32 s30, s6;
	v6 =	vld.idx.msk [tilespmem:v34+s9+$0x0], $0xffff;
	[tilespmem:s31+$0x0] =	vst v8  }
0x196: {  	v38 =	vadd.s32 $0x72, v2;
	v8 =	vld.idx.msk [tilespmem:v35+s9+$0x0], $0xffff;
	[tilespmem:s0+$0x0] =	vst v10  }
0x197: {  	v39 =	vadd.s32 $0x72, v3;
	s3 =	sor.u32 $0xB000, s26;
	v10 =	vld.idx.msk [tilespmem:v36+s9+$0x0], $0xffff  }
0x198: {  	v40 =	vadd.s32 $0x72, v1;
	s5 =	sor.u32 s25, s3  }
0x199: {  	s6 =	sor.u32 s28, s3;
	[tilespmem:s5+$0x0] =	vst v4  }
0x19a: {  	s11 =	sor.u32 s29, s3;
	v4 =	vld.idx.msk [tilespmem:v37+s9+$0x0], $0xffff;
	[tilespmem:s6+$0x0] =	vst v6  }
0x19b: {  	v41 =	vadd.s32 $0x74, v0;
	s0 =	sor.u32 s30, s3;
	v6 =	vld.idx.msk [tilespmem:v38+s9+$0x0], $0xffff;
	[tilespmem:s11+$0x0] =	vst v8  }
0x19c: {  	v42 =	vadd.s32 $0x74, v2;
	v8 =	vld.idx.msk [tilespmem:v39+s9+$0x0], $0xffff;
	[tilespmem:s0+$0x0] =	vst v10  }
0x19d: {  	v43 =	vadd.s32 $0x74, v3;
	s12 =	sor.u32 $0xB080, s26;
	v10 =	vld.idx.msk [tilespmem:v40+s9+$0x0], $0xffff  }
0x19e: {  	v44 =	vadd.s32 $0x74, v1;
	s31 =	sor.u32 s25, s12  }
0x19f: {  	s3 =	sor.u32 s28, s12;
	[tilespmem:s31+$0x0] =	vst v4  }
0x1a0: {  	s5 =	sor.u32 s29, s12;
	v4 =	vld.idx.msk [tilespmem:v41+s9+$0x0], $0xffff;
	[tilespmem:s3+$0x0] =	vst v6  }
0x1a1: {  	v45 =	vadd.s32 $0x76, v0;
	s0 =	sor.u32 s30, s12;
	v6 =	vld.idx.msk [tilespmem:v42+s9+$0x0], $0xffff;
	[tilespmem:s5+$0x0] =	vst v8  }
0x1a2: {  	v46 =	vadd.s32 $0x76, v2;
	v8 =	vld.idx.msk [tilespmem:v43+s9+$0x0], $0xffff;
	[tilespmem:s0+$0x0] =	vst v10  }
0x1a3: {  	v47 =	vadd.s32 $0x76, v3;
	s6 =	sor.u32 $0xB100, s26;
	v10 =	vld.idx.msk [tilespmem:v44+s9+$0x0], $0xffff  }
0x1a4: {  	v48 =	vadd.s32 $0x76, v1;
	s11 =	sor.u32 s25, s6  }
0x1a5: {  	s12 =	sor.u32 s28, s6;
	[tilespmem:s11+$0x0] =	vst v4  }
0x1a6: {  	s31 =	sor.u32 s29, s6;
	v4 =	vld.idx.msk [tilespmem:v45+s9+$0x0], $0xffff;
	[tilespmem:s12+$0x0] =	vst v6  }
0x1a7: {  	v49 =	vadd.s32 $0x78, v0;
	s0 =	sor.u32 s30, s6;
	v6 =	vld.idx.msk [tilespmem:v46+s9+$0x0], $0xffff;
	[tilespmem:s31+$0x0] =	vst v8  }
0x1a8: {  	v50 =	vadd.s32 $0x78, v2;
	v8 =	vld.idx.msk [tilespmem:v47+s9+$0x0], $0xffff;
	[tilespmem:s0+$0x0] =	vst v10  }
0x1a9: {  	v51 =	vadd.s32 $0x78, v3;
	s3 =	sor.u32 $0xB180, s26;
	v10 =	vld.idx.msk [tilespmem:v48+s9+$0x0], $0xffff  }
0x1aa: {  	v52 =	vadd.s32 $0x78, v1;
	s5 =	sor.u32 s25, s3  }
0x1ab: {  	s6 =	sor.u32 s28, s3;
	[tilespmem:s5+$0x0] =	vst v4  }
0x1ac: {  	s11 =	sor.u32 s29, s3;
	v4 =	vld.idx.msk [tilespmem:v49+s9+$0x0], $0xffff;
	[tilespmem:s6+$0x0] =	vst v6  }
0x1ad: {  	v53 =	vadd.s32 $0x7A, v0;
	s0 =	sor.u32 s30, s3;
	v6 =	vld.idx.msk [tilespmem:v50+s9+$0x0], $0xffff;
	[tilespmem:s11+$0x0] =	vst v8  }
0x1ae: {  	v54 =	vadd.s32 $0x7A, v2;
	v8 =	vld.idx.msk [tilespmem:v51+s9+$0x0], $0xffff;
	[tilespmem:s0+$0x0] =	vst v10  }
0x1af: {  	v55 =	vadd.s32 $0x7A, v3;
	s12 =	sor.u32 $0xB200, s26;
	v10 =	vld.idx.msk [tilespmem:v52+s9+$0x0], $0xffff  }
0x1b0: {  	v56 =	vadd.s32 $0x7A, v1;
	s31 =	sor.u32 s25, s12  }
0x1b1: {  	s3 =	sor.u32 s28, s12;
	[tilespmem:s31+$0x0] =	vst v4  }
0x1b2: {  	s5 =	sor.u32 s29, s12;
	v4 =	vld.idx.msk [tilespmem:v53+s9+$0x0], $0xffff;
	[tilespmem:s3+$0x0] =	vst v6  }
0x1b3: {  	v57 =	vadd.s32 $0x7C, v0;
	s0 =	sor.u32 s30, s12;
	v6 =	vld.idx.msk [tilespmem:v54+s9+$0x0], $0xffff;
	[tilespmem:s5+$0x0] =	vst v8  }
0x1b4: {  	v58 =	vadd.s32 $0x7C, v2;
	v8 =	vld.idx.msk [tilespmem:v55+s9+$0x0], $0xffff;
	[tilespmem:s0+$0x0] =	vst v10  }
0x1b5: {  	v59 =	vadd.s32 $0x7C, v3;
	s6 =	sor.u32 $0xB280, s26;
	v10 =	vld.idx.msk [tilespmem:v56+s9+$0x0], $0xffff  }
0x1b6: {  	v60 =	vadd.s32 $0x7C, v1;
	s11 =	sor.u32 s25, s6  }
0x1b7: {  	s12 =	sor.u32 s28, s6;
	[tilespmem:s11+$0x0] =	vst v4  }
0x1b8: {  	s31 =	sor.u32 s29, s6;
	v4 =	vld.idx.msk [tilespmem:v57+s9+$0x0], $0xffff;
	[tilespmem:s12+$0x0] =	vst v6  }
0x1b9: {  	v0 =	vadd.s32 $0x7E, v0;
	s0 =	sor.u32 s30, s6;
	[tilespmem:s31+$0x0] =	vst v8;
	v61 =	vld.idx.msk [tilespmem:v58+s9+$0x0], $0xffff  }
0x1ba: {  	v2 =	vadd.s32 $0x7E, v2;
	[tilespmem:s0+$0x0] =	vst v10;
	v62 =	vld.idx.msk [tilespmem:v59+s9+$0x0], $0xffff  }
0x1bb: {  	v3 =	vadd.s32 $0x7E, v3;
	s3 =	sor.u32 $0xB300, s26;
	v63 =	vld.idx.msk [tilespmem:v60+s9+$0x0], $0xffff  }
0x1bc: {  	v1 =	vadd.s32 $0x7E, v1;
	s5 =	sor.u32 s25, s3  }
0x1bd: {  	s6 =	sor.u32 s28, s3;
	[tilespmem:s5+$0x0] =	vst v4  }
0x1be: {  	s11 =	sor.u32 s29, s3;
	v0 =	vld.idx.msk [tilespmem:v0+s9+$0x0], $0xffff;
	[tilespmem:s6+$0x0] =	vst v61  }
0x1bf: {  	s0 =	sor.u32 s30, s3;
	[tilespmem:s11+$0x0] =	vst v62;
	v2 =	vld.idx.msk [tilespmem:v2+s9+$0x0], $0xffff  }
0x1c0: {  	s20 =	sadd.s32 $0x4, s20;
	[tilespmem:s0+$0x0] =	vst v63;
	v3 =	vld.idx.msk [tilespmem:v3+s9+$0x0], $0xffff  }
0x1c1: {  	p2 =	slt.u32 s20, $0x1C;
	s12 =	sor.u32 $0xB380, s26;
	v1 =	vld.idx.msk [tilespmem:v1+s9+$0x0], $0xffff  }
.Ltmp0:
0x1c2: {  	s26 =	sor.u32 s25, s12;
	(pc) =	sbr.rel @p2 .LBB2_3-.Ltmp0, $4  }
0x1c3: {  	s28 =	sor.u32 s28, s12;
	[tilespmem:s26+$0x0] =	vst v0  }
0x1c4: {  	s31 =	sor.u32 s29, s12;
	[tilespmem:s28+$0x0] =	vst v2  }
0x1c5: {  	p1 =	por !p1, !p1;
	s21 =	sadd.s32 $0x40, s21;
	s0 =	sor.u32 s30, s12;
	[tilespmem:s31+$0x0] =	vst v3  }
0x1c6: {  	s23 =	sadd.s32 $0x4, s23;
	s22 =	sadd.s32 $0x2, s22;
	s24 =	sadd.s32 $0x200, s24;
	[tilespmem:s0+$0x0] =	vst v1  }
0x1c7: {  	s0 =	sshll.u32 s19, $0xD  }
0x1c8: {  	s0 =	sadd.s32 s7, s0  }
0x1c9: {  	s0 =	sshrl.u32 s0, $0x3  }
0x1ca: {  	s20 =	sshllo.u32 s19, $0x1;
	s21 =	simm.s32 $0xFFFFFFFC;
	s0 =	sadd.s32 s2, s0  }
0x1cb: {  	[hbm4b:s0+s13] =	stream.strided.scatter [tilespmem:s15], [sflag:$0x1], $0x8000, s14, s13, $0x38;
	[tilespmem:$0x14080] =	vst v63  }
0x1cc: {  	s22 =	simm.s32 $0x0;
	s23 =	simm.s32 $0x0;
	s0 =	simm.s32 @!p0 $0x2  }
0x1cd: {  	s24 =	simm.s32 $0x0;
	s1 =	sshll.u32 s20, $0x9;
	_ =	swait.ge @!p0 [sflag:s0], $0x8000  }
0x1ce: {  	s25 =	simm.s32 $0x0;
	s1 =	sand.u32 $0x3FFFFE00, s1;
	[sflag:s0] =	ssyncset.done @!p0 $0x0  }
0x1cf: {  	[dreg:$0x5] =	wrdreg s1;
	[sflag:s0] =	ssyncadd.s32 @!p0 $0xFFFF8000;
	p0 =	por $0x0, $0x0  }
.LBB2_5:
0x1d0: {  	s0 =	rddreg [dreg:$0x5];
	s1 =	sand.u32 $0x180, s22  }
0x1d1: {  	s26 =	sand.u32 $0x40, s22;
	s3 =	sadd.s32 s1, s0  }
0x1d2: {  	s0 =	sadd.s32 s26, s3  }
0x1d3: {  	v0 =	vld [tilespmem:s0+$0x0];
	_ =	sdelay $0x7  }
0x1d4: {  	v1 =	vld.idx.msk [tilespmem:v0+s9+$0x0], $0xffff  }
0x1d5: {  	v2 =	vadd.s32 $0x2, v0  }
0x1d6: {  	s28 =	sand.u32 $0xC00, s25  }
0x1d7: {  	s5 =	sor.u32 $0xC000, s28  }
0x1d8: {  	s12 =	sor.u32 s26, s5  }
0x1d9: {  	[tilespmem:s12+$0x0] =	vst v1  }
0x1da: {  	v1 =	vld.idx.msk [tilespmem:v2+s9+$0x0], $0xffff  }
0x1db: {  	v27 =	vadd.s32 $0x4, v0;
	_ =	sdelay $0x3  }
0x1dc: {  	[tilespmem:s12+$0x80] =	vst v1  }
0x1dd: {  	v1 =	vld.idx.msk [tilespmem:v27+s9+$0x0], $0xffff  }
0x1de: {  	v28 =	vadd.s32 $0x6, v0;
	_ =	sdelay $0x3  }
0x1df: {  	[tilespmem:s12+$0x100] =	vst v1  }
0x1e0: {  	v1 =	vld.idx.msk [tilespmem:v28+s9+$0x0], $0xffff  }
0x1e1: {  	v29 =	vadd.s32 $0x8, v0;
	_ =	sdelay $0x3  }
0x1e2: {  	[tilespmem:s12+$0x180] =	vst v1  }
0x1e3: {  	s0 =	simm.s32 $0x1;
	v1 =	vld.idx.msk [tilespmem:v29+s9+$0x0], $0xffff  }
0x1e4: {  	s0 =	simm.s32 @!p0 $0x0;
	v30 =	vadd.s32 $0xA, v0  }
0x1e5: {  	s0 =	sshll.u32 s0, $0x6  }
0x1e6: {  	s0 =	sadd.s32 s0, s25  }
0x1e7: {  	s29 =	sor.u32 $0x200, s0  }
0x1e8: {  	[tilespmem:s29+$0xC000] =	vst v1  }
0x1e9: {  	v1 =	vld.idx.msk [tilespmem:v30+s9+$0x0], $0xffff  }
0x1ea: {  	v31 =	vadd.s32 $0xC, v0;
	_ =	sdelay $0x2  }
0x1eb: {  	s30 =	sor.u32 $0x280, s0  }
0x1ec: {  	[tilespmem:s30+$0xC000] =	vst v1  }
0x1ed: {  	v1 =	vld.idx.msk [tilespmem:v31+s9+$0x0], $0xffff  }
0x1ee: {  	v32 =	vadd.s32 $0xE, v0;
	_ =	sdelay $0x2  }
0x1ef: {  	s0 =	sor.u32 $0x300, s0  }
0x1f0: {  	[tilespmem:s0+$0xC000] =	vst v1  }
0x1f1: {  	v1 =	vld.idx.msk [tilespmem:v32+s9+$0x0], $0xffff;
	_ =	sdelay $0x2  }
0x1f2: {  	s31 =	sor.u32 s22, s25;
	s0 =	sadd.s32 $0x10, s22  }
0x1f3: {  	s11 =	sor.u32 $0x380, s31;
	s1 =	sadd.s32 $0x20, s22;
	s29 =	sand.u32 $0x50, s0  }
0x1f4: {  	s30 =	sand.u32 $0x60, s1;
	s12 =	sadd.s32 s29, s3;
	[tilespmem:s11+$0xC000] =	vst v1;
	s11 =	sadd.s32 $0x30, s22  }
0x1f5: {  	s6 =	sadd.s32 s30, s3;
	v2 =	vld [tilespmem:s12+$0x0];
	s31 =	sand.u32 $0x70, s11  }
0x1f6: {  	v3 =	vld [tilespmem:s6+$0x0];
	s3 =	sadd.s32 s31, s3  }
0x1f7: {  	v1 =	vld [tilespmem:s3+$0x0];
	_ =	sdelay $0x5  }
0x1f8: {  	v4 =	vld.idx.msk [tilespmem:v2+s9+$0x0], $0xffff  }
0x1f9: {  	v5 =	vadd.s32 $0x2, v2;
	v6 =	vld.idx.msk [tilespmem:v3+s9+$0x0], $0xffff  }
0x1fa: {  	v7 =	vadd.s32 $0x2, v3;
	v8 =	vld.idx.msk [tilespmem:v1+s9+$0x0], $0xffff  }
0x1fb: {  	v9 =	vadd.s32 $0x2, v1  }
0x1fc: {  	s6 =	sor.u32 s29, s5  }
0x1fd: {  	s12 =	sor.u32 s30, s5;
	[tilespmem:s6+$0x0] =	vst v4  }
0x1fe: {  	s5 =	sor.u32 s31, s5;
	[tilespmem:s12+$0x0] =	vst v6;
	v4 =	vld.idx.msk [tilespmem:v5+s9+$0x0], $0xffff  }
0x1ff: {  	v33 =	vadd.s32 $0x4, v2;
	v6 =	vld.idx.msk [tilespmem:v7+s9+$0x0], $0xffff;
	[tilespmem:s5+$0x0] =	vst v8  }
0x200: {  	v34 =	vadd.s32 $0x4, v3;
	v8 =	vld.idx.msk [tilespmem:v9+s9+$0x0], $0xffff  }
0x201: {  	v35 =	vadd.s32 $0x4, v1;
	_ =	sdelay $0x1  }
0x202: {  	[tilespmem:s6+$0x80] =	vst v4  }
0x203: {  	[tilespmem:s12+$0x80] =	vst v6;
	v4 =	vld.idx.msk [tilespmem:v33+s9+$0x0], $0xffff  }
0x204: {  	v36 =	vadd.s32 $0x6, v2;
	v6 =	vld.idx.msk [tilespmem:v34+s9+$0x0], $0xffff;
	[tilespmem:s5+$0x80] =	vst v8  }
0x205: {  	v37 =	vadd.s32 $0x6, v3;
	v8 =	vld.idx.msk [tilespmem:v35+s9+$0x0], $0xffff  }
0x206: {  	v38 =	vadd.s32 $0x6, v1;
	_ =	sdelay $0x1  }
0x207: {  	[tilespmem:s6+$0x100] =	vst v4  }
0x208: {  	[tilespmem:s12+$0x100] =	vst v6;
	v4 =	vld.idx.msk [tilespmem:v36+s9+$0x0], $0xffff  }
0x209: {  	v39 =	vadd.s32 $0x8, v2;
	v6 =	vld.idx.msk [tilespmem:v37+s9+$0x0], $0xffff;
	[tilespmem:s5+$0x100] =	vst v8  }
0x20a: {  	v40 =	vadd.s32 $0x8, v3;
	v8 =	vld.idx.msk [tilespmem:v38+s9+$0x0], $0xffff  }
0x20b: {  	v41 =	vadd.s32 $0x8, v1;
	_ =	sdelay $0x1  }
0x20c: {  	[tilespmem:s6+$0x180] =	vst v4  }
0x20d: {  	s6 =	sand.u32 $0x7, s24;
	[tilespmem:s12+$0x180] =	vst v6;
	v4 =	vld.idx.msk [tilespmem:v39+s9+$0x0], $0xffff  }
0x20e: {  	v42 =	vadd.s32 $0xA, v2;
	s3 =	sshll.u32 s6, $0x4;
	s6 =	sand.u32 $0x3, s23;
	v6 =	vld.idx.msk [tilespmem:v40+s9+$0x0], $0xffff;
	[tilespmem:s5+$0x180] =	vst v8  }
0x20f: {  	v43 =	vadd.s32 $0xA, v3;
	s3 =	sadd.s32 s25, s3;
	s6 =	sshll.u32 s6, $0x5;
	v8 =	vld.idx.msk [tilespmem:v41+s9+$0x0], $0xffff  }
0x210: {  	v44 =	vadd.s32 $0xA, v1;
	s5 =	sadd.s32 s25, s6;
	s12 =	sadd.s32 $0x10, s3  }
0x211: {  	s6 =	sor.u32 $0x200, s12;
	s5 =	sadd.s32 $0x20, s5  }
0x212: {  	s3 =	sadd.s32 $0x30, s3;
	[tilespmem:s6+$0xC000] =	vst v4;
	s6 =	sor.u32 $0x200, s5  }
0x213: {  	v4 =	vld.idx.msk [tilespmem:v42+s9+$0x0], $0xffff;
	[tilespmem:s6+$0xC000] =	vst v6;
	s6 =	sor.u32 $0x200, s3  }
0x214: {  	v45 =	vadd.s32 $0xC, v2;
	v6 =	vld.idx.msk [tilespmem:v43+s9+$0x0], $0xffff;
	[tilespmem:s6+$0xC000] =	vst v8  }
0x215: {  	v46 =	vadd.s32 $0xC, v3;
	v8 =	vld.idx.msk [tilespmem:v44+s9+$0x0], $0xffff  }
0x216: {  	v47 =	vadd.s32 $0xC, v1  }
0x217: {  	s6 =	sor.u32 $0x280, s12  }
0x218: {  	[tilespmem:s6+$0xC000] =	vst v4;
	s6 =	sor.u32 $0x280, s5  }
0x219: {  	v4 =	vld.idx.msk [tilespmem:v45+s9+$0x0], $0xffff;
	[tilespmem:s6+$0xC000] =	vst v6;
	s6 =	sor.u32 $0x280, s3  }
0x21a: {  	v48 =	vadd.s32 $0xE, v2;
	[tilespmem:s6+$0xC000] =	vst v8;
	v6 =	vld.idx.msk [tilespmem:v46+s9+$0x0], $0xffff  }
0x21b: {  	v49 =	vadd.s32 $0xE, v3;
	v8 =	vld.idx.msk [tilespmem:v47+s9+$0x0], $0xffff  }
0x21c: {  	v50 =	vadd.s32 $0xE, v1  }
0x21d: {  	s12 =	sor.u32 $0x300, s12  }
0x21e: {  	s5 =	sor.u32 $0x300, s5;
	[tilespmem:s12+$0xC000] =	vst v4  }
0x21f: {  	v51 =	vadd.s32 $0x10, v0;
	s3 =	sor.u32 $0x300, s3;
	[tilespmem:s5+$0xC000] =	vst v6;
	v5 =	vld.idx.msk [tilespmem:v48+s9+$0x0], $0xffff  }
0x220: {  	v52 =	vadd.s32 $0x10, v2;
	[tilespmem:s3+$0xC000] =	vst v8;
	v7 =	vld.idx.msk [tilespmem:v49+s9+$0x0], $0xffff  }
0x221: {  	v53 =	vadd.s32 $0x10, v3;
	v9 =	vld.idx.msk [tilespmem:v50+s9+$0x0], $0xffff  }
0x222: {  	s0 =	sor.u32 s0, s25;
	v10 =	vadd.s32 $0x10, v1  }
0x223: {  	s1 =	sor.u32 s1, s25;
	s0 =	sor.u32 $0x380, s0  }
0x224: {  	s6 =	sor.u32 s11, s25;
	v4 =	vld.idx.msk [tilespmem:v51+s9+$0x0], $0xffff;
	s5 =	sor.u32 $0x380, s1;
	[tilespmem:s0+$0xC000] =	vst v5  }
0x225: {  	v54 =	vadd.s32 $0x12, v0;
	s11 =	sor.u32 $0x380, s6;
	v6 =	vld.idx.msk [tilespmem:v52+s9+$0x0], $0xffff;
	[tilespmem:s5+$0xC000] =	vst v7  }
0x226: {  	v55 =	vadd.s32 $0x12, v2;
	v8 =	vld.idx.msk [tilespmem:v53+s9+$0x0], $0xffff;
	[tilespmem:s11+$0xC000] =	vst v9  }
0x227: {  	v56 =	vadd.s32 $0x12, v3;
	s12 =	sor.u32 $0xD000, s28;
	v10 =	vld.idx.msk [tilespmem:v10+s9+$0x0], $0xffff  }
0x228: {  	v11 =	vadd.s32 $0x12, v1;
	s3 =	sor.u32 s26, s12  }
0x229: {  	[tilespmem:s3+$0x0] =	vst v4;
	s5 =	sor.u32 s29, s12  }
0x22a: {  	s6 =	sor.u32 s30, s12;
	v4 =	vld.idx.msk [tilespmem:v54+s9+$0x0], $0xffff;
	[tilespmem:s5+$0x0] =	vst v6  }
0x22b: {  	v57 =	vadd.s32 $0x14, v0;
	s0 =	sor.u32 s31, s12;
	v6 =	vld.idx.msk [tilespmem:v55+s9+$0x0], $0xffff;
	[tilespmem:s6+$0x0] =	vst v8  }
0x22c: {  	v58 =	vadd.s32 $0x14, v2;
	v8 =	vld.idx.msk [tilespmem:v56+s9+$0x0], $0xffff;
	[tilespmem:s0+$0x0] =	vst v10  }
0x22d: {  	v59 =	vadd.s32 $0x14, v3;
	s11 =	sor.u32 $0xD080, s28;
	v10 =	vld.idx.msk [tilespmem:v11+s9+$0x0], $0xffff  }
0x22e: {  	v60 =	vadd.s32 $0x14, v1;
	s12 =	sor.u32 s26, s11  }
0x22f: {  	s3 =	sor.u32 s29, s11;
	[tilespmem:s12+$0x0] =	vst v4  }
0x230: {  	v4 =	vld.idx.msk [tilespmem:v57+s9+$0x0], $0xffff;
	s5 =	sor.u32 s30, s11;
	[tilespmem:s3+$0x0] =	vst v6  }
0x231: {  	v61 =	vadd.s32 $0x16, v0;
	s0 =	sor.u32 s31, s11;
	v6 =	vld.idx.msk [tilespmem:v58+s9+$0x0], $0xffff;
	[tilespmem:s5+$0x0] =	vst v8  }
0x232: {  	v62 =	vadd.s32 $0x16, v2;
	v8 =	vld.idx.msk [tilespmem:v59+s9+$0x0], $0xffff;
	[tilespmem:s0+$0x0] =	vst v10  }
0x233: {  	v63 =	vadd.s32 $0x16, v3;
	s6 =	sor.u32 $0xD100, s28;
	v10 =	vld.idx.msk [tilespmem:v60+s9+$0x0], $0xffff  }
0x234: {  	v12 =	vadd.s32 $0x16, v1;
	s11 =	sor.u32 s26, s6  }
0x235: {  	s12 =	sor.u32 s29, s6;
	[tilespmem:s11+$0x0] =	vst v4  }
0x236: {  	v4 =	vld.idx.msk [tilespmem:v61+s9+$0x0], $0xffff;
	s3 =	sor.u32 s30, s6;
	[tilespmem:s12+$0x0] =	vst v6  }
0x237: {  	v13 =	vadd.s32 $0x18, v0;
	s0 =	sor.u32 s31, s6;
	v6 =	vld.idx.msk [tilespmem:v62+s9+$0x0], $0xffff;
	[tilespmem:s3+$0x0] =	vst v8  }
0x238: {  	v14 =	vadd.s32 $0x18, v2;
	v8 =	vld.idx.msk [tilespmem:v63+s9+$0x0], $0xffff;
	[tilespmem:s0+$0x0] =	vst v10  }
0x239: {  	v15 =	vadd.s32 $0x18, v3;
	s5 =	sor.u32 $0xD180, s28;
	v10 =	vld.idx.msk [tilespmem:v12+s9+$0x0], $0xffff  }
0x23a: {  	v16 =	vadd.s32 $0x18, v1;
	s6 =	sor.u32 s26, s5  }
0x23b: {  	s11 =	sor.u32 s29, s5;
	[tilespmem:s6+$0x0] =	vst v4  }
0x23c: {  	v4 =	vld.idx.msk [tilespmem:v13+s9+$0x0], $0xffff;
	s12 =	sor.u32 s30, s5;
	[tilespmem:s11+$0x0] =	vst v6  }
0x23d: {  	v17 =	vadd.s32 $0x1A, v0;
	s0 =	sor.u32 s31, s5;
	v6 =	vld.idx.msk [tilespmem:v14+s9+$0x0], $0xffff;
	[tilespmem:s12+$0x0] =	vst v8  }
0x23e: {  	v18 =	vadd.s32 $0x1A, v2;
	v8 =	vld.idx.msk [tilespmem:v15+s9+$0x0], $0xffff;
	[tilespmem:s0+$0x0] =	vst v10  }
0x23f: {  	v19 =	vadd.s32 $0x1A, v3;
	s3 =	sor.u32 $0xD200, s28;
	v10 =	vld.idx.msk [tilespmem:v16+s9+$0x0], $0xffff  }
0x240: {  	v20 =	vadd.s32 $0x1A, v1;
	s5 =	sor.u32 s26, s3  }
0x241: {  	s6 =	sor.u32 s29, s3;
	[tilespmem:s5+$0x0] =	vst v4  }
0x242: {  	v4 =	vld.idx.msk [tilespmem:v17+s9+$0x0], $0xffff;
	s11 =	sor.u32 s30, s3;
	[tilespmem:s6+$0x0] =	vst v6  }
0x243: {  	v21 =	vadd.s32 $0x1C, v0;
	s0 =	sor.u32 s31, s3;
	v6 =	vld.idx.msk [tilespmem:v18+s9+$0x0], $0xffff;
	[tilespmem:s11+$0x0] =	vst v8  }
0x244: {  	v22 =	vadd.s32 $0x1C, v2;
	v8 =	vld.idx.msk [tilespmem:v19+s9+$0x0], $0xffff;
	[tilespmem:s0+$0x0] =	vst v10  }
0x245: {  	v23 =	vadd.s32 $0x1C, v3;
	s12 =	sor.u32 $0xD280, s28;
	v10 =	vld.idx.msk [tilespmem:v20+s9+$0x0], $0xffff  }
0x246: {  	v24 =	vadd.s32 $0x1C, v1;
	s3 =	sor.u32 s26, s12  }
0x247: {  	s5 =	sor.u32 s29, s12;
	[tilespmem:s3+$0x0] =	vst v4  }
0x248: {  	v4 =	vld.idx.msk [tilespmem:v21+s9+$0x0], $0xffff;
	s6 =	sor.u32 s30, s12;
	[tilespmem:s5+$0x0] =	vst v6  }
0x249: {  	v25 =	vadd.s32 $0x1E, v0;
	s0 =	sor.u32 s31, s12;
	v6 =	vld.idx.msk [tilespmem:v22+s9+$0x0], $0xffff;
	[tilespmem:s6+$0x0] =	vst v8  }
0x24a: {  	v26 =	vadd.s32 $0x1E, v2;
	v8 =	vld.idx.msk [tilespmem:v23+s9+$0x0], $0xffff;
	[tilespmem:s0+$0x0] =	vst v10  }
0x24b: {  	v27 =	vadd.s32 $0x1E, v3;
	s11 =	sor.u32 $0xD300, s28;
	v10 =	vld.idx.msk [tilespmem:v24+s9+$0x0], $0xffff  }
0x24c: {  	v28 =	vadd.s32 $0x1E, v1;
	s12 =	sor.u32 s26, s11  }
0x24d: {  	s3 =	sor.u32 s29, s11;
	[tilespmem:s12+$0x0] =	vst v4  }
0x24e: {  	v4 =	vld.idx.msk [tilespmem:v25+s9+$0x0], $0xffff;
	s5 =	sor.u32 s30, s11;
	[tilespmem:s3+$0x0] =	vst v6  }
0x24f: {  	v29 =	vadd.s32 $0x20, v0;
	s0 =	sor.u32 s31, s11;
	v6 =	vld.idx.msk [tilespmem:v26+s9+$0x0], $0xffff;
	[tilespmem:s5+$0x0] =	vst v8  }
0x250: {  	v30 =	vadd.s32 $0x20, v2;
	v8 =	vld.idx.msk [tilespmem:v27+s9+$0x0], $0xffff;
	[tilespmem:s0+$0x0] =	vst v10  }
0x251: {  	v31 =	vadd.s32 $0x20, v3;
	s6 =	sor.u32 $0xD380, s28;
	v10 =	vld.idx.msk [tilespmem:v28+s9+$0x0], $0xffff  }
0x252: {  	v32 =	vadd.s32 $0x20, v1;
	s11 =	sor.u32 s26, s6  }
0x253: {  	s12 =	sor.u32 s29, s6;
	[tilespmem:s11+$0x0] =	vst v4  }
0x254: {  	v4 =	vld.idx.msk [tilespmem:v29+s9+$0x0], $0xffff;
	s3 =	sor.u32 s30, s6;
	[tilespmem:s12+$0x0] =	vst v6  }
0x255: {  	v33 =	vadd.s32 $0x22, v0;
	s0 =	sor.u32 s31, s6;
	v6 =	vld.idx.msk [tilespmem:v30+s9+$0x0], $0xffff;
	[tilespmem:s3+$0x0] =	vst v8  }
0x256: {  	v34 =	vadd.s32 $0x22, v2;
	v8 =	vld.idx.msk [tilespmem:v31+s9+$0x0], $0xffff;
	[tilespmem:s0+$0x0] =	vst v10  }
0x257: {  	v35 =	vadd.s32 $0x22, v3;
	s5 =	sor.u32 $0xE000, s28;
	v10 =	vld.idx.msk [tilespmem:v32+s9+$0x0], $0xffff  }
0x258: {  	v36 =	vadd.s32 $0x22, v1;
	s6 =	sor.u32 s26, s5  }
0x259: {  	s11 =	sor.u32 s29, s5;
	[tilespmem:s6+$0x0] =	vst v4  }
0x25a: {  	v4 =	vld.idx.msk [tilespmem:v33+s9+$0x0], $0xffff;
	s12 =	sor.u32 s30, s5;
	[tilespmem:s11+$0x0] =	vst v6  }
0x25b: {  	v37 =	vadd.s32 $0x24, v0;
	s0 =	sor.u32 s31, s5;
	v6 =	vld.idx.msk [tilespmem:v34+s9+$0x0], $0xffff;
	[tilespmem:s12+$0x0] =	vst v8  }
0x25c: {  	v38 =	vadd.s32 $0x24, v2;
	v8 =	vld.idx.msk [tilespmem:v35+s9+$0x0], $0xffff;
	[tilespmem:s0+$0x0] =	vst v10  }
0x25d: {  	v39 =	vadd.s32 $0x24, v3;
	s3 =	sor.u32 $0xE080, s28;
	v10 =	vld.idx.msk [tilespmem:v36+s9+$0x0], $0xffff  }
0x25e: {  	v40 =	vadd.s32 $0x24, v1;
	s5 =	sor.u32 s26, s3  }
0x25f: {  	s6 =	sor.u32 s29, s3;
	[tilespmem:s5+$0x0] =	vst v4  }
0x260: {  	v4 =	vld.idx.msk [tilespmem:v37+s9+$0x0], $0xffff;
	s11 =	sor.u32 s30, s3;
	[tilespmem:s6+$0x0] =	vst v6  }
0x261: {  	v41 =	vadd.s32 $0x26, v0;
	s0 =	sor.u32 s31, s3;
	v6 =	vld.idx.msk [tilespmem:v38+s9+$0x0], $0xffff;
	[tilespmem:s11+$0x0] =	vst v8  }
0x262: {  	v42 =	vadd.s32 $0x26, v2;
	v8 =	vld.idx.msk [tilespmem:v39+s9+$0x0], $0xffff;
	[tilespmem:s0+$0x0] =	vst v10  }
0x263: {  	v43 =	vadd.s32 $0x26, v3;
	s12 =	sor.u32 $0xE100, s28;
	v10 =	vld.idx.msk [tilespmem:v40+s9+$0x0], $0xffff  }
0x264: {  	v44 =	vadd.s32 $0x26, v1;
	s3 =	sor.u32 s26, s12  }
0x265: {  	s5 =	sor.u32 s29, s12;
	[tilespmem:s3+$0x0] =	vst v4  }
0x266: {  	v4 =	vld.idx.msk [tilespmem:v41+s9+$0x0], $0xffff;
	s6 =	sor.u32 s30, s12;
	[tilespmem:s5+$0x0] =	vst v6  }
0x267: {  	v45 =	vadd.s32 $0x28, v0;
	s0 =	sor.u32 s31, s12;
	v6 =	vld.idx.msk [tilespmem:v42+s9+$0x0], $0xffff;
	[tilespmem:s6+$0x0] =	vst v8  }
0x268: {  	v46 =	vadd.s32 $0x28, v2;
	v8 =	vld.idx.msk [tilespmem:v43+s9+$0x0], $0xffff;
	[tilespmem:s0+$0x0] =	vst v10  }
0x269: {  	v47 =	vadd.s32 $0x28, v3;
	s11 =	sor.u32 $0xE180, s28;
	v10 =	vld.idx.msk [tilespmem:v44+s9+$0x0], $0xffff  }
0x26a: {  	v48 =	vadd.s32 $0x28, v1;
	s12 =	sor.u32 s26, s11  }
0x26b: {  	s3 =	sor.u32 s29, s11;
	[tilespmem:s12+$0x0] =	vst v4  }
0x26c: {  	v4 =	vld.idx.msk [tilespmem:v45+s9+$0x0], $0xffff;
	s5 =	sor.u32 s30, s11;
	[tilespmem:s3+$0x0] =	vst v6  }
0x26d: {  	v49 =	vadd.s32 $0x2A, v0;
	s0 =	sor.u32 s31, s11;
	v6 =	vld.idx.msk [tilespmem:v46+s9+$0x0], $0xffff;
	[tilespmem:s5+$0x0] =	vst v8  }
0x26e: {  	v50 =	vadd.s32 $0x2A, v2;
	v8 =	vld.idx.msk [tilespmem:v47+s9+$0x0], $0xffff;
	[tilespmem:s0+$0x0] =	vst v10  }
0x26f: {  	v51 =	vadd.s32 $0x2A, v3;
	s6 =	sor.u32 $0xE200, s28;
	v10 =	vld.idx.msk [tilespmem:v48+s9+$0x0], $0xffff  }
0x270: {  	v52 =	vadd.s32 $0x2A, v1;
	s11 =	sor.u32 s26, s6  }
0x271: {  	s12 =	sor.u32 s29, s6;
	[tilespmem:s11+$0x0] =	vst v4  }
0x272: {  	v4 =	vld.idx.msk [tilespmem:v49+s9+$0x0], $0xffff;
	s3 =	sor.u32 s30, s6;
	[tilespmem:s12+$0x0] =	vst v6  }
0x273: {  	v53 =	vadd.s32 $0x2C, v0;
	s0 =	sor.u32 s31, s6;
	v6 =	vld.idx.msk [tilespmem:v50+s9+$0x0], $0xffff;
	[tilespmem:s3+$0x0] =	vst v8  }
0x274: {  	v54 =	vadd.s32 $0x2C, v2;
	v8 =	vld.idx.msk [tilespmem:v51+s9+$0x0], $0xffff;
	[tilespmem:s0+$0x0] =	vst v10  }
0x275: {  	v55 =	vadd.s32 $0x2C, v3;
	s5 =	sor.u32 $0xE280, s28;
	v10 =	vld.idx.msk [tilespmem:v52+s9+$0x0], $0xffff  }
0x276: {  	v56 =	vadd.s32 $0x2C, v1;
	s6 =	sor.u32 s26, s5  }
0x277: {  	s11 =	sor.u32 s29, s5;
	[tilespmem:s6+$0x0] =	vst v4  }
0x278: {  	v4 =	vld.idx.msk [tilespmem:v53+s9+$0x0], $0xffff;
	s12 =	sor.u32 s30, s5;
	[tilespmem:s11+$0x0] =	vst v6  }
0x279: {  	v57 =	vadd.s32 $0x2E, v0;
	s0 =	sor.u32 s31, s5;
	v6 =	vld.idx.msk [tilespmem:v54+s9+$0x0], $0xffff;
	[tilespmem:s12+$0x0] =	vst v8  }
0x27a: {  	v58 =	vadd.s32 $0x2E, v2;
	v8 =	vld.idx.msk [tilespmem:v55+s9+$0x0], $0xffff;
	[tilespmem:s0+$0x0] =	vst v10  }
0x27b: {  	v59 =	vadd.s32 $0x2E, v3;
	s3 =	sor.u32 $0xE300, s28;
	v10 =	vld.idx.msk [tilespmem:v56+s9+$0x0], $0xffff  }
0x27c: {  	v60 =	vadd.s32 $0x2E, v1;
	s5 =	sor.u32 s26, s3  }
0x27d: {  	s6 =	sor.u32 s29, s3;
	[tilespmem:s5+$0x0] =	vst v4  }
0x27e: {  	v4 =	vld.idx.msk [tilespmem:v57+s9+$0x0], $0xffff;
	s11 =	sor.u32 s30, s3;
	[tilespmem:s6+$0x0] =	vst v6  }
0x27f: {  	v61 =	vadd.s32 $0x30, v0;
	s0 =	sor.u32 s31, s3;
	v6 =	vld.idx.msk [tilespmem:v58+s9+$0x0], $0xffff;
	[tilespmem:s11+$0x0] =	vst v8  }
0x280: {  	v62 =	vadd.s32 $0x30, v2;
	v8 =	vld.idx.msk [tilespmem:v59+s9+$0x0], $0xffff;
	[tilespmem:s0+$0x0] =	vst v10  }
0x281: {  	v63 =	vadd.s32 $0x30, v3;
	s12 =	sor.u32 $0xE380, s28;
	v10 =	vld.idx.msk [tilespmem:v60+s9+$0x0], $0xffff  }
0x282: {  	v12 =	vadd.s32 $0x30, v1;
	s3 =	sor.u32 s26, s12  }
0x283: {  	s5 =	sor.u32 s29, s12;
	[tilespmem:s3+$0x0] =	vst v4  }
0x284: {  	v4 =	vld.idx.msk [tilespmem:v61+s9+$0x0], $0xffff;
	s6 =	sor.u32 s30, s12;
	[tilespmem:s5+$0x0] =	vst v6  }
0x285: {  	v13 =	vadd.s32 $0x32, v0;
	s0 =	sor.u32 s31, s12;
	v6 =	vld.idx.msk [tilespmem:v62+s9+$0x0], $0xffff;
	[tilespmem:s6+$0x0] =	vst v8  }
0x286: {  	v14 =	vadd.s32 $0x32, v2;
	v8 =	vld.idx.msk [tilespmem:v63+s9+$0x0], $0xffff;
	[tilespmem:s0+$0x0] =	vst v10  }
0x287: {  	v15 =	vadd.s32 $0x32, v3;
	s11 =	sor.u32 $0xF000, s28;
	v10 =	vld.idx.msk [tilespmem:v12+s9+$0x0], $0xffff  }
0x288: {  	v16 =	vadd.s32 $0x32, v1;
	s12 =	sor.u32 s26, s11  }
0x289: {  	s3 =	sor.u32 s29, s11;
	[tilespmem:s12+$0x0] =	vst v4  }
0x28a: {  	v4 =	vld.idx.msk [tilespmem:v13+s9+$0x0], $0xffff;
	s5 =	sor.u32 s30, s11;
	[tilespmem:s3+$0x0] =	vst v6  }
0x28b: {  	v17 =	vadd.s32 $0x34, v0;
	s0 =	sor.u32 s31, s11;
	v6 =	vld.idx.msk [tilespmem:v14+s9+$0x0], $0xffff;
	[tilespmem:s5+$0x0] =	vst v8  }
0x28c: {  	v18 =	vadd.s32 $0x34, v2;
	v8 =	vld.idx.msk [tilespmem:v15+s9+$0x0], $0xffff;
	[tilespmem:s0+$0x0] =	vst v10  }
0x28d: {  	v19 =	vadd.s32 $0x34, v3;
	s6 =	sor.u32 $0xF080, s28;
	v10 =	vld.idx.msk [tilespmem:v16+s9+$0x0], $0xffff  }
0x28e: {  	v20 =	vadd.s32 $0x34, v1;
	s11 =	sor.u32 s26, s6  }
0x28f: {  	s12 =	sor.u32 s29, s6;
	[tilespmem:s11+$0x0] =	vst v4  }
0x290: {  	v4 =	vld.idx.msk [tilespmem:v17+s9+$0x0], $0xffff;
	s3 =	sor.u32 s30, s6;
	[tilespmem:s12+$0x0] =	vst v6  }
0x291: {  	v21 =	vadd.s32 $0x36, v0;
	s0 =	sor.u32 s31, s6;
	v6 =	vld.idx.msk [tilespmem:v18+s9+$0x0], $0xffff;
	[tilespmem:s3+$0x0] =	vst v8  }
0x292: {  	v22 =	vadd.s32 $0x36, v2;
	v8 =	vld.idx.msk [tilespmem:v19+s9+$0x0], $0xffff;
	[tilespmem:s0+$0x0] =	vst v10  }
0x293: {  	v23 =	vadd.s32 $0x36, v3;
	s5 =	sor.u32 $0xF100, s28;
	v10 =	vld.idx.msk [tilespmem:v20+s9+$0x0], $0xffff  }
0x294: {  	v24 =	vadd.s32 $0x36, v1;
	s6 =	sor.u32 s26, s5  }
0x295: {  	s11 =	sor.u32 s29, s5;
	[tilespmem:s6+$0x0] =	vst v4  }
0x296: {  	v4 =	vld.idx.msk [tilespmem:v21+s9+$0x0], $0xffff;
	s12 =	sor.u32 s30, s5;
	[tilespmem:s11+$0x0] =	vst v6  }
0x297: {  	v25 =	vadd.s32 $0x38, v0;
	s0 =	sor.u32 s31, s5;
	v6 =	vld.idx.msk [tilespmem:v22+s9+$0x0], $0xffff;
	[tilespmem:s12+$0x0] =	vst v8  }
0x298: {  	v26 =	vadd.s32 $0x38, v2;
	v8 =	vld.idx.msk [tilespmem:v23+s9+$0x0], $0xffff;
	[tilespmem:s0+$0x0] =	vst v10  }
0x299: {  	v27 =	vadd.s32 $0x38, v3;
	s3 =	sor.u32 $0xF180, s28;
	v10 =	vld.idx.msk [tilespmem:v24+s9+$0x0], $0xffff  }
0x29a: {  	v28 =	vadd.s32 $0x38, v1;
	s5 =	sor.u32 s26, s3  }
0x29b: {  	s6 =	sor.u32 s29, s3;
	[tilespmem:s5+$0x0] =	vst v4  }
0x29c: {  	v4 =	vld.idx.msk [tilespmem:v25+s9+$0x0], $0xffff;
	s11 =	sor.u32 s30, s3;
	[tilespmem:s6+$0x0] =	vst v6  }
0x29d: {  	v29 =	vadd.s32 $0x3A, v0;
	s0 =	sor.u32 s31, s3;
	v6 =	vld.idx.msk [tilespmem:v26+s9+$0x0], $0xffff;
	[tilespmem:s11+$0x0] =	vst v8  }
0x29e: {  	v30 =	vadd.s32 $0x3A, v2;
	v8 =	vld.idx.msk [tilespmem:v27+s9+$0x0], $0xffff;
	[tilespmem:s0+$0x0] =	vst v10  }
0x29f: {  	v31 =	vadd.s32 $0x3A, v3;
	s12 =	sor.u32 $0xF200, s28;
	v10 =	vld.idx.msk [tilespmem:v28+s9+$0x0], $0xffff  }
0x2a0: {  	v32 =	vadd.s32 $0x3A, v1;
	s3 =	sor.u32 s26, s12  }
0x2a1: {  	s5 =	sor.u32 s29, s12;
	[tilespmem:s3+$0x0] =	vst v4  }
0x2a2: {  	v4 =	vld.idx.msk [tilespmem:v29+s9+$0x0], $0xffff;
	s6 =	sor.u32 s30, s12;
	[tilespmem:s5+$0x0] =	vst v6  }
0x2a3: {  	v33 =	vadd.s32 $0x3C, v0;
	s0 =	sor.u32 s31, s12;
	v6 =	vld.idx.msk [tilespmem:v30+s9+$0x0], $0xffff;
	[tilespmem:s6+$0x0] =	vst v8  }
0x2a4: {  	v34 =	vadd.s32 $0x3C, v2;
	v8 =	vld.idx.msk [tilespmem:v31+s9+$0x0], $0xffff;
	[tilespmem:s0+$0x0] =	vst v10  }
0x2a5: {  	v35 =	vadd.s32 $0x3C, v3;
	s11 =	sor.u32 $0xF280, s28;
	v10 =	vld.idx.msk [tilespmem:v32+s9+$0x0], $0xffff  }
0x2a6: {  	v36 =	vadd.s32 $0x3C, v1;
	s12 =	sor.u32 s26, s11  }
0x2a7: {  	s3 =	sor.u32 s29, s11;
	[tilespmem:s12+$0x0] =	vst v4  }
0x2a8: {  	v4 =	vld.idx.msk [tilespmem:v33+s9+$0x0], $0xffff;
	s5 =	sor.u32 s30, s11;
	[tilespmem:s3+$0x0] =	vst v6  }
0x2a9: {  	v37 =	vadd.s32 $0x3E, v0;
	s0 =	sor.u32 s31, s11;
	v6 =	vld.idx.msk [tilespmem:v34+s9+$0x0], $0xffff;
	[tilespmem:s5+$0x0] =	vst v8  }
0x2aa: {  	v38 =	vadd.s32 $0x3E, v2;
	v8 =	vld.idx.msk [tilespmem:v35+s9+$0x0], $0xffff;
	[tilespmem:s0+$0x0] =	vst v10  }
0x2ab: {  	v39 =	vadd.s32 $0x3E, v3;
	s6 =	sor.u32 $0xF300, s28;
	v10 =	vld.idx.msk [tilespmem:v36+s9+$0x0], $0xffff  }
0x2ac: {  	v40 =	vadd.s32 $0x3E, v1;
	s11 =	sor.u32 s26, s6  }
0x2ad: {  	s12 =	sor.u32 s29, s6;
	[tilespmem:s11+$0x0] =	vst v4  }
0x2ae: {  	v4 =	vld.idx.msk [tilespmem:v37+s9+$0x0], $0xffff;
	s3 =	sor.u32 s30, s6;
	[tilespmem:s12+$0x0] =	vst v6  }
0x2af: {  	v41 =	vadd.s32 $0x40, v0;
	s0 =	sor.u32 s31, s6;
	v6 =	vld.idx.msk [tilespmem:v38+s9+$0x0], $0xffff;
	[tilespmem:s3+$0x0] =	vst v8  }
0x2b0: {  	v42 =	vadd.s32 $0x40, v2;
	v8 =	vld.idx.msk [tilespmem:v39+s9+$0x0], $0xffff;
	[tilespmem:s0+$0x0] =	vst v10  }
0x2b1: {  	v43 =	vadd.s32 $0x40, v3;
	s5 =	sor.u32 $0xF380, s28;
	v10 =	vld.idx.msk [tilespmem:v40+s9+$0x0], $0xffff  }
0x2b2: {  	v44 =	vadd.s32 $0x40, v1;
	s6 =	sor.u32 s26, s5  }
0x2b3: {  	s11 =	sor.u32 s29, s5;
	[tilespmem:s6+$0x0] =	vst v4  }
0x2b4: {  	v4 =	vld.idx.msk [tilespmem:v41+s9+$0x0], $0xffff;
	s12 =	sor.u32 s30, s5;
	[tilespmem:s11+$0x0] =	vst v6  }
0x2b5: {  	v45 =	vadd.s32 $0x42, v0;
	s0 =	sor.u32 s31, s5;
	v6 =	vld.idx.msk [tilespmem:v42+s9+$0x0], $0xffff;
	[tilespmem:s12+$0x0] =	vst v8  }
0x2b6: {  	v46 =	vadd.s32 $0x42, v2;
	v8 =	vld.idx.msk [tilespmem:v43+s9+$0x0], $0xffff;
	[tilespmem:s0+$0x0] =	vst v10  }
0x2b7: {  	v47 =	vadd.s32 $0x42, v3;
	s3 =	sor.u32 $0x10000, s28;
	v10 =	vld.idx.msk [tilespmem:v44+s9+$0x0], $0xffff  }
0x2b8: {  	v48 =	vadd.s32 $0x42, v1;
	s5 =	sor.u32 s26, s3  }
0x2b9: {  	s6 =	sor.u32 s29, s3;
	[tilespmem:s5+$0x0] =	vst v4  }
0x2ba: {  	v4 =	vld.idx.msk [tilespmem:v45+s9+$0x0], $0xffff;
	s11 =	sor.u32 s30, s3;
	[tilespmem:s6+$0x0] =	vst v6  }
0x2bb: {  	v49 =	vadd.s32 $0x44, v0;
	s0 =	sor.u32 s31, s3;
	v6 =	vld.idx.msk [tilespmem:v46+s9+$0x0], $0xffff;
	[tilespmem:s11+$0x0] =	vst v8  }
0x2bc: {  	v50 =	vadd.s32 $0x44, v2;
	v8 =	vld.idx.msk [tilespmem:v47+s9+$0x0], $0xffff;
	[tilespmem:s0+$0x0] =	vst v10  }
0x2bd: {  	v51 =	vadd.s32 $0x44, v3;
	s12 =	sor.u32 $0x10080, s28;
	v10 =	vld.idx.msk [tilespmem:v48+s9+$0x0], $0xffff  }
0x2be: {  	v52 =	vadd.s32 $0x44, v1;
	s3 =	sor.u32 s26, s12  }
0x2bf: {  	s5 =	sor.u32 s29, s12;
	[tilespmem:s3+$0x0] =	vst v4  }
0x2c0: {  	v4 =	vld.idx.msk [tilespmem:v49+s9+$0x0], $0xffff;
	s6 =	sor.u32 s30, s12;
	[tilespmem:s5+$0x0] =	vst v6  }
0x2c1: {  	v53 =	vadd.s32 $0x46, v0;
	s0 =	sor.u32 s31, s12;
	v6 =	vld.idx.msk [tilespmem:v50+s9+$0x0], $0xffff;
	[tilespmem:s6+$0x0] =	vst v8  }
0x2c2: {  	v54 =	vadd.s32 $0x46, v2;
	v8 =	vld.idx.msk [tilespmem:v51+s9+$0x0], $0xffff;
	[tilespmem:s0+$0x0] =	vst v10  }
0x2c3: {  	v55 =	vadd.s32 $0x46, v3;
	s11 =	sor.u32 $0x10100, s28;
	v10 =	vld.idx.msk [tilespmem:v52+s9+$0x0], $0xffff  }
0x2c4: {  	v56 =	vadd.s32 $0x46, v1;
	s12 =	sor.u32 s26, s11  }
0x2c5: {  	s3 =	sor.u32 s29, s11;
	[tilespmem:s12+$0x0] =	vst v4  }
0x2c6: {  	v4 =	vld.idx.msk [tilespmem:v53+s9+$0x0], $0xffff;
	s5 =	sor.u32 s30, s11;
	[tilespmem:s3+$0x0] =	vst v6  }
0x2c7: {  	v57 =	vadd.s32 $0x48, v0;
	s0 =	sor.u32 s31, s11;
	v6 =	vld.idx.msk [tilespmem:v54+s9+$0x0], $0xffff;
	[tilespmem:s5+$0x0] =	vst v8  }
0x2c8: {  	v58 =	vadd.s32 $0x48, v2;
	v8 =	vld.idx.msk [tilespmem:v55+s9+$0x0], $0xffff;
	[tilespmem:s0+$0x0] =	vst v10  }
0x2c9: {  	v59 =	vadd.s32 $0x48, v3;
	s6 =	sor.u32 $0x10180, s28;
	v10 =	vld.idx.msk [tilespmem:v56+s9+$0x0], $0xffff  }
0x2ca: {  	v60 =	vadd.s32 $0x48, v1;
	s11 =	sor.u32 s26, s6  }
0x2cb: {  	s12 =	sor.u32 s29, s6;
	[tilespmem:s11+$0x0] =	vst v4  }
0x2cc: {  	v4 =	vld.idx.msk [tilespmem:v57+s9+$0x0], $0xffff;
	s3 =	sor.u32 s30, s6;
	[tilespmem:s12+$0x0] =	vst v6  }
0x2cd: {  	v61 =	vadd.s32 $0x4A, v0;
	s0 =	sor.u32 s31, s6;
	v6 =	vld.idx.msk [tilespmem:v58+s9+$0x0], $0xffff;
	[tilespmem:s3+$0x0] =	vst v8  }
0x2ce: {  	v62 =	vadd.s32 $0x4A, v2;
	v8 =	vld.idx.msk [tilespmem:v59+s9+$0x0], $0xffff;
	[tilespmem:s0+$0x0] =	vst v10  }
0x2cf: {  	v63 =	vadd.s32 $0x4A, v3;
	s5 =	sor.u32 $0x10200, s28;
	v10 =	vld.idx.msk [tilespmem:v60+s9+$0x0], $0xffff  }
0x2d0: {  	v12 =	vadd.s32 $0x4A, v1;
	s6 =	sor.u32 s26, s5  }
0x2d1: {  	s11 =	sor.u32 s29, s5;
	[tilespmem:s6+$0x0] =	vst v4  }
0x2d2: {  	v4 =	vld.idx.msk [tilespmem:v61+s9+$0x0], $0xffff;
	s12 =	sor.u32 s30, s5;
	[tilespmem:s11+$0x0] =	vst v6  }
0x2d3: {  	v13 =	vadd.s32 $0x4C, v0;
	s0 =	sor.u32 s31, s5;
	v6 =	vld.idx.msk [tilespmem:v62+s9+$0x0], $0xffff;
	[tilespmem:s12+$0x0] =	vst v8  }
0x2d4: {  	v14 =	vadd.s32 $0x4C, v2;
	v8 =	vld.idx.msk [tilespmem:v63+s9+$0x0], $0xffff;
	[tilespmem:s0+$0x0] =	vst v10  }
0x2d5: {  	v15 =	vadd.s32 $0x4C, v3;
	s3 =	sor.u32 $0x10280, s28;
	v10 =	vld.idx.msk [tilespmem:v12+s9+$0x0], $0xffff  }
0x2d6: {  	v16 =	vadd.s32 $0x4C, v1;
	s5 =	sor.u32 s26, s3  }
0x2d7: {  	s6 =	sor.u32 s29, s3;
	[tilespmem:s5+$0x0] =	vst v4  }
0x2d8: {  	v4 =	vld.idx.msk [tilespmem:v13+s9+$0x0], $0xffff;
	s11 =	sor.u32 s30, s3;
	[tilespmem:s6+$0x0] =	vst v6  }
0x2d9: {  	v17 =	vadd.s32 $0x4E, v0;
	s0 =	sor.u32 s31, s3;
	v6 =	vld.idx.msk [tilespmem:v14+s9+$0x0], $0xffff;
	[tilespmem:s11+$0x0] =	vst v8  }
0x2da: {  	v18 =	vadd.s32 $0x4E, v2;
	v8 =	vld.idx.msk [tilespmem:v15+s9+$0x0], $0xffff;
	[tilespmem:s0+$0x0] =	vst v10  }
0x2db: {  	v19 =	vadd.s32 $0x4E, v3;
	s12 =	sor.u32 $0x10300, s28;
	v10 =	vld.idx.msk [tilespmem:v16+s9+$0x0], $0xffff  }
0x2dc: {  	v20 =	vadd.s32 $0x4E, v1;
	s3 =	sor.u32 s26, s12  }
0x2dd: {  	s5 =	sor.u32 s29, s12;
	[tilespmem:s3+$0x0] =	vst v4  }
0x2de: {  	v4 =	vld.idx.msk [tilespmem:v17+s9+$0x0], $0xffff;
	s6 =	sor.u32 s30, s12;
	[tilespmem:s5+$0x0] =	vst v6  }
0x2df: {  	v21 =	vadd.s32 $0x50, v0;
	s0 =	sor.u32 s31, s12;
	v6 =	vld.idx.msk [tilespmem:v18+s9+$0x0], $0xffff;
	[tilespmem:s6+$0x0] =	vst v8  }
0x2e0: {  	v22 =	vadd.s32 $0x50, v2;
	v8 =	vld.idx.msk [tilespmem:v19+s9+$0x0], $0xffff;
	[tilespmem:s0+$0x0] =	vst v10  }
0x2e1: {  	v23 =	vadd.s32 $0x50, v3;
	s11 =	sor.u32 $0x10380, s28;
	v10 =	vld.idx.msk [tilespmem:v20+s9+$0x0], $0xffff  }
0x2e2: {  	v24 =	vadd.s32 $0x50, v1;
	s12 =	sor.u32 s26, s11  }
0x2e3: {  	s3 =	sor.u32 s29, s11;
	[tilespmem:s12+$0x0] =	vst v4  }
0x2e4: {  	v4 =	vld.idx.msk [tilespmem:v21+s9+$0x0], $0xffff;
	s5 =	sor.u32 s30, s11;
	[tilespmem:s3+$0x0] =	vst v6  }
0x2e5: {  	v25 =	vadd.s32 $0x52, v0;
	s0 =	sor.u32 s31, s11;
	v6 =	vld.idx.msk [tilespmem:v22+s9+$0x0], $0xffff;
	[tilespmem:s5+$0x0] =	vst v8  }
0x2e6: {  	v26 =	vadd.s32 $0x52, v2;
	v8 =	vld.idx.msk [tilespmem:v23+s9+$0x0], $0xffff;
	[tilespmem:s0+$0x0] =	vst v10  }
0x2e7: {  	v27 =	vadd.s32 $0x52, v3;
	s6 =	sor.u32 $0x11000, s28;
	v10 =	vld.idx.msk [tilespmem:v24+s9+$0x0], $0xffff  }
0x2e8: {  	v28 =	vadd.s32 $0x52, v1;
	s11 =	sor.u32 s26, s6  }
0x2e9: {  	s12 =	sor.u32 s29, s6;
	[tilespmem:s11+$0x0] =	vst v4  }
0x2ea: {  	v4 =	vld.idx.msk [tilespmem:v25+s9+$0x0], $0xffff;
	s3 =	sor.u32 s30, s6;
	[tilespmem:s12+$0x0] =	vst v6  }
0x2eb: {  	v29 =	vadd.s32 $0x54, v0;
	s0 =	sor.u32 s31, s6;
	v6 =	vld.idx.msk [tilespmem:v26+s9+$0x0], $0xffff;
	[tilespmem:s3+$0x0] =	vst v8  }
0x2ec: {  	v30 =	vadd.s32 $0x54, v2;
	v8 =	vld.idx.msk [tilespmem:v27+s9+$0x0], $0xffff;
	[tilespmem:s0+$0x0] =	vst v10  }
0x2ed: {  	v31 =	vadd.s32 $0x54, v3;
	s5 =	sor.u32 $0x11080, s28;
	v10 =	vld.idx.msk [tilespmem:v28+s9+$0x0], $0xffff  }
0x2ee: {  	v32 =	vadd.s32 $0x54, v1;
	s6 =	sor.u32 s26, s5  }
0x2ef: {  	s11 =	sor.u32 s29, s5;
	[tilespmem:s6+$0x0] =	vst v4  }
0x2f0: {  	v4 =	vld.idx.msk [tilespmem:v29+s9+$0x0], $0xffff;
	s12 =	sor.u32 s30, s5;
	[tilespmem:s11+$0x0] =	vst v6  }
0x2f1: {  	v33 =	vadd.s32 $0x56, v0;
	s0 =	sor.u32 s31, s5;
	v6 =	vld.idx.msk [tilespmem:v30+s9+$0x0], $0xffff;
	[tilespmem:s12+$0x0] =	vst v8  }
0x2f2: {  	v34 =	vadd.s32 $0x56, v2;
	v8 =	vld.idx.msk [tilespmem:v31+s9+$0x0], $0xffff;
	[tilespmem:s0+$0x0] =	vst v10  }
0x2f3: {  	v35 =	vadd.s32 $0x56, v3;
	s3 =	sor.u32 $0x11100, s28;
	v10 =	vld.idx.msk [tilespmem:v32+s9+$0x0], $0xffff  }
0x2f4: {  	v36 =	vadd.s32 $0x56, v1;
	s5 =	sor.u32 s26, s3  }
0x2f5: {  	s6 =	sor.u32 s29, s3;
	[tilespmem:s5+$0x0] =	vst v4  }
0x2f6: {  	v4 =	vld.idx.msk [tilespmem:v33+s9+$0x0], $0xffff;
	s11 =	sor.u32 s30, s3;
	[tilespmem:s6+$0x0] =	vst v6  }
0x2f7: {  	v37 =	vadd.s32 $0x58, v0;
	s0 =	sor.u32 s31, s3;
	v6 =	vld.idx.msk [tilespmem:v34+s9+$0x0], $0xffff;
	[tilespmem:s11+$0x0] =	vst v8  }
0x2f8: {  	v38 =	vadd.s32 $0x58, v2;
	v8 =	vld.idx.msk [tilespmem:v35+s9+$0x0], $0xffff;
	[tilespmem:s0+$0x0] =	vst v10  }
0x2f9: {  	v39 =	vadd.s32 $0x58, v3;
	s12 =	sor.u32 $0x11180, s28;
	v10 =	vld.idx.msk [tilespmem:v36+s9+$0x0], $0xffff  }
0x2fa: {  	v40 =	vadd.s32 $0x58, v1;
	s3 =	sor.u32 s26, s12  }
0x2fb: {  	s5 =	sor.u32 s29, s12;
	[tilespmem:s3+$0x0] =	vst v4  }
0x2fc: {  	v4 =	vld.idx.msk [tilespmem:v37+s9+$0x0], $0xffff;
	s6 =	sor.u32 s30, s12;
	[tilespmem:s5+$0x0] =	vst v6  }
0x2fd: {  	v41 =	vadd.s32 $0x5A, v0;
	s0 =	sor.u32 s31, s12;
	v6 =	vld.idx.msk [tilespmem:v38+s9+$0x0], $0xffff;
	[tilespmem:s6+$0x0] =	vst v8  }
0x2fe: {  	v42 =	vadd.s32 $0x5A, v2;
	v8 =	vld.idx.msk [tilespmem:v39+s9+$0x0], $0xffff;
	[tilespmem:s0+$0x0] =	vst v10  }
0x2ff: {  	v43 =	vadd.s32 $0x5A, v3;
	s11 =	sor.u32 $0x11200, s28;
	v10 =	vld.idx.msk [tilespmem:v40+s9+$0x0], $0xffff  }
0x300: {  	v44 =	vadd.s32 $0x5A, v1;
	s12 =	sor.u32 s26, s11  }
0x301: {  	s3 =	sor.u32 s29, s11;
	[tilespmem:s12+$0x0] =	vst v4  }
0x302: {  	v4 =	vld.idx.msk [tilespmem:v41+s9+$0x0], $0xffff;
	s5 =	sor.u32 s30, s11;
	[tilespmem:s3+$0x0] =	vst v6  }
0x303: {  	v45 =	vadd.s32 $0x5C, v0;
	s0 =	sor.u32 s31, s11;
	v6 =	vld.idx.msk [tilespmem:v42+s9+$0x0], $0xffff;
	[tilespmem:s5+$0x0] =	vst v8  }
0x304: {  	v46 =	vadd.s32 $0x5C, v2;
	v8 =	vld.idx.msk [tilespmem:v43+s9+$0x0], $0xffff;
	[tilespmem:s0+$0x0] =	vst v10  }
0x305: {  	v47 =	vadd.s32 $0x5C, v3;
	s6 =	sor.u32 $0x11280, s28;
	v10 =	vld.idx.msk [tilespmem:v44+s9+$0x0], $0xffff  }
0x306: {  	v48 =	vadd.s32 $0x5C, v1;
	s11 =	sor.u32 s26, s6  }
0x307: {  	s12 =	sor.u32 s29, s6;
	[tilespmem:s11+$0x0] =	vst v4  }
0x308: {  	v4 =	vld.idx.msk [tilespmem:v45+s9+$0x0], $0xffff;
	s3 =	sor.u32 s30, s6;
	[tilespmem:s12+$0x0] =	vst v6  }
0x309: {  	v49 =	vadd.s32 $0x5E, v0;
	s0 =	sor.u32 s31, s6;
	v6 =	vld.idx.msk [tilespmem:v46+s9+$0x0], $0xffff;
	[tilespmem:s3+$0x0] =	vst v8  }
0x30a: {  	v50 =	vadd.s32 $0x5E, v2;
	v8 =	vld.idx.msk [tilespmem:v47+s9+$0x0], $0xffff;
	[tilespmem:s0+$0x0] =	vst v10  }
0x30b: {  	v51 =	vadd.s32 $0x5E, v3;
	s5 =	sor.u32 $0x11300, s28;
	v10 =	vld.idx.msk [tilespmem:v48+s9+$0x0], $0xffff  }
0x30c: {  	v52 =	vadd.s32 $0x5E, v1;
	s6 =	sor.u32 s26, s5  }
0x30d: {  	s11 =	sor.u32 s29, s5;
	[tilespmem:s6+$0x0] =	vst v4  }
0x30e: {  	v4 =	vld.idx.msk [tilespmem:v49+s9+$0x0], $0xffff;
	s12 =	sor.u32 s30, s5;
	[tilespmem:s11+$0x0] =	vst v6  }
0x30f: {  	v53 =	vadd.s32 $0x60, v0;
	s0 =	sor.u32 s31, s5;
	v6 =	vld.idx.msk [tilespmem:v50+s9+$0x0], $0xffff;
	[tilespmem:s12+$0x0] =	vst v8  }
0x310: {  	v54 =	vadd.s32 $0x60, v2;
	v8 =	vld.idx.msk [tilespmem:v51+s9+$0x0], $0xffff;
	[tilespmem:s0+$0x0] =	vst v10  }
0x311: {  	v55 =	vadd.s32 $0x60, v3;
	s3 =	sor.u32 $0x11380, s28;
	v10 =	vld.idx.msk [tilespmem:v52+s9+$0x0], $0xffff  }
0x312: {  	v56 =	vadd.s32 $0x60, v1;
	s5 =	sor.u32 s26, s3  }
0x313: {  	s6 =	sor.u32 s29, s3;
	[tilespmem:s5+$0x0] =	vst v4  }
0x314: {  	v4 =	vld.idx.msk [tilespmem:v53+s9+$0x0], $0xffff;
	s11 =	sor.u32 s30, s3;
	[tilespmem:s6+$0x0] =	vst v6  }
0x315: {  	v57 =	vadd.s32 $0x62, v0;
	s0 =	sor.u32 s31, s3;
	v6 =	vld.idx.msk [tilespmem:v54+s9+$0x0], $0xffff;
	[tilespmem:s11+$0x0] =	vst v8  }
0x316: {  	v58 =	vadd.s32 $0x62, v2;
	v8 =	vld.idx.msk [tilespmem:v55+s9+$0x0], $0xffff;
	[tilespmem:s0+$0x0] =	vst v10  }
0x317: {  	v59 =	vadd.s32 $0x62, v3;
	s12 =	sor.u32 $0x12000, s28;
	v10 =	vld.idx.msk [tilespmem:v56+s9+$0x0], $0xffff  }
0x318: {  	v60 =	vadd.s32 $0x62, v1;
	s3 =	sor.u32 s26, s12  }
0x319: {  	s5 =	sor.u32 s29, s12;
	[tilespmem:s3+$0x0] =	vst v4  }
0x31a: {  	v4 =	vld.idx.msk [tilespmem:v57+s9+$0x0], $0xffff;
	s6 =	sor.u32 s30, s12;
	[tilespmem:s5+$0x0] =	vst v6  }
0x31b: {  	v61 =	vadd.s32 $0x64, v0;
	s0 =	sor.u32 s31, s12;
	v6 =	vld.idx.msk [tilespmem:v58+s9+$0x0], $0xffff;
	[tilespmem:s6+$0x0] =	vst v8  }
0x31c: {  	v62 =	vadd.s32 $0x64, v2;
	v8 =	vld.idx.msk [tilespmem:v59+s9+$0x0], $0xffff;
	[tilespmem:s0+$0x0] =	vst v10  }
0x31d: {  	v63 =	vadd.s32 $0x64, v3;
	s11 =	sor.u32 $0x12080, s28;
	v10 =	vld.idx.msk [tilespmem:v60+s9+$0x0], $0xffff  }
0x31e: {  	v12 =	vadd.s32 $0x64, v1;
	s12 =	sor.u32 s26, s11  }
0x31f: {  	s3 =	sor.u32 s29, s11;
	[tilespmem:s12+$0x0] =	vst v4  }
0x320: {  	v4 =	vld.idx.msk [tilespmem:v61+s9+$0x0], $0xffff;
	s5 =	sor.u32 s30, s11;
	[tilespmem:s3+$0x0] =	vst v6  }
0x321: {  	v13 =	vadd.s32 $0x66, v0;
	s0 =	sor.u32 s31, s11;
	v6 =	vld.idx.msk [tilespmem:v62+s9+$0x0], $0xffff;
	[tilespmem:s5+$0x0] =	vst v8  }
0x322: {  	v14 =	vadd.s32 $0x66, v2;
	v8 =	vld.idx.msk [tilespmem:v63+s9+$0x0], $0xffff;
	[tilespmem:s0+$0x0] =	vst v10  }
0x323: {  	v15 =	vadd.s32 $0x66, v3;
	s6 =	sor.u32 $0x12100, s28;
	v10 =	vld.idx.msk [tilespmem:v12+s9+$0x0], $0xffff  }
0x324: {  	v16 =	vadd.s32 $0x66, v1;
	s11 =	sor.u32 s26, s6  }
0x325: {  	s12 =	sor.u32 s29, s6;
	[tilespmem:s11+$0x0] =	vst v4  }
0x326: {  	v4 =	vld.idx.msk [tilespmem:v13+s9+$0x0], $0xffff;
	s3 =	sor.u32 s30, s6;
	[tilespmem:s12+$0x0] =	vst v6  }
0x327: {  	v17 =	vadd.s32 $0x68, v0;
	s0 =	sor.u32 s31, s6;
	v6 =	vld.idx.msk [tilespmem:v14+s9+$0x0], $0xffff;
	[tilespmem:s3+$0x0] =	vst v8  }
0x328: {  	v18 =	vadd.s32 $0x68, v2;
	v8 =	vld.idx.msk [tilespmem:v15+s9+$0x0], $0xffff;
	[tilespmem:s0+$0x0] =	vst v10  }
0x329: {  	v19 =	vadd.s32 $0x68, v3;
	s5 =	sor.u32 $0x12180, s28;
	v10 =	vld.idx.msk [tilespmem:v16+s9+$0x0], $0xffff  }
0x32a: {  	v20 =	vadd.s32 $0x68, v1;
	s6 =	sor.u32 s26, s5  }
0x32b: {  	s11 =	sor.u32 s29, s5;
	[tilespmem:s6+$0x0] =	vst v4  }
0x32c: {  	v4 =	vld.idx.msk [tilespmem:v17+s9+$0x0], $0xffff;
	s12 =	sor.u32 s30, s5;
	[tilespmem:s11+$0x0] =	vst v6  }
0x32d: {  	v21 =	vadd.s32 $0x6A, v0;
	s0 =	sor.u32 s31, s5;
	v6 =	vld.idx.msk [tilespmem:v18+s9+$0x0], $0xffff;
	[tilespmem:s12+$0x0] =	vst v8  }
0x32e: {  	v22 =	vadd.s32 $0x6A, v2;
	v8 =	vld.idx.msk [tilespmem:v19+s9+$0x0], $0xffff;
	[tilespmem:s0+$0x0] =	vst v10  }
0x32f: {  	v23 =	vadd.s32 $0x6A, v3;
	s3 =	sor.u32 $0x12200, s28;
	v10 =	vld.idx.msk [tilespmem:v20+s9+$0x0], $0xffff  }
0x330: {  	v24 =	vadd.s32 $0x6A, v1;
	s5 =	sor.u32 s26, s3  }
0x331: {  	s6 =	sor.u32 s29, s3;
	[tilespmem:s5+$0x0] =	vst v4  }
0x332: {  	v4 =	vld.idx.msk [tilespmem:v21+s9+$0x0], $0xffff;
	s11 =	sor.u32 s30, s3;
	[tilespmem:s6+$0x0] =	vst v6  }
0x333: {  	v25 =	vadd.s32 $0x6C, v0;
	s0 =	sor.u32 s31, s3;
	v6 =	vld.idx.msk [tilespmem:v22+s9+$0x0], $0xffff;
	[tilespmem:s11+$0x0] =	vst v8  }
0x334: {  	v26 =	vadd.s32 $0x6C, v2;
	v8 =	vld.idx.msk [tilespmem:v23+s9+$0x0], $0xffff;
	[tilespmem:s0+$0x0] =	vst v10  }
0x335: {  	v27 =	vadd.s32 $0x6C, v3;
	s12 =	sor.u32 $0x12280, s28;
	v10 =	vld.idx.msk [tilespmem:v24+s9+$0x0], $0xffff  }
0x336: {  	v28 =	vadd.s32 $0x6C, v1;
	s3 =	sor.u32 s26, s12  }
0x337: {  	s5 =	sor.u32 s29, s12;
	[tilespmem:s3+$0x0] =	vst v4  }
0x338: {  	v4 =	vld.idx.msk [tilespmem:v25+s9+$0x0], $0xffff;
	s6 =	sor.u32 s30, s12;
	[tilespmem:s5+$0x0] =	vst v6  }
0x339: {  	v29 =	vadd.s32 $0x6E, v0;
	s0 =	sor.u32 s31, s12;
	v6 =	vld.idx.msk [tilespmem:v26+s9+$0x0], $0xffff;
	[tilespmem:s6+$0x0] =	vst v8  }
0x33a: {  	v30 =	vadd.s32 $0x6E, v2;
	v8 =	vld.idx.msk [tilespmem:v27+s9+$0x0], $0xffff;
	[tilespmem:s0+$0x0] =	vst v10  }
0x33b: {  	v31 =	vadd.s32 $0x6E, v3;
	s11 =	sor.u32 $0x12300, s28;
	v10 =	vld.idx.msk [tilespmem:v28+s9+$0x0], $0xffff  }
0x33c: {  	v32 =	vadd.s32 $0x6E, v1;
	s12 =	sor.u32 s26, s11  }
0x33d: {  	s3 =	sor.u32 s29, s11;
	[tilespmem:s12+$0x0] =	vst v4  }
0x33e: {  	v4 =	vld.idx.msk [tilespmem:v29+s9+$0x0], $0xffff;
	s5 =	sor.u32 s30, s11;
	[tilespmem:s3+$0x0] =	vst v6  }
0x33f: {  	v33 =	vadd.s32 $0x70, v0;
	s0 =	sor.u32 s31, s11;
	v6 =	vld.idx.msk [tilespmem:v30+s9+$0x0], $0xffff;
	[tilespmem:s5+$0x0] =	vst v8  }
0x340: {  	v34 =	vadd.s32 $0x70, v2;
	v8 =	vld.idx.msk [tilespmem:v31+s9+$0x0], $0xffff;
	[tilespmem:s0+$0x0] =	vst v10  }
0x341: {  	v35 =	vadd.s32 $0x70, v3;
	s6 =	sor.u32 $0x12380, s28;
	v10 =	vld.idx.msk [tilespmem:v32+s9+$0x0], $0xffff  }
0x342: {  	v36 =	vadd.s32 $0x70, v1;
	s11 =	sor.u32 s26, s6  }
0x343: {  	s12 =	sor.u32 s29, s6;
	[tilespmem:s11+$0x0] =	vst v4  }
0x344: {  	v4 =	vld.idx.msk [tilespmem:v33+s9+$0x0], $0xffff;
	s3 =	sor.u32 s30, s6;
	[tilespmem:s12+$0x0] =	vst v6  }
0x345: {  	v37 =	vadd.s32 $0x72, v0;
	s0 =	sor.u32 s31, s6;
	v6 =	vld.idx.msk [tilespmem:v34+s9+$0x0], $0xffff;
	[tilespmem:s3+$0x0] =	vst v8  }
0x346: {  	v38 =	vadd.s32 $0x72, v2;
	v8 =	vld.idx.msk [tilespmem:v35+s9+$0x0], $0xffff;
	[tilespmem:s0+$0x0] =	vst v10  }
0x347: {  	v39 =	vadd.s32 $0x72, v3;
	s5 =	sor.u32 $0x13000, s28;
	v10 =	vld.idx.msk [tilespmem:v36+s9+$0x0], $0xffff  }
0x348: {  	v40 =	vadd.s32 $0x72, v1;
	s6 =	sor.u32 s26, s5  }
0x349: {  	s11 =	sor.u32 s29, s5;
	[tilespmem:s6+$0x0] =	vst v4  }
0x34a: {  	v4 =	vld.idx.msk [tilespmem:v37+s9+$0x0], $0xffff;
	s12 =	sor.u32 s30, s5;
	[tilespmem:s11+$0x0] =	vst v6  }
0x34b: {  	v41 =	vadd.s32 $0x74, v0;
	s0 =	sor.u32 s31, s5;
	v6 =	vld.idx.msk [tilespmem:v38+s9+$0x0], $0xffff;
	[tilespmem:s12+$0x0] =	vst v8  }
0x34c: {  	v42 =	vadd.s32 $0x74, v2;
	v8 =	vld.idx.msk [tilespmem:v39+s9+$0x0], $0xffff;
	[tilespmem:s0+$0x0] =	vst v10  }
0x34d: {  	v43 =	vadd.s32 $0x74, v3;
	s3 =	sor.u32 $0x13080, s28;
	v10 =	vld.idx.msk [tilespmem:v40+s9+$0x0], $0xffff  }
0x34e: {  	v44 =	vadd.s32 $0x74, v1;
	s5 =	sor.u32 s26, s3  }
0x34f: {  	s6 =	sor.u32 s29, s3;
	[tilespmem:s5+$0x0] =	vst v4  }
0x350: {  	v4 =	vld.idx.msk [tilespmem:v41+s9+$0x0], $0xffff;
	s11 =	sor.u32 s30, s3;
	[tilespmem:s6+$0x0] =	vst v6  }
0x351: {  	v45 =	vadd.s32 $0x76, v0;
	s0 =	sor.u32 s31, s3;
	v6 =	vld.idx.msk [tilespmem:v42+s9+$0x0], $0xffff;
	[tilespmem:s11+$0x0] =	vst v8  }
0x352: {  	v46 =	vadd.s32 $0x76, v2;
	v8 =	vld.idx.msk [tilespmem:v43+s9+$0x0], $0xffff;
	[tilespmem:s0+$0x0] =	vst v10  }
0x353: {  	v47 =	vadd.s32 $0x76, v3;
	s12 =	sor.u32 $0x13100, s28;
	v10 =	vld.idx.msk [tilespmem:v44+s9+$0x0], $0xffff  }
0x354: {  	v48 =	vadd.s32 $0x76, v1;
	s3 =	sor.u32 s26, s12  }
0x355: {  	s5 =	sor.u32 s29, s12;
	[tilespmem:s3+$0x0] =	vst v4  }
0x356: {  	v4 =	vld.idx.msk [tilespmem:v45+s9+$0x0], $0xffff;
	s6 =	sor.u32 s30, s12;
	[tilespmem:s5+$0x0] =	vst v6  }
0x357: {  	v49 =	vadd.s32 $0x78, v0;
	s0 =	sor.u32 s31, s12;
	v6 =	vld.idx.msk [tilespmem:v46+s9+$0x0], $0xffff;
	[tilespmem:s6+$0x0] =	vst v8  }
0x358: {  	v50 =	vadd.s32 $0x78, v2;
	v8 =	vld.idx.msk [tilespmem:v47+s9+$0x0], $0xffff;
	[tilespmem:s0+$0x0] =	vst v10  }
0x359: {  	v51 =	vadd.s32 $0x78, v3;
	s11 =	sor.u32 $0x13180, s28;
	v10 =	vld.idx.msk [tilespmem:v48+s9+$0x0], $0xffff  }
0x35a: {  	v52 =	vadd.s32 $0x78, v1;
	s12 =	sor.u32 s26, s11  }
0x35b: {  	s3 =	sor.u32 s29, s11;
	[tilespmem:s12+$0x0] =	vst v4  }
0x35c: {  	v4 =	vld.idx.msk [tilespmem:v49+s9+$0x0], $0xffff;
	s5 =	sor.u32 s30, s11;
	[tilespmem:s3+$0x0] =	vst v6  }
0x35d: {  	v53 =	vadd.s32 $0x7A, v0;
	s0 =	sor.u32 s31, s11;
	v6 =	vld.idx.msk [tilespmem:v50+s9+$0x0], $0xffff;
	[tilespmem:s5+$0x0] =	vst v8  }
0x35e: {  	v54 =	vadd.s32 $0x7A, v2;
	v8 =	vld.idx.msk [tilespmem:v51+s9+$0x0], $0xffff;
	[tilespmem:s0+$0x0] =	vst v10  }
0x35f: {  	v55 =	vadd.s32 $0x7A, v3;
	s6 =	sor.u32 $0x13200, s28;
	v10 =	vld.idx.msk [tilespmem:v52+s9+$0x0], $0xffff  }
0x360: {  	v56 =	vadd.s32 $0x7A, v1;
	s11 =	sor.u32 s26, s6  }
0x361: {  	s12 =	sor.u32 s29, s6;
	[tilespmem:s11+$0x0] =	vst v4  }
0x362: {  	v4 =	vld.idx.msk [tilespmem:v53+s9+$0x0], $0xffff;
	s3 =	sor.u32 s30, s6;
	[tilespmem:s12+$0x0] =	vst v6  }
0x363: {  	v57 =	vadd.s32 $0x7C, v0;
	s0 =	sor.u32 s31, s6;
	v6 =	vld.idx.msk [tilespmem:v54+s9+$0x0], $0xffff;
	[tilespmem:s3+$0x0] =	vst v8  }
0x364: {  	v58 =	vadd.s32 $0x7C, v2;
	v8 =	vld.idx.msk [tilespmem:v55+s9+$0x0], $0xffff;
	[tilespmem:s0+$0x0] =	vst v10  }
0x365: {  	v59 =	vadd.s32 $0x7C, v3;
	s5 =	sor.u32 $0x13280, s28;
	v10 =	vld.idx.msk [tilespmem:v56+s9+$0x0], $0xffff  }
0x366: {  	v60 =	vadd.s32 $0x7C, v1;
	s6 =	sor.u32 s26, s5  }
0x367: {  	s11 =	sor.u32 s29, s5;
	[tilespmem:s6+$0x0] =	vst v4  }
0x368: {  	v4 =	vld.idx.msk [tilespmem:v57+s9+$0x0], $0xffff;
	s12 =	sor.u32 s30, s5;
	[tilespmem:s11+$0x0] =	vst v6  }
0x369: {  	v0 =	vadd.s32 $0x7E, v0;
	s0 =	sor.u32 s31, s5;
	[tilespmem:s12+$0x0] =	vst v8;
	v61 =	vld.idx.msk [tilespmem:v58+s9+$0x0], $0xffff  }
0x36a: {  	v2 =	vadd.s32 $0x7E, v2;
	[tilespmem:s0+$0x0] =	vst v10;
	v62 =	vld.idx.msk [tilespmem:v59+s9+$0x0], $0xffff  }
0x36b: {  	v3 =	vadd.s32 $0x7E, v3;
	s3 =	sor.u32 $0x13300, s28;
	v63 =	vld.idx.msk [tilespmem:v60+s9+$0x0], $0xffff  }
0x36c: {  	v1 =	vadd.s32 $0x7E, v1;
	s5 =	sor.u32 s26, s3  }
0x36d: {  	s6 =	sor.u32 s29, s3;
	[tilespmem:s5+$0x0] =	vst v4  }
0x36e: {  	v0 =	vld.idx.msk [tilespmem:v0+s9+$0x0], $0xffff;
	s11 =	sor.u32 s30, s3;
	[tilespmem:s6+$0x0] =	vst v61  }
0x36f: {  	s0 =	sor.u32 s31, s3;
	[tilespmem:s11+$0x0] =	vst v62;
	v2 =	vld.idx.msk [tilespmem:v2+s9+$0x0], $0xffff  }
0x370: {  	s21 =	sadd.s32 $0x4, s21;
	[tilespmem:s0+$0x0] =	vst v63;
	v3 =	vld.idx.msk [tilespmem:v3+s9+$0x0], $0xffff  }
0x371: {  	p1 =	slt.u32 s21, $0x1C;
	s12 =	sor.u32 $0x13380, s28;
	v1 =	vld.idx.msk [tilespmem:v1+s9+$0x0], $0xffff  }
.Ltmp1:
0x372: {  	s28 =	sor.u32 s26, s12;
	(pc) =	sbr.rel @p1 .LBB2_5-.Ltmp1, $4  }
0x373: {  	s29 =	sor.u32 s29, s12;
	[tilespmem:s28+$0x0] =	vst v0  }
0x374: {  	s30 =	sor.u32 s30, s12;
	[tilespmem:s29+$0x0] =	vst v2  }
0x375: {  	p0 =	por !p0, !p0;
	s22 =	sadd.s32 $0x40, s22;
	s0 =	sor.u32 s31, s12;
	[tilespmem:s30+$0x0] =	vst v3  }
0x376: {  	s24 =	sadd.s32 $0x4, s24;
	s23 =	sadd.s32 $0x2, s23;
	s25 =	sadd.s32 $0x200, s25;
	[tilespmem:s0+$0x0] =	vst v1  }
0x377: {  	s19 =	sadd.s32 $0x1, s19  }
0x378: {  	p0 =	sne.s32 s19, $0x10  }
.Ltmp2:
0x379: {  	s0 =	sshll.u32 s20, $0xC;
	(pc) =	sbr.rel @p0 .LBB2_2-.Ltmp2, $4  }
0x37a: {  	s0 =	sadd.s32 s7, s0  }
0x37b: {  	s0 =	sshrl.u32 s0, $0x3  }
0x37c: {  	s0 =	sadd.s32 s2, s0  }
0x37d: {  	[hbm4b:s0+s13] =	stream.strided.scatter [tilespmem:s16], [sflag:$0x2], $0x8000, s14, s13, $0x38;
	[tilespmem:$0x14080] =	vst v63  }
0x37e: {  	s18 =	sadd.s32 $0x1, s18  }
0x37f: {  	_ =	swait.ge [sflag:s4], $0x8000;
	p0 =	sne.s32 s18, s8  }
.Ltmp3:
0x380: {  	[sflag:s4] =	ssyncset.done $0x0;
	(pc) =	sbr.rel @p0 .LBB2_1-.Ltmp3, $4  }
0x381: {  	[sflag:s4] =	ssyncadd.s32 $0xFFFF8000  }
0x382: {  	_ =	swait.ge [sflag:s17], $0x8000  }
0x383: {  	[sflag:s17] =	ssyncset.done $0x0  }
0x384: {  	[sflag:s17] =	ssyncadd.s32 $0xFFFF8000  }
0x385: {  	_ =	sfence.sel $0x180000  }
0x386: {  	[bflag:$0x0] =	sbarrier.arrive $0xFFFF  }
0x387: {  	_ =	strace $0x90000047  }
0x388: {  	s0 =	stileid.u32;
	[bflag:$0x2] =	sbarrier.arrive $0xFFFF  }
0x389: {  	p0 =	sne.s32 s0, $0x0;
	s0 =	rddreg [dreg:$0x3]  }
0x38a: {  	s0 =	sadd.s32 @!p0 $0x100000, s0  }
0x38b: {  	[sflag:s0] =	ssyncadd.tile.s32 @!p0 $0x1;
	_ =	shalt  }
.Lfunc_end2:
_tile_overlayer_lowered:
.L_overlay_start_2:
0x38c: {  	(tag) =	ssettag $0x2  }
0x38d: {  	s0 =	rddreg [dreg:$0x0];
	s2 =	stileid.u32  }
0x38e: {  	s1 =	rddreg [dreg:$0x1];
	p0 =	sne.s32 s2, $0x0  }
0x38f: {  	s3 =	rddreg [dreg:$0x2];
	[bflag:$0x3] =	sbarrier.arrive $0xFFFF;
	s2 =	simm.s32 @!p0 $0x1C03  }
0x390: {  	[timem:s3], [sflag:s2] =	dma.local @!p0 [hbm:s0], s1  }
0x391: {  	s0 =	simm.s32 @!p0 $0x3  }
0x392: {  	_ =	swait.ge @!p0 [sflag:s0], s1  }
0x393: {  	s1 =	ssub.s32 @!p0 $0x0, s1;
	[sflag:s0] =	ssyncset.done @!p0 $0x0  }
0x394: {  	[sflag:s0] =	ssyncadd.s32 @!p0 s1  }
0x395: {  	[bflag:$0x3] =	sbarrier.arrive $0xFFFF  }
0x396: {  	_ =	shalt  }

</sc_bundles>
